<compile_context>
chip_gen: v7x
topology: tpu7x:2x2x1
jax: 0.10.2.dev20260603
libtpu: 0.0.44.dev20260713+nightly
codegen_flags: <defaults>
</compile_context>

<pallas_src>
import jax
import jax.numpy as jnp
from jax import lax
from jax.experimental import pallas as pl
from jax.experimental.pallas import tpu as pltpu
from jax.experimental.pallas import tpu_sc as plsc

N = 10000
E = 320000
ANN = 64
D = 128
T = 4
STEPS = 5
CLS = 10

NP = 10240
NSUB = 16
NW = 32
RT = NP // NSUB
CHUNK = 128
HC = 40
CT = 2 * HC
EW = CT * CHUNK
EP = NW * EW
BR = 2048


def _sc_body(trans_hbm, gidx_hbm, dst_hbm, out0_hbm, out1_hbm,
             gidx_v, dst_v, rows_a, rows_b, acc, sem_a, sem_b):
    c = lax.axis_index("c")
    s = lax.axis_index("s")
    wid = c * NSUB + s

    def zrow(r, carry):
        for k in range(D // 16):
            rows_a[r, pl.ds(k * 16, 16)] = jnp.zeros((16,), jnp.float32)
        return carry
    lax.fori_loop(0, CHUNK, zrow, 0)
    for i in range(RT // CHUNK):
        pltpu.sync_copy(rows_a, acc.at[pl.ds(s * RT + i * CHUNK, CHUNK)])
    plsc.subcore_barrier()

    def half(hb, carry):
        pltpu.sync_copy(gidx_hbm.at[wid, hb], gidx_v)
        pltpu.sync_copy(dst_hbm.at[wid, hb], dst_v)
        pltpu.async_copy(trans_hbm.at[gidx_v.at[0]], rows_a, sem_a)

        def pair(jj, carry2):
            j0 = jj * 2
            pltpu.make_async_copy(trans_hbm.at[gidx_v.at[j0]], rows_a,
                                  sem_a).wait()
            pltpu.async_copy(trans_hbm.at[gidx_v.at[j0 + 1]], rows_b, sem_b)
            pltpu.sync_copy(rows_a, acc.at[dst_v.at[j0]], add=True)
            pltpu.make_async_copy(trans_hbm.at[gidx_v.at[j0 + 1]], rows_b,
                                  sem_b).wait()
            pltpu.async_copy(trans_hbm.at[gidx_v.at[j0 + 2]], rows_a, sem_a)
            pltpu.sync_copy(rows_b, acc.at[dst_v.at[j0 + 1]], add=True)
            return carry2
        lax.fori_loop(0, HC // 2 - 1, pair, 0)

        j0 = HC - 2
        pltpu.make_async_copy(trans_hbm.at[gidx_v.at[j0]], rows_a,
                              sem_a).wait()
        pltpu.async_copy(trans_hbm.at[gidx_v.at[j0 + 1]], rows_b, sem_b)
        pltpu.sync_copy(rows_a, acc.at[dst_v.at[j0]], add=True)
        pltpu.make_async_copy(trans_hbm.at[gidx_v.at[j0 + 1]], rows_b,
                              sem_b).wait()
        pltpu.sync_copy(rows_b, acc.at[dst_v.at[j0 + 1]], add=True)
        return carry
    lax.fori_loop(0, 2, half, 0)
    plsc.subcore_barrier()

    @pl.when(c == 0)
    def _():
        pltpu.sync_copy(acc.at[pl.ds(s * RT, RT)], out0_hbm.at[pl.ds(s * RT, RT)])

    @pl.when(c == 1)
    def _():
        pltpu.sync_copy(acc.at[pl.ds(s * RT, RT)], out1_hbm.at[pl.ds(s * RT, RT)])


_sc_scatter = pl.kernel(
    _sc_body,
    out_type=(jax.ShapeDtypeStruct((NP, D), jnp.float32),
              jax.ShapeDtypeStruct((NP, D), jnp.float32)),
    mesh=plsc.VectorSubcoreMesh(core_axis_name="c", subcore_axis_name="s"),
    scratch_types=[
        pltpu.VMEM((HC, CHUNK), jnp.int32),
        pltpu.VMEM((HC, CHUNK), jnp.int32),
        pltpu.VMEM((CHUNK, D), jnp.float32),
        pltpu.VMEM((CHUNK, D), jnp.float32),
        pltpu.VMEM_SHARED((NP, D), jnp.float32),
        pltpu.SemaphoreType.DMA,
        pltpu.SemaphoreType.DMA,
    ],
)


def _split_trans(res, tr_ref):
    for t in range(T):
        tr_ref[t] = res[:, t * D:(t + 1) * D]


def _trans_body(h_ref, wcat_ref, bcat_ref, tr_ref):
    res = jnp.dot(h_ref[...], wcat_ref[...],
                  preferred_element_type=jnp.float32) + bcat_ref[...]
    _split_trans(res, tr_ref)


_k_trans = pl.pallas_call(
    _trans_body,
    grid=(NP // BR,),
    in_specs=[
        pl.BlockSpec((BR, D), lambda i: (i, 0)),
        pl.BlockSpec((D, T * D), lambda i: (0, 0)),
        pl.BlockSpec((1, T * D), lambda i: (0, 0)),
    ],
    out_specs=pl.BlockSpec((T, BR, D), lambda i: (0, i, 0)),
    out_shape=jax.ShapeDtypeStruct((T, NP, D), jnp.float32),
)


def _gru_core(a0_ref, a1_ref, h_ref, wih_ref, whh_ref, bih_ref, bhh_ref):
    a = a0_ref[...] + a1_ref[...]
    h = h_ref[...]
    gi = jnp.dot(a, wih_ref[...], preferred_element_type=jnp.float32) + bih_ref[...]
    gh = jnp.dot(h, whh_ref[...], preferred_element_type=jnp.float32) + bhh_ref[...]
    r = jax.nn.sigmoid(gi[:, :D] + gh[:, :D])
    z = jax.nn.sigmoid(gi[:, D:2 * D] + gh[:, D:2 * D])
    n = jnp.tanh(gi[:, 2 * D:] + r * gh[:, 2 * D:])
    return (1.0 - z) * n + z * h


def _gru_trans_body(a0_ref, a1_ref, h_ref, wih_ref, whh_ref, bih_ref,
                    bhh_ref, wcat_ref, bcat_ref, hn_ref, tr_ref):
    hn = _gru_core(a0_ref, a1_ref, h_ref, wih_ref, whh_ref, bih_ref, bhh_ref)
    hn_ref[...] = hn
    res = jnp.dot(hn, wcat_ref[...],
                  preferred_element_type=jnp.float32) + bcat_ref[...]
    _split_trans(res, tr_ref)


_k_gru_trans = pl.pallas_call(
    _gru_trans_body,
    grid=(NP // BR,),
    in_specs=[
        pl.BlockSpec((BR, D), lambda i: (i, 0)),
        pl.BlockSpec((BR, D), lambda i: (i, 0)),
        pl.BlockSpec((BR, D), lambda i: (i, 0)),
        pl.BlockSpec((D, 3 * D), lambda i: (0, 0)),
        pl.BlockSpec((D, 3 * D), lambda i: (0, 0)),
        pl.BlockSpec((1, 3 * D), lambda i: (0, 0)),
        pl.BlockSpec((1, 3 * D), lambda i: (0, 0)),
        pl.BlockSpec((D, T * D), lambda i: (0, 0)),
        pl.BlockSpec((1, T * D), lambda i: (0, 0)),
    ],
    out_specs=[
        pl.BlockSpec((BR, D), lambda i: (i, 0)),
        pl.BlockSpec((T, BR, D), lambda i: (0, i, 0)),
    ],
    out_shape=[
        jax.ShapeDtypeStruct((NP, D), jnp.float32),
        jax.ShapeDtypeStruct((T, NP, D), jnp.float32),
    ],
)


def _gru_body(a0_ref, a1_ref, h_ref, wih_ref, whh_ref, bih_ref, bhh_ref,
              hn_ref):
    hn_ref[...] = _gru_core(a0_ref, a1_ref, h_ref, wih_ref, whh_ref, bih_ref,
                            bhh_ref)


_k_gru = pl.pallas_call(
    _gru_body,
    grid=(NP // BR,),
    in_specs=[
        pl.BlockSpec((BR, D), lambda i: (i, 0)),
        pl.BlockSpec((BR, D), lambda i: (i, 0)),
        pl.BlockSpec((BR, D), lambda i: (i, 0)),
        pl.BlockSpec((D, 3 * D), lambda i: (0, 0)),
        pl.BlockSpec((D, 3 * D), lambda i: (0, 0)),
        pl.BlockSpec((1, 3 * D), lambda i: (0, 0)),
        pl.BlockSpec((1, 3 * D), lambda i: (0, 0)),
    ],
    out_specs=pl.BlockSpec((BR, D), lambda i: (i, 0)),
    out_shape=jax.ShapeDtypeStruct((NP, D), jnp.float32),
)


def _pool_body(h_ref, ann_ref, gwh_ref, gwa_ref, gb_ref, owh_ref, owa_ref,
               ob_ref, out_ref):
    h = h_ref[...]
    ann = ann_ref[...]
    g = (jnp.sum(h * gwh_ref[...], axis=1, keepdims=True)
         + jnp.sum(ann * gwa_ref[...], axis=1, keepdims=True) + gb_ref[0, 0])
    row = lax.broadcasted_iota(jnp.int32, (NP, 1), 0)
    g = jnp.where(row < N, g, -jnp.inf)
    m = jnp.max(g)
    w = jnp.exp(g - m)
    sw = jnp.sum(w)
    sh = jnp.sum(w * h, axis=0, keepdims=True)
    sa = jnp.sum(w * ann, axis=0, keepdims=True)
    logits = (jnp.dot(sh, owh_ref[...], preferred_element_type=jnp.float32)
              + jnp.dot(sa, owa_ref[...], preferred_element_type=jnp.float32))
    out_ref[...] = logits / sw + ob_ref[...]


_k_pool = pl.pallas_call(
    _pool_body,
    out_shape=jax.ShapeDtypeStruct((1, 128), jnp.float32),
)


@jax.jit
def _run(annotation, edge_index, etypes, W_et, b_et, w_ih, w_hh, b_ih, b_hh,
         gate_w, gate_b, out_w, out_b):
    h0 = jnp.zeros((NP, D), jnp.float32).at[:N, :ANN].set(annotation)
    ann_p = jnp.zeros((NP, ANN), jnp.float32).at[:N].set(annotation)
    src = edge_index[0].astype(jnp.int32)
    dst = edge_index[1].astype(jnp.int32)
    gidx = etypes.astype(jnp.int32) * NP + src
    pad_ids = jnp.arange(EP - E, dtype=jnp.int32)
    gidx_p = jnp.concatenate([gidx, pad_ids % N]).reshape(NW, 2, HC, CHUNK)
    dst_p = jnp.concatenate([dst, N + pad_ids % (NP - N)]).reshape(
        NW, 2, HC, CHUNK)

    wcat = jnp.transpose(W_et, (2, 0, 1)).reshape(D, T * D)
    bcat = b_et.reshape(1, T * D)
    wih_t = w_ih.T
    whh_t = w_hh.T
    bih = b_ih.reshape(1, 3 * D)
    bhh = b_hh.reshape(1, 3 * D)
    gwh = gate_w[:, :D]
    gwa = gate_w[:, D:]
    gb = gate_b.reshape(1, 1)
    owh = jnp.zeros((D, 128), jnp.float32).at[:, :CLS].set(out_w[:, :D].T)
    owa = jnp.zeros((ANN, 128), jnp.float32).at[:, :CLS].set(out_w[:, D:].T)
    ob = jnp.zeros((1, 128), jnp.float32).at[0, :CLS].set(out_b)

    h = h0
    trans = _k_trans(h, wcat, bcat)
    for step in range(STEPS):
        parts = _sc_scatter(trans.reshape(T * NP, D), gidx_p, dst_p)
        if step < STEPS - 1:
            h, trans = _k_gru_trans(parts[0], parts[1], h, wih_t, whh_t,
                                    bih, bhh, wcat, bcat)
        else:
            h = _k_gru(parts[0], parts[1], h, wih_t, whh_t, bih, bhh)

    logits = _k_pool(h, ann_p, gwh, gwa, gb, owh, owa, ob)
    return logits[:, :CLS]


def kernel(annotation, edge_index, etypes, W_et, b_et, w_ih, w_hh, b_ih, b_hh,
           gate_w, gate_b, out_w, out_b):
    return _run(annotation, edge_index, etypes, W_et, b_et, w_ih, w_hh, b_ih,
                b_hh, gate_w, gate_b, out_w, out_b)

# --- scband reference (transcript-rebuilt; emitter-appended) ---
"""Pipeline reference for scband-graph-cls-ggnn-56221121905124 (READ-ONLY COPY).

The authoritative reference and input builder live on the scoring server;
editing this copy changes nothing except your own understanding.
"""

import jax, jax.numpy as jnp
import numpy as np

N = 10000
E = 320000
ANN = 64
D = 128
T = 4
STEPS = 5
CLS = 10

def setup_inputs(seed: int = 0):
    key = jax.random.key(seed)
    ks = jax.random.split(key, 13)
    s = 1.0 / np.sqrt(D)
    s2 = 1.0 / np.sqrt(ANN + D)
    return {
        "annotation": jax.random.normal(ks[0], (N, ANN), dtype=jnp.float32),
        "edge_index": jax.random.randint(ks[1], (2, E), 0, N, dtype=jnp.int32),
        "etypes": jax.random.randint(ks[2], (E,), 0, T, dtype=jnp.int32),
        "W_et": jax.random.uniform(ks[3], (T, D, D), jnp.float32, -s, s),
        "b_et": jax.random.uniform(ks[4], (T, D), jnp.float32, -s, s),
        "w_ih": jax.random.uniform(ks[5], (3 * D, D), jnp.float32, -s, s),
        "w_hh": jax.random.uniform(ks[6], (3 * D, D), jnp.float32, -s, s),
        "b_ih": jax.random.uniform(ks[7], (3 * D,), jnp.float32, -s, s),
        "b_hh": jax.random.uniform(ks[8], (3 * D,), jnp.float32, -s, s),
        "gate_w": jax.random.uniform(ks[9], (1, ANN + D), jnp.float32, -s2, s2),
        "gate_b": jax.random.uniform(ks[10], (1,), jnp.float32, -s2, s2),
        "out_w": jax.random.uniform(ks[11], (CLS, ANN + D), jnp.float32, -s2, s2),
        "out_b": jax.random.uniform(ks[12], (CLS,), jnp.float32, -s2, s2),
    }

def _gru(x, h, w_ih, w_hh, b_ih, b_hh):
    gi = x @ w_ih.T + b_ih
    gh = h @ w_hh.T + b_hh
    i_r, i_z, i_n = jnp.split(gi, 3, axis=1)
    h_r, h_z, h_n = jnp.split(gh, 3, axis=1)
    r = jax.nn.sigmoid(i_r + h_r)
    z = jax.nn.sigmoid(i_z + h_z)
    n = jnp.tanh(i_n + r * h_n)
    return (1.0 - z) * n + z * h

def reference(annotation, edge_index, etypes, W_et, b_et, w_ih, w_hh, b_ih, b_hh, gate_w, gate_b, out_w, out_b):
    src = edge_index[0]
    dst = edge_index[1]
    # zero-pad annotation up to out_feats
    h = jnp.concatenate([annotation, jnp.zeros((N, D - ANN), annotation.dtype)], axis=-1)
    # GatedGraphConv: per-etype linear on src features, sum-aggregate to dst, GRU update
    for _ in range(STEPS):
        trans = jnp.einsum('nd,ted->tne', h, W_et) + b_et[:, None, :]  # [T, N, D]
        msg = trans[etypes, src]                                       # gather [E, D]
        a = jnp.zeros((N, D), h.dtype).at[dst].add(msg)                # scatter-add
        h = _gru(a, h, w_ih, w_hh, b_ih, b_hh)
    out = jnp.concatenate([h, annotation], axis=-1)                    # [N, ANN+D]
    # GlobalAttentionPooling (single graph: softmax over all nodes)
    gate = out @ gate_w.T + gate_b                                     # [N, 1]
    alpha = jax.nn.softmax(gate, axis=0)
    readout = jnp.sum(alpha * out, axis=0, keepdims=True)              # [1, ANN+D]
    logits = readout @ out_w.T + out_b                                 # [1, CLS]
    return logits

if __name__ == "__main__":
    import jax
    _d = setup_inputs()
    print(jax.jit(kernel)(*tuple(_d.values())))

</pallas_src>

<mosaic_0001>
#map = affine_map<(d0, d1) -> (0, 0)>
#map1 = affine_map<(d0, d1) -> (0, 0, 0, 0)>
module attributes {stable_mosaic.version = 14 : i64} {
  func.func @_sc_body(%arg0: i32, %arg1: i32, %arg2: memref<40960x128xf32, #tpu.memory_space<hbm>>, %arg3: memref<32x2x40x128xi32, #tpu.memory_space<hbm>>, %arg4: memref<32x2x40x128xi32, #tpu.memory_space<hbm>>, %arg5: memref<10240x128xf32, #tpu.memory_space<hbm>>, %arg6: memref<10240x128xf32, #tpu.memory_space<hbm>>, %arg7: memref<40x128xi32, #tpu.memory_space<vmem>>, %arg8: memref<40x128xi32, #tpu.memory_space<vmem>>, %arg9: memref<128x128xf32, #tpu.memory_space<vmem>>, %arg10: memref<128x128xf32, #tpu.memory_space<vmem>>, %arg11: memref<10240x128xf32, #tpu.memory_space<vmem_shared>>, %arg12: memref<!tpu.dma_semaphore, #tpu.memory_space<semaphore_mem>>, %arg13: memref<!tpu.dma_semaphore, #tpu.memory_space<semaphore_mem>>) attributes {dimension_semantics = [#tpu.dimension_semantics<core_parallel>, #tpu.dimension_semantics<subcore_parallel>], iteration_bounds = array<i64: 2, 16>, scalar_prefetch = 0 : i64, scratch_operands = 7 : i64, tpu.core_type = #tpu.core_type<sc_vector_subcore>, window_params = [{transform_indices = #map}, {transform_indices = #map1}, {transform_indices = #map1}, {transform_indices = #map}, {transform_indices = #map}]} {
    %mul3A = arith.constant 16 : i32
    %mul3A_0 = arith.muli %arg0, %mul3A : i32
    %add3A = arith.addi %mul3A_0, %arg1 : i32
    %scan3A = arith.constant 0 : i32
    %scan3A_1 = arith.constant 0 : i32
    %scan3A_2 = arith.constant 128 : i32
    %scan3A_3 = arith.addi %scan3A_1, %scan3A_2 : i32
    %scan3A_4 = arith.constant 1 : i32
    scf.for %scan3A_40 = %scan3A_1 to %scan3A_3 step %scan3A_4  : i32 {
      %broadcast_in_dim3A = arith.constant 0.000000e+00 : f32
      %broadcast_in_dim3A_41 = vector.broadcast %broadcast_in_dim3A : f32 to vector<16xf32>
      %swap3A = arith.index_cast %scan3A_40 : i32 to index
      %swap3A_42 = arith.constant 0 : index
      %swap3A_43 = tpu.vector_load %arg9[%swap3A, %swap3A_42] {strides = array<i32>} : memref<128x128xf32, #tpu.memory_space<vmem>>, vector<1x16xf32>,
      %swap3A_44 = vector.shape_cast %swap3A_43 : vector<1x16xf32> to vector<16xf32>
      %swap3A_45 = vector.shape_cast %broadcast_in_dim3A_41 : vector<16xf32> to vector<1x16xf32>
      tpu.vector_store %arg9[%swap3A, %swap3A_42], %swap3A_45 {strides = array<i32>} : memref<128x128xf32, #tpu.memory_space<vmem>>, vector<1x16xf32>,
      %broadcast_in_dim3A_46 = arith.constant 0.000000e+00 : f32
      %broadcast_in_dim3A_47 = vector.broadcast %broadcast_in_dim3A_46 : f32 to vector<16xf32>
      %swap3A_48 = arith.index_cast %scan3A_40 : i32 to index
      %swap3A_49 = arith.constant 16 : index
      %swap3A_50 = tpu.vector_load %arg9[%swap3A_48, %swap3A_49] {strides = array<i32>} : memref<128x128xf32, #tpu.memory_space<vmem>>, vector<1x16xf32>,
      %swap3A_51 = vector.shape_cast %swap3A_50 : vector<1x16xf32> to vector<16xf32>
      %swap3A_52 = vector.shape_cast %broadcast_in_dim3A_47 : vector<16xf32> to vector<1x16xf32>
      tpu.vector_store %arg9[%swap3A_48, %swap3A_49], %swap3A_52 {strides = array<i32>} : memref<128x128xf32, #tpu.memory_space<vmem>>, vector<1x16xf32>,
      %broadcast_in_dim3A_53 = arith.constant 0.000000e+00 : f32
      %broadcast_in_dim3A_54 = vector.broadcast %broadcast_in_dim3A_53 : f32 to vector<16xf32>
      %swap3A_55 = arith.index_cast %scan3A_40 : i32 to index
      %swap3A_56 = arith.constant 32 : index
      %swap3A_57 = tpu.vector_load %arg9[%swap3A_55, %swap3A_56] {strides = array<i32>} : memref<128x128xf32, #tpu.memory_space<vmem>>, vector<1x16xf32>,
      %swap3A_58 = vector.shape_cast %swap3A_57 : vector<1x16xf32> to vector<16xf32>
      %swap3A_59 = vector.shape_cast %broadcast_in_dim3A_54 : vector<16xf32> to vector<1x16xf32>
      tpu.vector_store %arg9[%swap3A_55, %swap3A_56], %swap3A_59 {strides = array<i32>} : memref<128x128xf32, #tpu.memory_space<vmem>>, vector<1x16xf32>,
      %broadcast_in_dim3A_60 = arith.constant 0.000000e+00 : f32
      %broadcast_in_dim3A_61 = vector.broadcast %broadcast_in_dim3A_60 : f32 to vector<16xf32>
      %swap3A_62 = arith.index_cast %scan3A_40 : i32 to index
      %swap3A_63 = arith.constant 48 : index
      %swap3A_64 = tpu.vector_load %arg9[%swap3A_62, %swap3A_63] {strides = array<i32>} : memref<128x128xf32, #tpu.memory_space<vmem>>, vector<1x16xf32>,
      %swap3A_65 = vector.shape_cast %swap3A_64 : vector<1x16xf32> to vector<16xf32>
      %swap3A_66 = vector.shape_cast %broadcast_in_dim3A_61 : vector<16xf32> to vector<1x16xf32>
      tpu.vector_store %arg9[%swap3A_62, %swap3A_63], %swap3A_66 {strides = array<i32>} : memref<128x128xf32, #tpu.memory_space<vmem>>, vector<1x16xf32>,
      %broadcast_in_dim3A_67 = arith.constant 0.000000e+00 : f32
      %broadcast_in_dim3A_68 = vector.broadcast %broadcast_in_dim3A_67 : f32 to vector<16xf32>
      %swap3A_69 = arith.index_cast %scan3A_40 : i32 to index
      %swap3A_70 = arith.constant 64 : index
      %swap3A_71 = tpu.vector_load %arg9[%swap3A_69, %swap3A_70] {strides = array<i32>} : memref<128x128xf32, #tpu.memory_space<vmem>>, vector<1x16xf32>,
      %swap3A_72 = vector.shape_cast %swap3A_71 : vector<1x16xf32> to vector<16xf32>
      %swap3A_73 = vector.shape_cast %broadcast_in_dim3A_68 : vector<16xf32> to vector<1x16xf32>
      tpu.vector_store %arg9[%swap3A_69, %swap3A_70], %swap3A_73 {strides = array<i32>} : memref<128x128xf32, #tpu.memory_space<vmem>>, vector<1x16xf32>,
      %broadcast_in_dim3A_74 = arith.constant 0.000000e+00 : f32
      %broadcast_in_dim3A_75 = vector.broadcast %broadcast_in_dim3A_74 : f32 to vector<16xf32>
      %swap3A_76 = arith.index_cast %scan3A_40 : i32 to index
      %swap3A_77 = arith.constant 80 : index
      %swap3A_78 = tpu.vector_load %arg9[%swap3A_76, %swap3A_77] {strides = array<i32>} : memref<128x128xf32, #tpu.memory_space<vmem>>, vector<1x16xf32>,
      %swap3A_79 = vector.shape_cast %swap3A_78 : vector<1x16xf32> to vector<16xf32>
      %swap3A_80 = vector.shape_cast %broadcast_in_dim3A_75 : vector<16xf32> to vector<1x16xf32>
      tpu.vector_store %arg9[%swap3A_76, %swap3A_77], %swap3A_80 {strides = array<i32>} : memref<128x128xf32, #tpu.memory_space<vmem>>, vector<1x16xf32>,
      %broadcast_in_dim3A_81 = arith.constant 0.000000e+00 : f32
      %broadcast_in_dim3A_82 = vector.broadcast %broadcast_in_dim3A_81 : f32 to vector<16xf32>
      %swap3A_83 = arith.index_cast %scan3A_40 : i32 to index
      %swap3A_84 = arith.constant 96 : index
      %swap3A_85 = tpu.vector_load %arg9[%swap3A_83, %swap3A_84] {strides = array<i32>} : memref<128x128xf32, #tpu.memory_space<vmem>>, vector<1x16xf32>,
      %swap3A_86 = vector.shape_cast %swap3A_85 : vector<1x16xf32> to vector<16xf32>
      %swap3A_87 = vector.shape_cast %broadcast_in_dim3A_82 : vector<16xf32> to vector<1x16xf32>
      tpu.vector_store %arg9[%swap3A_83, %swap3A_84], %swap3A_87 {strides = array<i32>} : memref<128x128xf32, #tpu.memory_space<vmem>>, vector<1x16xf32>,
      %broadcast_in_dim3A_88 = arith.constant 0.000000e+00 : f32
      %broadcast_in_dim3A_89 = vector.broadcast %broadcast_in_dim3A_88 : f32 to vector<16xf32>
      %swap3A_90 = arith.index_cast %scan3A_40 : i32 to index
      %swap3A_91 = arith.constant 112 : index
      %swap3A_92 = tpu.vector_load %arg9[%swap3A_90, %swap3A_91] {strides = array<i32>} : memref<128x128xf32, #tpu.memory_space<vmem>>, vector<1x16xf32>,
      %swap3A_93 = vector.shape_cast %swap3A_92 : vector<1x16xf32> to vector<16xf32>
      %swap3A_94 = vector.shape_cast %broadcast_in_dim3A_89 : vector<16xf32> to vector<1x16xf32>
      tpu.vector_store %arg9[%swap3A_90, %swap3A_91], %swap3A_94 {strides = array<i32>} : memref<128x128xf32, #tpu.memory_space<vmem>>, vector<1x16xf32>,
    }
    %scan3A_5 = arith.constant 128 : i32
    %mul3A_6 = arith.constant 640 : i32
    %mul3A_7 = arith.muli %arg1, %mul3A_6 : i32
    %add3A_8 = arith.constant 0 : i32
    %add3A_9 = arith.addi %mul3A_7, %add3A_8 : i32
    "tpu.region"() ({
      %run_scoped3A = tpu.sem_alloc : memref<!tpu.dma_semaphore, #tpu.memory_space<semaphore_mem>>
      %dma_start3A = arith.constant 0 : i32
      %dma_start3A_40 = tpu.memref_slice %arg11[%add3A_9, %dma_start3A] : memref<10240x128xf32, #tpu.memory_space<vmem_shared>> -> memref<128x128xf32, #tpu.memory_space<vmem_shared>>
      %dma_start3A_41 = arith.constant 0 : i32
      %dma_start3A_42 = tpu.memref_slice %arg11[%add3A_9, %dma_start3A_41] : memref<10240x128xf32, #tpu.memory_space<vmem_shared>> -> memref<128x128xf32, #tpu.memory_space<vmem_shared>>
      tpu.enqueue_dma source(%arg9 : memref<128x128xf32, #tpu.memory_space<vmem>>) target(%dma_start3A_42 : memref<128x128xf32, #tpu.memory_space<vmem_shared>>) target_semaphore(%run_scoped3A : memref<!tpu.dma_semaphore, #tpu.memory_space<semaphore_mem>>)
      %dma_wait3A = arith.constant 0 : i32
      %dma_wait3A_43 = tpu.memref_slice %arg11[%add3A_9, %dma_wait3A] : memref<10240x128xf32, #tpu.memory_space<vmem_shared>> -> memref<128x128xf32, #tpu.memory_space<vmem_shared>>
      %dma_wait3A_44 = arith.constant 0 : i32
      %dma_wait3A_45 = tpu.memref_slice %arg11[%add3A_9, %dma_wait3A_44] : memref<10240x128xf32, #tpu.memory_space<vmem_shared>> -> memref<128x128xf32, #tpu.memory_space<vmem_shared>>
      tpu.wait_dma2 semaphore(%run_scoped3A : memref<!tpu.dma_semaphore, #tpu.memory_space<semaphore_mem>>) src(%arg9 : memref<128x128xf32, #tpu.memory_space<vmem>>) dst(%dma_wait3A_45 : memref<128x128xf32, #tpu.memory_space<vmem_shared>>)
      tpu.yield
    }) : () -> ()
    %mul3A_10 = arith.constant 640 : i32
    %mul3A_11 = arith.muli %arg1, %mul3A_10 : i32
    %add3A_12 = arith.constant 128 : i32
    %add3A_13 = arith.addi %mul3A_11, %add3A_12 : i32
    "tpu.region"() ({
      %run_scoped3A = tpu.sem_alloc : memref<!tpu.dma_semaphore, #tpu.memory_space<semaphore_mem>>
      %dma_start3A = arith.constant 0 : i32
      %dma_start3A_40 = tpu.memref_slice %arg11[%add3A_13, %dma_start3A] : memref<10240x128xf32, #tpu.memory_space<vmem_shared>> -> memref<128x128xf32, #tpu.memory_space<vmem_shared>>
      %dma_start3A_41 = arith.constant 0 : i32
      %dma_start3A_42 = tpu.memref_slice %arg11[%add3A_13, %dma_start3A_41] : memref<10240x128xf32, #tpu.memory_space<vmem_shared>> -> memref<128x128xf32, #tpu.memory_space<vmem_shared>>
      tpu.enqueue_dma source(%arg9 : memref<128x128xf32, #tpu.memory_space<vmem>>) target(%dma_start3A_42 : memref<128x128xf32, #tpu.memory_space<vmem_shared>>) target_semaphore(%run_scoped3A : memref<!tpu.dma_semaphore, #tpu.memory_space<semaphore_mem>>)
      %dma_wait3A = arith.constant 0 : i32
      %dma_wait3A_43 = tpu.memref_slice %arg11[%add3A_13, %dma_wait3A] : memref<10240x128xf32, #tpu.memory_space<vmem_shared>> -> memref<128x128xf32, #tpu.memory_space<vmem_shared>>
      %dma_wait3A_44 = arith.constant 0 : i32
      %dma_wait3A_45 = tpu.memref_slice %arg11[%add3A_13, %dma_wait3A_44] : memref<10240x128xf32, #tpu.memory_space<vmem_shared>> -> memref<128x128xf32, #tpu.memory_space<vmem_shared>>
      tpu.wait_dma2 semaphore(%run_scoped3A : memref<!tpu.dma_semaphore, #tpu.memory_space<semaphore_mem>>) src(%arg9 : memref<128x128xf32, #tpu.memory_space<vmem>>) dst(%dma_wait3A_45 : memref<128x128xf32, #tpu.memory_space<vmem_shared>>)
      tpu.yield
    }) : () -> ()
    %mul3A_14 = arith.constant 640 : i32
    %mul3A_15 = arith.muli %arg1, %mul3A_14 : i32
    %add3A_16 = arith.constant 256 : i32
    %add3A_17 = arith.addi %mul3A_15, %add3A_16 : i32
    "tpu.region"() ({
      %run_scoped3A = tpu.sem_alloc : memref<!tpu.dma_semaphore, #tpu.memory_space<semaphore_mem>>
      %dma_start3A = arith.constant 0 : i32
      %dma_start3A_40 = tpu.memref_slice %arg11[%add3A_17, %dma_start3A] : memref<10240x128xf32, #tpu.memory_space<vmem_shared>> -> memref<128x128xf32, #tpu.memory_space<vmem_shared>>
      %dma_start3A_41 = arith.constant 0 : i32
      %dma_start3A_42 = tpu.memref_slice %arg11[%add3A_17, %dma_start3A_41] : memref<10240x128xf32, #tpu.memory_space<vmem_shared>> -> memref<128x128xf32, #tpu.memory_space<vmem_shared>>
      tpu.enqueue_dma source(%arg9 : memref<128x128xf32, #tpu.memory_space<vmem>>) target(%dma_start3A_42 : memref<128x128xf32, #tpu.memory_space<vmem_shared>>) target_semaphore(%run_scoped3A : memref<!tpu.dma_semaphore, #tpu.memory_space<semaphore_mem>>)
      %dma_wait3A = arith.constant 0 : i32
      %dma_wait3A_43 = tpu.memref_slice %arg11[%add3A_17, %dma_wait3A] : memref<10240x128xf32, #tpu.memory_space<vmem_shared>> -> memref<128x128xf32, #tpu.memory_space<vmem_shared>>
      %dma_wait3A_44 = arith.constant 0 : i32
      %dma_wait3A_45 = tpu.memref_slice %arg11[%add3A_17, %dma_wait3A_44] : memref<10240x128xf32, #tpu.memory_space<vmem_shared>> -> memref<128x128xf32, #tpu.memory_space<vmem_shared>>
      tpu.wait_dma2 semaphore(%run_scoped3A : memref<!tpu.dma_semaphore, #tpu.memory_space<semaphore_mem>>) src(%arg9 : memref<128x128xf32, #tpu.memory_space<vmem>>) dst(%dma_wait3A_45 : memref<128x128xf32, #tpu.memory_space<vmem_shared>>)
      tpu.yield
    }) : () -> ()
    %mul3A_18 = arith.constant 640 : i32
    %mul3A_19 = arith.muli %arg1, %mul3A_18 : i32
    %add3A_20 = arith.constant 384 : i32
    %add3A_21 = arith.addi %mul3A_19, %add3A_20 : i32
    "tpu.region"() ({
      %run_scoped3A = tpu.sem_alloc : memref<!tpu.dma_semaphore, #tpu.memory_space<semaphore_mem>>
      %dma_start3A = arith.constant 0 : i32
      %dma_start3A_40 = tpu.memref_slice %arg11[%add3A_21, %dma_start3A] : memref<10240x128xf32, #tpu.memory_space<vmem_shared>> -> memref<128x128xf32, #tpu.memory_space<vmem_shared>>
      %dma_start3A_41 = arith.constant 0 : i32
      %dma_start3A_42 = tpu.memref_slice %arg11[%add3A_21, %dma_start3A_41] : memref<10240x128xf32, #tpu.memory_space<vmem_shared>> -> memref<128x128xf32, #tpu.memory_space<vmem_shared>>
      tpu.enqueue_dma source(%arg9 : memref<128x128xf32, #tpu.memory_space<vmem>>) target(%dma_start3A_42 : memref<128x128xf32, #tpu.memory_space<vmem_shared>>) target_semaphore(%run_scoped3A : memref<!tpu.dma_semaphore, #tpu.memory_space<semaphore_mem>>)
      %dma_wait3A = arith.constant 0 : i32
      %dma_wait3A_43 = tpu.memref_slice %arg11[%add3A_21, %dma_wait3A] : memref<10240x128xf32, #tpu.memory_space<vmem_shared>> -> memref<128x128xf32, #tpu.memory_space<vmem_shared>>
      %dma_wait3A_44 = arith.constant 0 : i32
      %dma_wait3A_45 = tpu.memref_slice %arg11[%add3A_21, %dma_wait3A_44] : memref<10240x128xf32, #tpu.memory_space<vmem_shared>> -> memref<128x128xf32, #tpu.memory_space<vmem_shared>>
      tpu.wait_dma2 semaphore(%run_scoped3A : memref<!tpu.dma_semaphore, #tpu.memory_space<semaphore_mem>>) src(%arg9 : memref<128x128xf32, #tpu.memory_space<vmem>>) dst(%dma_wait3A_45 : memref<128x128xf32, #tpu.memory_space<vmem_shared>>)
      tpu.yield
    }) : () -> ()
    %mul3A_22 = arith.constant 640 : i32
    %mul3A_23 = arith.muli %arg1, %mul3A_22 : i32
    %add3A_24 = arith.constant 512 : i32
    %add3A_25 = arith.addi %mul3A_23, %add3A_24 : i32
    "tpu.region"() ({
      %run_scoped3A = tpu.sem_alloc : memref<!tpu.dma_semaphore, #tpu.memory_space<semaphore_mem>>
      %dma_start3A = arith.constant 0 : i32
      %dma_start3A_40 = tpu.memref_slice %arg11[%add3A_25, %dma_start3A] : memref<10240x128xf32, #tpu.memory_space<vmem_shared>> -> memref<128x128xf32, #tpu.memory_space<vmem_shared>>
      %dma_start3A_41 = arith.constant 0 : i32
      %dma_start3A_42 = tpu.memref_slice %arg11[%add3A_25, %dma_start3A_41] : memref<10240x128xf32, #tpu.memory_space<vmem_shared>> -> memref<128x128xf32, #tpu.memory_space<vmem_shared>>
      tpu.enqueue_dma source(%arg9 : memref<128x128xf32, #tpu.memory_space<vmem>>) target(%dma_start3A_42 : memref<128x128xf32, #tpu.memory_space<vmem_shared>>) target_semaphore(%run_scoped3A : memref<!tpu.dma_semaphore, #tpu.memory_space<semaphore_mem>>)
      %dma_wait3A = arith.constant 0 : i32
      %dma_wait3A_43 = tpu.memref_slice %arg11[%add3A_25, %dma_wait3A] : memref<10240x128xf32, #tpu.memory_space<vmem_shared>> -> memref<128x128xf32, #tpu.memory_space<vmem_shared>>
      %dma_wait3A_44 = arith.constant 0 : i32
      %dma_wait3A_45 = tpu.memref_slice %arg11[%add3A_25, %dma_wait3A_44] : memref<10240x128xf32, #tpu.memory_space<vmem_shared>> -> memref<128x128xf32, #tpu.memory_space<vmem_shared>>
      tpu.wait_dma2 semaphore(%run_scoped3A : memref<!tpu.dma_semaphore, #tpu.memory_space<semaphore_mem>>) src(%arg9 : memref<128x128xf32, #tpu.memory_space<vmem>>) dst(%dma_wait3A_45 : memref<128x128xf32, #tpu.memory_space<vmem_shared>>)
      tpu.yield
    }) : () -> ()
    %barrier3A = arith.constant 0 : index
    tpu.barrier barrier_id(%barrier3A)
    %scan3A_26 = arith.constant 0 : i32
    %scan3A_27 = arith.constant 0 : i32
    %scan3A_28 = arith.constant 2 : i32
    %scan3A_29 = arith.addi %scan3A_27, %scan3A_28 : i32
    %scan3A_30 = arith.constant 1 : i32
    scf.for %scan3A_40 = %scan3A_27 to %scan3A_29 step %scan3A_30  : i32 {
      "tpu.region"() ({
        %run_scoped3A_74 = tpu.sem_alloc : memref<!tpu.dma_semaphore, #tpu.memory_space<semaphore_mem>>
        %dma_start3A_75 = arith.constant 0 : i32
        %dma_start3A_76 = arith.constant 0 : i32
        %dma_start3A_77 = tpu.memref_slice %arg3[%add3A, %scan3A_40, %dma_start3A_75, %dma_start3A_76] : memref<32x2x40x128xi32, #tpu.memory_space<hbm>> -> memref<1x1x40x128xi32, #tpu.memory_space<hbm>>
        %dma_start3A_78 = tpu.memref_squeeze %dma_start3A_77 : memref<1x1x40x128xi32, #tpu.memory_space<hbm>> -> memref<40x128xi32, #tpu.memory_space<hbm>>
        %dma_start3A_79 = arith.constant 0 : i32
        %dma_start3A_80 = arith.constant 0 : i32
        %dma_start3A_81 = tpu.memref_slice %arg3[%add3A, %scan3A_40, %dma_start3A_79, %dma_start3A_80] : memref<32x2x40x128xi32, #tpu.memory_space<hbm>> -> memref<1x1x40x128xi32, #tpu.memory_space<hbm>>
        %dma_start3A_82 = tpu.memref_squeeze %dma_start3A_81 : memref<1x1x40x128xi32, #tpu.memory_space<hbm>> -> memref<40x128xi32, #tpu.memory_space<hbm>>
        tpu.enqueue_dma source(%dma_start3A_82 : memref<40x128xi32, #tpu.memory_space<hbm>>) target(%arg7 : memref<40x128xi32, #tpu.memory_space<vmem>>) target_semaphore(%run_scoped3A_74 : memref<!tpu.dma_semaphore, #tpu.memory_space<semaphore_mem>>)
        %dma_wait3A_83 = arith.constant 0 : i32
        %dma_wait3A_84 = arith.constant 0 : i32
        %dma_wait3A_85 = tpu.memref_slice %arg3[%add3A, %scan3A_40, %dma_wait3A_83, %dma_wait3A_84] : memref<32x2x40x128xi32, #tpu.memory_space<hbm>> -> memref<1x1x40x128xi32, #tpu.memory_space<hbm>>
        %dma_wait3A_86 = tpu.memref_squeeze %dma_wait3A_85 : memref<1x1x40x128xi32, #tpu.memory_space<hbm>> -> memref<40x128xi32, #tpu.memory_space<hbm>>
        %dma_wait3A_87 = arith.constant 0 : i32
        %dma_wait3A_88 = arith.constant 0 : i32
        %dma_wait3A_89 = tpu.memref_slice %arg3[%add3A, %scan3A_40, %dma_wait3A_87, %dma_wait3A_88] : memref<32x2x40x128xi32, #tpu.memory_space<hbm>> -> memref<1x1x40x128xi32, #tpu.memory_space<hbm>>
        %dma_wait3A_90 = tpu.memref_squeeze %dma_wait3A_89 : memref<1x1x40x128xi32, #tpu.memory_space<hbm>> -> memref<40x128xi32, #tpu.memory_space<hbm>>
        tpu.wait_dma2 semaphore(%run_scoped3A_74 : memref<!tpu.dma_semaphore, #tpu.memory_space<semaphore_mem>>) src(%dma_wait3A_90 : memref<40x128xi32, #tpu.memory_space<hbm>>) dst(%arg7 : memref<40x128xi32, #tpu.memory_space<vmem>>)
        tpu.yield
      }) : () -> ()
      "tpu.region"() ({
        %run_scoped3A_74 = tpu.sem_alloc : memref<!tpu.dma_semaphore, #tpu.memory_space<semaphore_mem>>
        %dma_start3A_75 = arith.constant 0 : i32
        %dma_start3A_76 = arith.constant 0 : i32
        %dma_start3A_77 = tpu.memref_slice %arg4[%add3A, %scan3A_40, %dma_start3A_75, %dma_start3A_76] : memref<32x2x40x128xi32, #tpu.memory_space<hbm>> -> memref<1x1x40x128xi32, #tpu.memory_space<hbm>>
        %dma_start3A_78 = tpu.memref_squeeze %dma_start3A_77 : memref<1x1x40x128xi32, #tpu.memory_space<hbm>> -> memref<40x128xi32, #tpu.memory_space<hbm>>
        %dma_start3A_79 = arith.constant 0 : i32
        %dma_start3A_80 = arith.constant 0 : i32
        %dma_start3A_81 = tpu.memref_slice %arg4[%add3A, %scan3A_40, %dma_start3A_79, %dma_start3A_80] : memref<32x2x40x128xi32, #tpu.memory_space<hbm>> -> memref<1x1x40x128xi32, #tpu.memory_space<hbm>>
        %dma_start3A_82 = tpu.memref_squeeze %dma_start3A_81 : memref<1x1x40x128xi32, #tpu.memory_space<hbm>> -> memref<40x128xi32, #tpu.memory_space<hbm>>
        tpu.enqueue_dma source(%dma_start3A_82 : memref<40x128xi32, #tpu.memory_space<hbm>>) target(%arg8 : memref<40x128xi32, #tpu.memory_space<vmem>>) target_semaphore(%run_scoped3A_74 : memref<!tpu.dma_semaphore, #tpu.memory_space<semaphore_mem>>)
        %dma_wait3A_83 = arith.constant 0 : i32
        %dma_wait3A_84 = arith.constant 0 : i32
        %dma_wait3A_85 = tpu.memref_slice %arg4[%add3A, %scan3A_40, %dma_wait3A_83, %dma_wait3A_84] : memref<32x2x40x128xi32, #tpu.memory_space<hbm>> -> memref<1x1x40x128xi32, #tpu.memory_space<hbm>>
        %dma_wait3A_86 = tpu.memref_squeeze %dma_wait3A_85 : memref<1x1x40x128xi32, #tpu.memory_space<hbm>> -> memref<40x128xi32, #tpu.memory_space<hbm>>
        %dma_wait3A_87 = arith.constant 0 : i32
        %dma_wait3A_88 = arith.constant 0 : i32
        %dma_wait3A_89 = tpu.memref_slice %arg4[%add3A, %scan3A_40, %dma_wait3A_87, %dma_wait3A_88] : memref<32x2x40x128xi32, #tpu.memory_space<hbm>> -> memref<1x1x40x128xi32, #tpu.memory_space<hbm>>
        %dma_wait3A_90 = tpu.memref_squeeze %dma_wait3A_89 : memref<1x1x40x128xi32, #tpu.memory_space<hbm>> -> memref<40x128xi32, #tpu.memory_space<hbm>>
        tpu.wait_dma2 semaphore(%run_scoped3A_74 : memref<!tpu.dma_semaphore, #tpu.memory_space<semaphore_mem>>) src(%dma_wait3A_90 : memref<40x128xi32, #tpu.memory_space<hbm>>) dst(%arg8 : memref<40x128xi32, #tpu.memory_space<vmem>>)
        tpu.yield
      }) : () -> ()
      %dma_start3A = arith.constant 0 : i32
      %dma_start3A_41 = arith.constant 0 : i32
      %dma_start3A_42 = tpu.memref_slice %arg7[%dma_start3A, %dma_start3A_41] : memref<40x128xi32, #tpu.memory_space<vmem>> -> memref<1x128xi32, #tpu.memory_space<vmem>>
      %dma_start3A_43 = tpu.memref_squeeze %dma_start3A_42 : memref<1x128xi32, #tpu.memory_space<vmem>> -> memref<128xi32, #tpu.memory_space<vmem>>
      %dma_start3A_44 = arith.constant 0 : i32
      %dma_start3A_45 = arith.constant 0 : i32
      %dma_start3A_46 = tpu.memref_slice %arg2[%dma_start3A_44, %dma_start3A_45] : memref<40960x128xf32, #tpu.memory_space<hbm>> -> memref<40960x128xf32, #tpu.memory_space<hbm>>
      tpu.enqueue_indirect_dma source(%dma_start3A_46 : memref<40960x128xf32, #tpu.memory_space<hbm>>) target(%arg9 : memref<128x128xf32, #tpu.memory_space<vmem>>) offsets(%dma_start3A_43 : memref<128xi32, #tpu.memory_space<vmem>>) semaphore(%arg12 : memref<!tpu.dma_semaphore, #tpu.memory_space<semaphore_mem>>)
      %scan3A_47 = arith.constant 0 : i32
      %scan3A_48 = arith.constant 0 : i32
      %scan3A_49 = arith.constant 19 : i32
      %scan3A_50 = arith.addi %scan3A_48, %scan3A_49 : i32
      %scan3A_51 = arith.constant 1 : i32
      scf.for %scan3A_74 = %scan3A_48 to %scan3A_50 step %scan3A_51  : i32 {
        %mul3A_75 = arith.constant 2 : i32
        %mul3A_76 = arith.muli %scan3A_74, %mul3A_75 : i32
        %dma_wait3A_77 = arith.constant 0 : i32
        %dma_wait3A_78 = tpu.memref_slice %arg7[%mul3A_76, %dma_wait3A_77] : memref<40x128xi32, #tpu.memory_space<vmem>> -> memref<1x128xi32, #tpu.memory_space<vmem>>
        %dma_wait3A_79 = tpu.memref_squeeze %dma_wait3A_78 : memref<1x128xi32, #tpu.memory_space<vmem>> -> memref<128xi32, #tpu.memory_space<vmem>>
        %dma_wait3A_80 = arith.constant 0 : i32
        %dma_wait3A_81 = arith.constant 0 : i32
        %dma_wait3A_82 = tpu.memref_slice %arg2[%dma_wait3A_80, %dma_wait3A_81] : memref<40960x128xf32, #tpu.memory_space<hbm>> -> memref<40960x128xf32, #tpu.memory_space<hbm>>
        tpu.wait_indirect_dma semaphore(%arg12 : memref<!tpu.dma_semaphore, #tpu.memory_space<semaphore_mem>>) src(%dma_wait3A_82 : memref<40960x128xf32, #tpu.memory_space<hbm>>) dst(%arg9 : memref<128x128xf32, #tpu.memory_space<vmem>>)
        %add3A_83 = arith.constant 1 : i32
        %add3A_84 = arith.addi %mul3A_76, %add3A_83 : i32
        %dma_start3A_85 = arith.constant 0 : i32
        %dma_start3A_86 = tpu.memref_slice %arg7[%add3A_84, %dma_start3A_85] : memref<40x128xi32, #tpu.memory_space<vmem>> -> memref<1x128xi32, #tpu.memory_space<vmem>>
        %dma_start3A_87 = tpu.memref_squeeze %dma_start3A_86 : memref<1x128xi32, #tpu.memory_space<vmem>> -> memref<128xi32, #tpu.memory_space<vmem>>
        %dma_start3A_88 = arith.constant 0 : i32
        %dma_start3A_89 = arith.constant 0 : i32
        %dma_start3A_90 = tpu.memref_slice %arg2[%dma_start3A_88, %dma_start3A_89] : memref<40960x128xf32, #tpu.memory_space<hbm>> -> memref<40960x128xf32, #tpu.memory_space<hbm>>
        tpu.enqueue_indirect_dma source(%dma_start3A_90 : memref<40960x128xf32, #tpu.memory_space<hbm>>) target(%arg10 : memref<128x128xf32, #tpu.memory_space<vmem>>) offsets(%dma_start3A_87 : memref<128xi32, #tpu.memory_space<vmem>>) semaphore(%arg13 : memref<!tpu.dma_semaphore, #tpu.memory_space<semaphore_mem>>)
        "tpu.region"() ({
          %run_scoped3A_109 = tpu.sem_alloc : memref<!tpu.dma_semaphore, #tpu.memory_space<semaphore_mem>>
          %dma_start3A_110 = arith.constant 0 : i32
          %dma_start3A_111 = tpu.memref_slice %arg8[%mul3A_76, %dma_start3A_110] : memref<40x128xi32, #tpu.memory_space<vmem>> -> memref<1x128xi32, #tpu.memory_space<vmem>>
          %dma_start3A_112 = tpu.memref_squeeze %dma_start3A_111 : memref<1x128xi32, #tpu.memory_space<vmem>> -> memref<128xi32, #tpu.memory_space<vmem>>
          %dma_start3A_113 = arith.constant 0 : i32
          %dma_start3A_114 = arith.constant 0 : i32
          %dma_start3A_115 = tpu.memref_slice %arg11[%dma_start3A_113, %dma_start3A_114] : memref<10240x128xf32, #tpu.memory_space<vmem_shared>> -> memref<10240x128xf32, #tpu.memory_space<vmem_shared>>
          tpu.enqueue_indirect_dma source(%arg9 : memref<128x128xf32, #tpu.memory_space<vmem>>) target(%dma_start3A_115 : memref<10240x128xf32, #tpu.memory_space<vmem_shared>>) offsets(%dma_start3A_112 : memref<128xi32, #tpu.memory_space<vmem>>) semaphore(%run_scoped3A_109 : memref<!tpu.dma_semaphore, #tpu.memory_space<semaphore_mem>>) {add = true}
          %dma_wait3A_116 = arith.constant 0 : i32
          %dma_wait3A_117 = tpu.memref_slice %arg8[%mul3A_76, %dma_wait3A_116] : memref<40x128xi32, #tpu.memory_space<vmem>> -> memref<1x128xi32, #tpu.memory_space<vmem>>
          %dma_wait3A_118 = tpu.memref_squeeze %dma_wait3A_117 : memref<1x128xi32, #tpu.memory_space<vmem>> -> memref<128xi32, #tpu.memory_space<vmem>>
          %dma_wait3A_119 = arith.constant 0 : i32
          %dma_wait3A_120 = arith.constant 0 : i32
          %dma_wait3A_121 = tpu.memref_slice %arg11[%dma_wait3A_119, %dma_wait3A_120] : memref<10240x128xf32, #tpu.memory_space<vmem_shared>> -> memref<10240x128xf32, #tpu.memory_space<vmem_shared>>
          tpu.wait_indirect_dma semaphore(%run_scoped3A_109 : memref<!tpu.dma_semaphore, #tpu.memory_space<semaphore_mem>>) src(%arg9 : memref<128x128xf32, #tpu.memory_space<vmem>>) dst(%dma_wait3A_121 : memref<10240x128xf32, #tpu.memory_space<vmem_shared>>)
          tpu.yield
        }) : () -> ()
        %add3A_91 = arith.constant 1 : i32
        %add3A_92 = arith.addi %mul3A_76, %add3A_91 : i32
        %dma_wait3A_93 = arith.constant 0 : i32
        %dma_wait3A_94 = tpu.memref_slice %arg7[%add3A_92, %dma_wait3A_93] : memref<40x128xi32, #tpu.memory_space<vmem>> -> memref<1x128xi32, #tpu.memory_space<vmem>>
        %dma_wait3A_95 = tpu.memref_squeeze %dma_wait3A_94 : memref<1x128xi32, #tpu.memory_space<vmem>> -> memref<128xi32, #tpu.memory_space<vmem>>
        %dma_wait3A_96 = arith.constant 0 : i32
        %dma_wait3A_97 = arith.constant 0 : i32
        %dma_wait3A_98 = tpu.memref_slice %arg2[%dma_wait3A_96, %dma_wait3A_97] : memref<40960x128xf32, #tpu.memory_space<hbm>> -> memref<40960x128xf32, #tpu.memory_space<hbm>>
        tpu.wait_indirect_dma semaphore(%arg13 : memref<!tpu.dma_semaphore, #tpu.memory_space<semaphore_mem>>) src(%dma_wait3A_98 : memref<40960x128xf32, #tpu.memory_space<hbm>>) dst(%arg10 : memref<128x128xf32, #tpu.memory_space<vmem>>)
        %add3A_99 = arith.constant 2 : i32
        %add3A_100 = arith.addi %mul3A_76, %add3A_99 : i32
        %dma_start3A_101 = arith.constant 0 : i32
        %dma_start3A_102 = tpu.memref_slice %arg7[%add3A_100, %dma_start3A_101] : memref<40x128xi32, #tpu.memory_space<vmem>> -> memref<1x128xi32, #tpu.memory_space<vmem>>
        %dma_start3A_103 = tpu.memref_squeeze %dma_start3A_102 : memref<1x128xi32, #tpu.memory_space<vmem>> -> memref<128xi32, #tpu.memory_space<vmem>>
        %dma_start3A_104 = arith.constant 0 : i32
        %dma_start3A_105 = arith.constant 0 : i32
        %dma_start3A_106 = tpu.memref_slice %arg2[%dma_start3A_104, %dma_start3A_105] : memref<40960x128xf32, #tpu.memory_space<hbm>> -> memref<40960x128xf32, #tpu.memory_space<hbm>>
        tpu.enqueue_indirect_dma source(%dma_start3A_106 : memref<40960x128xf32, #tpu.memory_space<hbm>>) target(%arg9 : memref<128x128xf32, #tpu.memory_space<vmem>>) offsets(%dma_start3A_103 : memref<128xi32, #tpu.memory_space<vmem>>) semaphore(%arg12 : memref<!tpu.dma_semaphore, #tpu.memory_space<semaphore_mem>>)
        %add3A_107 = arith.constant 1 : i32
        %add3A_108 = arith.addi %mul3A_76, %add3A_107 : i32
        "tpu.region"() ({
          %run_scoped3A_109 = tpu.sem_alloc : memref<!tpu.dma_semaphore, #tpu.memory_space<semaphore_mem>>
          %dma_start3A_110 = arith.constant 0 : i32
          %dma_start3A_111 = tpu.memref_slice %arg8[%add3A_108, %dma_start3A_110] : memref<40x128xi32, #tpu.memory_space<vmem>> -> memref<1x128xi32, #tpu.memory_space<vmem>>
          %dma_start3A_112 = tpu.memref_squeeze %dma_start3A_111 : memref<1x128xi32, #tpu.memory_space<vmem>> -> memref<128xi32, #tpu.memory_space<vmem>>
          %dma_start3A_113 = arith.constant 0 : i32
          %dma_start3A_114 = arith.constant 0 : i32
          %dma_start3A_115 = tpu.memref_slice %arg11[%dma_start3A_113, %dma_start3A_114] : memref<10240x128xf32, #tpu.memory_space<vmem_shared>> -> memref<10240x128xf32, #tpu.memory_space<vmem_shared>>
          tpu.enqueue_indirect_dma source(%arg10 : memref<128x128xf32, #tpu.memory_space<vmem>>) target(%dma_start3A_115 : memref<10240x128xf32, #tpu.memory_space<vmem_shared>>) offsets(%dma_start3A_112 : memref<128xi32, #tpu.memory_space<vmem>>) semaphore(%run_scoped3A_109 : memref<!tpu.dma_semaphore, #tpu.memory_space<semaphore_mem>>) {add = true}
          %dma_wait3A_116 = arith.constant 0 : i32
          %dma_wait3A_117 = tpu.memref_slice %arg8[%add3A_108, %dma_wait3A_116] : memref<40x128xi32, #tpu.memory_space<vmem>> -> memref<1x128xi32, #tpu.memory_space<vmem>>
          %dma_wait3A_118 = tpu.memref_squeeze %dma_wait3A_117 : memref<1x128xi32, #tpu.memory_space<vmem>> -> memref<128xi32, #tpu.memory_space<vmem>>
          %dma_wait3A_119 = arith.constant 0 : i32
          %dma_wait3A_120 = arith.constant 0 : i32
          %dma_wait3A_121 = tpu.memref_slice %arg11[%dma_wait3A_119, %dma_wait3A_120] : memref<10240x128xf32, #tpu.memory_space<vmem_shared>> -> memref<10240x128xf32, #tpu.memory_space<vmem_shared>>
          tpu.wait_indirect_dma semaphore(%run_scoped3A_109 : memref<!tpu.dma_semaphore, #tpu.memory_space<semaphore_mem>>) src(%arg10 : memref<128x128xf32, #tpu.memory_space<vmem>>) dst(%dma_wait3A_121 : memref<10240x128xf32, #tpu.memory_space<vmem_shared>>)
          tpu.yield
        }) : () -> ()
      }
      %scan3A_52 = arith.constant 19 : i32
      %dma_wait3A = arith.constant 38 : i32
      %dma_wait3A_53 = arith.constant 0 : i32
      %dma_wait3A_54 = tpu.memref_slice %arg7[%dma_wait3A, %dma_wait3A_53] : memref<40x128xi32, #tpu.memory_space<vmem>> -> memref<1x128xi32, #tpu.memory_space<vmem>>
      %dma_wait3A_55 = tpu.memref_squeeze %dma_wait3A_54 : memref<1x128xi32, #tpu.memory_space<vmem>> -> memref<128xi32, #tpu.memory_space<vmem>>
      %dma_wait3A_56 = arith.constant 0 : i32
      %dma_wait3A_57 = arith.constant 0 : i32
      %dma_wait3A_58 = tpu.memref_slice %arg2[%dma_wait3A_56, %dma_wait3A_57] : memref<40960x128xf32, #tpu.memory_space<hbm>> -> memref<40960x128xf32, #tpu.memory_space<hbm>>
      tpu.wait_indirect_dma semaphore(%arg12 : memref<!tpu.dma_semaphore, #tpu.memory_space<semaphore_mem>>) src(%dma_wait3A_58 : memref<40960x128xf32, #tpu.memory_space<hbm>>) dst(%arg9 : memref<128x128xf32, #tpu.memory_space<vmem>>)
      %dma_start3A_59 = arith.constant 39 : i32
      %dma_start3A_60 = arith.constant 0 : i32
      %dma_start3A_61 = tpu.memref_slice %arg7[%dma_start3A_59, %dma_start3A_60] : memref<40x128xi32, #tpu.memory_space<vmem>> -> memref<1x128xi32, #tpu.memory_space<vmem>>
      %dma_start3A_62 = tpu.memref_squeeze %dma_start3A_61 : memref<1x128xi32, #tpu.memory_space<vmem>> -> memref<128xi32, #tpu.memory_space<vmem>>
      %dma_start3A_63 = arith.constant 0 : i32
      %dma_start3A_64 = arith.constant 0 : i32
      %dma_start3A_65 = tpu.memref_slice %arg2[%dma_start3A_63, %dma_start3A_64] : memref<40960x128xf32, #tpu.memory_space<hbm>> -> memref<40960x128xf32, #tpu.memory_space<hbm>>
      tpu.enqueue_indirect_dma source(%dma_start3A_65 : memref<40960x128xf32, #tpu.memory_space<hbm>>) target(%arg10 : memref<128x128xf32, #tpu.memory_space<vmem>>) offsets(%dma_start3A_62 : memref<128xi32, #tpu.memory_space<vmem>>) semaphore(%arg13 : memref<!tpu.dma_semaphore, #tpu.memory_space<semaphore_mem>>)
      %run_scoped3A = arith.constant 38 : i32
      "tpu.region"() ({
        %run_scoped3A_74 = tpu.sem_alloc : memref<!tpu.dma_semaphore, #tpu.memory_space<semaphore_mem>>
        %dma_start3A_75 = arith.constant 0 : i32
        %dma_start3A_76 = tpu.memref_slice %arg8[%run_scoped3A, %dma_start3A_75] : memref<40x128xi32, #tpu.memory_space<vmem>> -> memref<1x128xi32, #tpu.memory_space<vmem>>
        %dma_start3A_77 = tpu.memref_squeeze %dma_start3A_76 : memref<1x128xi32, #tpu.memory_space<vmem>> -> memref<128xi32, #tpu.memory_space<vmem>>
        %dma_start3A_78 = arith.constant 0 : i32
        %dma_start3A_79 = arith.constant 0 : i32
        %dma_start3A_80 = tpu.memref_slice %arg11[%dma_start3A_78, %dma_start3A_79] : memref<10240x128xf32, #tpu.memory_space<vmem_shared>> -> memref<10240x128xf32, #tpu.memory_space<vmem_shared>>
        tpu.enqueue_indirect_dma source(%arg9 : memref<128x128xf32, #tpu.memory_space<vmem>>) target(%dma_start3A_80 : memref<10240x128xf32, #tpu.memory_space<vmem_shared>>) offsets(%dma_start3A_77 : memref<128xi32, #tpu.memory_space<vmem>>) semaphore(%run_scoped3A_74 : memref<!tpu.dma_semaphore, #tpu.memory_space<semaphore_mem>>) {add = true}
        %dma_wait3A_81 = arith.constant 0 : i32
        %dma_wait3A_82 = tpu.memref_slice %arg8[%run_scoped3A, %dma_wait3A_81] : memref<40x128xi32, #tpu.memory_space<vmem>> -> memref<1x128xi32, #tpu.memory_space<vmem>>
        %dma_wait3A_83 = tpu.memref_squeeze %dma_wait3A_82 : memref<1x128xi32, #tpu.memory_space<vmem>> -> memref<128xi32, #tpu.memory_space<vmem>>
        %dma_wait3A_84 = arith.constant 0 : i32
        %dma_wait3A_85 = arith.constant 0 : i32
        %dma_wait3A_86 = tpu.memref_slice %arg11[%dma_wait3A_84, %dma_wait3A_85] : memref<10240x128xf32, #tpu.memory_space<vmem_shared>> -> memref<10240x128xf32, #tpu.memory_space<vmem_shared>>
        tpu.wait_indirect_dma semaphore(%run_scoped3A_74 : memref<!tpu.dma_semaphore, #tpu.memory_space<semaphore_mem>>) src(%arg9 : memref<128x128xf32, #tpu.memory_space<vmem>>) dst(%dma_wait3A_86 : memref<10240x128xf32, #tpu.memory_space<vmem_shared>>)
        tpu.yield
      }) : () -> ()
      %dma_wait3A_66 = arith.constant 39 : i32
      %dma_wait3A_67 = arith.constant 0 : i32
      %dma_wait3A_68 = tpu.memref_slice %arg7[%dma_wait3A_66, %dma_wait3A_67] : memref<40x128xi32, #tpu.memory_space<vmem>> -> memref<1x128xi32, #tpu.memory_space<vmem>>
      %dma_wait3A_69 = tpu.memref_squeeze %dma_wait3A_68 : memref<1x128xi32, #tpu.memory_space<vmem>> -> memref<128xi32, #tpu.memory_space<vmem>>
      %dma_wait3A_70 = arith.constant 0 : i32
      %dma_wait3A_71 = arith.constant 0 : i32
      %dma_wait3A_72 = tpu.memref_slice %arg2[%dma_wait3A_70, %dma_wait3A_71] : memref<40960x128xf32, #tpu.memory_space<hbm>> -> memref<40960x128xf32, #tpu.memory_space<hbm>>
      tpu.wait_indirect_dma semaphore(%arg13 : memref<!tpu.dma_semaphore, #tpu.memory_space<semaphore_mem>>) src(%dma_wait3A_72 : memref<40960x128xf32, #tpu.memory_space<hbm>>) dst(%arg10 : memref<128x128xf32, #tpu.memory_space<vmem>>)
      %run_scoped3A_73 = arith.constant 39 : i32
      "tpu.region"() ({
        %run_scoped3A_74 = tpu.sem_alloc : memref<!tpu.dma_semaphore, #tpu.memory_space<semaphore_mem>>
        %dma_start3A_75 = arith.constant 0 : i32
        %dma_start3A_76 = tpu.memref_slice %arg8[%run_scoped3A_73, %dma_start3A_75] : memref<40x128xi32, #tpu.memory_space<vmem>> -> memref<1x128xi32, #tpu.memory_space<vmem>>
        %dma_start3A_77 = tpu.memref_squeeze %dma_start3A_76 : memref<1x128xi32, #tpu.memory_space<vmem>> -> memref<128xi32, #tpu.memory_space<vmem>>
        %dma_start3A_78 = arith.constant 0 : i32
        %dma_start3A_79 = arith.constant 0 : i32
        %dma_start3A_80 = tpu.memref_slice %arg11[%dma_start3A_78, %dma_start3A_79] : memref<10240x128xf32, #tpu.memory_space<vmem_shared>> -> memref<10240x128xf32, #tpu.memory_space<vmem_shared>>
        tpu.enqueue_indirect_dma source(%arg10 : memref<128x128xf32, #tpu.memory_space<vmem>>) target(%dma_start3A_80 : memref<10240x128xf32, #tpu.memory_space<vmem_shared>>) offsets(%dma_start3A_77 : memref<128xi32, #tpu.memory_space<vmem>>) semaphore(%run_scoped3A_74 : memref<!tpu.dma_semaphore, #tpu.memory_space<semaphore_mem>>) {add = true}
        %dma_wait3A_81 = arith.constant 0 : i32
        %dma_wait3A_82 = tpu.memref_slice %arg8[%run_scoped3A_73, %dma_wait3A_81] : memref<40x128xi32, #tpu.memory_space<vmem>> -> memref<1x128xi32, #tpu.memory_space<vmem>>
        %dma_wait3A_83 = tpu.memref_squeeze %dma_wait3A_82 : memref<1x128xi32, #tpu.memory_space<vmem>> -> memref<128xi32, #tpu.memory_space<vmem>>
        %dma_wait3A_84 = arith.constant 0 : i32
        %dma_wait3A_85 = arith.constant 0 : i32
        %dma_wait3A_86 = tpu.memref_slice %arg11[%dma_wait3A_84, %dma_wait3A_85] : memref<10240x128xf32, #tpu.memory_space<vmem_shared>> -> memref<10240x128xf32, #tpu.memory_space<vmem_shared>>
        tpu.wait_indirect_dma semaphore(%run_scoped3A_74 : memref<!tpu.dma_semaphore, #tpu.memory_space<semaphore_mem>>) src(%arg10 : memref<128x128xf32, #tpu.memory_space<vmem>>) dst(%dma_wait3A_86 : memref<10240x128xf32, #tpu.memory_space<vmem_shared>>)
        tpu.yield
      }) : () -> ()
    }
    %scan3A_31 = arith.constant 2 : i32
    %barrier3A_32 = arith.constant 0 : index
    tpu.barrier barrier_id(%barrier3A_32)
    %eq3A = arith.constant 0 : i32
    %eq3A_33 = arith.cmpi eq, %arg0, %eq3A : i32
    %convert_element_type3A = arith.extui %eq3A_33 : i1 to i32
    %cond3A = arith.constant 0 : i32
    %cond3A_34 = arith.cmpi ne, %convert_element_type3A, %cond3A : i32
    scf.if %cond3A_34 {
      %mul3A_40 = arith.constant 640 : i32
      %mul3A_41 = arith.muli %arg1, %mul3A_40 : i32
      %mul3A_42 = arith.constant 640 : i32
      %mul3A_43 = arith.muli %arg1, %mul3A_42 : i32
      "tpu.region"() ({
        %run_scoped3A = tpu.sem_alloc : memref<!tpu.dma_semaphore, #tpu.memory_space<semaphore_mem>>
        %dma_start3A = arith.constant 0 : i32
        %dma_start3A_44 = tpu.memref_slice %arg5[%mul3A_43, %dma_start3A] : memref<10240x128xf32, #tpu.memory_space<hbm>> -> memref<640x128xf32, #tpu.memory_space<hbm>>
        %dma_start3A_45 = arith.constant 0 : i32
        %dma_start3A_46 = tpu.memref_slice %arg11[%mul3A_41, %dma_start3A_45] : memref<10240x128xf32, #tpu.memory_space<vmem_shared>> -> memref<640x128xf32, #tpu.memory_space<vmem_shared>>
        tpu.enqueue_dma source(%dma_start3A_46 : memref<640x128xf32, #tpu.memory_space<vmem_shared>>) target(%dma_start3A_44 : memref<640x128xf32, #tpu.memory_space<hbm>>) target_semaphore(%run_scoped3A : memref<!tpu.dma_semaphore, #tpu.memory_space<semaphore_mem>>)
        %dma_wait3A = arith.constant 0 : i32
        %dma_wait3A_47 = tpu.memref_slice %arg5[%mul3A_43, %dma_wait3A] : memref<10240x128xf32, #tpu.memory_space<hbm>> -> memref<640x128xf32, #tpu.memory_space<hbm>>
        %dma_wait3A_48 = arith.constant 0 : i32
        %dma_wait3A_49 = tpu.memref_slice %arg11[%mul3A_41, %dma_wait3A_48] : memref<10240x128xf32, #tpu.memory_space<vmem_shared>> -> memref<640x128xf32, #tpu.memory_space<vmem_shared>>
        tpu.wait_dma2 semaphore(%run_scoped3A : memref<!tpu.dma_semaphore, #tpu.memory_space<semaphore_mem>>) src(%dma_wait3A_49 : memref<640x128xf32, #tpu.memory_space<vmem_shared>>) dst(%dma_wait3A_47 : memref<640x128xf32, #tpu.memory_space<hbm>>)
        tpu.yield
      }) : () -> ()
    } else {
    }
    %eq3A_35 = arith.constant 1 : i32
    %eq3A_36 = arith.cmpi eq, %arg0, %eq3A_35 : i32
    %convert_element_type3A_37 = arith.extui %eq3A_36 : i1 to i32
    %cond3A_38 = arith.constant 0 : i32
    %cond3A_39 = arith.cmpi ne, %convert_element_type3A_37, %cond3A_38 : i32
    scf.if %cond3A_39 {
      %mul3A_40 = arith.constant 640 : i32
      %mul3A_41 = arith.muli %arg1, %mul3A_40 : i32
      %mul3A_42 = arith.constant 640 : i32
      %mul3A_43 = arith.muli %arg1, %mul3A_42 : i32
      "tpu.region"() ({
        %run_scoped3A = tpu.sem_alloc : memref<!tpu.dma_semaphore, #tpu.memory_space<semaphore_mem>>
        %dma_start3A = arith.constant 0 : i32
        %dma_start3A_44 = tpu.memref_slice %arg6[%mul3A_43, %dma_start3A] : memref<10240x128xf32, #tpu.memory_space<hbm>> -> memref<640x128xf32, #tpu.memory_space<hbm>>
        %dma_start3A_45 = arith.constant 0 : i32
        %dma_start3A_46 = tpu.memref_slice %arg11[%mul3A_41, %dma_start3A_45] : memref<10240x128xf32, #tpu.memory_space<vmem_shared>> -> memref<640x128xf32, #tpu.memory_space<vmem_shared>>
        tpu.enqueue_dma source(%dma_start3A_46 : memref<640x128xf32, #tpu.memory_space<vmem_shared>>) target(%dma_start3A_44 : memref<640x128xf32, #tpu.memory_space<hbm>>) target_semaphore(%run_scoped3A : memref<!tpu.dma_semaphore, #tpu.memory_space<semaphore_mem>>)
        %dma_wait3A = arith.constant 0 : i32
        %dma_wait3A_47 = tpu.memref_slice %arg6[%mul3A_43, %dma_wait3A] : memref<10240x128xf32, #tpu.memory_space<hbm>> -> memref<640x128xf32, #tpu.memory_space<hbm>>
        %dma_wait3A_48 = arith.constant 0 : i32
        %dma_wait3A_49 = tpu.memref_slice %arg11[%mul3A_41, %dma_wait3A_48] : memref<10240x128xf32, #tpu.memory_space<vmem_shared>> -> memref<640x128xf32, #tpu.memory_space<vmem_shared>>
        tpu.wait_dma2 semaphore(%run_scoped3A : memref<!tpu.dma_semaphore, #tpu.memory_space<semaphore_mem>>) src(%dma_wait3A_49 : memref<640x128xf32, #tpu.memory_space<vmem_shared>>) dst(%dma_wait3A_47 : memref<640x128xf32, #tpu.memory_space<hbm>>)
        tpu.yield
      }) : () -> ()
    } else {
    }
    return
  }
}

#map = affine_map<(d0, d1) -> (0, 0)>
#map1 = affine_map<(d0, d1) -> (0, 0, 0, 0)>
module attributes {stable_mosaic.version = 14 : i64} {
  func.func @_sc_body(%arg0: i32, %arg1: i32, %arg2: memref<40960x128xf32, #tpu.memory_space<hbm>>, %arg3: memref<32x2x40x128xi32, #tpu.memory_space<hbm>>, %arg4: memref<32x2x40x128xi32, #tpu.memory_space<hbm>>, %arg5: memref<10240x128xf32, #tpu.memory_space<hbm>>, %arg6: memref<10240x128xf32, #tpu.memory_space<hbm>>, %arg7: memref<40x128xi32, #tpu.memory_space<vmem>>, %arg8: memref<40x128xi32, #tpu.memory_space<vmem>>, %arg9: memref<128x128xf32, #tpu.memory_space<vmem>>, %arg10: memref<128x128xf32, #tpu.memory_space<vmem>>, %arg11: memref<10240x128xf32, #tpu.memory_space<vmem_shared>>, %arg12: memref<!tpu.dma_semaphore, #tpu.memory_space<semaphore_mem>>, %arg13: memref<!tpu.dma_semaphore, #tpu.memory_space<semaphore_mem>>) attributes {dimension_semantics = [#tpu.dimension_semantics<core_parallel>, #tpu.dimension_semantics<subcore_parallel>], iteration_bounds = array<i64: 2, 16>, scalar_prefetch = 0 : i64, scratch_operands = 7 : i64, tpu.core_type = #tpu.core_type<sc_vector_subcore>, window_params = [{transform_indices = #map}, {transform_indices = #map1}, {transform_indices = #map1}, {transform_indices = #map}, {transform_indices = #map}]} {
    %mul3A = arith.constant 16 : i32
    %mul3A_0 = arith.muli %arg0, %mul3A : i32
    %add3A = arith.addi %mul3A_0, %arg1 : i32
    %scan3A = arith.constant 0 : i32
    %scan3A_1 = arith.constant 0 : i32
    %scan3A_2 = arith.constant 128 : i32
    %scan3A_3 = arith.addi %scan3A_1, %scan3A_2 : i32
    %scan3A_4 = arith.constant 1 : i32
    scf.for %scan3A_40 = %scan3A_1 to %scan3A_3 step %scan3A_4  : i32 {
      %broadcast_in_dim3A = arith.constant 0.000000e+00 : f32
      %broadcast_in_dim3A_41 = vector.broadcast %broadcast_in_dim3A : f32 to vector<16xf32>
      %swap3A = arith.index_cast %scan3A_40 : i32 to index
      %swap3A_42 = arith.constant 0 : index
      %swap3A_43 = tpu.vector_load %arg9[%swap3A, %swap3A_42] {strides = array<i32>} : memref<128x128xf32, #tpu.memory_space<vmem>>, vector<1x16xf32>,
      %swap3A_44 = vector.shape_cast %swap3A_43 : vector<1x16xf32> to vector<16xf32>
      %swap3A_45 = vector.shape_cast %broadcast_in_dim3A_41 : vector<16xf32> to vector<1x16xf32>
      tpu.vector_store %arg9[%swap3A, %swap3A_42], %swap3A_45 {strides = array<i32>} : memref<128x128xf32, #tpu.memory_space<vmem>>, vector<1x16xf32>,
      %broadcast_in_dim3A_46 = arith.constant 0.000000e+00 : f32
      %broadcast_in_dim3A_47 = vector.broadcast %broadcast_in_dim3A_46 : f32 to vector<16xf32>
      %swap3A_48 = arith.index_cast %scan3A_40 : i32 to index
      %swap3A_49 = arith.constant 16 : index
      %swap3A_50 = tpu.vector_load %arg9[%swap3A_48, %swap3A_49] {strides = array<i32>} : memref<128x128xf32, #tpu.memory_space<vmem>>, vector<1x16xf32>,
      %swap3A_51 = vector.shape_cast %swap3A_50 : vector<1x16xf32> to vector<16xf32>
      %swap3A_52 = vector.shape_cast %broadcast_in_dim3A_47 : vector<16xf32> to vector<1x16xf32>
      tpu.vector_store %arg9[%swap3A_48, %swap3A_49], %swap3A_52 {strides = array<i32>} : memref<128x128xf32, #tpu.memory_space<vmem>>, vector<1x16xf32>,
      %broadcast_in_dim3A_53 = arith.constant 0.000000e+00 : f32
      %broadcast_in_dim3A_54 = vector.broadcast %broadcast_in_dim3A_53 : f32 to vector<16xf32>
      %swap3A_55 = arith.index_cast %scan3A_40 : i32 to index
      %swap3A_56 = arith.constant 32 : index
      %swap3A_57 = tpu.vector_load %arg9[%swap3A_55, %swap3A_56] {strides = array<i32>} : memref<128x128xf32, #tpu.memory_space<vmem>>, vector<1x16xf32>,
      %swap3A_58 = vector.shape_cast %swap3A_57 : vector<1x16xf32> to vector<16xf32>
      %swap3A_59 = vector.shape_cast %broadcast_in_dim3A_54 : vector<16xf32> to vector<1x16xf32>
      tpu.vector_store %arg9[%swap3A_55, %swap3A_56], %swap3A_59 {strides = array<i32>} : memref<128x128xf32, #tpu.memory_space<vmem>>, vector<1x16xf32>,
      %broadcast_in_dim3A_60 = arith.constant 0.000000e+00 : f32
      %broadcast_in_dim3A_61 = vector.broadcast %broadcast_in_dim3A_60 : f32 to vector<16xf32>
      %swap3A_62 = arith.index_cast %scan3A_40 : i32 to index
      %swap3A_63 = arith.constant 48 : index
      %swap3A_64 = tpu.vector_load %arg9[%swap3A_62, %swap3A_63] {strides = array<i32>} : memref<128x128xf32, #tpu.memory_space<vmem>>, vector<1x16xf32>,
      %swap3A_65 = vector.shape_cast %swap3A_64 : vector<1x16xf32> to vector<16xf32>
      %swap3A_66 = vector.shape_cast %broadcast_in_dim3A_61 : vector<16xf32> to vector<1x16xf32>
      tpu.vector_store %arg9[%swap3A_62, %swap3A_63], %swap3A_66 {strides = array<i32>} : memref<128x128xf32, #tpu.memory_space<vmem>>, vector<1x16xf32>,
      %broadcast_in_dim3A_67 = arith.constant 0.000000e+00 : f32
      %broadcast_in_dim3A_68 = vector.broadcast %broadcast_in_dim3A_67 : f32 to vector<16xf32>
      %swap3A_69 = arith.index_cast %scan3A_40 : i32 to index
      %swap3A_70 = arith.constant 64 : index
      %swap3A_71 = tpu.vector_load %arg9[%swap3A_69, %swap3A_70] {strides = array<i32>} : memref<128x128xf32, #tpu.memory_space<vmem>>, vector<1x16xf32>,
      %swap3A_72 = vector.shape_cast %swap3A_71 : vector<1x16xf32> to vector<16xf32>
      %swap3A_73 = vector.shape_cast %broadcast_in_dim3A_68 : vector<16xf32> to vector<1x16xf32>
      tpu.vector_store %arg9[%swap3A_69, %swap3A_70], %swap3A_73 {strides = array<i32>} : memref<128x128xf32, #tpu.memory_space<vmem>>, vector<1x16xf32>,
      %broadcast_in_dim3A_74 = arith.constant 0.000000e+00 : f32
      %broadcast_in_dim3A_75 = vector.broadcast %broadcast_in_dim3A_74 : f32 to vector<16xf32>
      %swap3A_76 = arith.index_cast %scan3A_40 : i32 to index
      %swap3A_77 = arith.constant 80 : index
      %swap3A_78 = tpu.vector_load %arg9[%swap3A_76, %swap3A_77] {strides = array<i32>} : memref<128x128xf32, #tpu.memory_space<vmem>>, vector<1x16xf32>,
      %swap3A_79 = vector.shape_cast %swap3A_78 : vector<1x16xf32> to vector<16xf32>
      %swap3A_80 = vector.shape_cast %broadcast_in_dim3A_75 : vector<16xf32> to vector<1x16xf32>
      tpu.vector_store %arg9[%swap3A_76, %swap3A_77], %swap3A_80 {strides = array<i32>} : memref<128x128xf32, #tpu.memory_space<vmem>>, vector<1x16xf32>,
      %broadcast_in_dim3A_81 = arith.constant 0.000000e+00 : f32
      %broadcast_in_dim3A_82 = vector.broadcast %broadcast_in_dim3A_81 : f32 to vector<16xf32>
      %swap3A_83 = arith.index_cast %scan3A_40 : i32 to index
      %swap3A_84 = arith.constant 96 : index
      %swap3A_85 = tpu.vector_load %arg9[%swap3A_83, %swap3A_84] {strides = array<i32>} : memref<128x128xf32, #tpu.memory_space<vmem>>, vector<1x16xf32>,
      %swap3A_86 = vector.shape_cast %swap3A_85 : vector<1x16xf32> to vector<16xf32>
      %swap3A_87 = vector.shape_cast %broadcast_in_dim3A_82 : vector<16xf32> to vector<1x16xf32>
      tpu.vector_store %arg9[%swap3A_83, %swap3A_84], %swap3A_87 {strides = array<i32>} : memref<128x128xf32, #tpu.memory_space<vmem>>, vector<1x16xf32>,
      %broadcast_in_dim3A_88 = arith.constant 0.000000e+00 : f32
      %broadcast_in_dim3A_89 = vector.broadcast %broadcast_in_dim3A_88 : f32 to vector<16xf32>
      %swap3A_90 = arith.index_cast %scan3A_40 : i32 to index
      %swap3A_91 = arith.constant 112 : index
      %swap3A_92 = tpu.vector_load %arg9[%swap3A_90, %swap3A_91] {strides = array<i32>} : memref<128x128xf32, #tpu.memory_space<vmem>>, vector<1x16xf32>,
      %swap3A_93 = vector.shape_cast %swap3A_92 : vector<1x16xf32> to vector<16xf32>
      %swap3A_94 = vector.shape_cast %broadcast_in_dim3A_89 : vector<16xf32> to vector<1x16xf32>
      tpu.vector_store %arg9[%swap3A_90, %swap3A_91], %swap3A_94 {strides = array<i32>} : memref<128x128xf32, #tpu.memory_space<vmem>>, vector<1x16xf32>,
    }
    %scan3A_5 = arith.constant 128 : i32
    %mul3A_6 = arith.constant 640 : i32
    %mul3A_7 = arith.muli %arg1, %mul3A_6 : i32
    %add3A_8 = arith.constant 0 : i32
    %add3A_9 = arith.addi %mul3A_7, %add3A_8 : i32
    "tpu.region"() ({
      %run_scoped3A = tpu.sem_alloc : memref<!tpu.dma_semaphore, #tpu.memory_space<semaphore_mem>>
      %dma_start3A = arith.constant 0 : i32
      %dma_start3A_40 = tpu.memref_slice %arg11[%add3A_9, %dma_start3A] : memref<10240x128xf32, #tpu.memory_space<vmem_shared>> -> memref<128x128xf32, #tpu.memory_space<vmem_shared>>
      %dma_start3A_41 = arith.constant 0 : i32
      %dma_start3A_42 = tpu.memref_slice %arg11[%add3A_9, %dma_start3A_41] : memref<10240x128xf32, #tpu.memory_space<vmem_shared>> -> memref<128x128xf32, #tpu.memory_space<vmem_shared>>
      tpu.enqueue_dma source(%arg9 : memref<128x128xf32, #tpu.memory_space<vmem>>) target(%dma_start3A_42 : memref<128x128xf32, #tpu.memory_space<vmem_shared>>) target_semaphore(%run_scoped3A : memref<!tpu.dma_semaphore, #tpu.memory_space<semaphore_mem>>)
      %dma_wait3A = arith.constant 0 : i32
      %dma_wait3A_43 = tpu.memref_slice %arg11[%add3A_9, %dma_wait3A] : memref<10240x128xf32, #tpu.memory_space<vmem_shared>> -> memref<128x128xf32, #tpu.memory_space<vmem_shared>>
      %dma_wait3A_44 = arith.constant 0 : i32
      %dma_wait3A_45 = tpu.memref_slice %arg11[%add3A_9, %dma_wait3A_44] : memref<10240x128xf32, #tpu.memory_space<vmem_shared>> -> memref<128x128xf32, #tpu.memory_space<vmem_shared>>
      tpu.wait_dma2 semaphore(%run_scoped3A : memref<!tpu.dma_semaphore, #tpu.memory_space<semaphore_mem>>) src(%arg9 : memref<128x128xf32, #tpu.memory_space<vmem>>) dst(%dma_wait3A_45 : memref<128x128xf32, #tpu.memory_space<vmem_shared>>)
      tpu.yield
    }) : () -> ()
    %mul3A_10 = arith.constant 640 : i32
    %mul3A_11 = arith.muli %arg1, %mul3A_10 : i32
    %add3A_12 = arith.constant 128 : i32
    %add3A_13 = arith.addi %mul3A_11, %add3A_12 : i32
    "tpu.region"() ({
      %run_scoped3A = tpu.sem_alloc : memref<!tpu.dma_semaphore, #tpu.memory_space<semaphore_mem>>
      %dma_start3A = arith.constant 0 : i32
      %dma_start3A_40 = tpu.memref_slice %arg11[%add3A_13, %dma_start3A] : memref<10240x128xf32, #tpu.memory_space<vmem_shared>> -> memref<128x128xf32, #tpu.memory_space<vmem_shared>>
      %dma_start3A_41 = arith.constant 0 : i32
      %dma_start3A_42 = tpu.memref_slice %arg11[%add3A_13, %dma_start3A_41] : memref<10240x128xf32, #tpu.memory_space<vmem_shared>> -> memref<128x128xf32, #tpu.memory_space<vmem_shared>>
      tpu.enqueue_dma source(%arg9 : memref<128x128xf32, #tpu.memory_space<vmem>>) target(%dma_start3A_42 : memref<128x128xf32, #tpu.memory_space<vmem_shared>>) target_semaphore(%run_scoped3A : memref<!tpu.dma_semaphore, #tpu.memory_space<semaphore_mem>>)
      %dma_wait3A = arith.constant 0 : i32
      %dma_wait3A_43 = tpu.memref_slice %arg11[%add3A_13, %dma_wait3A] : memref<10240x128xf32, #tpu.memory_space<vmem_shared>> -> memref<128x128xf32, #tpu.memory_space<vmem_shared>>
      %dma_wait3A_44 = arith.constant 0 : i32
      %dma_wait3A_45 = tpu.memref_slice %arg11[%add3A_13, %dma_wait3A_44] : memref<10240x128xf32, #tpu.memory_space<vmem_shared>> -> memref<128x128xf32, #tpu.memory_space<vmem_shared>>
      tpu.wait_dma2 semaphore(%run_scoped3A : memref<!tpu.dma_semaphore, #tpu.memory_space<semaphore_mem>>) src(%arg9 : memref<128x128xf32, #tpu.memory_space<vmem>>) dst(%dma_wait3A_45 : memref<128x128xf32, #tpu.memory_space<vmem_shared>>)
      tpu.yield
    }) : () -> ()
    %mul3A_14 = arith.constant 640 : i32
    %mul3A_15 = arith.muli %arg1, %mul3A_14 : i32
    %add3A_16 = arith.constant 256 : i32
    %add3A_17 = arith.addi %mul3A_15, %add3A_16 : i32
    "tpu.region"() ({
      %run_scoped3A = tpu.sem_alloc : memref<!tpu.dma_semaphore, #tpu.memory_space<semaphore_mem>>
      %dma_start3A = arith.constant 0 : i32
      %dma_start3A_40 = tpu.memref_slice %arg11[%add3A_17, %dma_start3A] : memref<10240x128xf32, #tpu.memory_space<vmem_shared>> -> memref<128x128xf32, #tpu.memory_space<vmem_shared>>
      %dma_start3A_41 = arith.constant 0 : i32
      %dma_start3A_42 = tpu.memref_slice %arg11[%add3A_17, %dma_start3A_41] : memref<10240x128xf32, #tpu.memory_space<vmem_shared>> -> memref<128x128xf32, #tpu.memory_space<vmem_shared>>
      tpu.enqueue_dma source(%arg9 : memref<128x128xf32, #tpu.memory_space<vmem>>) target(%dma_start3A_42 : memref<128x128xf32, #tpu.memory_space<vmem_shared>>) target_semaphore(%run_scoped3A : memref<!tpu.dma_semaphore, #tpu.memory_space<semaphore_mem>>)
      %dma_wait3A = arith.constant 0 : i32
      %dma_wait3A_43 = tpu.memref_slice %arg11[%add3A_17, %dma_wait3A] : memref<10240x128xf32, #tpu.memory_space<vmem_shared>> -> memref<128x128xf32, #tpu.memory_space<vmem_shared>>
      %dma_wait3A_44 = arith.constant 0 : i32
      %dma_wait3A_45 = tpu.memref_slice %arg11[%add3A_17, %dma_wait3A_44] : memref<10240x128xf32, #tpu.memory_space<vmem_shared>> -> memref<128x128xf32, #tpu.memory_space<vmem_shared>>
      tpu.wait_dma2 semaphore(%run_scoped3A : memref<!tpu.dma_semaphore, #tpu.memory_space<semaphore_mem>>) src(%arg9 : memref<128x128xf32, #tpu.memory_space<vmem>>) dst(%dma_wait3A_45 : memref<128x128xf32, #tpu.memory_space<vmem_shared>>)
      tpu.yield
    }) : () -> ()
    %mul3A_18 = arith.constant 640 : i32
    %mul3A_19 = arith.muli %arg1, %mul3A_18 : i32
    %add3A_20 = arith.constant 384 : i32
    %add3A_21 = arith.addi %mul3A_19, %add3A_20 : i32
    "tpu.region"() ({
      %run_scoped3A = tpu.sem_alloc : memref<!tpu.dma_semaphore, #tpu.memory_space<semaphore_mem>>
      %dma_start3A = arith.constant 0 : i32
      %dma_start3A_40 = tpu.memref_slice %arg11[%add3A_21, %dma_start3A] : memref<10240x128xf32, #tpu.memory_space<vmem_shared>> -> memref<128x128xf32, #tpu.memory_space<vmem_shared>>
      %dma_start3A_41 = arith.constant 0 : i32
      %dma_start3A_42 = tpu.memref_slice %arg11[%add3A_21, %dma_start3A_41] : memref<10240x128xf32, #tpu.memory_space<vmem_shared>> -> memref<128x128xf32, #tpu.memory_space<vmem_shared>>
      tpu.enqueue_dma source(%arg9 : memref<128x128xf32, #tpu.memory_space<vmem>>) target(%dma_start3A_42 : memref<128x128xf32, #tpu.memory_space<vmem_shared>>) target_semaphore(%run_scoped3A : memref<!tpu.dma_semaphore, #tpu.memory_space<semaphore_mem>>)
      %dma_wait3A = arith.constant 0 : i32
      %dma_wait3A_43 = tpu.memref_slice %arg11[%add3A_21, %dma_wait3A] : memref<10240x128xf32, #tpu.memory_space<vmem_shared>> -> memref<128x128xf32, #tpu.memory_space<vmem_shared>>
      %dma_wait3A_44 = arith.constant 0 : i32
      %dma_wait3A_45 = tpu.memref_slice %arg11[%add3A_21, %dma_wait3A_44] : memref<10240x128xf32, #tpu.memory_space<vmem_shared>> -> memref<128x128xf32, #tpu.memory_space<vmem_shared>>
      tpu.wait_dma2 semaphore(%run_scoped3A : memref<!tpu.dma_semaphore, #tpu.memory_space<semaphore_mem>>) src(%arg9 : memref<128x128xf32, #tpu.memory_space<vmem>>) dst(%dma_wait3A_45 : memref<128x128xf32, #tpu.memory_space<vmem_shared>>)
      tpu.yield
    }) : () -> ()
    %mul3A_22 = arith.constant 640 : i32
    %mul3A_23 = arith.muli %arg1, %mul3A_22 : i32
    %add3A_24 = arith.constant 512 : i32
    %add3A_25 = arith.addi %mul3A_23, %add3A_24 : i32
    "tpu.region"() ({
      %run_scoped3A = tpu.sem_alloc : memref<!tpu.dma_semaphore, #tpu.memory_space<semaphore_mem>>
      %dma_start3A = arith.constant 0 : i32
      %dma_start3A_40 = tpu.memref_slice %arg11[%add3A_25, %dma_start3A] : memref<10240x128xf32, #tpu.memory_space<vmem_shared>> -> memref<128x128xf32, #tpu.memory_space<vmem_shared>>
      %dma_start3A_41 = arith.constant 0 : i32
      %dma_start3A_42 = tpu.memref_slice %arg11[%add3A_25, %dma_start3A_41] : memref<10240x128xf32, #tpu.memory_space<vmem_shared>> -> memref<128x128xf32, #tpu.memory_space<vmem_shared>>
      tpu.enqueue_dma source(%arg9 : memref<128x128xf32, #tpu.memory_space<vmem>>) target(%dma_start3A_42 : memref<128x128xf32, #tpu.memory_space<vmem_shared>>) target_semaphore(%run_scoped3A : memref<!tpu.dma_semaphore, #tpu.memory_space<semaphore_mem>>)
      %dma_wait3A = arith.constant 0 : i32
      %dma_wait3A_43 = tpu.memref_slice %arg11[%add3A_25, %dma_wait3A] : memref<10240x128xf32, #tpu.memory_space<vmem_shared>> -> memref<128x128xf32, #tpu.memory_space<vmem_shared>>
      %dma_wait3A_44 = arith.constant 0 : i32
      %dma_wait3A_45 = tpu.memref_slice %arg11[%add3A_25, %dma_wait3A_44] : memref<10240x128xf32, #tpu.memory_space<vmem_shared>> -> memref<128x128xf32, #tpu.memory_space<vmem_shared>>
      tpu.wait_dma2 semaphore(%run_scoped3A : memref<!tpu.dma_semaphore, #tpu.memory_space<semaphore_mem>>) src(%arg9 : memref<128x128xf32, #tpu.memory_space<vmem>>) dst(%dma_wait3A_45 : memref<128x128xf32, #tpu.memory_space<vmem_shared>>)
      tpu.yield
    }) : () -> ()
    %barrier3A = arith.constant 0 : index
    tpu.barrier barrier_id(%barrier3A)
    %scan3A_26 = arith.constant 0 : i32
    %scan3A_27 = arith.constant 0 : i32
    %scan3A_28 = arith.constant 2 : i32
    %scan3A_29 = arith.addi %scan3A_27, %scan3A_28 : i32
    %scan3A_30 = arith.constant 1 : i32
    scf.for %scan3A_40 = %scan3A_27 to %scan3A_29 step %scan3A_30  : i32 {
      "tpu.region"() ({
        %run_scoped3A_74 = tpu.sem_alloc : memref<!tpu.dma_semaphore, #tpu.memory_space<semaphore_mem>>
        %dma_start3A_75 = arith.constant 0 : i32
        %dma_start3A_76 = arith.constant 0 : i32
        %dma_start3A_77 = tpu.memref_slice %arg3[%add3A, %scan3A_40, %dma_start3A_75, %dma_start3A_76] : memref<32x2x40x128xi32, #tpu.memory_space<hbm>> -> memref<1x1x40x128xi32, #tpu.memory_space<hbm>>
        %dma_start3A_78 = tpu.memref_squeeze %dma_start3A_77 : memref<1x1x40x128xi32, #tpu.memory_space<hbm>> -> memref<40x128xi32, #tpu.memory_space<hbm>>
        %dma_start3A_79 = arith.constant 0 : i32
        %dma_start3A_80 = arith.constant 0 : i32
        %dma_start3A_81 = tpu.memref_slice %arg3[%add3A, %scan3A_40, %dma_start3A_79, %dma_start3A_80] : memref<32x2x40x128xi32, #tpu.memory_space<hbm>> -> memref<1x1x40x128xi32, #tpu.memory_space<hbm>>
        %dma_start3A_82 = tpu.memref_squeeze %dma_start3A_81 : memref<1x1x40x128xi32, #tpu.memory_space<hbm>> -> memref<40x128xi32, #tpu.memory_space<hbm>>
        tpu.enqueue_dma source(%dma_start3A_82 : memref<40x128xi32, #tpu.memory_space<hbm>>) target(%arg7 : memref<40x128xi32, #tpu.memory_space<vmem>>) target_semaphore(%run_scoped3A_74 : memref<!tpu.dma_semaphore, #tpu.memory_space<semaphore_mem>>)
        %dma_wait3A_83 = arith.constant 0 : i32
        %dma_wait3A_84 = arith.constant 0 : i32
        %dma_wait3A_85 = tpu.memref_slice %arg3[%add3A, %scan3A_40, %dma_wait3A_83, %dma_wait3A_84] : memref<32x2x40x128xi32, #tpu.memory_space<hbm>> -> memref<1x1x40x128xi32, #tpu.memory_space<hbm>>
        %dma_wait3A_86 = tpu.memref_squeeze %dma_wait3A_85 : memref<1x1x40x128xi32, #tpu.memory_space<hbm>> -> memref<40x128xi32, #tpu.memory_space<hbm>>
        %dma_wait3A_87 = arith.constant 0 : i32
        %dma_wait3A_88 = arith.constant 0 : i32
        %dma_wait3A_89 = tpu.memref_slice %arg3[%add3A, %scan3A_40, %dma_wait3A_87, %dma_wait3A_88] : memref<32x2x40x128xi32, #tpu.memory_space<hbm>> -> memref<1x1x40x128xi32, #tpu.memory_space<hbm>>
        %dma_wait3A_90 = tpu.memref_squeeze %dma_wait3A_89 : memref<1x1x40x128xi32, #tpu.memory_space<hbm>> -> memref<40x128xi32, #tpu.memory_space<hbm>>
        tpu.wait_dma2 semaphore(%run_scoped3A_74 : memref<!tpu.dma_semaphore, #tpu.memory_space<semaphore_mem>>) src(%dma_wait3A_90 : memref<40x128xi32, #tpu.memory_space<hbm>>) dst(%arg7 : memref<40x128xi32, #tpu.memory_space<vmem>>)
        tpu.yield
      }) : () -> ()
      "tpu.region"() ({
        %run_scoped3A_74 = tpu.sem_alloc : memref<!tpu.dma_semaphore, #tpu.memory_space<semaphore_mem>>
        %dma_start3A_75 = arith.constant 0 : i32
        %dma_start3A_76 = arith.constant 0 : i32
        %dma_start3A_77 = tpu.memref_slice %arg4[%add3A, %scan3A_40, %dma_start3A_75, %dma_start3A_76] : memref<32x2x40x128xi32, #tpu.memory_space<hbm>> -> memref<1x1x40x128xi32, #tpu.memory_space<hbm>>
        %dma_start3A_78 = tpu.memref_squeeze %dma_start3A_77 : memref<1x1x40x128xi32, #tpu.memory_space<hbm>> -> memref<40x128xi32, #tpu.memory_space<hbm>>
        %dma_start3A_79 = arith.constant 0 : i32
        %dma_start3A_80 = arith.constant 0 : i32
        %dma_start3A_81 = tpu.memref_slice %arg4[%add3A, %scan3A_40, %dma_start3A_79, %dma_start3A_80] : memref<32x2x40x128xi32, #tpu.memory_space<hbm>> -> memref<1x1x40x128xi32, #tpu.memory_space<hbm>>
        %dma_start3A_82 = tpu.memref_squeeze %dma_start3A_81 : memref<1x1x40x128xi32, #tpu.memory_space<hbm>> -> memref<40x128xi32, #tpu.memory_space<hbm>>
        tpu.enqueue_dma source(%dma_start3A_82 : memref<40x128xi32, #tpu.memory_space<hbm>>) target(%arg8 : memref<40x128xi32, #tpu.memory_space<vmem>>) target_semaphore(%run_scoped3A_74 : memref<!tpu.dma_semaphore, #tpu.memory_space<semaphore_mem>>)
        %dma_wait3A_83 = arith.constant 0 : i32
        %dma_wait3A_84 = arith.constant 0 : i32
        %dma_wait3A_85 = tpu.memref_slice %arg4[%add3A, %scan3A_40, %dma_wait3A_83, %dma_wait3A_84] : memref<32x2x40x128xi32, #tpu.memory_space<hbm>> -> memref<1x1x40x128xi32, #tpu.memory_space<hbm>>
        %dma_wait3A_86 = tpu.memref_squeeze %dma_wait3A_85 : memref<1x1x40x128xi32, #tpu.memory_space<hbm>> -> memref<40x128xi32, #tpu.memory_space<hbm>>
        %dma_wait3A_87 = arith.constant 0 : i32
        %dma_wait3A_88 = arith.constant 0 : i32
        %dma_wait3A_89 = tpu.memref_slice %arg4[%add3A, %scan3A_40, %dma_wait3A_87, %dma_wait3A_88] : memref<32x2x40x128xi32, #tpu.memory_space<hbm>> -> memref<1x1x40x128xi32, #tpu.memory_space<hbm>>
        %dma_wait3A_90 = tpu.memref_squeeze %dma_wait3A_89 : memref<1x1x40x128xi32, #tpu.memory_space<hbm>> -> memref<40x128xi32, #tpu.memory_space<hbm>>
        tpu.wait_dma2 semaphore(%run_scoped3A_74 : memref<!tpu.dma_semaphore, #tpu.memory_space<semaphore_mem>>) src(%dma_wait3A_90 : memref<40x128xi32, #tpu.memory_space<hbm>>) dst(%arg8 : memref<40x128xi32, #tpu.memory_space<vmem>>)
        tpu.yield
      }) : () -> ()
      %dma_start3A = arith.constant 0 : i32
      %dma_start3A_41 = arith.constant 0 : i32
      %dma_start3A_42 = tpu.memref_slice %arg7[%dma_start3A, %dma_start3A_41] : memref<40x128xi32, #tpu.memory_space<vmem>> -> memref<1x128xi32, #tpu.memory_space<vmem>>
      %dma_start3A_43 = tpu.memref_squeeze %dma_start3A_42 : memref<1x128xi32, #tpu.memory_space<vmem>> -> memref<128xi32, #tpu.memory_space<vmem>>
      %dma_start3A_44 = arith.constant 0 : i32
      %dma_start3A_45 = arith.constant 0 : i32
      %dma_start3A_46 = tpu.memref_slice %arg2[%dma_start3A_44, %dma_start3A_45] : memref<40960x128xf32, #tpu.memory_space<hbm>> -> memref<40960x128xf32, #tpu.memory_space<hbm>>
      tpu.enqueue_indirect_dma source(%dma_start3A_46 : memref<40960x128xf32, #tpu.memory_space<hbm>>) target(%arg9 : memref<128x128xf32, #tpu.memory_space<vmem>>) offsets(%dma_start3A_43 : memref<128xi32, #tpu.memory_space<vmem>>) semaphore(%arg12 : memref<!tpu.dma_semaphore, #tpu.memory_space<semaphore_mem>>)
      %scan3A_47 = arith.constant 0 : i32
      %scan3A_48 = arith.constant 0 : i32
      %scan3A_49 = arith.constant 19 : i32
      %scan3A_50 = arith.addi %scan3A_48, %scan3A_49 : i32
      %scan3A_51 = arith.constant 1 : i32
      scf.for %scan3A_74 = %scan3A_48 to %scan3A_50 step %scan3A_51  : i32 {
        %mul3A_75 = arith.constant 2 : i32
        %mul3A_76 = arith.muli %scan3A_74, %mul3A_75 : i32
        %dma_wait3A_77 = arith.constant 0 : i32
        %dma_wait3A_78 = tpu.memref_slice %arg7[%mul3A_76, %dma_wait3A_77] : memref<40x128xi32, #tpu.memory_space<vmem>> -> memref<1x128xi32, #tpu.memory_space<vmem>>
        %dma_wait3A_79 = tpu.memref_squeeze %dma_wait3A_78 : memref<1x128xi32, #tpu.memory_space<vmem>> -> memref<128xi32, #tpu.memory_space<vmem>>
        %dma_wait3A_80 = arith.constant 0 : i32
        %dma_wait3A_81 = arith.constant 0 : i32
        %dma_wait3A_82 = tpu.memref_slice %arg2[%dma_wait3A_80, %dma_wait3A_81] : memref<40960x128xf32, #tpu.memory_space<hbm>> -> memref<40960x128xf32, #tpu.memory_space<hbm>>
        tpu.wait_indirect_dma semaphore(%arg12 : memref<!tpu.dma_semaphore, #tpu.memory_space<semaphore_mem>>) src(%dma_wait3A_82 : memref<40960x128xf32, #tpu.memory_space<hbm>>) dst(%arg9 : memref<128x128xf32, #tpu.memory_space<vmem>>)
        %add3A_83 = arith.constant 1 : i32
        %add3A_84 = arith.addi %mul3A_76, %add3A_83 : i32
        %dma_start3A_85 = arith.constant 0 : i32
        %dma_start3A_86 = tpu.memref_slice %arg7[%add3A_84, %dma_start3A_85] : memref<40x128xi32, #tpu.memory_space<vmem>> -> memref<1x128xi32, #tpu.memory_space<vmem>>
        %dma_start3A_87 = tpu.memref_squeeze %dma_start3A_86 : memref<1x128xi32, #tpu.memory_space<vmem>> -> memref<128xi32, #tpu.memory_space<vmem>>
        %dma_start3A_88 = arith.constant 0 : i32
        %dma_start3A_89 = arith.constant 0 : i32
        %dma_start3A_90 = tpu.memref_slice %arg2[%dma_start3A_88, %dma_start3A_89] : memref<40960x128xf32, #tpu.memory_space<hbm>> -> memref<40960x128xf32, #tpu.memory_space<hbm>>
        tpu.enqueue_indirect_dma source(%dma_start3A_90 : memref<40960x128xf32, #tpu.memory_space<hbm>>) target(%arg10 : memref<128x128xf32, #tpu.memory_space<vmem>>) offsets(%dma_start3A_87 : memref<128xi32, #tpu.memory_space<vmem>>) semaphore(%arg13 : memref<!tpu.dma_semaphore, #tpu.memory_space<semaphore_mem>>)
        "tpu.region"() ({
          %run_scoped3A_109 = tpu.sem_alloc : memref<!tpu.dma_semaphore, #tpu.memory_space<semaphore_mem>>
          %dma_start3A_110 = arith.constant 0 : i32
          %dma_start3A_111 = tpu.memref_slice %arg8[%mul3A_76, %dma_start3A_110] : memref<40x128xi32, #tpu.memory_space<vmem>> -> memref<1x128xi32, #tpu.memory_space<vmem>>
          %dma_start3A_112 = tpu.memref_squeeze %dma_start3A_111 : memref<1x128xi32, #tpu.memory_space<vmem>> -> memref<128xi32, #tpu.memory_space<vmem>>
          %dma_start3A_113 = arith.constant 0 : i32
          %dma_start3A_114 = arith.constant 0 : i32
          %dma_start3A_115 = tpu.memref_slice %arg11[%dma_start3A_113, %dma_start3A_114] : memref<10240x128xf32, #tpu.memory_space<vmem_shared>> -> memref<10240x128xf32, #tpu.memory_space<vmem_shared>>
          tpu.enqueue_indirect_dma source(%arg9 : memref<128x128xf32, #tpu.memory_space<vmem>>) target(%dma_start3A_115 : memref<10240x128xf32, #tpu.memory_space<vmem_shared>>) offsets(%dma_start3A_112 : memref<128xi32, #tpu.memory_space<vmem>>) semaphore(%run_scoped3A_109 : memref<!tpu.dma_semaphore, #tpu.memory_space<semaphore_mem>>) {add = true}
          %dma_wait3A_116 = arith.constant 0 : i32
          %dma_wait3A_117 = tpu.memref_slice %arg8[%mul3A_76, %dma_wait3A_116] : memref<40x128xi32, #tpu.memory_space<vmem>> -> memref<1x128xi32, #tpu.memory_space<vmem>>
          %dma_wait3A_118 = tpu.memref_squeeze %dma_wait3A_117 : memref<1x128xi32, #tpu.memory_space<vmem>> -> memref<128xi32, #tpu.memory_space<vmem>>
          %dma_wait3A_119 = arith.constant 0 : i32
          %dma_wait3A_120 = arith.constant 0 : i32
          %dma_wait3A_121 = tpu.memref_slice %arg11[%dma_wait3A_119, %dma_wait3A_120] : memref<10240x128xf32, #tpu.memory_space<vmem_shared>> -> memref<10240x128xf32, #tpu.memory_space<vmem_shared>>
          tpu.wait_indirect_dma semaphore(%run_scoped3A_109 : memref<!tpu.dma_semaphore, #tpu.memory_space<semaphore_mem>>) src(%arg9 : memref<128x128xf32, #tpu.memory_space<vmem>>) dst(%dma_wait3A_121 : memref<10240x128xf32, #tpu.memory_space<vmem_shared>>)
          tpu.yield
        }) : () -> ()
        %add3A_91 = arith.constant 1 : i32
        %add3A_92 = arith.addi %mul3A_76, %add3A_91 : i32
        %dma_wait3A_93 = arith.constant 0 : i32
        %dma_wait3A_94 = tpu.memref_slice %arg7[%add3A_92, %dma_wait3A_93] : memref<40x128xi32, #tpu.memory_space<vmem>> -> memref<1x128xi32, #tpu.memory_space<vmem>>
        %dma_wait3A_95 = tpu.memref_squeeze %dma_wait3A_94 : memref<1x128xi32, #tpu.memory_space<vmem>> -> memref<128xi32, #tpu.memory_space<vmem>>
        %dma_wait3A_96 = arith.constant 0 : i32
        %dma_wait3A_97 = arith.constant 0 : i32
        %dma_wait3A_98 = tpu.memref_slice %arg2[%dma_wait3A_96, %dma_wait3A_97] : memref<40960x128xf32, #tpu.memory_space<hbm>> -> memref<40960x128xf32, #tpu.memory_space<hbm>>
        tpu.wait_indirect_dma semaphore(%arg13 : memref<!tpu.dma_semaphore, #tpu.memory_space<semaphore_mem>>) src(%dma_wait3A_98 : memref<40960x128xf32, #tpu.memory_space<hbm>>) dst(%arg10 : memref<128x128xf32, #tpu.memory_space<vmem>>)
        %add3A_99 = arith.constant 2 : i32
        %add3A_100 = arith.addi %mul3A_76, %add3A_99 : i32
        %dma_start3A_101 = arith.constant 0 : i32
        %dma_start3A_102 = tpu.memref_slice %arg7[%add3A_100, %dma_start3A_101] : memref<40x128xi32, #tpu.memory_space<vmem>> -> memref<1x128xi32, #tpu.memory_space<vmem>>
        %dma_start3A_103 = tpu.memref_squeeze %dma_start3A_102 : memref<1x128xi32, #tpu.memory_space<vmem>> -> memref<128xi32, #tpu.memory_space<vmem>>
        %dma_start3A_104 = arith.constant 0 : i32
        %dma_start3A_105 = arith.constant 0 : i32
        %dma_start3A_106 = tpu.memref_slice %arg2[%dma_start3A_104, %dma_start3A_105] : memref<40960x128xf32, #tpu.memory_space<hbm>> -> memref<40960x128xf32, #tpu.memory_space<hbm>>
        tpu.enqueue_indirect_dma source(%dma_start3A_106 : memref<40960x128xf32, #tpu.memory_space<hbm>>) target(%arg9 : memref<128x128xf32, #tpu.memory_space<vmem>>) offsets(%dma_start3A_103 : memref<128xi32, #tpu.memory_space<vmem>>) semaphore(%arg12 : memref<!tpu.dma_semaphore, #tpu.memory_space<semaphore_mem>>)
        %add3A_107 = arith.constant 1 : i32
        %add3A_108 = arith.addi %mul3A_76, %add3A_107 : i32
        "tpu.region"() ({
          %run_scoped3A_109 = tpu.sem_alloc : memref<!tpu.dma_semaphore, #tpu.memory_space<semaphore_mem>>
          %dma_start3A_110 = arith.constant 0 : i32
          %dma_start3A_111 = tpu.memref_slice %arg8[%add3A_108, %dma_start3A_110] : memref<40x128xi32, #tpu.memory_space<vmem>> -> memref<1x128xi32, #tpu.memory_space<vmem>>
          %dma_start3A_112 = tpu.memref_squeeze %dma_start3A_111 : memref<1x128xi32, #tpu.memory_space<vmem>> -> memref<128xi32, #tpu.memory_space<vmem>>
          %dma_start3A_113 = arith.constant 0 : i32
          %dma_start3A_114 = arith.constant 0 : i32
          %dma_start3A_115 = tpu.memref_slice %arg11[%dma_start3A_113, %dma_start3A_114] : memref<10240x128xf32, #tpu.memory_space<vmem_shared>> -> memref<10240x128xf32, #tpu.memory_space<vmem_shared>>
          tpu.enqueue_indirect_dma source(%arg10 : memref<128x128xf32, #tpu.memory_space<vmem>>) target(%dma_start3A_115 : memref<10240x128xf32, #tpu.memory_space<vmem_shared>>) offsets(%dma_start3A_112 : memref<128xi32, #tpu.memory_space<vmem>>) semaphore(%run_scoped3A_109 : memref<!tpu.dma_semaphore, #tpu.memory_space<semaphore_mem>>) {add = true}
          %dma_wait3A_116 = arith.constant 0 : i32
          %dma_wait3A_117 = tpu.memref_slice %arg8[%add3A_108, %dma_wait3A_116] : memref<40x128xi32, #tpu.memory_space<vmem>> -> memref<1x128xi32, #tpu.memory_space<vmem>>
          %dma_wait3A_118 = tpu.memref_squeeze %dma_wait3A_117 : memref<1x128xi32, #tpu.memory_space<vmem>> -> memref<128xi32, #tpu.memory_space<vmem>>
          %dma_wait3A_119 = arith.constant 0 : i32
          %dma_wait3A_120 = arith.constant 0 : i32
          %dma_wait3A_121 = tpu.memref_slice %arg11[%dma_wait3A_119, %dma_wait3A_120] : memref<10240x128xf32, #tpu.memory_space<vmem_shared>> -> memref<10240x128xf32, #tpu.memory_space<vmem_shared>>
          tpu.wait_indirect_dma semaphore(%run_scoped3A_109 : memref<!tpu.dma_semaphore, #tpu.memory_space<semaphore_mem>>) src(%arg10 : memref<128x128xf32, #tpu.memory_space<vmem>>) dst(%dma_wait3A_121 : memref<10240x128xf32, #tpu.memory_space<vmem_shared>>)
          tpu.yield
        }) : () -> ()
      }
      %scan3A_52 = arith.constant 19 : i32
      %dma_wait3A = arith.constant 38 : i32
      %dma_wait3A_53 = arith.constant 0 : i32
      %dma_wait3A_54 = tpu.memref_slice %arg7[%dma_wait3A, %dma_wait3A_53] : memref<40x128xi32, #tpu.memory_space<vmem>> -> memref<1x128xi32, #tpu.memory_space<vmem>>
      %dma_wait3A_55 = tpu.memref_squeeze %dma_wait3A_54 : memref<1x128xi32, #tpu.memory_space<vmem>> -> memref<128xi32, #tpu.memory_space<vmem>>
      %dma_wait3A_56 = arith.constant 0 : i32
      %dma_wait3A_57 = arith.constant 0 : i32
      %dma_wait3A_58 = tpu.memref_slice %arg2[%dma_wait3A_56, %dma_wait3A_57] : memref<40960x128xf32, #tpu.memory_space<hbm>> -> memref<40960x128xf32, #tpu.memory_space<hbm>>
      tpu.wait_indirect_dma semaphore(%arg12 : memref<!tpu.dma_semaphore, #tpu.memory_space<semaphore_mem>>) src(%dma_wait3A_58 : memref<40960x128xf32, #tpu.memory_space<hbm>>) dst(%arg9 : memref<128x128xf32, #tpu.memory_space<vmem>>)
      %dma_start3A_59 = arith.constant 39 : i32
      %dma_start3A_60 = arith.constant 0 : i32
      %dma_start3A_61 = tpu.memref_slice %arg7[%dma_start3A_59, %dma_start3A_60] : memref<40x128xi32, #tpu.memory_space<vmem>> -> memref<1x128xi32, #tpu.memory_space<vmem>>
      %dma_start3A_62 = tpu.memref_squeeze %dma_start3A_61 : memref<1x128xi32, #tpu.memory_space<vmem>> -> memref<128xi32, #tpu.memory_space<vmem>>
      %dma_start3A_63 = arith.constant 0 : i32
      %dma_start3A_64 = arith.constant 0 : i32
      %dma_start3A_65 = tpu.memref_slice %arg2[%dma_start3A_63, %dma_start3A_64] : memref<40960x128xf32, #tpu.memory_space<hbm>> -> memref<40960x128xf32, #tpu.memory_space<hbm>>
      tpu.enqueue_indirect_dma source(%dma_start3A_65 : memref<40960x128xf32, #tpu.memory_space<hbm>>) target(%arg10 : memref<128x128xf32, #tpu.memory_space<vmem>>) offsets(%dma_start3A_62 : memref<128xi32, #tpu.memory_space<vmem>>) semaphore(%arg13 : memref<!tpu.dma_semaphore, #tpu.memory_space<semaphore_mem>>)
      %run_scoped3A = arith.constant 38 : i32
      "tpu.region"() ({
        %run_scoped3A_74 = tpu.sem_alloc : memref<!tpu.dma_semaphore, #tpu.memory_space<semaphore_mem>>
        %dma_start3A_75 = arith.constant 0 : i32
        %dma_start3A_76 = tpu.memref_slice %arg8[%run_scoped3A, %dma_start3A_75] : memref<40x128xi32, #tpu.memory_space<vmem>> -> memref<1x128xi32, #tpu.memory_space<vmem>>
        %dma_start3A_77 = tpu.memref_squeeze %dma_start3A_76 : memref<1x128xi32, #tpu.memory_space<vmem>> -> memref<128xi32, #tpu.memory_space<vmem>>
        %dma_start3A_78 = arith.constant 0 : i32
        %dma_start3A_79 = arith.constant 0 : i32
        %dma_start3A_80 = tpu.memref_slice %arg11[%dma_start3A_78, %dma_start3A_79] : memref<10240x128xf32, #tpu.memory_space<vmem_shared>> -> memref<10240x128xf32, #tpu.memory_space<vmem_shared>>
        tpu.enqueue_indirect_dma source(%arg9 : memref<128x128xf32, #tpu.memory_space<vmem>>) target(%dma_start3A_80 : memref<10240x128xf32, #tpu.memory_space<vmem_shared>>) offsets(%dma_start3A_77 : memref<128xi32, #tpu.memory_space<vmem>>) semaphore(%run_scoped3A_74 : memref<!tpu.dma_semaphore, #tpu.memory_space<semaphore_mem>>) {add = true}
        %dma_wait3A_81 = arith.constant 0 : i32
        %dma_wait3A_82 = tpu.memref_slice %arg8[%run_scoped3A, %dma_wait3A_81] : memref<40x128xi32, #tpu.memory_space<vmem>> -> memref<1x128xi32, #tpu.memory_space<vmem>>
        %dma_wait3A_83 = tpu.memref_squeeze %dma_wait3A_82 : memref<1x128xi32, #tpu.memory_space<vmem>> -> memref<128xi32, #tpu.memory_space<vmem>>
        %dma_wait3A_84 = arith.constant 0 : i32
        %dma_wait3A_85 = arith.constant 0 : i32
        %dma_wait3A_86 = tpu.memref_slice %arg11[%dma_wait3A_84, %dma_wait3A_85] : memref<10240x128xf32, #tpu.memory_space<vmem_shared>> -> memref<10240x128xf32, #tpu.memory_space<vmem_shared>>
        tpu.wait_indirect_dma semaphore(%run_scoped3A_74 : memref<!tpu.dma_semaphore, #tpu.memory_space<semaphore_mem>>) src(%arg9 : memref<128x128xf32, #tpu.memory_space<vmem>>) dst(%dma_wait3A_86 : memref<10240x128xf32, #tpu.memory_space<vmem_shared>>)
        tpu.yield
      }) : () -> ()
      %dma_wait3A_66 = arith.constant 39 : i32
      %dma_wait3A_67 = arith.constant 0 : i32
      %dma_wait3A_68 = tpu.memref_slice %arg7[%dma_wait3A_66, %dma_wait3A_67] : memref<40x128xi32, #tpu.memory_space<vmem>> -> memref<1x128xi32, #tpu.memory_space<vmem>>
      %dma_wait3A_69 = tpu.memref_squeeze %dma_wait3A_68 : memref<1x128xi32, #tpu.memory_space<vmem>> -> memref<128xi32, #tpu.memory_space<vmem>>
      %dma_wait3A_70 = arith.constant 0 : i32
      %dma_wait3A_71 = arith.constant 0 : i32
      %dma_wait3A_72 = tpu.memref_slice %arg2[%dma_wait3A_70, %dma_wait3A_71] : memref<40960x128xf32, #tpu.memory_space<hbm>> -> memref<40960x128xf32, #tpu.memory_space<hbm>>
      tpu.wait_indirect_dma semaphore(%arg13 : memref<!tpu.dma_semaphore, #tpu.memory_space<semaphore_mem>>) src(%dma_wait3A_72 : memref<40960x128xf32, #tpu.memory_space<hbm>>) dst(%arg10 : memref<128x128xf32, #tpu.memory_space<vmem>>)
      %run_scoped3A_73 = arith.constant 39 : i32
      "tpu.region"() ({
        %run_scoped3A_74 = tpu.sem_alloc : memref<!tpu.dma_semaphore, #tpu.memory_space<semaphore_mem>>
        %dma_start3A_75 = arith.constant 0 : i32
        %dma_start3A_76 = tpu.memref_slice %arg8[%run_scoped3A_73, %dma_start3A_75] : memref<40x128xi32, #tpu.memory_space<vmem>> -> memref<1x128xi32, #tpu.memory_space<vmem>>
        %dma_start3A_77 = tpu.memref_squeeze %dma_start3A_76 : memref<1x128xi32, #tpu.memory_space<vmem>> -> memref<128xi32, #tpu.memory_space<vmem>>
        %dma_start3A_78 = arith.constant 0 : i32
        %dma_start3A_79 = arith.constant 0 : i32
        %dma_start3A_80 = tpu.memref_slice %arg11[%dma_start3A_78, %dma_start3A_79] : memref<10240x128xf32, #tpu.memory_space<vmem_shared>> -> memref<10240x128xf32, #tpu.memory_space<vmem_shared>>
        tpu.enqueue_indirect_dma source(%arg10 : memref<128x128xf32, #tpu.memory_space<vmem>>) target(%dma_start3A_80 : memref<10240x128xf32, #tpu.memory_space<vmem_shared>>) offsets(%dma_start3A_77 : memref<128xi32, #tpu.memory_space<vmem>>) semaphore(%run_scoped3A_74 : memref<!tpu.dma_semaphore, #tpu.memory_space<semaphore_mem>>) {add = true}
        %dma_wait3A_81 = arith.constant 0 : i32
        %dma_wait3A_82 = tpu.memref_slice %arg8[%run_scoped3A_73, %dma_wait3A_81] : memref<40x128xi32, #tpu.memory_space<vmem>> -> memref<1x128xi32, #tpu.memory_space<vmem>>
        %dma_wait3A_83 = tpu.memref_squeeze %dma_wait3A_82 : memref<1x128xi32, #tpu.memory_space<vmem>> -> memref<128xi32, #tpu.memory_space<vmem>>
        %dma_wait3A_84 = arith.constant 0 : i32
        %dma_wait3A_85 = arith.constant 0 : i32
        %dma_wait3A_86 = tpu.memref_slice %arg11[%dma_wait3A_84, %dma_wait3A_85] : memref<10240x128xf32, #tpu.memory_space<vmem_shared>> -> memref<10240x128xf32, #tpu.memory_space<vmem_shared>>
        tpu.wait_indirect_dma semaphore(%run_scoped3A_74 : memref<!tpu.dma_semaphore, #tpu.memory_space<semaphore_mem>>) src(%arg10 : memref<128x128xf32, #tpu.memory_space<vmem>>) dst(%dma_wait3A_86 : memref<10240x128xf32, #tpu.memory_space<vmem_shared>>)
        tpu.yield
      }) : () -> ()
    }
    %scan3A_31 = arith.constant 2 : i32
    %barrier3A_32 = arith.constant 0 : index
    tpu.barrier barrier_id(%barrier3A_32)
    %eq3A = arith.constant 0 : i32
    %eq3A_33 = arith.cmpi eq, %arg0, %eq3A : i32
    %convert_element_type3A = arith.extui %eq3A_33 : i1 to i32
    %cond3A = arith.constant 0 : i32
    %cond3A_34 = arith.cmpi ne, %convert_element_type3A, %cond3A : i32
    scf.if %cond3A_34 {
      %mul3A_40 = arith.constant 640 : i32
      %mul3A_41 = arith.muli %arg1, %mul3A_40 : i32
      %mul3A_42 = arith.constant 640 : i32
      %mul3A_43 = arith.muli %arg1, %mul3A_42 : i32
      "tpu.region"() ({
        %run_scoped3A = tpu.sem_alloc : memref<!tpu.dma_semaphore, #tpu.memory_space<semaphore_mem>>
        %dma_start3A = arith.constant 0 : i32
        %dma_start3A_44 = tpu.memref_slice %arg5[%mul3A_43, %dma_start3A] : memref<10240x128xf32, #tpu.memory_space<hbm>> -> memref<640x128xf32, #tpu.memory_space<hbm>>
        %dma_start3A_45 = arith.constant 0 : i32
        %dma_start3A_46 = tpu.memref_slice %arg11[%mul3A_41, %dma_start3A_45] : memref<10240x128xf32, #tpu.memory_space<vmem_shared>> -> memref<640x128xf32, #tpu.memory_space<vmem_shared>>
        tpu.enqueue_dma source(%dma_start3A_46 : memref<640x128xf32, #tpu.memory_space<vmem_shared>>) target(%dma_start3A_44 : memref<640x128xf32, #tpu.memory_space<hbm>>) target_semaphore(%run_scoped3A : memref<!tpu.dma_semaphore, #tpu.memory_space<semaphore_mem>>)
        %dma_wait3A = arith.constant 0 : i32
        %dma_wait3A_47 = tpu.memref_slice %arg5[%mul3A_43, %dma_wait3A] : memref<10240x128xf32, #tpu.memory_space<hbm>> -> memref<640x128xf32, #tpu.memory_space<hbm>>
        %dma_wait3A_48 = arith.constant 0 : i32
        %dma_wait3A_49 = tpu.memref_slice %arg11[%mul3A_41, %dma_wait3A_48] : memref<10240x128xf32, #tpu.memory_space<vmem_shared>> -> memref<640x128xf32, #tpu.memory_space<vmem_shared>>
        tpu.wait_dma2 semaphore(%run_scoped3A : memref<!tpu.dma_semaphore, #tpu.memory_space<semaphore_mem>>) src(%dma_wait3A_49 : memref<640x128xf32, #tpu.memory_space<vmem_shared>>) dst(%dma_wait3A_47 : memref<640x128xf32, #tpu.memory_space<hbm>>)
        tpu.yield
      }) : () -> ()
    } else {
    }
    %eq3A_35 = arith.constant 1 : i32
    %eq3A_36 = arith.cmpi eq, %arg0, %eq3A_35 : i32
    %convert_element_type3A_37 = arith.extui %eq3A_36 : i1 to i32
    %cond3A_38 = arith.constant 0 : i32
    %cond3A_39 = arith.cmpi ne, %convert_element_type3A_37, %cond3A_38 : i32
    scf.if %cond3A_39 {
      %mul3A_40 = arith.constant 640 : i32
      %mul3A_41 = arith.muli %arg1, %mul3A_40 : i32
      %mul3A_42 = arith.constant 640 : i32
      %mul3A_43 = arith.muli %arg1, %mul3A_42 : i32
      "tpu.region"() ({
        %run_scoped3A = tpu.sem_alloc : memref<!tpu.dma_semaphore, #tpu.memory_space<semaphore_mem>>
        %dma_start3A = arith.constant 0 : i32
        %dma_start3A_44 = tpu.memref_slice %arg6[%mul3A_43, %dma_start3A] : memref<10240x128xf32, #tpu.memory_space<hbm>> -> memref<640x128xf32, #tpu.memory_space<hbm>>
        %dma_start3A_45 = arith.constant 0 : i32
        %dma_start3A_46 = tpu.memref_slice %arg11[%mul3A_41, %dma_start3A_45] : memref<10240x128xf32, #tpu.memory_space<vmem_shared>> -> memref<640x128xf32, #tpu.memory_space<vmem_shared>>
        tpu.enqueue_dma source(%dma_start3A_46 : memref<640x128xf32, #tpu.memory_space<vmem_shared>>) target(%dma_start3A_44 : memref<640x128xf32, #tpu.memory_space<hbm>>) target_semaphore(%run_scoped3A : memref<!tpu.dma_semaphore, #tpu.memory_space<semaphore_mem>>)
        %dma_wait3A = arith.constant 0 : i32
        %dma_wait3A_47 = tpu.memref_slice %arg6[%mul3A_43, %dma_wait3A] : memref<10240x128xf32, #tpu.memory_space<hbm>> -> memref<640x128xf32, #tpu.memory_space<hbm>>
        %dma_wait3A_48 = arith.constant 0 : i32
        %dma_wait3A_49 = tpu.memref_slice %arg11[%mul3A_41, %dma_wait3A_48] : memref<10240x128xf32, #tpu.memory_space<vmem_shared>> -> memref<640x128xf32, #tpu.memory_space<vmem_shared>>
        tpu.wait_dma2 semaphore(%run_scoped3A : memref<!tpu.dma_semaphore, #tpu.memory_space<semaphore_mem>>) src(%dma_wait3A_49 : memref<640x128xf32, #tpu.memory_space<vmem_shared>>) dst(%dma_wait3A_47 : memref<640x128xf32, #tpu.memory_space<hbm>>)
        tpu.yield
      }) : () -> ()
    } else {
    }
    return
  }
}

#map = affine_map<(d0, d1) -> (0, 0)>
#map1 = affine_map<(d0, d1) -> (0, 0, 0, 0)>
module attributes {stable_mosaic.version = 14 : i64} {
  func.func @_sc_body(%arg0: i32, %arg1: i32, %arg2: memref<40960x128xf32, #tpu.memory_space<hbm>>, %arg3: memref<32x2x40x128xi32, #tpu.memory_space<hbm>>, %arg4: memref<32x2x40x128xi32, #tpu.memory_space<hbm>>, %arg5: memref<10240x128xf32, #tpu.memory_space<hbm>>, %arg6: memref<10240x128xf32, #tpu.memory_space<hbm>>, %arg7: memref<40x128xi32, #tpu.memory_space<vmem>>, %arg8: memref<40x128xi32, #tpu.memory_space<vmem>>, %arg9: memref<128x128xf32, #tpu.memory_space<vmem>>, %arg10: memref<128x128xf32, #tpu.memory_space<vmem>>, %arg11: memref<10240x128xf32, #tpu.memory_space<vmem_shared>>, %arg12: memref<!tpu.dma_semaphore, #tpu.memory_space<semaphore_mem>>, %arg13: memref<!tpu.dma_semaphore, #tpu.memory_space<semaphore_mem>>) attributes {dimension_semantics = [#tpu.dimension_semantics<core_parallel>, #tpu.dimension_semantics<subcore_parallel>], iteration_bounds = array<i64: 2, 16>, scalar_prefetch = 0 : i64, scratch_operands = 7 : i64, tpu.core_type = #tpu.core_type<sc_vector_subcore>, window_params = [{transform_indices = #map}, {transform_indices = #map1}, {transform_indices = #map1}, {transform_indices = #map}, {transform_indices = #map}]} {
    %mul3A = arith.constant 16 : i32
    %mul3A_0 = arith.muli %arg0, %mul3A : i32
    %add3A = arith.addi %mul3A_0, %arg1 : i32
    %scan3A = arith.constant 0 : i32
    %scan3A_1 = arith.constant 0 : i32
    %scan3A_2 = arith.constant 128 : i32
    %scan3A_3 = arith.addi %scan3A_1, %scan3A_2 : i32
    %scan3A_4 = arith.constant 1 : i32
    scf.for %scan3A_40 = %scan3A_1 to %scan3A_3 step %scan3A_4  : i32 {
      %broadcast_in_dim3A = arith.constant 0.000000e+00 : f32
      %broadcast_in_dim3A_41 = vector.broadcast %broadcast_in_dim3A : f32 to vector<16xf32>
      %swap3A = arith.index_cast %scan3A_40 : i32 to index
      %swap3A_42 = arith.constant 0 : index
      %swap3A_43 = tpu.vector_load %arg9[%swap3A, %swap3A_42] {strides = array<i32>} : memref<128x128xf32, #tpu.memory_space<vmem>>, vector<1x16xf32>,
      %swap3A_44 = vector.shape_cast %swap3A_43 : vector<1x16xf32> to vector<16xf32>
      %swap3A_45 = vector.shape_cast %broadcast_in_dim3A_41 : vector<16xf32> to vector<1x16xf32>
      tpu.vector_store %arg9[%swap3A, %swap3A_42], %swap3A_45 {strides = array<i32>} : memref<128x128xf32, #tpu.memory_space<vmem>>, vector<1x16xf32>,
      %broadcast_in_dim3A_46 = arith.constant 0.000000e+00 : f32
      %broadcast_in_dim3A_47 = vector.broadcast %broadcast_in_dim3A_46 : f32 to vector<16xf32>
      %swap3A_48 = arith.index_cast %scan3A_40 : i32 to index
      %swap3A_49 = arith.constant 16 : index
      %swap3A_50 = tpu.vector_load %arg9[%swap3A_48, %swap3A_49] {strides = array<i32>} : memref<128x128xf32, #tpu.memory_space<vmem>>, vector<1x16xf32>,
      %swap3A_51 = vector.shape_cast %swap3A_50 : vector<1x16xf32> to vector<16xf32>
      %swap3A_52 = vector.shape_cast %broadcast_in_dim3A_47 : vector<16xf32> to vector<1x16xf32>
      tpu.vector_store %arg9[%swap3A_48, %swap3A_49], %swap3A_52 {strides = array<i32>} : memref<128x128xf32, #tpu.memory_space<vmem>>, vector<1x16xf32>,
      %broadcast_in_dim3A_53 = arith.constant 0.000000e+00 : f32
      %broadcast_in_dim3A_54 = vector.broadcast %broadcast_in_dim3A_53 : f32 to vector<16xf32>
      %swap3A_55 = arith.index_cast %scan3A_40 : i32 to index
      %swap3A_56 = arith.constant 32 : index
      %swap3A_57 = tpu.vector_load %arg9[%swap3A_55, %swap3A_56] {strides = array<i32>} : memref<128x128xf32, #tpu.memory_space<vmem>>, vector<1x16xf32>,
      %swap3A_58 = vector.shape_cast %swap3A_57 : vector<1x16xf32> to vector<16xf32>
      %swap3A_59 = vector.shape_cast %broadcast_in_dim3A_54 : vector<16xf32> to vector<1x16xf32>
      tpu.vector_store %arg9[%swap3A_55, %swap3A_56], %swap3A_59 {strides = array<i32>} : memref<128x128xf32, #tpu.memory_space<vmem>>, vector<1x16xf32>,
      %broadcast_in_dim3A_60 = arith.constant 0.000000e+00 : f32
      %broadcast_in_dim3A_61 = vector.broadcast %broadcast_in_dim3A_60 : f32 to vector<16xf32>
      %swap3A_62 = arith.index_cast %scan3A_40 : i32 to index
      %swap3A_63 = arith.constant 48 : index
      %swap3A_64 = tpu.vector_load %arg9[%swap3A_62, %swap3A_63] {strides = array<i32>} : memref<128x128xf32, #tpu.memory_space<vmem>>, vector<1x16xf32>,
      %swap3A_65 = vector.shape_cast %swap3A_64 : vector<1x16xf32> to vector<16xf32>
      %swap3A_66 = vector.shape_cast %broadcast_in_dim3A_61 : vector<16xf32> to vector<1x16xf32>
      tpu.vector_store %arg9[%swap3A_62, %swap3A_63], %swap3A_66 {strides = array<i32>} : memref<128x128xf32, #tpu.memory_space<vmem>>, vector<1x16xf32>,
      %broadcast_in_dim3A_67 = arith.constant 0.000000e+00 : f32
      %broadcast_in_dim3A_68 = vector.broadcast %broadcast_in_dim3A_67 : f32 to vector<16xf32>
      %swap3A_69 = arith.index_cast %scan3A_40 : i32 to index
      %swap3A_70 = arith.constant 64 : index
      %swap3A_71 = tpu.vector_load %arg9[%swap3A_69, %swap3A_70] {strides = array<i32>} : memref<128x128xf32, #tpu.memory_space<vmem>>, vector<1x16xf32>,
      %swap3A_72 = vector.shape_cast %swap3A_71 : vector<1x16xf32> to vector<16xf32>
      %swap3A_73 = vector.shape_cast %broadcast_in_dim3A_68 : vector<16xf32> to vector<1x16xf32>
      tpu.vector_store %arg9[%swap3A_69, %swap3A_70], %swap3A_73 {strides = array<i32>} : memref<128x128xf32, #tpu.memory_space<vmem>>, vector<1x16xf32>,
      %broadcast_in_dim3A_74 = arith.constant 0.000000e+00 : f32
      %broadcast_in_dim3A_75 = vector.broadcast %broadcast_in_dim3A_74 : f32 to vector<16xf32>
      %swap3A_76 = arith.index_cast %scan3A_40 : i32 to index
      %swap3A_77 = arith.constant 80 : index
      %swap3A_78 = tpu.vector_load %arg9[%swap3A_76, %swap3A_77] {strides = array<i32>} : memref<128x128xf32, #tpu.memory_space<vmem>>, vector<1x16xf32>,
      %swap3A_79 = vector.shape_cast %swap3A_78 : vector<1x16xf32> to vector<16xf32>
      %swap3A_80 = vector.shape_cast %broadcast_in_dim3A_75 : vector<16xf32> to vector<1x16xf32>
      tpu.vector_store %arg9[%swap3A_76, %swap3A_77], %swap3A_80 {strides = array<i32>} : memref<128x128xf32, #tpu.memory_space<vmem>>, vector<1x16xf32>,
      %broadcast_in_dim3A_81 = arith.constant 0.000000e+00 : f32
      %broadcast_in_dim3A_82 = vector.broadcast %broadcast_in_dim3A_81 : f32 to vector<16xf32>
      %swap3A_83 = arith.index_cast %scan3A_40 : i32 to index
      %swap3A_84 = arith.constant 96 : index
      %swap3A_85 = tpu.vector_load %arg9[%swap3A_83, %swap3A_84] {strides = array<i32>} : memref<128x128xf32, #tpu.memory_space<vmem>>, vector<1x16xf32>,
      %swap3A_86 = vector.shape_cast %swap3A_85 : vector<1x16xf32> to vector<16xf32>
      %swap3A_87 = vector.shape_cast %broadcast_in_dim3A_82 : vector<16xf32> to vector<1x16xf32>
      tpu.vector_store %arg9[%swap3A_83, %swap3A_84], %swap3A_87 {strides = array<i32>} : memref<128x128xf32, #tpu.memory_space<vmem>>, vector<1x16xf32>,
      %broadcast_in_dim3A_88 = arith.constant 0.000000e+00 : f32
      %broadcast_in_dim3A_89 = vector.broadcast %broadcast_in_dim3A_88 : f32 to vector<16xf32>
      %swap3A_90 = arith.index_cast %scan3A_40 : i32 to index
      %swap3A_91 = arith.constant 112 : index
      %swap3A_92 = tpu.vector_load %arg9[%swap3A_90, %swap3A_91] {strides = array<i32>} : memref<128x128xf32, #tpu.memory_space<vmem>>, vector<1x16xf32>,
      %swap3A_93 = vector.shape_cast %swap3A_92 : vector<1x16xf32> to vector<16xf32>
      %swap3A_94 = vector.shape_cast %broadcast_in_dim3A_89 : vector<16xf32> to vector<1x16xf32>
      tpu.vector_store %arg9[%swap3A_90, %swap3A_91], %swap3A_94 {strides = array<i32>} : memref<128x128xf32, #tpu.memory_space<vmem>>, vector<1x16xf32>,
    }
    %scan3A_5 = arith.constant 128 : i32
    %mul3A_6 = arith.constant 640 : i32
    %mul3A_7 = arith.muli %arg1, %mul3A_6 : i32
    %add3A_8 = arith.constant 0 : i32
    %add3A_9 = arith.addi %mul3A_7, %add3A_8 : i32
    "tpu.region"() ({
      %run_scoped3A = tpu.sem_alloc : memref<!tpu.dma_semaphore, #tpu.memory_space<semaphore_mem>>
      %dma_start3A = arith.constant 0 : i32
      %dma_start3A_40 = tpu.memref_slice %arg11[%add3A_9, %dma_start3A] : memref<10240x128xf32, #tpu.memory_space<vmem_shared>> -> memref<128x128xf32, #tpu.memory_space<vmem_shared>>
      %dma_start3A_41 = arith.constant 0 : i32
      %dma_start3A_42 = tpu.memref_slice %arg11[%add3A_9, %dma_start3A_41] : memref<10240x128xf32, #tpu.memory_space<vmem_shared>> -> memref<128x128xf32, #tpu.memory_space<vmem_shared>>
      tpu.enqueue_dma source(%arg9 : memref<128x128xf32, #tpu.memory_space<vmem>>) target(%dma_start3A_42 : memref<128x128xf32, #tpu.memory_space<vmem_shared>>) target_semaphore(%run_scoped3A : memref<!tpu.dma_semaphore, #tpu.memory_space<semaphore_mem>>)
      %dma_wait3A = arith.constant 0 : i32
      %dma_wait3A_43 = tpu.memref_slice %arg11[%add3A_9, %dma_wait3A] : memref<10240x128xf32, #tpu.memory_space<vmem_shared>> -> memref<128x128xf32, #tpu.memory_space<vmem_shared>>
      %dma_wait3A_44 = arith.constant 0 : i32
      %dma_wait3A_45 = tpu.memref_slice %arg11[%add3A_9, %dma_wait3A_44] : memref<10240x128xf32, #tpu.memory_space<vmem_shared>> -> memref<128x128xf32, #tpu.memory_space<vmem_shared>>
      tpu.wait_dma2 semaphore(%run_scoped3A : memref<!tpu.dma_semaphore, #tpu.memory_space<semaphore_mem>>) src(%arg9 : memref<128x128xf32, #tpu.memory_space<vmem>>) dst(%dma_wait3A_45 : memref<128x128xf32, #tpu.memory_space<vmem_shared>>)
      tpu.yield
    }) : () -> ()
    %mul3A_10 = arith.constant 640 : i32
    %mul3A_11 = arith.muli %arg1, %mul3A_10 : i32
    %add3A_12 = arith.constant 128 : i32
    %add3A_13 = arith.addi %mul3A_11, %add3A_12 : i32
    "tpu.region"() ({
      %run_scoped3A = tpu.sem_alloc : memref<!tpu.dma_semaphore, #tpu.memory_space<semaphore_mem>>
      %dma_start3A = arith.constant 0 : i32
      %dma_start3A_40 = tpu.memref_slice %arg11[%add3A_13, %dma_start3A] : memref<10240x128xf32, #tpu.memory_space<vmem_shared>> -> memref<128x128xf32, #tpu.memory_space<vmem_shared>>
      %dma_start3A_41 = arith.constant 0 : i32
      %dma_start3A_42 = tpu.memref_slice %arg11[%add3A_13, %dma_start3A_41] : memref<10240x128xf32, #tpu.memory_space<vmem_shared>> -> memref<128x128xf32, #tpu.memory_space<vmem_shared>>
      tpu.enqueue_dma source(%arg9 : memref<128x128xf32, #tpu.memory_space<vmem>>) target(%dma_start3A_42 : memref<128x128xf32, #tpu.memory_space<vmem_shared>>) target_semaphore(%run_scoped3A : memref<!tpu.dma_semaphore, #tpu.memory_space<semaphore_mem>>)
      %dma_wait3A = arith.constant 0 : i32
      %dma_wait3A_43 = tpu.memref_slice %arg11[%add3A_13, %dma_wait3A] : memref<10240x128xf32, #tpu.memory_space<vmem_shared>> -> memref<128x128xf32, #tpu.memory_space<vmem_shared>>
      %dma_wait3A_44 = arith.constant 0 : i32
      %dma_wait3A_45 = tpu.memref_slice %arg11[%add3A_13, %dma_wait3A_44] : memref<10240x128xf32, #tpu.memory_space<vmem_shared>> -> memref<128x128xf32, #tpu.memory_space<vmem_shared>>
      tpu.wait_dma2 semaphore(%run_scoped3A : memref<!tpu.dma_semaphore, #tpu.memory_space<semaphore_mem>>) src(%arg9 : memref<128x128xf32, #tpu.memory_space<vmem>>) dst(%dma_wait3A_45 : memref<128x128xf32, #tpu.memory_space<vmem_shared>>)
      tpu.yield
    }) : () -> ()
    %mul3A_14 = arith.constant 640 : i32
    %mul3A_15 = arith.muli %arg1, %mul3A_14 : i32
    %add3A_16 = arith.constant 256 : i32
    %add3A_17 = arith.addi %mul3A_15, %add3A_16 : i32
    "tpu.region"() ({
      %run_scoped3A = tpu.sem_alloc : memref<!tpu.dma_semaphore, #tpu.memory_space<semaphore_mem>>
      %dma_start3A = arith.constant 0 : i32
      %dma_start3A_40 = tpu.memref_slice %arg11[%add3A_17, %dma_start3A] : memref<10240x128xf32, #tpu.memory_space<vmem_shared>> -> memref<128x128xf32, #tpu.memory_space<vmem_shared>>
      %dma_start3A_41 = arith.constant 0 : i32
      %dma_start3A_42 = tpu.memref_slice %arg11[%add3A_17, %dma_start3A_41] : memref<10240x128xf32, #tpu.memory_space<vmem_shared>> -> memref<128x128xf32, #tpu.memory_space<vmem_shared>>
      tpu.enqueue_dma source(%arg9 : memref<128x128xf32, #tpu.memory_space<vmem>>) target(%dma_start3A_42 : memref<128x128xf32, #tpu.memory_space<vmem_shared>>) target_semaphore(%run_scoped3A : memref<!tpu.dma_semaphore, #tpu.memory_space<semaphore_mem>>)
      %dma_wait3A = arith.constant 0 : i32
      %dma_wait3A_43 = tpu.memref_slice %arg11[%add3A_17, %dma_wait3A] : memref<10240x128xf32, #tpu.memory_space<vmem_shared>> -> memref<128x128xf32, #tpu.memory_space<vmem_shared>>
      %dma_wait3A_44 = arith.constant 0 : i32
      %dma_wait3A_45 = tpu.memref_slice %arg11[%add3A_17, %dma_wait3A_44] : memref<10240x128xf32, #tpu.memory_space<vmem_shared>> -> memref<128x128xf32, #tpu.memory_space<vmem_shared>>
      tpu.wait_dma2 semaphore(%run_scoped3A : memref<!tpu.dma_semaphore, #tpu.memory_space<semaphore_mem>>) src(%arg9 : memref<128x128xf32, #tpu.memory_space<vmem>>) dst(%dma_wait3A_45 : memref<128x128xf32, #tpu.memory_space<vmem_shared>>)
      tpu.yield
    }) : () -> ()
    %mul3A_18 = arith.constant 640 : i32
    %mul3A_19 = arith.muli %arg1, %mul3A_18 : i32
    %add3A_20 = arith.constant 384 : i32
    %add3A_21 = arith.addi %mul3A_19, %add3A_20 : i32
    "tpu.region"() ({
      %run_scoped3A = tpu.sem_alloc : memref<!tpu.dma_semaphore, #tpu.memory_space<semaphore_mem>>
      %dma_start3A = arith.constant 0 : i32
      %dma_start3A_40 = tpu.memref_slice %arg11[%add3A_21, %dma_start3A] : memref<10240x128xf32, #tpu.memory_space<vmem_shared>> -> memref<128x128xf32, #tpu.memory_space<vmem_shared>>
      %dma_start3A_41 = arith.constant 0 : i32
      %dma_start3A_42 = tpu.memref_slice %arg11[%add3A_21, %dma_start3A_41] : memref<10240x128xf32, #tpu.memory_space<vmem_shared>> -> memref<128x128xf32, #tpu.memory_space<vmem_shared>>
      tpu.enqueue_dma source(%arg9 : memref<128x128xf32, #tpu.memory_space<vmem>>) target(%dma_start3A_42 : memref<128x128xf32, #tpu.memory_space<vmem_shared>>) target_semaphore(%run_scoped3A : memref<!tpu.dma_semaphore, #tpu.memory_space<semaphore_mem>>)
      %dma_wait3A = arith.constant 0 : i32
      %dma_wait3A_43 = tpu.memref_slice %arg11[%add3A_21, %dma_wait3A] : memref<10240x128xf32, #tpu.memory_space<vmem_shared>> -> memref<128x128xf32, #tpu.memory_space<vmem_shared>>
      %dma_wait3A_44 = arith.constant 0 : i32
      %dma_wait3A_45 = tpu.memref_slice %arg11[%add3A_21, %dma_wait3A_44] : memref<10240x128xf32, #tpu.memory_space<vmem_shared>> -> memref<128x128xf32, #tpu.memory_space<vmem_shared>>
      tpu.wait_dma2 semaphore(%run_scoped3A : memref<!tpu.dma_semaphore, #tpu.memory_space<semaphore_mem>>) src(%arg9 : memref<128x128xf32, #tpu.memory_space<vmem>>) dst(%dma_wait3A_45 : memref<128x128xf32, #tpu.memory_space<vmem_shared>>)
      tpu.yield
    }) : () -> ()
    %mul3A_22 = arith.constant 640 : i32
    %mul3A_23 = arith.muli %arg1, %mul3A_22 : i32
    %add3A_24 = arith.constant 512 : i32
    %add3A_25 = arith.addi %mul3A_23, %add3A_24 : i32
    "tpu.region"() ({
      %run_scoped3A = tpu.sem_alloc : memref<!tpu.dma_semaphore, #tpu.memory_space<semaphore_mem>>
      %dma_start3A = arith.constant 0 : i32
      %dma_start3A_40 = tpu.memref_slice %arg11[%add3A_25, %dma_start3A] : memref<10240x128xf32, #tpu.memory_space<vmem_shared>> -> memref<128x128xf32, #tpu.memory_space<vmem_shared>>
      %dma_start3A_41 = arith.constant 0 : i32
      %dma_start3A_42 = tpu.memref_slice %arg11[%add3A_25, %dma_start3A_41] : memref<10240x128xf32, #tpu.memory_space<vmem_shared>> -> memref<128x128xf32, #tpu.memory_space<vmem_shared>>
      tpu.enqueue_dma source(%arg9 : memref<128x128xf32, #tpu.memory_space<vmem>>) target(%dma_start3A_42 : memref<128x128xf32, #tpu.memory_space<vmem_shared>>) target_semaphore(%run_scoped3A : memref<!tpu.dma_semaphore, #tpu.memory_space<semaphore_mem>>)
      %dma_wait3A = arith.constant 0 : i32
      %dma_wait3A_43 = tpu.memref_slice %arg11[%add3A_25, %dma_wait3A] : memref<10240x128xf32, #tpu.memory_space<vmem_shared>> -> memref<128x128xf32, #tpu.memory_space<vmem_shared>>
      %dma_wait3A_44 = arith.constant 0 : i32
      %dma_wait3A_45 = tpu.memref_slice %arg11[%add3A_25, %dma_wait3A_44] : memref<10240x128xf32, #tpu.memory_space<vmem_shared>> -> memref<128x128xf32, #tpu.memory_space<vmem_shared>>
      tpu.wait_dma2 semaphore(%run_scoped3A : memref<!tpu.dma_semaphore, #tpu.memory_space<semaphore_mem>>) src(%arg9 : memref<128x128xf32, #tpu.memory_space<vmem>>) dst(%dma_wait3A_45 : memref<128x128xf32, #tpu.memory_space<vmem_shared>>)
      tpu.yield
    }) : () -> ()
    %barrier3A = arith.constant 0 : index
    tpu.barrier barrier_id(%barrier3A)
    %scan3A_26 = arith.constant 0 : i32
    %scan3A_27 = arith.constant 0 : i32
    %scan3A_28 = arith.constant 2 : i32
    %scan3A_29 = arith.addi %scan3A_27, %scan3A_28 : i32
    %scan3A_30 = arith.constant 1 : i32
    scf.for %scan3A_40 = %scan3A_27 to %scan3A_29 step %scan3A_30  : i32 {
      "tpu.region"() ({
        %run_scoped3A_74 = tpu.sem_alloc : memref<!tpu.dma_semaphore, #tpu.memory_space<semaphore_mem>>
        %dma_start3A_75 = arith.constant 0 : i32
        %dma_start3A_76 = arith.constant 0 : i32
        %dma_start3A_77 = tpu.memref_slice %arg3[%add3A, %scan3A_40, %dma_start3A_75, %dma_start3A_76] : memref<32x2x40x128xi32, #tpu.memory_space<hbm>> -> memref<1x1x40x128xi32, #tpu.memory_space<hbm>>
        %dma_start3A_78 = tpu.memref_squeeze %dma_start3A_77 : memref<1x1x40x128xi32, #tpu.memory_space<hbm>> -> memref<40x128xi32, #tpu.memory_space<hbm>>
        %dma_start3A_79 = arith.constant 0 : i32
        %dma_start3A_80 = arith.constant 0 : i32
        %dma_start3A_81 = tpu.memref_slice %arg3[%add3A, %scan3A_40, %dma_start3A_79, %dma_start3A_80] : memref<32x2x40x128xi32, #tpu.memory_space<hbm>> -> memref<1x1x40x128xi32, #tpu.memory_space<hbm>>
        %dma_start3A_82 = tpu.memref_squeeze %dma_start3A_81 : memref<1x1x40x128xi32, #tpu.memory_space<hbm>> -> memref<40x128xi32, #tpu.memory_space<hbm>>
        tpu.enqueue_dma source(%dma_start3A_82 : memref<40x128xi32, #tpu.memory_space<hbm>>) target(%arg7 : memref<40x128xi32, #tpu.memory_space<vmem>>) target_semaphore(%run_scoped3A_74 : memref<!tpu.dma_semaphore, #tpu.memory_space<semaphore_mem>>)
        %dma_wait3A_83 = arith.constant 0 : i32
        %dma_wait3A_84 = arith.constant 0 : i32
        %dma_wait3A_85 = tpu.memref_slice %arg3[%add3A, %scan3A_40, %dma_wait3A_83, %dma_wait3A_84] : memref<32x2x40x128xi32, #tpu.memory_space<hbm>> -> memref<1x1x40x128xi32, #tpu.memory_space<hbm>>
        %dma_wait3A_86 = tpu.memref_squeeze %dma_wait3A_85 : memref<1x1x40x128xi32, #tpu.memory_space<hbm>> -> memref<40x128xi32, #tpu.memory_space<hbm>>
        %dma_wait3A_87 = arith.constant 0 : i32
        %dma_wait3A_88 = arith.constant 0 : i32
        %dma_wait3A_89 = tpu.memref_slice %arg3[%add3A, %scan3A_40, %dma_wait3A_87, %dma_wait3A_88] : memref<32x2x40x128xi32, #tpu.memory_space<hbm>> -> memref<1x1x40x128xi32, #tpu.memory_space<hbm>>
        %dma_wait3A_90 = tpu.memref_squeeze %dma_wait3A_89 : memref<1x1x40x128xi32, #tpu.memory_space<hbm>> -> memref<40x128xi32, #tpu.memory_space<hbm>>
        tpu.wait_dma2 semaphore(%run_scoped3A_74 : memref<!tpu.dma_semaphore, #tpu.memory_space<semaphore_mem>>) src(%dma_wait3A_90 : memref<40x128xi32, #tpu.memory_space<hbm>>) dst(%arg7 : memref<40x128xi32, #tpu.memory_space<vmem>>)
        tpu.yield
      }) : () -> ()
      "tpu.region"() ({
        %run_scoped3A_74 = tpu.sem_alloc : memref<!tpu.dma_semaphore, #tpu.memory_space<semaphore_mem>>
        %dma_start3A_75 = arith.constant 0 : i32
        %dma_start3A_76 = arith.constant 0 : i32
        %dma_start3A_77 = tpu.memref_slice %arg4[%add3A, %scan3A_40, %dma_start3A_75, %dma_start3A_76] : memref<32x2x40x128xi32, #tpu.memory_space<hbm>> -> memref<1x1x40x128xi32, #tpu.memory_space<hbm>>
        %dma_start3A_78 = tpu.memref_squeeze %dma_start3A_77 : memref<1x1x40x128xi32, #tpu.memory_space<hbm>> -> memref<40x128xi32, #tpu.memory_space<hbm>>
        %dma_start3A_79 = arith.constant 0 : i32
        %dma_start3A_80 = arith.constant 0 : i32
        %dma_start3A_81 = tpu.memref_slice %arg4[%add3A, %scan3A_40, %dma_start3A_79, %dma_start3A_80] : memref<32x2x40x128xi32, #tpu.memory_space<hbm>> -> memref<1x1x40x128xi32, #tpu.memory_space<hbm>>
        %dma_start3A_82 = tpu.memref_squeeze %dma_start3A_81 : memref<1x1x40x128xi32, #tpu.memory_space<hbm>> -> memref<40x128xi32, #tpu.memory_space<hbm>>
        tpu.enqueue_dma source(%dma_start3A_82 : memref<40x128xi32, #tpu.memory_space<hbm>>) target(%arg8 : memref<40x128xi32, #tpu.memory_space<vmem>>) target_semaphore(%run_scoped3A_74 : memref<!tpu.dma_semaphore, #tpu.memory_space<semaphore_mem>>)
        %dma_wait3A_83 = arith.constant 0 : i32
        %dma_wait3A_84 = arith.constant 0 : i32
        %dma_wait3A_85 = tpu.memref_slice %arg4[%add3A, %scan3A_40, %dma_wait3A_83, %dma_wait3A_84] : memref<32x2x40x128xi32, #tpu.memory_space<hbm>> -> memref<1x1x40x128xi32, #tpu.memory_space<hbm>>
        %dma_wait3A_86 = tpu.memref_squeeze %dma_wait3A_85 : memref<1x1x40x128xi32, #tpu.memory_space<hbm>> -> memref<40x128xi32, #tpu.memory_space<hbm>>
        %dma_wait3A_87 = arith.constant 0 : i32
        %dma_wait3A_88 = arith.constant 0 : i32
        %dma_wait3A_89 = tpu.memref_slice %arg4[%add3A, %scan3A_40, %dma_wait3A_87, %dma_wait3A_88] : memref<32x2x40x128xi32, #tpu.memory_space<hbm>> -> memref<1x1x40x128xi32, #tpu.memory_space<hbm>>
        %dma_wait3A_90 = tpu.memref_squeeze %dma_wait3A_89 : memref<1x1x40x128xi32, #tpu.memory_space<hbm>> -> memref<40x128xi32, #tpu.memory_space<hbm>>
        tpu.wait_dma2 semaphore(%run_scoped3A_74 : memref<!tpu.dma_semaphore, #tpu.memory_space<semaphore_mem>>) src(%dma_wait3A_90 : memref<40x128xi32, #tpu.memory_space<hbm>>) dst(%arg8 : memref<40x128xi32, #tpu.memory_space<vmem>>)
        tpu.yield
      }) : () -> ()
      %dma_start3A = arith.constant 0 : i32
      %dma_start3A_41 = arith.constant 0 : i32
      %dma_start3A_42 = tpu.memref_slice %arg7[%dma_start3A, %dma_start3A_41] : memref<40x128xi32, #tpu.memory_space<vmem>> -> memref<1x128xi32, #tpu.memory_space<vmem>>
      %dma_start3A_43 = tpu.memref_squeeze %dma_start3A_42 : memref<1x128xi32, #tpu.memory_space<vmem>> -> memref<128xi32, #tpu.memory_space<vmem>>
      %dma_start3A_44 = arith.constant 0 : i32
      %dma_start3A_45 = arith.constant 0 : i32
      %dma_start3A_46 = tpu.memref_slice %arg2[%dma_start3A_44, %dma_start3A_45] : memref<40960x128xf32, #tpu.memory_space<hbm>> -> memref<40960x128xf32, #tpu.memory_space<hbm>>
      tpu.enqueue_indirect_dma source(%dma_start3A_46 : memref<40960x128xf32, #tpu.memory_space<hbm>>) target(%arg9 : memref<128x128xf32, #tpu.memory_space<vmem>>) offsets(%dma_start3A_43 : memref<128xi32, #tpu.memory_space<vmem>>) semaphore(%arg12 : memref<!tpu.dma_semaphore, #tpu.memory_space<semaphore_mem>>)
      %scan3A_47 = arith.constant 0 : i32
      %scan3A_48 = arith.constant 0 : i32
      %scan3A_49 = arith.constant 19 : i32
      %scan3A_50 = arith.addi %scan3A_48, %scan3A_49 : i32
      %scan3A_51 = arith.constant 1 : i32
      scf.for %scan3A_74 = %scan3A_48 to %scan3A_50 step %scan3A_51  : i32 {
        %mul3A_75 = arith.constant 2 : i32
        %mul3A_76 = arith.muli %scan3A_74, %mul3A_75 : i32
        %dma_wait3A_77 = arith.constant 0 : i32
        %dma_wait3A_78 = tpu.memref_slice %arg7[%mul3A_76, %dma_wait3A_77] : memref<40x128xi32, #tpu.memory_space<vmem>> -> memref<1x128xi32, #tpu.memory_space<vmem>>
        %dma_wait3A_79 = tpu.memref_squeeze %dma_wait3A_78 : memref<1x128xi32, #tpu.memory_space<vmem>> -> memref<128xi32, #tpu.memory_space<vmem>>
        %dma_wait3A_80 = arith.constant 0 : i32
        %dma_wait3A_81 = arith.constant 0 : i32
        %dma_wait3A_82 = tpu.memref_slice %arg2[%dma_wait3A_80, %dma_wait3A_81] : memref<40960x128xf32, #tpu.memory_space<hbm>> -> memref<40960x128xf32, #tpu.memory_space<hbm>>
        tpu.wait_indirect_dma semaphore(%arg12 : memref<!tpu.dma_semaphore, #tpu.memory_space<semaphore_mem>>) src(%dma_wait3A_82 : memref<40960x128xf32, #tpu.memory_space<hbm>>) dst(%arg9 : memref<128x128xf32, #tpu.memory_space<vmem>>)
        %add3A_83 = arith.constant 1 : i32
        %add3A_84 = arith.addi %mul3A_76, %add3A_83 : i32
        %dma_start3A_85 = arith.constant 0 : i32
        %dma_start3A_86 = tpu.memref_slice %arg7[%add3A_84, %dma_start3A_85] : memref<40x128xi32, #tpu.memory_space<vmem>> -> memref<1x128xi32, #tpu.memory_space<vmem>>
        %dma_start3A_87 = tpu.memref_squeeze %dma_start3A_86 : memref<1x128xi32, #tpu.memory_space<vmem>> -> memref<128xi32, #tpu.memory_space<vmem>>
        %dma_start3A_88 = arith.constant 0 : i32
        %dma_start3A_89 = arith.constant 0 : i32
        %dma_start3A_90 = tpu.memref_slice %arg2[%dma_start3A_88, %dma_start3A_89] : memref<40960x128xf32, #tpu.memory_space<hbm>> -> memref<40960x128xf32, #tpu.memory_space<hbm>>
        tpu.enqueue_indirect_dma source(%dma_start3A_90 : memref<40960x128xf32, #tpu.memory_space<hbm>>) target(%arg10 : memref<128x128xf32, #tpu.memory_space<vmem>>) offsets(%dma_start3A_87 : memref<128xi32, #tpu.memory_space<vmem>>) semaphore(%arg13 : memref<!tpu.dma_semaphore, #tpu.memory_space<semaphore_mem>>)
        "tpu.region"() ({
          %run_scoped3A_109 = tpu.sem_alloc : memref<!tpu.dma_semaphore, #tpu.memory_space<semaphore_mem>>
          %dma_start3A_110 = arith.constant 0 : i32
          %dma_start3A_111 = tpu.memref_slice %arg8[%mul3A_76, %dma_start3A_110] : memref<40x128xi32, #tpu.memory_space<vmem>> -> memref<1x128xi32, #tpu.memory_space<vmem>>
          %dma_start3A_112 = tpu.memref_squeeze %dma_start3A_111 : memref<1x128xi32, #tpu.memory_space<vmem>> -> memref<128xi32, #tpu.memory_space<vmem>>
          %dma_start3A_113 = arith.constant 0 : i32
          %dma_start3A_114 = arith.constant 0 : i32
          %dma_start3A_115 = tpu.memref_slice %arg11[%dma_start3A_113, %dma_start3A_114] : memref<10240x128xf32, #tpu.memory_space<vmem_shared>> -> memref<10240x128xf32, #tpu.memory_space<vmem_shared>>
          tpu.enqueue_indirect_dma source(%arg9 : memref<128x128xf32, #tpu.memory_space<vmem>>) target(%dma_start3A_115 : memref<10240x128xf32, #tpu.memory_space<vmem_shared>>) offsets(%dma_start3A_112 : memref<128xi32, #tpu.memory_space<vmem>>) semaphore(%run_scoped3A_109 : memref<!tpu.dma_semaphore, #tpu.memory_space<semaphore_mem>>) {add = true}
          %dma_wait3A_116 = arith.constant 0 : i32
          %dma_wait3A_117 = tpu.memref_slice %arg8[%mul3A_76, %dma_wait3A_116] : memref<40x128xi32, #tpu.memory_space<vmem>> -> memref<1x128xi32, #tpu.memory_space<vmem>>
          %dma_wait3A_118 = tpu.memref_squeeze %dma_wait3A_117 : memref<1x128xi32, #tpu.memory_space<vmem>> -> memref<128xi32, #tpu.memory_space<vmem>>
          %dma_wait3A_119 = arith.constant 0 : i32
          %dma_wait3A_120 = arith.constant 0 : i32
          %dma_wait3A_121 = tpu.memref_slice %arg11[%dma_wait3A_119, %dma_wait3A_120] : memref<10240x128xf32, #tpu.memory_space<vmem_shared>> -> memref<10240x128xf32, #tpu.memory_space<vmem_shared>>
          tpu.wait_indirect_dma semaphore(%run_scoped3A_109 : memref<!tpu.dma_semaphore, #tpu.memory_space<semaphore_mem>>) src(%arg9 : memref<128x128xf32, #tpu.memory_space<vmem>>) dst(%dma_wait3A_121 : memref<10240x128xf32, #tpu.memory_space<vmem_shared>>)
          tpu.yield
        }) : () -> ()
        %add3A_91 = arith.constant 1 : i32
        %add3A_92 = arith.addi %mul3A_76, %add3A_91 : i32
        %dma_wait3A_93 = arith.constant 0 : i32
        %dma_wait3A_94 = tpu.memref_slice %arg7[%add3A_92, %dma_wait3A_93] : memref<40x128xi32, #tpu.memory_space<vmem>> -> memref<1x128xi32, #tpu.memory_space<vmem>>
        %dma_wait3A_95 = tpu.memref_squeeze %dma_wait3A_94 : memref<1x128xi32, #tpu.memory_space<vmem>> -> memref<128xi32, #tpu.memory_space<vmem>>
        %dma_wait3A_96 = arith.constant 0 : i32
        %dma_wait3A_97 = arith.constant 0 : i32
        %dma_wait3A_98 = tpu.memref_slice %arg2[%dma_wait3A_96, %dma_wait3A_97] : memref<40960x128xf32, #tpu.memory_space<hbm>> -> memref<40960x128xf32, #tpu.memory_space<hbm>>
        tpu.wait_indirect_dma semaphore(%arg13 : memref<!tpu.dma_semaphore, #tpu.memory_space<semaphore_mem>>) src(%dma_wait3A_98 : memref<40960x128xf32, #tpu.memory_space<hbm>>) dst(%arg10 : memref<128x128xf32, #tpu.memory_space<vmem>>)
        %add3A_99 = arith.constant 2 : i32
        %add3A_100 = arith.addi %mul3A_76, %add3A_99 : i32
        %dma_start3A_101 = arith.constant 0 : i32
        %dma_start3A_102 = tpu.memref_slice %arg7[%add3A_100, %dma_start3A_101] : memref<40x128xi32, #tpu.memory_space<vmem>> -> memref<1x128xi32, #tpu.memory_space<vmem>>
        %dma_start3A_103 = tpu.memref_squeeze %dma_start3A_102 : memref<1x128xi32, #tpu.memory_space<vmem>> -> memref<128xi32, #tpu.memory_space<vmem>>
        %dma_start3A_104 = arith.constant 0 : i32
        %dma_start3A_105 = arith.constant 0 : i32
        %dma_start3A_106 = tpu.memref_slice %arg2[%dma_start3A_104, %dma_start3A_105] : memref<40960x128xf32, #tpu.memory_space<hbm>> -> memref<40960x128xf32, #tpu.memory_space<hbm>>
        tpu.enqueue_indirect_dma source(%dma_start3A_106 : memref<40960x128xf32, #tpu.memory_space<hbm>>) target(%arg9 : memref<128x128xf32, #tpu.memory_space<vmem>>) offsets(%dma_start3A_103 : memref<128xi32, #tpu.memory_space<vmem>>) semaphore(%arg12 : memref<!tpu.dma_semaphore, #tpu.memory_space<semaphore_mem>>)
        %add3A_107 = arith.constant 1 : i32
        %add3A_108 = arith.addi %mul3A_76, %add3A_107 : i32
        "tpu.region"() ({
          %run_scoped3A_109 = tpu.sem_alloc : memref<!tpu.dma_semaphore, #tpu.memory_space<semaphore_mem>>
          %dma_start3A_110 = arith.constant 0 : i32
          %dma_start3A_111 = tpu.memref_slice %arg8[%add3A_108, %dma_start3A_110] : memref<40x128xi32, #tpu.memory_space<vmem>> -> memref<1x128xi32, #tpu.memory_space<vmem>>
          %dma_start3A_112 = tpu.memref_squeeze %dma_start3A_111 : memref<1x128xi32, #tpu.memory_space<vmem>> -> memref<128xi32, #tpu.memory_space<vmem>>
          %dma_start3A_113 = arith.constant 0 : i32
          %dma_start3A_114 = arith.constant 0 : i32
          %dma_start3A_115 = tpu.memref_slice %arg11[%dma_start3A_113, %dma_start3A_114] : memref<10240x128xf32, #tpu.memory_space<vmem_shared>> -> memref<10240x128xf32, #tpu.memory_space<vmem_shared>>
          tpu.enqueue_indirect_dma source(%arg10 : memref<128x128xf32, #tpu.memory_space<vmem>>) target(%dma_start3A_115 : memref<10240x128xf32, #tpu.memory_space<vmem_shared>>) offsets(%dma_start3A_112 : memref<128xi32, #tpu.memory_space<vmem>>) semaphore(%run_scoped3A_109 : memref<!tpu.dma_semaphore, #tpu.memory_space<semaphore_mem>>) {add = true}
          %dma_wait3A_116 = arith.constant 0 : i32
          %dma_wait3A_117 = tpu.memref_slice %arg8[%add3A_108, %dma_wait3A_116] : memref<40x128xi32, #tpu.memory_space<vmem>> -> memref<1x128xi32, #tpu.memory_space<vmem>>
          %dma_wait3A_118 = tpu.memref_squeeze %dma_wait3A_117 : memref<1x128xi32, #tpu.memory_space<vmem>> -> memref<128xi32, #tpu.memory_space<vmem>>
          %dma_wait3A_119 = arith.constant 0 : i32
          %dma_wait3A_120 = arith.constant 0 : i32
          %dma_wait3A_121 = tpu.memref_slice %arg11[%dma_wait3A_119, %dma_wait3A_120] : memref<10240x128xf32, #tpu.memory_space<vmem_shared>> -> memref<10240x128xf32, #tpu.memory_space<vmem_shared>>
          tpu.wait_indirect_dma semaphore(%run_scoped3A_109 : memref<!tpu.dma_semaphore, #tpu.memory_space<semaphore_mem>>) src(%arg10 : memref<128x128xf32, #tpu.memory_space<vmem>>) dst(%dma_wait3A_121 : memref<10240x128xf32, #tpu.memory_space<vmem_shared>>)
          tpu.yield
        }) : () -> ()
      }
      %scan3A_52 = arith.constant 19 : i32
      %dma_wait3A = arith.constant 38 : i32
      %dma_wait3A_53 = arith.constant 0 : i32
      %dma_wait3A_54 = tpu.memref_slice %arg7[%dma_wait3A, %dma_wait3A_53] : memref<40x128xi32, #tpu.memory_space<vmem>> -> memref<1x128xi32, #tpu.memory_space<vmem>>
      %dma_wait3A_55 = tpu.memref_squeeze %dma_wait3A_54 : memref<1x128xi32, #tpu.memory_space<vmem>> -> memref<128xi32, #tpu.memory_space<vmem>>
      %dma_wait3A_56 = arith.constant 0 : i32
      %dma_wait3A_57 = arith.constant 0 : i32
      %dma_wait3A_58 = tpu.memref_slice %arg2[%dma_wait3A_56, %dma_wait3A_57] : memref<40960x128xf32, #tpu.memory_space<hbm>> -> memref<40960x128xf32, #tpu.memory_space<hbm>>
      tpu.wait_indirect_dma semaphore(%arg12 : memref<!tpu.dma_semaphore, #tpu.memory_space<semaphore_mem>>) src(%dma_wait3A_58 : memref<40960x128xf32, #tpu.memory_space<hbm>>) dst(%arg9 : memref<128x128xf32, #tpu.memory_space<vmem>>)
      %dma_start3A_59 = arith.constant 39 : i32
      %dma_start3A_60 = arith.constant 0 : i32
      %dma_start3A_61 = tpu.memref_slice %arg7[%dma_start3A_59, %dma_start3A_60] : memref<40x128xi32, #tpu.memory_space<vmem>> -> memref<1x128xi32, #tpu.memory_space<vmem>>
      %dma_start3A_62 = tpu.memref_squeeze %dma_start3A_61 : memref<1x128xi32, #tpu.memory_space<vmem>> -> memref<128xi32, #tpu.memory_space<vmem>>
      %dma_start3A_63 = arith.constant 0 : i32
      %dma_start3A_64 = arith.constant 0 : i32
      %dma_start3A_65 = tpu.memref_slice %arg2[%dma_start3A_63, %dma_start3A_64] : memref<40960x128xf32, #tpu.memory_space<hbm>> -> memref<40960x128xf32, #tpu.memory_space<hbm>>
      tpu.enqueue_indirect_dma source(%dma_start3A_65 : memref<40960x128xf32, #tpu.memory_space<hbm>>) target(%arg10 : memref<128x128xf32, #tpu.memory_space<vmem>>) offsets(%dma_start3A_62 : memref<128xi32, #tpu.memory_space<vmem>>) semaphore(%arg13 : memref<!tpu.dma_semaphore, #tpu.memory_space<semaphore_mem>>)
      %run_scoped3A = arith.constant 38 : i32
      "tpu.region"() ({
        %run_scoped3A_74 = tpu.sem_alloc : memref<!tpu.dma_semaphore, #tpu.memory_space<semaphore_mem>>
        %dma_start3A_75 = arith.constant 0 : i32
        %dma_start3A_76 = tpu.memref_slice %arg8[%run_scoped3A, %dma_start3A_75] : memref<40x128xi32, #tpu.memory_space<vmem>> -> memref<1x128xi32, #tpu.memory_space<vmem>>
        %dma_start3A_77 = tpu.memref_squeeze %dma_start3A_76 : memref<1x128xi32, #tpu.memory_space<vmem>> -> memref<128xi32, #tpu.memory_space<vmem>>
        %dma_start3A_78 = arith.constant 0 : i32
        %dma_start3A_79 = arith.constant 0 : i32
        %dma_start3A_80 = tpu.memref_slice %arg11[%dma_start3A_78, %dma_start3A_79] : memref<10240x128xf32, #tpu.memory_space<vmem_shared>> -> memref<10240x128xf32, #tpu.memory_space<vmem_shared>>
        tpu.enqueue_indirect_dma source(%arg9 : memref<128x128xf32, #tpu.memory_space<vmem>>) target(%dma_start3A_80 : memref<10240x128xf32, #tpu.memory_space<vmem_shared>>) offsets(%dma_start3A_77 : memref<128xi32, #tpu.memory_space<vmem>>) semaphore(%run_scoped3A_74 : memref<!tpu.dma_semaphore, #tpu.memory_space<semaphore_mem>>) {add = true}
        %dma_wait3A_81 = arith.constant 0 : i32
        %dma_wait3A_82 = tpu.memref_slice %arg8[%run_scoped3A, %dma_wait3A_81] : memref<40x128xi32, #tpu.memory_space<vmem>> -> memref<1x128xi32, #tpu.memory_space<vmem>>
        %dma_wait3A_83 = tpu.memref_squeeze %dma_wait3A_82 : memref<1x128xi32, #tpu.memory_space<vmem>> -> memref<128xi32, #tpu.memory_space<vmem>>
        %dma_wait3A_84 = arith.constant 0 : i32
        %dma_wait3A_85 = arith.constant 0 : i32
        %dma_wait3A_86 = tpu.memref_slice %arg11[%dma_wait3A_84, %dma_wait3A_85] : memref<10240x128xf32, #tpu.memory_space<vmem_shared>> -> memref<10240x128xf32, #tpu.memory_space<vmem_shared>>
        tpu.wait_indirect_dma semaphore(%run_scoped3A_74 : memref<!tpu.dma_semaphore, #tpu.memory_space<semaphore_mem>>) src(%arg9 : memref<128x128xf32, #tpu.memory_space<vmem>>) dst(%dma_wait3A_86 : memref<10240x128xf32, #tpu.memory_space<vmem_shared>>)
        tpu.yield
      }) : () -> ()
      %dma_wait3A_66 = arith.constant 39 : i32
      %dma_wait3A_67 = arith.constant 0 : i32
      %dma_wait3A_68 = tpu.memref_slice %arg7[%dma_wait3A_66, %dma_wait3A_67] : memref<40x128xi32, #tpu.memory_space<vmem>> -> memref<1x128xi32, #tpu.memory_space<vmem>>
      %dma_wait3A_69 = tpu.memref_squeeze %dma_wait3A_68 : memref<1x128xi32, #tpu.memory_space<vmem>> -> memref<128xi32, #tpu.memory_space<vmem>>
      %dma_wait3A_70 = arith.constant 0 : i32
      %dma_wait3A_71 = arith.constant 0 : i32
      %dma_wait3A_72 = tpu.memref_slice %arg2[%dma_wait3A_70, %dma_wait3A_71] : memref<40960x128xf32, #tpu.memory_space<hbm>> -> memref<40960x128xf32, #tpu.memory_space<hbm>>
      tpu.wait_indirect_dma semaphore(%arg13 : memref<!tpu.dma_semaphore, #tpu.memory_space<semaphore_mem>>) src(%dma_wait3A_72 : memref<40960x128xf32, #tpu.memory_space<hbm>>) dst(%arg10 : memref<128x128xf32, #tpu.memory_space<vmem>>)
      %run_scoped3A_73 = arith.constant 39 : i32
      "tpu.region"() ({
        %run_scoped3A_74 = tpu.sem_alloc : memref<!tpu.dma_semaphore, #tpu.memory_space<semaphore_mem>>
        %dma_start3A_75 = arith.constant 0 : i32
        %dma_start3A_76 = tpu.memref_slice %arg8[%run_scoped3A_73, %dma_start3A_75] : memref<40x128xi32, #tpu.memory_space<vmem>> -> memref<1x128xi32, #tpu.memory_space<vmem>>
        %dma_start3A_77 = tpu.memref_squeeze %dma_start3A_76 : memref<1x128xi32, #tpu.memory_space<vmem>> -> memref<128xi32, #tpu.memory_space<vmem>>
        %dma_start3A_78 = arith.constant 0 : i32
        %dma_start3A_79 = arith.constant 0 : i32
        %dma_start3A_80 = tpu.memref_slice %arg11[%dma_start3A_78, %dma_start3A_79] : memref<10240x128xf32, #tpu.memory_space<vmem_shared>> -> memref<10240x128xf32, #tpu.memory_space<vmem_shared>>
        tpu.enqueue_indirect_dma source(%arg10 : memref<128x128xf32, #tpu.memory_space<vmem>>) target(%dma_start3A_80 : memref<10240x128xf32, #tpu.memory_space<vmem_shared>>) offsets(%dma_start3A_77 : memref<128xi32, #tpu.memory_space<vmem>>) semaphore(%run_scoped3A_74 : memref<!tpu.dma_semaphore, #tpu.memory_space<semaphore_mem>>) {add = true}
        %dma_wait3A_81 = arith.constant 0 : i32
        %dma_wait3A_82 = tpu.memref_slice %arg8[%run_scoped3A_73, %dma_wait3A_81] : memref<40x128xi32, #tpu.memory_space<vmem>> -> memref<1x128xi32, #tpu.memory_space<vmem>>
        %dma_wait3A_83 = tpu.memref_squeeze %dma_wait3A_82 : memref<1x128xi32, #tpu.memory_space<vmem>> -> memref<128xi32, #tpu.memory_space<vmem>>
        %dma_wait3A_84 = arith.constant 0 : i32
        %dma_wait3A_85 = arith.constant 0 : i32
        %dma_wait3A_86 = tpu.memref_slice %arg11[%dma_wait3A_84, %dma_wait3A_85] : memref<10240x128xf32, #tpu.memory_space<vmem_shared>> -> memref<10240x128xf32, #tpu.memory_space<vmem_shared>>
        tpu.wait_indirect_dma semaphore(%run_scoped3A_74 : memref<!tpu.dma_semaphore, #tpu.memory_space<semaphore_mem>>) src(%arg10 : memref<128x128xf32, #tpu.memory_space<vmem>>) dst(%dma_wait3A_86 : memref<10240x128xf32, #tpu.memory_space<vmem_shared>>)
        tpu.yield
      }) : () -> ()
    }
    %scan3A_31 = arith.constant 2 : i32
    %barrier3A_32 = arith.constant 0 : index
    tpu.barrier barrier_id(%barrier3A_32)
    %eq3A = arith.constant 0 : i32
    %eq3A_33 = arith.cmpi eq, %arg0, %eq3A : i32
    %convert_element_type3A = arith.extui %eq3A_33 : i1 to i32
    %cond3A = arith.constant 0 : i32
    %cond3A_34 = arith.cmpi ne, %convert_element_type3A, %cond3A : i32
    scf.if %cond3A_34 {
      %mul3A_40 = arith.constant 640 : i32
      %mul3A_41 = arith.muli %arg1, %mul3A_40 : i32
      %mul3A_42 = arith.constant 640 : i32
      %mul3A_43 = arith.muli %arg1, %mul3A_42 : i32
      "tpu.region"() ({
        %run_scoped3A = tpu.sem_alloc : memref<!tpu.dma_semaphore, #tpu.memory_space<semaphore_mem>>
        %dma_start3A = arith.constant 0 : i32
        %dma_start3A_44 = tpu.memref_slice %arg5[%mul3A_43, %dma_start3A] : memref<10240x128xf32, #tpu.memory_space<hbm>> -> memref<640x128xf32, #tpu.memory_space<hbm>>
        %dma_start3A_45 = arith.constant 0 : i32
        %dma_start3A_46 = tpu.memref_slice %arg11[%mul3A_41, %dma_start3A_45] : memref<10240x128xf32, #tpu.memory_space<vmem_shared>> -> memref<640x128xf32, #tpu.memory_space<vmem_shared>>
        tpu.enqueue_dma source(%dma_start3A_46 : memref<640x128xf32, #tpu.memory_space<vmem_shared>>) target(%dma_start3A_44 : memref<640x128xf32, #tpu.memory_space<hbm>>) target_semaphore(%run_scoped3A : memref<!tpu.dma_semaphore, #tpu.memory_space<semaphore_mem>>)
        %dma_wait3A = arith.constant 0 : i32
        %dma_wait3A_47 = tpu.memref_slice %arg5[%mul3A_43, %dma_wait3A] : memref<10240x128xf32, #tpu.memory_space<hbm>> -> memref<640x128xf32, #tpu.memory_space<hbm>>
        %dma_wait3A_48 = arith.constant 0 : i32
        %dma_wait3A_49 = tpu.memref_slice %arg11[%mul3A_41, %dma_wait3A_48] : memref<10240x128xf32, #tpu.memory_space<vmem_shared>> -> memref<640x128xf32, #tpu.memory_space<vmem_shared>>
        tpu.wait_dma2 semaphore(%run_scoped3A : memref<!tpu.dma_semaphore, #tpu.memory_space<semaphore_mem>>) src(%dma_wait3A_49 : memref<640x128xf32, #tpu.memory_space<vmem_shared>>) dst(%dma_wait3A_47 : memref<640x128xf32, #tpu.memory_space<hbm>>)
        tpu.yield
      }) : () -> ()
    } else {
    }
    %eq3A_35 = arith.constant 1 : i32
    %eq3A_36 = arith.cmpi eq, %arg0, %eq3A_35 : i32
    %convert_element_type3A_37 = arith.extui %eq3A_36 : i1 to i32
    %cond3A_38 = arith.constant 0 : i32
    %cond3A_39 = arith.cmpi ne, %convert_element_type3A_37, %cond3A_38 : i32
    scf.if %cond3A_39 {
      %mul3A_40 = arith.constant 640 : i32
      %mul3A_41 = arith.muli %arg1, %mul3A_40 : i32
      %mul3A_42 = arith.constant 640 : i32
      %mul3A_43 = arith.muli %arg1, %mul3A_42 : i32
      "tpu.region"() ({
        %run_scoped3A = tpu.sem_alloc : memref<!tpu.dma_semaphore, #tpu.memory_space<semaphore_mem>>
        %dma_start3A = arith.constant 0 : i32
        %dma_start3A_44 = tpu.memref_slice %arg6[%mul3A_43, %dma_start3A] : memref<10240x128xf32, #tpu.memory_space<hbm>> -> memref<640x128xf32, #tpu.memory_space<hbm>>
        %dma_start3A_45 = arith.constant 0 : i32
        %dma_start3A_46 = tpu.memref_slice %arg11[%mul3A_41, %dma_start3A_45] : memref<10240x128xf32, #tpu.memory_space<vmem_shared>> -> memref<640x128xf32, #tpu.memory_space<vmem_shared>>
        tpu.enqueue_dma source(%dma_start3A_46 : memref<640x128xf32, #tpu.memory_space<vmem_shared>>) target(%dma_start3A_44 : memref<640x128xf32, #tpu.memory_space<hbm>>) target_semaphore(%run_scoped3A : memref<!tpu.dma_semaphore, #tpu.memory_space<semaphore_mem>>)
        %dma_wait3A = arith.constant 0 : i32
        %dma_wait3A_47 = tpu.memref_slice %arg6[%mul3A_43, %dma_wait3A] : memref<10240x128xf32, #tpu.memory_space<hbm>> -> memref<640x128xf32, #tpu.memory_space<hbm>>
        %dma_wait3A_48 = arith.constant 0 : i32
        %dma_wait3A_49 = tpu.memref_slice %arg11[%mul3A_41, %dma_wait3A_48] : memref<10240x128xf32, #tpu.memory_space<vmem_shared>> -> memref<640x128xf32, #tpu.memory_space<vmem_shared>>
        tpu.wait_dma2 semaphore(%run_scoped3A : memref<!tpu.dma_semaphore, #tpu.memory_space<semaphore_mem>>) src(%dma_wait3A_49 : memref<640x128xf32, #tpu.memory_space<vmem_shared>>) dst(%dma_wait3A_47 : memref<640x128xf32, #tpu.memory_space<hbm>>)
        tpu.yield
      }) : () -> ()
    } else {
    }
    return
  }
}

#map = affine_map<(d0, d1) -> (0, 0)>
#map1 = affine_map<(d0, d1) -> (0, 0, 0, 0)>
module attributes {stable_mosaic.version = 14 : i64} {
  func.func @_sc_body(%arg0: i32, %arg1: i32, %arg2: memref<40960x128xf32, #tpu.memory_space<hbm>>, %arg3: memref<32x2x40x128xi32, #tpu.memory_space<hbm>>, %arg4: memref<32x2x40x128xi32, #tpu.memory_space<hbm>>, %arg5: memref<10240x128xf32, #tpu.memory_space<hbm>>, %arg6: memref<10240x128xf32, #tpu.memory_space<hbm>>, %arg7: memref<40x128xi32, #tpu.memory_space<vmem>>, %arg8: memref<40x128xi32, #tpu.memory_space<vmem>>, %arg9: memref<128x128xf32, #tpu.memory_space<vmem>>, %arg10: memref<128x128xf32, #tpu.memory_space<vmem>>, %arg11: memref<10240x128xf32, #tpu.memory_space<vmem_shared>>, %arg12: memref<!tpu.dma_semaphore, #tpu.memory_space<semaphore_mem>>, %arg13: memref<!tpu.dma_semaphore, #tpu.memory_space<semaphore_mem>>) attributes {dimension_semantics = [#tpu.dimension_semantics<core_parallel>, #tpu.dimension_semantics<subcore_parallel>], iteration_bounds = array<i64: 2, 16>, scalar_prefetch = 0 : i64, scratch_operands = 7 : i64, tpu.core_type = #tpu.core_type<sc_vector_subcore>, window_params = [{transform_indices = #map}, {transform_indices = #map1}, {transform_indices = #map1}, {transform_indices = #map}, {transform_indices = #map}]} {
    %mul3A = arith.constant 16 : i32
    %mul3A_0 = arith.muli %arg0, %mul3A : i32
    %add3A = arith.addi %mul3A_0, %arg1 : i32
    %scan3A = arith.constant 0 : i32
    %scan3A_1 = arith.constant 0 : i32
    %scan3A_2 = arith.constant 128 : i32
    %scan3A_3 = arith.addi %scan3A_1, %scan3A_2 : i32
    %scan3A_4 = arith.constant 1 : i32
    scf.for %scan3A_40 = %scan3A_1 to %scan3A_3 step %scan3A_4  : i32 {
      %broadcast_in_dim3A = arith.constant 0.000000e+00 : f32
      %broadcast_in_dim3A_41 = vector.broadcast %broadcast_in_dim3A : f32 to vector<16xf32>
      %swap3A = arith.index_cast %scan3A_40 : i32 to index
      %swap3A_42 = arith.constant 0 : index
      %swap3A_43 = tpu.vector_load %arg9[%swap3A, %swap3A_42] {strides = array<i32>} : memref<128x128xf32, #tpu.memory_space<vmem>>, vector<1x16xf32>,
      %swap3A_44 = vector.shape_cast %swap3A_43 : vector<1x16xf32> to vector<16xf32>
      %swap3A_45 = vector.shape_cast %broadcast_in_dim3A_41 : vector<16xf32> to vector<1x16xf32>
      tpu.vector_store %arg9[%swap3A, %swap3A_42], %swap3A_45 {strides = array<i32>} : memref<128x128xf32, #tpu.memory_space<vmem>>, vector<1x16xf32>,
      %broadcast_in_dim3A_46 = arith.constant 0.000000e+00 : f32
      %broadcast_in_dim3A_47 = vector.broadcast %broadcast_in_dim3A_46 : f32 to vector<16xf32>
      %swap3A_48 = arith.index_cast %scan3A_40 : i32 to index
      %swap3A_49 = arith.constant 16 : index
      %swap3A_50 = tpu.vector_load %arg9[%swap3A_48, %swap3A_49] {strides = array<i32>} : memref<128x128xf32, #tpu.memory_space<vmem>>, vector<1x16xf32>,
      %swap3A_51 = vector.shape_cast %swap3A_50 : vector<1x16xf32> to vector<16xf32>
      %swap3A_52 = vector.shape_cast %broadcast_in_dim3A_47 : vector<16xf32> to vector<1x16xf32>
      tpu.vector_store %arg9[%swap3A_48, %swap3A_49], %swap3A_52 {strides = array<i32>} : memref<128x128xf32, #tpu.memory_space<vmem>>, vector<1x16xf32>,
      %broadcast_in_dim3A_53 = arith.constant 0.000000e+00 : f32
      %broadcast_in_dim3A_54 = vector.broadcast %broadcast_in_dim3A_53 : f32 to vector<16xf32>
      %swap3A_55 = arith.index_cast %scan3A_40 : i32 to index
      %swap3A_56 = arith.constant 32 : index
      %swap3A_57 = tpu.vector_load %arg9[%swap3A_55, %swap3A_56] {strides = array<i32>} : memref<128x128xf32, #tpu.memory_space<vmem>>, vector<1x16xf32>,
      %swap3A_58 = vector.shape_cast %swap3A_57 : vector<1x16xf32> to vector<16xf32>
      %swap3A_59 = vector.shape_cast %broadcast_in_dim3A_54 : vector<16xf32> to vector<1x16xf32>
      tpu.vector_store %arg9[%swap3A_55, %swap3A_56], %swap3A_59 {strides = array<i32>} : memref<128x128xf32, #tpu.memory_space<vmem>>, vector<1x16xf32>,
      %broadcast_in_dim3A_60 = arith.constant 0.000000e+00 : f32
      %broadcast_in_dim3A_61 = vector.broadcast %broadcast_in_dim3A_60 : f32 to vector<16xf32>
      %swap3A_62 = arith.index_cast %scan3A_40 : i32 to index
      %swap3A_63 = arith.constant 48 : index
      %swap3A_64 = tpu.vector_load %arg9[%swap3A_62, %swap3A_63] {strides = array<i32>} : memref<128x128xf32, #tpu.memory_space<vmem>>, vector<1x16xf32>,
      %swap3A_65 = vector.shape_cast %swap3A_64 : vector<1x16xf32> to vector<16xf32>
      %swap3A_66 = vector.shape_cast %broadcast_in_dim3A_61 : vector<16xf32> to vector<1x16xf32>
      tpu.vector_store %arg9[%swap3A_62, %swap3A_63], %swap3A_66 {strides = array<i32>} : memref<128x128xf32, #tpu.memory_space<vmem>>, vector<1x16xf32>,
      %broadcast_in_dim3A_67 = arith.constant 0.000000e+00 : f32
      %broadcast_in_dim3A_68 = vector.broadcast %broadcast_in_dim3A_67 : f32 to vector<16xf32>
      %swap3A_69 = arith.index_cast %scan3A_40 : i32 to index
      %swap3A_70 = arith.constant 64 : index
      %swap3A_71 = tpu.vector_load %arg9[%swap3A_69, %swap3A_70] {strides = array<i32>} : memref<128x128xf32, #tpu.memory_space<vmem>>, vector<1x16xf32>,
      %swap3A_72 = vector.shape_cast %swap3A_71 : vector<1x16xf32> to vector<16xf32>
      %swap3A_73 = vector.shape_cast %broadcast_in_dim3A_68 : vector<16xf32> to vector<1x16xf32>
      tpu.vector_store %arg9[%swap3A_69, %swap3A_70], %swap3A_73 {strides = array<i32>} : memref<128x128xf32, #tpu.memory_space<vmem>>, vector<1x16xf32>,
      %broadcast_in_dim3A_74 = arith.constant 0.000000e+00 : f32
      %broadcast_in_dim3A_75 = vector.broadcast %broadcast_in_dim3A_74 : f32 to vector<16xf32>
      %swap3A_76 = arith.index_cast %scan3A_40 : i32 to index
      %swap3A_77 = arith.constant 80 : index
      %swap3A_78 = tpu.vector_load %arg9[%swap3A_76, %swap3A_77] {strides = array<i32>} : memref<128x128xf32, #tpu.memory_space<vmem>>, vector<1x16xf32>,
      %swap3A_79 = vector.shape_cast %swap3A_78 : vector<1x16xf32> to vector<16xf32>
      %swap3A_80 = vector.shape_cast %broadcast_in_dim3A_75 : vector<16xf32> to vector<1x16xf32>
      tpu.vector_store %arg9[%swap3A_76, %swap3A_77], %swap3A_80 {strides = array<i32>} : memref<128x128xf32, #tpu.memory_space<vmem>>, vector<1x16xf32>,
      %broadcast_in_dim3A_81 = arith.constant 0.000000e+00 : f32
      %broadcast_in_dim3A_82 = vector.broadcast %broadcast_in_dim3A_81 : f32 to vector<16xf32>
      %swap3A_83 = arith.index_cast %scan3A_40 : i32 to index
      %swap3A_84 = arith.constant 96 : index
      %swap3A_85 = tpu.vector_load %arg9[%swap3A_83, %swap3A_84] {strides = array<i32>} : memref<128x128xf32, #tpu.memory_space<vmem>>, vector<1x16xf32>,
      %swap3A_86 = vector.shape_cast %swap3A_85 : vector<1x16xf32> to vector<16xf32>
      %swap3A_87 = vector.shape_cast %broadcast_in_dim3A_82 : vector<16xf32> to vector<1x16xf32>
      tpu.vector_store %arg9[%swap3A_83, %swap3A_84], %swap3A_87 {strides = array<i32>} : memref<128x128xf32, #tpu.memory_space<vmem>>, vector<1x16xf32>,
      %broadcast_in_dim3A_88 = arith.constant 0.000000e+00 : f32
      %broadcast_in_dim3A_89 = vector.broadcast %broadcast_in_dim3A_88 : f32 to vector<16xf32>
      %swap3A_90 = arith.index_cast %scan3A_40 : i32 to index
      %swap3A_91 = arith.constant 112 : index
      %swap3A_92 = tpu.vector_load %arg9[%swap3A_90, %swap3A_91] {strides = array<i32>} : memref<128x128xf32, #tpu.memory_space<vmem>>, vector<1x16xf32>,
      %swap3A_93 = vector.shape_cast %swap3A_92 : vector<1x16xf32> to vector<16xf32>
      %swap3A_94 = vector.shape_cast %broadcast_in_dim3A_89 : vector<16xf32> to vector<1x16xf32>
      tpu.vector_store %arg9[%swap3A_90, %swap3A_91], %swap3A_94 {strides = array<i32>} : memref<128x128xf32, #tpu.memory_space<vmem>>, vector<1x16xf32>,
    }
    %scan3A_5 = arith.constant 128 : i32
    %mul3A_6 = arith.constant 640 : i32
    %mul3A_7 = arith.muli %arg1, %mul3A_6 : i32
    %add3A_8 = arith.constant 0 : i32
    %add3A_9 = arith.addi %mul3A_7, %add3A_8 : i32
    "tpu.region"() ({
      %run_scoped3A = tpu.sem_alloc : memref<!tpu.dma_semaphore, #tpu.memory_space<semaphore_mem>>
      %dma_start3A = arith.constant 0 : i32
      %dma_start3A_40 = tpu.memref_slice %arg11[%add3A_9, %dma_start3A] : memref<10240x128xf32, #tpu.memory_space<vmem_shared>> -> memref<128x128xf32, #tpu.memory_space<vmem_shared>>
      %dma_start3A_41 = arith.constant 0 : i32
      %dma_start3A_42 = tpu.memref_slice %arg11[%add3A_9, %dma_start3A_41] : memref<10240x128xf32, #tpu.memory_space<vmem_shared>> -> memref<128x128xf32, #tpu.memory_space<vmem_shared>>
      tpu.enqueue_dma source(%arg9 : memref<128x128xf32, #tpu.memory_space<vmem>>) target(%dma_start3A_42 : memref<128x128xf32, #tpu.memory_space<vmem_shared>>) target_semaphore(%run_scoped3A : memref<!tpu.dma_semaphore, #tpu.memory_space<semaphore_mem>>)
      %dma_wait3A = arith.constant 0 : i32
      %dma_wait3A_43 = tpu.memref_slice %arg11[%add3A_9, %dma_wait3A] : memref<10240x128xf32, #tpu.memory_space<vmem_shared>> -> memref<128x128xf32, #tpu.memory_space<vmem_shared>>
      %dma_wait3A_44 = arith.constant 0 : i32
      %dma_wait3A_45 = tpu.memref_slice %arg11[%add3A_9, %dma_wait3A_44] : memref<10240x128xf32, #tpu.memory_space<vmem_shared>> -> memref<128x128xf32, #tpu.memory_space<vmem_shared>>
      tpu.wait_dma2 semaphore(%run_scoped3A : memref<!tpu.dma_semaphore, #tpu.memory_space<semaphore_mem>>) src(%arg9 : memref<128x128xf32, #tpu.memory_space<vmem>>) dst(%dma_wait3A_45 : memref<128x128xf32, #tpu.memory_space<vmem_shared>>)
      tpu.yield
    }) : () -> ()
    %mul3A_10 = arith.constant 640 : i32
    %mul3A_11 = arith.muli %arg1, %mul3A_10 : i32
    %add3A_12 = arith.constant 128 : i32
    %add3A_13 = arith.addi %mul3A_11, %add3A_12 : i32
    "tpu.region"() ({
      %run_scoped3A = tpu.sem_alloc : memref<!tpu.dma_semaphore, #tpu.memory_space<semaphore_mem>>
      %dma_start3A = arith.constant 0 : i32
      %dma_start3A_40 = tpu.memref_slice %arg11[%add3A_13, %dma_start3A] : memref<10240x128xf32, #tpu.memory_space<vmem_shared>> -> memref<128x128xf32, #tpu.memory_space<vmem_shared>>
      %dma_start3A_41 = arith.constant 0 : i32
      %dma_start3A_42 = tpu.memref_slice %arg11[%add3A_13, %dma_start3A_41] : memref<10240x128xf32, #tpu.memory_space<vmem_shared>> -> memref<128x128xf32, #tpu.memory_space<vmem_shared>>
      tpu.enqueue_dma source(%arg9 : memref<128x128xf32, #tpu.memory_space<vmem>>) target(%dma_start3A_42 : memref<128x128xf32, #tpu.memory_space<vmem_shared>>) target_semaphore(%run_scoped3A : memref<!tpu.dma_semaphore, #tpu.memory_space<semaphore_mem>>)
      %dma_wait3A = arith.constant 0 : i32
      %dma_wait3A_43 = tpu.memref_slice %arg11[%add3A_13, %dma_wait3A] : memref<10240x128xf32, #tpu.memory_space<vmem_shared>> -> memref<128x128xf32, #tpu.memory_space<vmem_shared>>
      %dma_wait3A_44 = arith.constant 0 : i32
      %dma_wait3A_45 = tpu.memref_slice %arg11[%add3A_13, %dma_wait3A_44] : memref<10240x128xf32, #tpu.memory_space<vmem_shared>> -> memref<128x128xf32, #tpu.memory_space<vmem_shared>>
      tpu.wait_dma2 semaphore(%run_scoped3A : memref<!tpu.dma_semaphore, #tpu.memory_space<semaphore_mem>>) src(%arg9 : memref<128x128xf32, #tpu.memory_space<vmem>>) dst(%dma_wait3A_45 : memref<128x128xf32, #tpu.memory_space<vmem_shared>>)
      tpu.yield
    }) : () -> ()
    %mul3A_14 = arith.constant 640 : i32
    %mul3A_15 = arith.muli %arg1, %mul3A_14 : i32
    %add3A_16 = arith.constant 256 : i32
    %add3A_17 = arith.addi %mul3A_15, %add3A_16 : i32
    "tpu.region"() ({
      %run_scoped3A = tpu.sem_alloc : memref<!tpu.dma_semaphore, #tpu.memory_space<semaphore_mem>>
      %dma_start3A = arith.constant 0 : i32
      %dma_start3A_40 = tpu.memref_slice %arg11[%add3A_17, %dma_start3A] : memref<10240x128xf32, #tpu.memory_space<vmem_shared>> -> memref<128x128xf32, #tpu.memory_space<vmem_shared>>
      %dma_start3A_41 = arith.constant 0 : i32
      %dma_start3A_42 = tpu.memref_slice %arg11[%add3A_17, %dma_start3A_41] : memref<10240x128xf32, #tpu.memory_space<vmem_shared>> -> memref<128x128xf32, #tpu.memory_space<vmem_shared>>
      tpu.enqueue_dma source(%arg9 : memref<128x128xf32, #tpu.memory_space<vmem>>) target(%dma_start3A_42 : memref<128x128xf32, #tpu.memory_space<vmem_shared>>) target_semaphore(%run_scoped3A : memref<!tpu.dma_semaphore, #tpu.memory_space<semaphore_mem>>)
      %dma_wait3A = arith.constant 0 : i32
      %dma_wait3A_43 = tpu.memref_slice %arg11[%add3A_17, %dma_wait3A] : memref<10240x128xf32, #tpu.memory_space<vmem_shared>> -> memref<128x128xf32, #tpu.memory_space<vmem_shared>>
      %dma_wait3A_44 = arith.constant 0 : i32
      %dma_wait3A_45 = tpu.memref_slice %arg11[%add3A_17, %dma_wait3A_44] : memref<10240x128xf32, #tpu.memory_space<vmem_shared>> -> memref<128x128xf32, #tpu.memory_space<vmem_shared>>
      tpu.wait_dma2 semaphore(%run_scoped3A : memref<!tpu.dma_semaphore, #tpu.memory_space<semaphore_mem>>) src(%arg9 : memref<128x128xf32, #tpu.memory_space<vmem>>) dst(%dma_wait3A_45 : memref<128x128xf32, #tpu.memory_space<vmem_shared>>)
      tpu.yield
    }) : () -> ()
    %mul3A_18 = arith.constant 640 : i32
    %mul3A_19 = arith.muli %arg1, %mul3A_18 : i32
    %add3A_20 = arith.constant 384 : i32
    %add3A_21 = arith.addi %mul3A_19, %add3A_20 : i32
    "tpu.region"() ({
      %run_scoped3A = tpu.sem_alloc : memref<!tpu.dma_semaphore, #tpu.memory_space<semaphore_mem>>
      %dma_start3A = arith.constant 0 : i32
      %dma_start3A_40 = tpu.memref_slice %arg11[%add3A_21, %dma_start3A] : memref<10240x128xf32, #tpu.memory_space<vmem_shared>> -> memref<128x128xf32, #tpu.memory_space<vmem_shared>>
      %dma_start3A_41 = arith.constant 0 : i32
      %dma_start3A_42 = tpu.memref_slice %arg11[%add3A_21, %dma_start3A_41] : memref<10240x128xf32, #tpu.memory_space<vmem_shared>> -> memref<128x128xf32, #tpu.memory_space<vmem_shared>>
      tpu.enqueue_dma source(%arg9 : memref<128x128xf32, #tpu.memory_space<vmem>>) target(%dma_start3A_42 : memref<128x128xf32, #tpu.memory_space<vmem_shared>>) target_semaphore(%run_scoped3A : memref<!tpu.dma_semaphore, #tpu.memory_space<semaphore_mem>>)
      %dma_wait3A = arith.constant 0 : i32
      %dma_wait3A_43 = tpu.memref_slice %arg11[%add3A_21, %dma_wait3A] : memref<10240x128xf32, #tpu.memory_space<vmem_shared>> -> memref<128x128xf32, #tpu.memory_space<vmem_shared>>
      %dma_wait3A_44 = arith.constant 0 : i32
      %dma_wait3A_45 = tpu.memref_slice %arg11[%add3A_21, %dma_wait3A_44] : memref<10240x128xf32, #tpu.memory_space<vmem_shared>> -> memref<128x128xf32, #tpu.memory_space<vmem_shared>>
      tpu.wait_dma2 semaphore(%run_scoped3A : memref<!tpu.dma_semaphore, #tpu.memory_space<semaphore_mem>>) src(%arg9 : memref<128x128xf32, #tpu.memory_space<vmem>>) dst(%dma_wait3A_45 : memref<128x128xf32, #tpu.memory_space<vmem_shared>>)
      tpu.yield
    }) : () -> ()
    %mul3A_22 = arith.constant 640 : i32
    %mul3A_23 = arith.muli %arg1, %mul3A_22 : i32
    %add3A_24 = arith.constant 512 : i32
    %add3A_25 = arith.addi %mul3A_23, %add3A_24 : i32
    "tpu.region"() ({
      %run_scoped3A = tpu.sem_alloc : memref<!tpu.dma_semaphore, #tpu.memory_space<semaphore_mem>>
      %dma_start3A = arith.constant 0 : i32
      %dma_start3A_40 = tpu.memref_slice %arg11[%add3A_25, %dma_start3A] : memref<10240x128xf32, #tpu.memory_space<vmem_shared>> -> memref<128x128xf32, #tpu.memory_space<vmem_shared>>
      %dma_start3A_41 = arith.constant 0 : i32
      %dma_start3A_42 = tpu.memref_slice %arg11[%add3A_25, %dma_start3A_41] : memref<10240x128xf32, #tpu.memory_space<vmem_shared>> -> memref<128x128xf32, #tpu.memory_space<vmem_shared>>
      tpu.enqueue_dma source(%arg9 : memref<128x128xf32, #tpu.memory_space<vmem>>) target(%dma_start3A_42 : memref<128x128xf32, #tpu.memory_space<vmem_shared>>) target_semaphore(%run_scoped3A : memref<!tpu.dma_semaphore, #tpu.memory_space<semaphore_mem>>)
      %dma_wait3A = arith.constant 0 : i32
      %dma_wait3A_43 = tpu.memref_slice %arg11[%add3A_25, %dma_wait3A] : memref<10240x128xf32, #tpu.memory_space<vmem_shared>> -> memref<128x128xf32, #tpu.memory_space<vmem_shared>>
      %dma_wait3A_44 = arith.constant 0 : i32
      %dma_wait3A_45 = tpu.memref_slice %arg11[%add3A_25, %dma_wait3A_44] : memref<10240x128xf32, #tpu.memory_space<vmem_shared>> -> memref<128x128xf32, #tpu.memory_space<vmem_shared>>
      tpu.wait_dma2 semaphore(%run_scoped3A : memref<!tpu.dma_semaphore, #tpu.memory_space<semaphore_mem>>) src(%arg9 : memref<128x128xf32, #tpu.memory_space<vmem>>) dst(%dma_wait3A_45 : memref<128x128xf32, #tpu.memory_space<vmem_shared>>)
      tpu.yield
    }) : () -> ()
    %barrier3A = arith.constant 0 : index
    tpu.barrier barrier_id(%barrier3A)
    %scan3A_26 = arith.constant 0 : i32
    %scan3A_27 = arith.constant 0 : i32
    %scan3A_28 = arith.constant 2 : i32
    %scan3A_29 = arith.addi %scan3A_27, %scan3A_28 : i32
    %scan3A_30 = arith.constant 1 : i32
    scf.for %scan3A_40 = %scan3A_27 to %scan3A_29 step %scan3A_30  : i32 {
      "tpu.region"() ({
        %run_scoped3A_74 = tpu.sem_alloc : memref<!tpu.dma_semaphore, #tpu.memory_space<semaphore_mem>>
        %dma_start3A_75 = arith.constant 0 : i32
        %dma_start3A_76 = arith.constant 0 : i32
        %dma_start3A_77 = tpu.memref_slice %arg3[%add3A, %scan3A_40, %dma_start3A_75, %dma_start3A_76] : memref<32x2x40x128xi32, #tpu.memory_space<hbm>> -> memref<1x1x40x128xi32, #tpu.memory_space<hbm>>
        %dma_start3A_78 = tpu.memref_squeeze %dma_start3A_77 : memref<1x1x40x128xi32, #tpu.memory_space<hbm>> -> memref<40x128xi32, #tpu.memory_space<hbm>>
        %dma_start3A_79 = arith.constant 0 : i32
        %dma_start3A_80 = arith.constant 0 : i32
        %dma_start3A_81 = tpu.memref_slice %arg3[%add3A, %scan3A_40, %dma_start3A_79, %dma_start3A_80] : memref<32x2x40x128xi32, #tpu.memory_space<hbm>> -> memref<1x1x40x128xi32, #tpu.memory_space<hbm>>
        %dma_start3A_82 = tpu.memref_squeeze %dma_start3A_81 : memref<1x1x40x128xi32, #tpu.memory_space<hbm>> -> memref<40x128xi32, #tpu.memory_space<hbm>>
        tpu.enqueue_dma source(%dma_start3A_82 : memref<40x128xi32, #tpu.memory_space<hbm>>) target(%arg7 : memref<40x128xi32, #tpu.memory_space<vmem>>) target_semaphore(%run_scoped3A_74 : memref<!tpu.dma_semaphore, #tpu.memory_space<semaphore_mem>>)
        %dma_wait3A_83 = arith.constant 0 : i32
        %dma_wait3A_84 = arith.constant 0 : i32
        %dma_wait3A_85 = tpu.memref_slice %arg3[%add3A, %scan3A_40, %dma_wait3A_83, %dma_wait3A_84] : memref<32x2x40x128xi32, #tpu.memory_space<hbm>> -> memref<1x1x40x128xi32, #tpu.memory_space<hbm>>
        %dma_wait3A_86 = tpu.memref_squeeze %dma_wait3A_85 : memref<1x1x40x128xi32, #tpu.memory_space<hbm>> -> memref<40x128xi32, #tpu.memory_space<hbm>>
        %dma_wait3A_87 = arith.constant 0 : i32
        %dma_wait3A_88 = arith.constant 0 : i32
        %dma_wait3A_89 = tpu.memref_slice %arg3[%add3A, %scan3A_40, %dma_wait3A_87, %dma_wait3A_88] : memref<32x2x40x128xi32, #tpu.memory_space<hbm>> -> memref<1x1x40x128xi32, #tpu.memory_space<hbm>>
        %dma_wait3A_90 = tpu.memref_squeeze %dma_wait3A_89 : memref<1x1x40x128xi32, #tpu.memory_space<hbm>> -> memref<40x128xi32, #tpu.memory_space<hbm>>
        tpu.wait_dma2 semaphore(%run_scoped3A_74 : memref<!tpu.dma_semaphore, #tpu.memory_space<semaphore_mem>>) src(%dma_wait3A_90 : memref<40x128xi32, #tpu.memory_space<hbm>>) dst(%arg7 : memref<40x128xi32, #tpu.memory_space<vmem>>)
        tpu.yield
      }) : () -> ()
      "tpu.region"() ({
        %run_scoped3A_74 = tpu.sem_alloc : memref<!tpu.dma_semaphore, #tpu.memory_space<semaphore_mem>>
        %dma_start3A_75 = arith.constant 0 : i32
        %dma_start3A_76 = arith.constant 0 : i32
        %dma_start3A_77 = tpu.memref_slice %arg4[%add3A, %scan3A_40, %dma_start3A_75, %dma_start3A_76] : memref<32x2x40x128xi32, #tpu.memory_space<hbm>> -> memref<1x1x40x128xi32, #tpu.memory_space<hbm>>
        %dma_start3A_78 = tpu.memref_squeeze %dma_start3A_77 : memref<1x1x40x128xi32, #tpu.memory_space<hbm>> -> memref<40x128xi32, #tpu.memory_space<hbm>>
        %dma_start3A_79 = arith.constant 0 : i32
        %dma_start3A_80 = arith.constant 0 : i32
        %dma_start3A_81 = tpu.memref_slice %arg4[%add3A, %scan3A_40, %dma_start3A_79, %dma_start3A_80] : memref<32x2x40x128xi32, #tpu.memory_space<hbm>> -> memref<1x1x40x128xi32, #tpu.memory_space<hbm>>
        %dma_start3A_82 = tpu.memref_squeeze %dma_start3A_81 : memref<1x1x40x128xi32, #tpu.memory_space<hbm>> -> memref<40x128xi32, #tpu.memory_space<hbm>>
        tpu.enqueue_dma source(%dma_start3A_82 : memref<40x128xi32, #tpu.memory_space<hbm>>) target(%arg8 : memref<40x128xi32, #tpu.memory_space<vmem>>) target_semaphore(%run_scoped3A_74 : memref<!tpu.dma_semaphore, #tpu.memory_space<semaphore_mem>>)
        %dma_wait3A_83 = arith.constant 0 : i32
        %dma_wait3A_84 = arith.constant 0 : i32
        %dma_wait3A_85 = tpu.memref_slice %arg4[%add3A, %scan3A_40, %dma_wait3A_83, %dma_wait3A_84] : memref<32x2x40x128xi32, #tpu.memory_space<hbm>> -> memref<1x1x40x128xi32, #tpu.memory_space<hbm>>
        %dma_wait3A_86 = tpu.memref_squeeze %dma_wait3A_85 : memref<1x1x40x128xi32, #tpu.memory_space<hbm>> -> memref<40x128xi32, #tpu.memory_space<hbm>>
        %dma_wait3A_87 = arith.constant 0 : i32
        %dma_wait3A_88 = arith.constant 0 : i32
        %dma_wait3A_89 = tpu.memref_slice %arg4[%add3A, %scan3A_40, %dma_wait3A_87, %dma_wait3A_88] : memref<32x2x40x128xi32, #tpu.memory_space<hbm>> -> memref<1x1x40x128xi32, #tpu.memory_space<hbm>>
        %dma_wait3A_90 = tpu.memref_squeeze %dma_wait3A_89 : memref<1x1x40x128xi32, #tpu.memory_space<hbm>> -> memref<40x128xi32, #tpu.memory_space<hbm>>
        tpu.wait_dma2 semaphore(%run_scoped3A_74 : memref<!tpu.dma_semaphore, #tpu.memory_space<semaphore_mem>>) src(%dma_wait3A_90 : memref<40x128xi32, #tpu.memory_space<hbm>>) dst(%arg8 : memref<40x128xi32, #tpu.memory_space<vmem>>)
        tpu.yield
      }) : () -> ()
      %dma_start3A = arith.constant 0 : i32
      %dma_start3A_41 = arith.constant 0 : i32
      %dma_start3A_42 = tpu.memref_slice %arg7[%dma_start3A, %dma_start3A_41] : memref<40x128xi32, #tpu.memory_space<vmem>> -> memref<1x128xi32, #tpu.memory_space<vmem>>
      %dma_start3A_43 = tpu.memref_squeeze %dma_start3A_42 : memref<1x128xi32, #tpu.memory_space<vmem>> -> memref<128xi32, #tpu.memory_space<vmem>>
      %dma_start3A_44 = arith.constant 0 : i32
      %dma_start3A_45 = arith.constant 0 : i32
      %dma_start3A_46 = tpu.memref_slice %arg2[%dma_start3A_44, %dma_start3A_45] : memref<40960x128xf32, #tpu.memory_space<hbm>> -> memref<40960x128xf32, #tpu.memory_space<hbm>>
      tpu.enqueue_indirect_dma source(%dma_start3A_46 : memref<40960x128xf32, #tpu.memory_space<hbm>>) target(%arg9 : memref<128x128xf32, #tpu.memory_space<vmem>>) offsets(%dma_start3A_43 : memref<128xi32, #tpu.memory_space<vmem>>) semaphore(%arg12 : memref<!tpu.dma_semaphore, #tpu.memory_space<semaphore_mem>>)
      %scan3A_47 = arith.constant 0 : i32
      %scan3A_48 = arith.constant 0 : i32
      %scan3A_49 = arith.constant 19 : i32
      %scan3A_50 = arith.addi %scan3A_48, %scan3A_49 : i32
      %scan3A_51 = arith.constant 1 : i32
      scf.for %scan3A_74 = %scan3A_48 to %scan3A_50 step %scan3A_51  : i32 {
        %mul3A_75 = arith.constant 2 : i32
        %mul3A_76 = arith.muli %scan3A_74, %mul3A_75 : i32
        %dma_wait3A_77 = arith.constant 0 : i32
        %dma_wait3A_78 = tpu.memref_slice %arg7[%mul3A_76, %dma_wait3A_77] : memref<40x128xi32, #tpu.memory_space<vmem>> -> memref<1x128xi32, #tpu.memory_space<vmem>>
        %dma_wait3A_79 = tpu.memref_squeeze %dma_wait3A_78 : memref<1x128xi32, #tpu.memory_space<vmem>> -> memref<128xi32, #tpu.memory_space<vmem>>
        %dma_wait3A_80 = arith.constant 0 : i32
        %dma_wait3A_81 = arith.constant 0 : i32
        %dma_wait3A_82 = tpu.memref_slice %arg2[%dma_wait3A_80, %dma_wait3A_81] : memref<40960x128xf32, #tpu.memory_space<hbm>> -> memref<40960x128xf32, #tpu.memory_space<hbm>>
        tpu.wait_indirect_dma semaphore(%arg12 : memref<!tpu.dma_semaphore, #tpu.memory_space<semaphore_mem>>) src(%dma_wait3A_82 : memref<40960x128xf32, #tpu.memory_space<hbm>>) dst(%arg9 : memref<128x128xf32, #tpu.memory_space<vmem>>)
        %add3A_83 = arith.constant 1 : i32
        %add3A_84 = arith.addi %mul3A_76, %add3A_83 : i32
        %dma_start3A_85 = arith.constant 0 : i32
        %dma_start3A_86 = tpu.memref_slice %arg7[%add3A_84, %dma_start3A_85] : memref<40x128xi32, #tpu.memory_space<vmem>> -> memref<1x128xi32, #tpu.memory_space<vmem>>
        %dma_start3A_87 = tpu.memref_squeeze %dma_start3A_86 : memref<1x128xi32, #tpu.memory_space<vmem>> -> memref<128xi32, #tpu.memory_space<vmem>>
        %dma_start3A_88 = arith.constant 0 : i32
        %dma_start3A_89 = arith.constant 0 : i32
        %dma_start3A_90 = tpu.memref_slice %arg2[%dma_start3A_88, %dma_start3A_89] : memref<40960x128xf32, #tpu.memory_space<hbm>> -> memref<40960x128xf32, #tpu.memory_space<hbm>>
        tpu.enqueue_indirect_dma source(%dma_start3A_90 : memref<40960x128xf32, #tpu.memory_space<hbm>>) target(%arg10 : memref<128x128xf32, #tpu.memory_space<vmem>>) offsets(%dma_start3A_87 : memref<128xi32, #tpu.memory_space<vmem>>) semaphore(%arg13 : memref<!tpu.dma_semaphore, #tpu.memory_space<semaphore_mem>>)
        "tpu.region"() ({
          %run_scoped3A_109 = tpu.sem_alloc : memref<!tpu.dma_semaphore, #tpu.memory_space<semaphore_mem>>
          %dma_start3A_110 = arith.constant 0 : i32
          %dma_start3A_111 = tpu.memref_slice %arg8[%mul3A_76, %dma_start3A_110] : memref<40x128xi32, #tpu.memory_space<vmem>> -> memref<1x128xi32, #tpu.memory_space<vmem>>
          %dma_start3A_112 = tpu.memref_squeeze %dma_start3A_111 : memref<1x128xi32, #tpu.memory_space<vmem>> -> memref<128xi32, #tpu.memory_space<vmem>>
          %dma_start3A_113 = arith.constant 0 : i32
          %dma_start3A_114 = arith.constant 0 : i32
          %dma_start3A_115 = tpu.memref_slice %arg11[%dma_start3A_113, %dma_start3A_114] : memref<10240x128xf32, #tpu.memory_space<vmem_shared>> -> memref<10240x128xf32, #tpu.memory_space<vmem_shared>>
          tpu.enqueue_indirect_dma source(%arg9 : memref<128x128xf32, #tpu.memory_space<vmem>>) target(%dma_start3A_115 : memref<10240x128xf32, #tpu.memory_space<vmem_shared>>) offsets(%dma_start3A_112 : memref<128xi32, #tpu.memory_space<vmem>>) semaphore(%run_scoped3A_109 : memref<!tpu.dma_semaphore, #tpu.memory_space<semaphore_mem>>) {add = true}
          %dma_wait3A_116 = arith.constant 0 : i32
          %dma_wait3A_117 = tpu.memref_slice %arg8[%mul3A_76, %dma_wait3A_116] : memref<40x128xi32, #tpu.memory_space<vmem>> -> memref<1x128xi32, #tpu.memory_space<vmem>>
          %dma_wait3A_118 = tpu.memref_squeeze %dma_wait3A_117 : memref<1x128xi32, #tpu.memory_space<vmem>> -> memref<128xi32, #tpu.memory_space<vmem>>
          %dma_wait3A_119 = arith.constant 0 : i32
          %dma_wait3A_120 = arith.constant 0 : i32
          %dma_wait3A_121 = tpu.memref_slice %arg11[%dma_wait3A_119, %dma_wait3A_120] : memref<10240x128xf32, #tpu.memory_space<vmem_shared>> -> memref<10240x128xf32, #tpu.memory_space<vmem_shared>>
          tpu.wait_indirect_dma semaphore(%run_scoped3A_109 : memref<!tpu.dma_semaphore, #tpu.memory_space<semaphore_mem>>) src(%arg9 : memref<128x128xf32, #tpu.memory_space<vmem>>) dst(%dma_wait3A_121 : memref<10240x128xf32, #tpu.memory_space<vmem_shared>>)
          tpu.yield
        }) : () -> ()
        %add3A_91 = arith.constant 1 : i32
        %add3A_92 = arith.addi %mul3A_76, %add3A_91 : i32
        %dma_wait3A_93 = arith.constant 0 : i32
        %dma_wait3A_94 = tpu.memref_slice %arg7[%add3A_92, %dma_wait3A_93] : memref<40x128xi32, #tpu.memory_space<vmem>> -> memref<1x128xi32, #tpu.memory_space<vmem>>
        %dma_wait3A_95 = tpu.memref_squeeze %dma_wait3A_94 : memref<1x128xi32, #tpu.memory_space<vmem>> -> memref<128xi32, #tpu.memory_space<vmem>>
        %dma_wait3A_96 = arith.constant 0 : i32
        %dma_wait3A_97 = arith.constant 0 : i32
        %dma_wait3A_98 = tpu.memref_slice %arg2[%dma_wait3A_96, %dma_wait3A_97] : memref<40960x128xf32, #tpu.memory_space<hbm>> -> memref<40960x128xf32, #tpu.memory_space<hbm>>
        tpu.wait_indirect_dma semaphore(%arg13 : memref<!tpu.dma_semaphore, #tpu.memory_space<semaphore_mem>>) src(%dma_wait3A_98 : memref<40960x128xf32, #tpu.memory_space<hbm>>) dst(%arg10 : memref<128x128xf32, #tpu.memory_space<vmem>>)
        %add3A_99 = arith.constant 2 : i32
        %add3A_100 = arith.addi %mul3A_76, %add3A_99 : i32
        %dma_start3A_101 = arith.constant 0 : i32
        %dma_start3A_102 = tpu.memref_slice %arg7[%add3A_100, %dma_start3A_101] : memref<40x128xi32, #tpu.memory_space<vmem>> -> memref<1x128xi32, #tpu.memory_space<vmem>>
        %dma_start3A_103 = tpu.memref_squeeze %dma_start3A_102 : memref<1x128xi32, #tpu.memory_space<vmem>> -> memref<128xi32, #tpu.memory_space<vmem>>
        %dma_start3A_104 = arith.constant 0 : i32
        %dma_start3A_105 = arith.constant 0 : i32
        %dma_start3A_106 = tpu.memref_slice %arg2[%dma_start3A_104, %dma_start3A_105] : memref<40960x128xf32, #tpu.memory_space<hbm>> -> memref<40960x128xf32, #tpu.memory_space<hbm>>
        tpu.enqueue_indirect_dma source(%dma_start3A_106 : memref<40960x128xf32, #tpu.memory_space<hbm>>) target(%arg9 : memref<128x128xf32, #tpu.memory_space<vmem>>) offsets(%dma_start3A_103 : memref<128xi32, #tpu.memory_space<vmem>>) semaphore(%arg12 : memref<!tpu.dma_semaphore, #tpu.memory_space<semaphore_mem>>)
        %add3A_107 = arith.constant 1 : i32
        %add3A_108 = arith.addi %mul3A_76, %add3A_107 : i32
        "tpu.region"() ({
          %run_scoped3A_109 = tpu.sem_alloc : memref<!tpu.dma_semaphore, #tpu.memory_space<semaphore_mem>>
          %dma_start3A_110 = arith.constant 0 : i32
          %dma_start3A_111 = tpu.memref_slice %arg8[%add3A_108, %dma_start3A_110] : memref<40x128xi32, #tpu.memory_space<vmem>> -> memref<1x128xi32, #tpu.memory_space<vmem>>
          %dma_start3A_112 = tpu.memref_squeeze %dma_start3A_111 : memref<1x128xi32, #tpu.memory_space<vmem>> -> memref<128xi32, #tpu.memory_space<vmem>>
          %dma_start3A_113 = arith.constant 0 : i32
          %dma_start3A_114 = arith.constant 0 : i32
          %dma_start3A_115 = tpu.memref_slice %arg11[%dma_start3A_113, %dma_start3A_114] : memref<10240x128xf32, #tpu.memory_space<vmem_shared>> -> memref<10240x128xf32, #tpu.memory_space<vmem_shared>>
          tpu.enqueue_indirect_dma source(%arg10 : memref<128x128xf32, #tpu.memory_space<vmem>>) target(%dma_start3A_115 : memref<10240x128xf32, #tpu.memory_space<vmem_shared>>) offsets(%dma_start3A_112 : memref<128xi32, #tpu.memory_space<vmem>>) semaphore(%run_scoped3A_109 : memref<!tpu.dma_semaphore, #tpu.memory_space<semaphore_mem>>) {add = true}
          %dma_wait3A_116 = arith.constant 0 : i32
          %dma_wait3A_117 = tpu.memref_slice %arg8[%add3A_108, %dma_wait3A_116] : memref<40x128xi32, #tpu.memory_space<vmem>> -> memref<1x128xi32, #tpu.memory_space<vmem>>
          %dma_wait3A_118 = tpu.memref_squeeze %dma_wait3A_117 : memref<1x128xi32, #tpu.memory_space<vmem>> -> memref<128xi32, #tpu.memory_space<vmem>>
          %dma_wait3A_119 = arith.constant 0 : i32
          %dma_wait3A_120 = arith.constant 0 : i32
          %dma_wait3A_121 = tpu.memref_slice %arg11[%dma_wait3A_119, %dma_wait3A_120] : memref<10240x128xf32, #tpu.memory_space<vmem_shared>> -> memref<10240x128xf32, #tpu.memory_space<vmem_shared>>
          tpu.wait_indirect_dma semaphore(%run_scoped3A_109 : memref<!tpu.dma_semaphore, #tpu.memory_space<semaphore_mem>>) src(%arg10 : memref<128x128xf32, #tpu.memory_space<vmem>>) dst(%dma_wait3A_121 : memref<10240x128xf32, #tpu.memory_space<vmem_shared>>)
          tpu.yield
        }) : () -> ()
      }
      %scan3A_52 = arith.constant 19 : i32
      %dma_wait3A = arith.constant 38 : i32
      %dma_wait3A_53 = arith.constant 0 : i32
      %dma_wait3A_54 = tpu.memref_slice %arg7[%dma_wait3A, %dma_wait3A_53] : memref<40x128xi32, #tpu.memory_space<vmem>> -> memref<1x128xi32, #tpu.memory_space<vmem>>
      %dma_wait3A_55 = tpu.memref_squeeze %dma_wait3A_54 : memref<1x128xi32, #tpu.memory_space<vmem>> -> memref<128xi32, #tpu.memory_space<vmem>>
      %dma_wait3A_56 = arith.constant 0 : i32
      %dma_wait3A_57 = arith.constant 0 : i32
      %dma_wait3A_58 = tpu.memref_slice %arg2[%dma_wait3A_56, %dma_wait3A_57] : memref<40960x128xf32, #tpu.memory_space<hbm>> -> memref<40960x128xf32, #tpu.memory_space<hbm>>
      tpu.wait_indirect_dma semaphore(%arg12 : memref<!tpu.dma_semaphore, #tpu.memory_space<semaphore_mem>>) src(%dma_wait3A_58 : memref<40960x128xf32, #tpu.memory_space<hbm>>) dst(%arg9 : memref<128x128xf32, #tpu.memory_space<vmem>>)
      %dma_start3A_59 = arith.constant 39 : i32
      %dma_start3A_60 = arith.constant 0 : i32
      %dma_start3A_61 = tpu.memref_slice %arg7[%dma_start3A_59, %dma_start3A_60] : memref<40x128xi32, #tpu.memory_space<vmem>> -> memref<1x128xi32, #tpu.memory_space<vmem>>
      %dma_start3A_62 = tpu.memref_squeeze %dma_start3A_61 : memref<1x128xi32, #tpu.memory_space<vmem>> -> memref<128xi32, #tpu.memory_space<vmem>>
      %dma_start3A_63 = arith.constant 0 : i32
      %dma_start3A_64 = arith.constant 0 : i32
      %dma_start3A_65 = tpu.memref_slice %arg2[%dma_start3A_63, %dma_start3A_64] : memref<40960x128xf32, #tpu.memory_space<hbm>> -> memref<40960x128xf32, #tpu.memory_space<hbm>>
      tpu.enqueue_indirect_dma source(%dma_start3A_65 : memref<40960x128xf32, #tpu.memory_space<hbm>>) target(%arg10 : memref<128x128xf32, #tpu.memory_space<vmem>>) offsets(%dma_start3A_62 : memref<128xi32, #tpu.memory_space<vmem>>) semaphore(%arg13 : memref<!tpu.dma_semaphore, #tpu.memory_space<semaphore_mem>>)
      %run_scoped3A = arith.constant 38 : i32
      "tpu.region"() ({
        %run_scoped3A_74 = tpu.sem_alloc : memref<!tpu.dma_semaphore, #tpu.memory_space<semaphore_mem>>
        %dma_start3A_75 = arith.constant 0 : i32
        %dma_start3A_76 = tpu.memref_slice %arg8[%run_scoped3A, %dma_start3A_75] : memref<40x128xi32, #tpu.memory_space<vmem>> -> memref<1x128xi32, #tpu.memory_space<vmem>>
        %dma_start3A_77 = tpu.memref_squeeze %dma_start3A_76 : memref<1x128xi32, #tpu.memory_space<vmem>> -> memref<128xi32, #tpu.memory_space<vmem>>
        %dma_start3A_78 = arith.constant 0 : i32
        %dma_start3A_79 = arith.constant 0 : i32
        %dma_start3A_80 = tpu.memref_slice %arg11[%dma_start3A_78, %dma_start3A_79] : memref<10240x128xf32, #tpu.memory_space<vmem_shared>> -> memref<10240x128xf32, #tpu.memory_space<vmem_shared>>
        tpu.enqueue_indirect_dma source(%arg9 : memref<128x128xf32, #tpu.memory_space<vmem>>) target(%dma_start3A_80 : memref<10240x128xf32, #tpu.memory_space<vmem_shared>>) offsets(%dma_start3A_77 : memref<128xi32, #tpu.memory_space<vmem>>) semaphore(%run_scoped3A_74 : memref<!tpu.dma_semaphore, #tpu.memory_space<semaphore_mem>>) {add = true}
        %dma_wait3A_81 = arith.constant 0 : i32
        %dma_wait3A_82 = tpu.memref_slice %arg8[%run_scoped3A, %dma_wait3A_81] : memref<40x128xi32, #tpu.memory_space<vmem>> -> memref<1x128xi32, #tpu.memory_space<vmem>>
        %dma_wait3A_83 = tpu.memref_squeeze %dma_wait3A_82 : memref<1x128xi32, #tpu.memory_space<vmem>> -> memref<128xi32, #tpu.memory_space<vmem>>
        %dma_wait3A_84 = arith.constant 0 : i32
        %dma_wait3A_85 = arith.constant 0 : i32
        %dma_wait3A_86 = tpu.memref_slice %arg11[%dma_wait3A_84, %dma_wait3A_85] : memref<10240x128xf32, #tpu.memory_space<vmem_shared>> -> memref<10240x128xf32, #tpu.memory_space<vmem_shared>>
        tpu.wait_indirect_dma semaphore(%run_scoped3A_74 : memref<!tpu.dma_semaphore, #tpu.memory_space<semaphore_mem>>) src(%arg9 : memref<128x128xf32, #tpu.memory_space<vmem>>) dst(%dma_wait3A_86 : memref<10240x128xf32, #tpu.memory_space<vmem_shared>>)
        tpu.yield
      }) : () -> ()
      %dma_wait3A_66 = arith.constant 39 : i32
      %dma_wait3A_67 = arith.constant 0 : i32
      %dma_wait3A_68 = tpu.memref_slice %arg7[%dma_wait3A_66, %dma_wait3A_67] : memref<40x128xi32, #tpu.memory_space<vmem>> -> memref<1x128xi32, #tpu.memory_space<vmem>>
      %dma_wait3A_69 = tpu.memref_squeeze %dma_wait3A_68 : memref<1x128xi32, #tpu.memory_space<vmem>> -> memref<128xi32, #tpu.memory_space<vmem>>
      %dma_wait3A_70 = arith.constant 0 : i32
      %dma_wait3A_71 = arith.constant 0 : i32
      %dma_wait3A_72 = tpu.memref_slice %arg2[%dma_wait3A_70, %dma_wait3A_71] : memref<40960x128xf32, #tpu.memory_space<hbm>> -> memref<40960x128xf32, #tpu.memory_space<hbm>>
      tpu.wait_indirect_dma semaphore(%arg13 : memref<!tpu.dma_semaphore, #tpu.memory_space<semaphore_mem>>) src(%dma_wait3A_72 : memref<40960x128xf32, #tpu.memory_space<hbm>>) dst(%arg10 : memref<128x128xf32, #tpu.memory_space<vmem>>)
      %run_scoped3A_73 = arith.constant 39 : i32
      "tpu.region"() ({
        %run_scoped3A_74 = tpu.sem_alloc : memref<!tpu.dma_semaphore, #tpu.memory_space<semaphore_mem>>
        %dma_start3A_75 = arith.constant 0 : i32
        %dma_start3A_76 = tpu.memref_slice %arg8[%run_scoped3A_73, %dma_start3A_75] : memref<40x128xi32, #tpu.memory_space<vmem>> -> memref<1x128xi32, #tpu.memory_space<vmem>>
        %dma_start3A_77 = tpu.memref_squeeze %dma_start3A_76 : memref<1x128xi32, #tpu.memory_space<vmem>> -> memref<128xi32, #tpu.memory_space<vmem>>
        %dma_start3A_78 = arith.constant 0 : i32
        %dma_start3A_79 = arith.constant 0 : i32
        %dma_start3A_80 = tpu.memref_slice %arg11[%dma_start3A_78, %dma_start3A_79] : memref<10240x128xf32, #tpu.memory_space<vmem_shared>> -> memref<10240x128xf32, #tpu.memory_space<vmem_shared>>
        tpu.enqueue_indirect_dma source(%arg10 : memref<128x128xf32, #tpu.memory_space<vmem>>) target(%dma_start3A_80 : memref<10240x128xf32, #tpu.memory_space<vmem_shared>>) offsets(%dma_start3A_77 : memref<128xi32, #tpu.memory_space<vmem>>) semaphore(%run_scoped3A_74 : memref<!tpu.dma_semaphore, #tpu.memory_space<semaphore_mem>>) {add = true}
        %dma_wait3A_81 = arith.constant 0 : i32
        %dma_wait3A_82 = tpu.memref_slice %arg8[%run_scoped3A_73, %dma_wait3A_81] : memref<40x128xi32, #tpu.memory_space<vmem>> -> memref<1x128xi32, #tpu.memory_space<vmem>>
        %dma_wait3A_83 = tpu.memref_squeeze %dma_wait3A_82 : memref<1x128xi32, #tpu.memory_space<vmem>> -> memref<128xi32, #tpu.memory_space<vmem>>
        %dma_wait3A_84 = arith.constant 0 : i32
        %dma_wait3A_85 = arith.constant 0 : i32
        %dma_wait3A_86 = tpu.memref_slice %arg11[%dma_wait3A_84, %dma_wait3A_85] : memref<10240x128xf32, #tpu.memory_space<vmem_shared>> -> memref<10240x128xf32, #tpu.memory_space<vmem_shared>>
        tpu.wait_indirect_dma semaphore(%run_scoped3A_74 : memref<!tpu.dma_semaphore, #tpu.memory_space<semaphore_mem>>) src(%arg10 : memref<128x128xf32, #tpu.memory_space<vmem>>) dst(%dma_wait3A_86 : memref<10240x128xf32, #tpu.memory_space<vmem_shared>>)
        tpu.yield
      }) : () -> ()
    }
    %scan3A_31 = arith.constant 2 : i32
    %barrier3A_32 = arith.constant 0 : index
    tpu.barrier barrier_id(%barrier3A_32)
    %eq3A = arith.constant 0 : i32
    %eq3A_33 = arith.cmpi eq, %arg0, %eq3A : i32
    %convert_element_type3A = arith.extui %eq3A_33 : i1 to i32
    %cond3A = arith.constant 0 : i32
    %cond3A_34 = arith.cmpi ne, %convert_element_type3A, %cond3A : i32
    scf.if %cond3A_34 {
      %mul3A_40 = arith.constant 640 : i32
      %mul3A_41 = arith.muli %arg1, %mul3A_40 : i32
      %mul3A_42 = arith.constant 640 : i32
      %mul3A_43 = arith.muli %arg1, %mul3A_42 : i32
      "tpu.region"() ({
        %run_scoped3A = tpu.sem_alloc : memref<!tpu.dma_semaphore, #tpu.memory_space<semaphore_mem>>
        %dma_start3A = arith.constant 0 : i32
        %dma_start3A_44 = tpu.memref_slice %arg5[%mul3A_43, %dma_start3A] : memref<10240x128xf32, #tpu.memory_space<hbm>> -> memref<640x128xf32, #tpu.memory_space<hbm>>
        %dma_start3A_45 = arith.constant 0 : i32
        %dma_start3A_46 = tpu.memref_slice %arg11[%mul3A_41, %dma_start3A_45] : memref<10240x128xf32, #tpu.memory_space<vmem_shared>> -> memref<640x128xf32, #tpu.memory_space<vmem_shared>>
        tpu.enqueue_dma source(%dma_start3A_46 : memref<640x128xf32, #tpu.memory_space<vmem_shared>>) target(%dma_start3A_44 : memref<640x128xf32, #tpu.memory_space<hbm>>) target_semaphore(%run_scoped3A : memref<!tpu.dma_semaphore, #tpu.memory_space<semaphore_mem>>)
        %dma_wait3A = arith.constant 0 : i32
        %dma_wait3A_47 = tpu.memref_slice %arg5[%mul3A_43, %dma_wait3A] : memref<10240x128xf32, #tpu.memory_space<hbm>> -> memref<640x128xf32, #tpu.memory_space<hbm>>
        %dma_wait3A_48 = arith.constant 0 : i32
        %dma_wait3A_49 = tpu.memref_slice %arg11[%mul3A_41, %dma_wait3A_48] : memref<10240x128xf32, #tpu.memory_space<vmem_shared>> -> memref<640x128xf32, #tpu.memory_space<vmem_shared>>
        tpu.wait_dma2 semaphore(%run_scoped3A : memref<!tpu.dma_semaphore, #tpu.memory_space<semaphore_mem>>) src(%dma_wait3A_49 : memref<640x128xf32, #tpu.memory_space<vmem_shared>>) dst(%dma_wait3A_47 : memref<640x128xf32, #tpu.memory_space<hbm>>)
        tpu.yield
      }) : () -> ()
    } else {
    }
    %eq3A_35 = arith.constant 1 : i32
    %eq3A_36 = arith.cmpi eq, %arg0, %eq3A_35 : i32
    %convert_element_type3A_37 = arith.extui %eq3A_36 : i1 to i32
    %cond3A_38 = arith.constant 0 : i32
    %cond3A_39 = arith.cmpi ne, %convert_element_type3A_37, %cond3A_38 : i32
    scf.if %cond3A_39 {
      %mul3A_40 = arith.constant 640 : i32
      %mul3A_41 = arith.muli %arg1, %mul3A_40 : i32
      %mul3A_42 = arith.constant 640 : i32
      %mul3A_43 = arith.muli %arg1, %mul3A_42 : i32
      "tpu.region"() ({
        %run_scoped3A = tpu.sem_alloc : memref<!tpu.dma_semaphore, #tpu.memory_space<semaphore_mem>>
        %dma_start3A = arith.constant 0 : i32
        %dma_start3A_44 = tpu.memref_slice %arg6[%mul3A_43, %dma_start3A] : memref<10240x128xf32, #tpu.memory_space<hbm>> -> memref<640x128xf32, #tpu.memory_space<hbm>>
        %dma_start3A_45 = arith.constant 0 : i32
        %dma_start3A_46 = tpu.memref_slice %arg11[%mul3A_41, %dma_start3A_45] : memref<10240x128xf32, #tpu.memory_space<vmem_shared>> -> memref<640x128xf32, #tpu.memory_space<vmem_shared>>
        tpu.enqueue_dma source(%dma_start3A_46 : memref<640x128xf32, #tpu.memory_space<vmem_shared>>) target(%dma_start3A_44 : memref<640x128xf32, #tpu.memory_space<hbm>>) target_semaphore(%run_scoped3A : memref<!tpu.dma_semaphore, #tpu.memory_space<semaphore_mem>>)
        %dma_wait3A = arith.constant 0 : i32
        %dma_wait3A_47 = tpu.memref_slice %arg6[%mul3A_43, %dma_wait3A] : memref<10240x128xf32, #tpu.memory_space<hbm>> -> memref<640x128xf32, #tpu.memory_space<hbm>>
        %dma_wait3A_48 = arith.constant 0 : i32
        %dma_wait3A_49 = tpu.memref_slice %arg11[%mul3A_41, %dma_wait3A_48] : memref<10240x128xf32, #tpu.memory_space<vmem_shared>> -> memref<640x128xf32, #tpu.memory_space<vmem_shared>>
        tpu.wait_dma2 semaphore(%run_scoped3A : memref<!tpu.dma_semaphore, #tpu.memory_space<semaphore_mem>>) src(%dma_wait3A_49 : memref<640x128xf32, #tpu.memory_space<vmem_shared>>) dst(%dma_wait3A_47 : memref<640x128xf32, #tpu.memory_space<hbm>>)
        tpu.yield
      }) : () -> ()
    } else {
    }
    return
  }
}

#map = affine_map<(d0, d1) -> (0, 0)>
#map1 = affine_map<(d0, d1) -> (0, 0, 0, 0)>
module attributes {stable_mosaic.version = 14 : i64} {
  func.func @_sc_body(%arg0: i32, %arg1: i32, %arg2: memref<40960x128xf32, #tpu.memory_space<hbm>>, %arg3: memref<32x2x40x128xi32, #tpu.memory_space<hbm>>, %arg4: memref<32x2x40x128xi32, #tpu.memory_space<hbm>>, %arg5: memref<10240x128xf32, #tpu.memory_space<hbm>>, %arg6: memref<10240x128xf32, #tpu.memory_space<hbm>>, %arg7: memref<40x128xi32, #tpu.memory_space<vmem>>, %arg8: memref<40x128xi32, #tpu.memory_space<vmem>>, %arg9: memref<128x128xf32, #tpu.memory_space<vmem>>, %arg10: memref<128x128xf32, #tpu.memory_space<vmem>>, %arg11: memref<10240x128xf32, #tpu.memory_space<vmem_shared>>, %arg12: memref<!tpu.dma_semaphore, #tpu.memory_space<semaphore_mem>>, %arg13: memref<!tpu.dma_semaphore, #tpu.memory_space<semaphore_mem>>) attributes {dimension_semantics = [#tpu.dimension_semantics<core_parallel>, #tpu.dimension_semantics<subcore_parallel>], iteration_bounds = array<i64: 2, 16>, scalar_prefetch = 0 : i64, scratch_operands = 7 : i64, tpu.core_type = #tpu.core_type<sc_vector_subcore>, window_params = [{transform_indices = #map}, {transform_indices = #map1}, {transform_indices = #map1}, {transform_indices = #map}, {transform_indices = #map}]} {
    %mul3A = arith.constant 16 : i32
    %mul3A_0 = arith.muli %arg0, %mul3A : i32
    %add3A = arith.addi %mul3A_0, %arg1 : i32
    %scan3A = arith.constant 0 : i32
    %scan3A_1 = arith.constant 0 : i32
    %scan3A_2 = arith.constant 128 : i32
    %scan3A_3 = arith.addi %scan3A_1, %scan3A_2 : i32
    %scan3A_4 = arith.constant 1 : i32
    scf.for %scan3A_40 = %scan3A_1 to %scan3A_3 step %scan3A_4  : i32 {
      %broadcast_in_dim3A = arith.constant 0.000000e+00 : f32
      %broadcast_in_dim3A_41 = vector.broadcast %broadcast_in_dim3A : f32 to vector<16xf32>
      %swap3A = arith.index_cast %scan3A_40 : i32 to index
      %swap3A_42 = arith.constant 0 : index
      %swap3A_43 = tpu.vector_load %arg9[%swap3A, %swap3A_42] {strides = array<i32>} : memref<128x128xf32, #tpu.memory_space<vmem>>, vector<1x16xf32>,
      %swap3A_44 = vector.shape_cast %swap3A_43 : vector<1x16xf32> to vector<16xf32>
      %swap3A_45 = vector.shape_cast %broadcast_in_dim3A_41 : vector<16xf32> to vector<1x16xf32>
      tpu.vector_store %arg9[%swap3A, %swap3A_42], %swap3A_45 {strides = array<i32>} : memref<128x128xf32, #tpu.memory_space<vmem>>, vector<1x16xf32>,
      %broadcast_in_dim3A_46 = arith.constant 0.000000e+00 : f32
      %broadcast_in_dim3A_47 = vector.broadcast %broadcast_in_dim3A_46 : f32 to vector<16xf32>
      %swap3A_48 = arith.index_cast %scan3A_40 : i32 to index
      %swap3A_49 = arith.constant 16 : index
      %swap3A_50 = tpu.vector_load %arg9[%swap3A_48, %swap3A_49] {strides = array<i32>} : memref<128x128xf32, #tpu.memory_space<vmem>>, vector<1x16xf32>,
      %swap3A_51 = vector.shape_cast %swap3A_50 : vector<1x16xf32> to vector<16xf32>
      %swap3A_52 = vector.shape_cast %broadcast_in_dim3A_47 : vector<16xf32> to vector<1x16xf32>
      tpu.vector_store %arg9[%swap3A_48, %swap3A_49], %swap3A_52 {strides = array<i32>} : memref<128x128xf32, #tpu.memory_space<vmem>>, vector<1x16xf32>,
      %broadcast_in_dim3A_53 = arith.constant 0.000000e+00 : f32
      %broadcast_in_dim3A_54 = vector.broadcast %broadcast_in_dim3A_53 : f32 to vector<16xf32>
      %swap3A_55 = arith.index_cast %scan3A_40 : i32 to index
      %swap3A_56 = arith.constant 32 : index
      %swap3A_57 = tpu.vector_load %arg9[%swap3A_55, %swap3A_56] {strides = array<i32>} : memref<128x128xf32, #tpu.memory_space<vmem>>, vector<1x16xf32>,
      %swap3A_58 = vector.shape_cast %swap3A_57 : vector<1x16xf32> to vector<16xf32>
      %swap3A_59 = vector.shape_cast %broadcast_in_dim3A_54 : vector<16xf32> to vector<1x16xf32>
      tpu.vector_store %arg9[%swap3A_55, %swap3A_56], %swap3A_59 {strides = array<i32>} : memref<128x128xf32, #tpu.memory_space<vmem>>, vector<1x16xf32>,
      %broadcast_in_dim3A_60 = arith.constant 0.000000e+00 : f32
      %broadcast_in_dim3A_61 = vector.broadcast %broadcast_in_dim3A_60 : f32 to vector<16xf32>
      %swap3A_62 = arith.index_cast %scan3A_40 : i32 to index
      %swap3A_63 = arith.constant 48 : index
      %swap3A_64 = tpu.vector_load %arg9[%swap3A_62, %swap3A_63] {strides = array<i32>} : memref<128x128xf32, #tpu.memory_space<vmem>>, vector<1x16xf32>,
      %swap3A_65 = vector.shape_cast %swap3A_64 : vector<1x16xf32> to vector<16xf32>
      %swap3A_66 = vector.shape_cast %broadcast_in_dim3A_61 : vector<16xf32> to vector<1x16xf32>
      tpu.vector_store %arg9[%swap3A_62, %swap3A_63], %swap3A_66 {strides = array<i32>} : memref<128x128xf32, #tpu.memory_space<vmem>>, vector<1x16xf32>,
      %broadcast_in_dim3A_67 = arith.constant 0.000000e+00 : f32
      %broadcast_in_dim3A_68 = vector.broadcast %broadcast_in_dim3A_67 : f32 to vector<16xf32>
      %swap3A_69 = arith.index_cast %scan3A_40 : i32 to index
      %swap3A_70 = arith.constant 64 : index
      %swap3A_71 = tpu.vector_load %arg9[%swap3A_69, %swap3A_70] {strides = array<i32>} : memref<128x128xf32, #tpu.memory_space<vmem>>, vector<1x16xf32>,
      %swap3A_72 = vector.shape_cast %swap3A_71 : vector<1x16xf32> to vector<16xf32>
      %swap3A_73 = vector.shape_cast %broadcast_in_dim3A_68 : vector<16xf32> to vector<1x16xf32>
      tpu.vector_store %arg9[%swap3A_69, %swap3A_70], %swap3A_73 {strides = array<i32>} : memref<128x128xf32, #tpu.memory_space<vmem>>, vector<1x16xf32>,
      %broadcast_in_dim3A_74 = arith.constant 0.000000e+00 : f32
      %broadcast_in_dim3A_75 = vector.broadcast %broadcast_in_dim3A_74 : f32 to vector<16xf32>
      %swap3A_76 = arith.index_cast %scan3A_40 : i32 to index
      %swap3A_77 = arith.constant 80 : index
      %swap3A_78 = tpu.vector_load %arg9[%swap3A_76, %swap3A_77] {strides = array<i32>} : memref<128x128xf32, #tpu.memory_space<vmem>>, vector<1x16xf32>,
      %swap3A_79 = vector.shape_cast %swap3A_78 : vector<1x16xf32> to vector<16xf32>
      %swap3A_80 = vector.shape_cast %broadcast_in_dim3A_75 : vector<16xf32> to vector<1x16xf32>
      tpu.vector_store %arg9[%swap3A_76, %swap3A_77], %swap3A_80 {strides = array<i32>} : memref<128x128xf32, #tpu.memory_space<vmem>>, vector<1x16xf32>,
      %broadcast_in_dim3A_81 = arith.constant 0.000000e+00 : f32
      %broadcast_in_dim3A_82 = vector.broadcast %broadcast_in_dim3A_81 : f32 to vector<16xf32>
      %swap3A_83 = arith.index_cast %scan3A_40 : i32 to index
      %swap3A_84 = arith.constant 96 : index
      %swap3A_85 = tpu.vector_load %arg9[%swap3A_83, %swap3A_84] {strides = array<i32>} : memref<128x128xf32, #tpu.memory_space<vmem>>, vector<1x16xf32>,
      %swap3A_86 = vector.shape_cast %swap3A_85 : vector<1x16xf32> to vector<16xf32>
      %swap3A_87 = vector.shape_cast %broadcast_in_dim3A_82 : vector<16xf32> to vector<1x16xf32>
      tpu.vector_store %arg9[%swap3A_83, %swap3A_84], %swap3A_87 {strides = array<i32>} : memref<128x128xf32, #tpu.memory_space<vmem>>, vector<1x16xf32>,
      %broadcast_in_dim3A_88 = arith.constant 0.000000e+00 : f32
      %broadcast_in_dim3A_89 = vector.broadcast %broadcast_in_dim3A_88 : f32 to vector<16xf32>
      %swap3A_90 = arith.index_cast %scan3A_40 : i32 to index
      %swap3A_91 = arith.constant 112 : index
      %swap3A_92 = tpu.vector_load %arg9[%swap3A_90, %swap3A_91] {strides = array<i32>} : memref<128x128xf32, #tpu.memory_space<vmem>>, vector<1x16xf32>,
      %swap3A_93 = vector.shape_cast %swap3A_92 : vector<1x16xf32> to vector<16xf32>
      %swap3A_94 = vector.shape_cast %broadcast_in_dim3A_89 : vector<16xf32> to vector<1x16xf32>
      tpu.vector_store %arg9[%swap3A_90, %swap3A_91], %swap3A_94 {strides = array<i32>} : memref<128x128xf32, #tpu.memory_space<vmem>>, vector<1x16xf32>,
    }
    %scan3A_5 = arith.constant 128 : i32
    %mul3A_6 = arith.constant 640 : i32
    %mul3A_7 = arith.muli %arg1, %mul3A_6 : i32
    %add3A_8 = arith.constant 0 : i32
    %add3A_9 = arith.addi %mul3A_7, %add3A_8 : i32
    "tpu.region"() ({
      %run_scoped3A = tpu.sem_alloc : memref<!tpu.dma_semaphore, #tpu.memory_space<semaphore_mem>>
      %dma_start3A = arith.constant 0 : i32
      %dma_start3A_40 = tpu.memref_slice %arg11[%add3A_9, %dma_start3A] : memref<10240x128xf32, #tpu.memory_space<vmem_shared>> -> memref<128x128xf32, #tpu.memory_space<vmem_shared>>
      %dma_start3A_41 = arith.constant 0 : i32
      %dma_start3A_42 = tpu.memref_slice %arg11[%add3A_9, %dma_start3A_41] : memref<10240x128xf32, #tpu.memory_space<vmem_shared>> -> memref<128x128xf32, #tpu.memory_space<vmem_shared>>
      tpu.enqueue_dma source(%arg9 : memref<128x128xf32, #tpu.memory_space<vmem>>) target(%dma_start3A_42 : memref<128x128xf32, #tpu.memory_space<vmem_shared>>) target_semaphore(%run_scoped3A : memref<!tpu.dma_semaphore, #tpu.memory_space<semaphore_mem>>)
      %dma_wait3A = arith.constant 0 : i32
      %dma_wait3A_43 = tpu.memref_slice %arg11[%add3A_9, %dma_wait3A] : memref<10240x128xf32, #tpu.memory_space<vmem_shared>> -> memref<128x128xf32, #tpu.memory_space<vmem_shared>>
      %dma_wait3A_44 = arith.constant 0 : i32
      %dma_wait3A_45 = tpu.memref_slice %arg11[%add3A_9, %dma_wait3A_44] : memref<10240x128xf32, #tpu.memory_space<vmem_shared>> -> memref<128x128xf32, #tpu.memory_space<vmem_shared>>
      tpu.wait_dma2 semaphore(%run_scoped3A : memref<!tpu.dma_semaphore, #tpu.memory_space<semaphore_mem>>) src(%arg9 : memref<128x128xf32, #tpu.memory_space<vmem>>) dst(%dma_wait3A_45 : memref<128x128xf32, #tpu.memory_space<vmem_shared>>)
      tpu.yield
    }) : () -> ()
    %mul3A_10 = arith.constant 640 : i32
    %mul3A_11 = arith.muli %arg1, %mul3A_10 : i32
    %add3A_12 = arith.constant 128 : i32
    %add3A_13 = arith.addi %mul3A_11, %add3A_12 : i32
    "tpu.region"() ({
      %run_scoped3A = tpu.sem_alloc : memref<!tpu.dma_semaphore, #tpu.memory_space<semaphore_mem>>
      %dma_start3A = arith.constant 0 : i32
      %dma_start3A_40 = tpu.memref_slice %arg11[%add3A_13, %dma_start3A] : memref<10240x128xf32, #tpu.memory_space<vmem_shared>> -> memref<128x128xf32, #tpu.memory_space<vmem_shared>>
      %dma_start3A_41 = arith.constant 0 : i32
      %dma_start3A_42 = tpu.memref_slice %arg11[%add3A_13, %dma_start3A_41] : memref<10240x128xf32, #tpu.memory_space<vmem_shared>> -> memref<128x128xf32, #tpu.memory_space<vmem_shared>>
      tpu.enqueue_dma source(%arg9 : memref<128x128xf32, #tpu.memory_space<vmem>>) target(%dma_start3A_42 : memref<128x128xf32, #tpu.memory_space<vmem_shared>>) target_semaphore(%run_scoped3A : memref<!tpu.dma_semaphore, #tpu.memory_space<semaphore_mem>>)
      %dma_wait3A = arith.constant 0 : i32
      %dma_wait3A_43 = tpu.memref_slice %arg11[%add3A_13, %dma_wait3A] : memref<10240x128xf32, #tpu.memory_space<vmem_shared>> -> memref<128x128xf32, #tpu.memory_space<vmem_shared>>
      %dma_wait3A_44 = arith.constant 0 : i32
      %dma_wait3A_45 = tpu.memref_slice %arg11[%add3A_13, %dma_wait3A_44] : memref<10240x128xf32, #tpu.memory_space<vmem_shared>> -> memref<128x128xf32, #tpu.memory_space<vmem_shared>>
      tpu.wait_dma2 semaphore(%run_scoped3A : memref<!tpu.dma_semaphore, #tpu.memory_space<semaphore_mem>>) src(%arg9 : memref<128x128xf32, #tpu.memory_space<vmem>>) dst(%dma_wait3A_45 : memref<128x128xf32, #tpu.memory_space<vmem_shared>>)
      tpu.yield
    }) : () -> ()
    %mul3A_14 = arith.constant 640 : i32
    %mul3A_15 = arith.muli %arg1, %mul3A_14 : i32
    %add3A_16 = arith.constant 256 : i32
    %add3A_17 = arith.addi %mul3A_15, %add3A_16 : i32
    "tpu.region"() ({
      %run_scoped3A = tpu.sem_alloc : memref<!tpu.dma_semaphore, #tpu.memory_space<semaphore_mem>>
      %dma_start3A = arith.constant 0 : i32
      %dma_start3A_40 = tpu.memref_slice %arg11[%add3A_17, %dma_start3A] : memref<10240x128xf32, #tpu.memory_space<vmem_shared>> -> memref<128x128xf32, #tpu.memory_space<vmem_shared>>
      %dma_start3A_41 = arith.constant 0 : i32
      %dma_start3A_42 = tpu.memref_slice %arg11[%add3A_17, %dma_start3A_41] : memref<10240x128xf32, #tpu.memory_space<vmem_shared>> -> memref<128x128xf32, #tpu.memory_space<vmem_shared>>
      tpu.enqueue_dma source(%arg9 : memref<128x128xf32, #tpu.memory_space<vmem>>) target(%dma_start3A_42 : memref<128x128xf32, #tpu.memory_space<vmem_shared>>) target_semaphore(%run_scoped3A : memref<!tpu.dma_semaphore, #tpu.memory_space<semaphore_mem>>)
      %dma_wait3A = arith.constant 0 : i32
      %dma_wait3A_43 = tpu.memref_slice %arg11[%add3A_17, %dma_wait3A] : memref<10240x128xf32, #tpu.memory_space<vmem_shared>> -> memref<128x128xf32, #tpu.memory_space<vmem_shared>>
      %dma_wait3A_44 = arith.constant 0 : i32
      %dma_wait3A_45 = tpu.memref_slice %arg11[%add3A_17, %dma_wait3A_44] : memref<10240x128xf32, #tpu.memory_space<vmem_shared>> -> memref<128x128xf32, #tpu.memory_space<vmem_shared>>
      tpu.wait_dma2 semaphore(%run_scoped3A : memref<!tpu.dma_semaphore, #tpu.memory_space<semaphore_mem>>) src(%arg9 : memref<128x128xf32, #tpu.memory_space<vmem>>) dst(%dma_wait3A_45 : memref<128x128xf32, #tpu.memory_space<vmem_shared>>)
      tpu.yield
    }) : () -> ()
    %mul3A_18 = arith.constant 640 : i32
    %mul3A_19 = arith.muli %arg1, %mul3A_18 : i32
    %add3A_20 = arith.constant 384 : i32
    %add3A_21 = arith.addi %mul3A_19, %add3A_20 : i32
    "tpu.region"() ({
      %run_scoped3A = tpu.sem_alloc : memref<!tpu.dma_semaphore, #tpu.memory_space<semaphore_mem>>
      %dma_start3A = arith.constant 0 : i32
      %dma_start3A_40 = tpu.memref_slice %arg11[%add3A_21, %dma_start3A] : memref<10240x128xf32, #tpu.memory_space<vmem_shared>> -> memref<128x128xf32, #tpu.memory_space<vmem_shared>>
      %dma_start3A_41 = arith.constant 0 : i32
      %dma_start3A_42 = tpu.memref_slice %arg11[%add3A_21, %dma_start3A_41] : memref<10240x128xf32, #tpu.memory_space<vmem_shared>> -> memref<128x128xf32, #tpu.memory_space<vmem_shared>>
      tpu.enqueue_dma source(%arg9 : memref<128x128xf32, #tpu.memory_space<vmem>>) target(%dma_start3A_42 : memref<128x128xf32, #tpu.memory_space<vmem_shared>>) target_semaphore(%run_scoped3A : memref<!tpu.dma_semaphore, #tpu.memory_space<semaphore_mem>>)
      %dma_wait3A = arith.constant 0 : i32
      %dma_wait3A_43 = tpu.memref_slice %arg11[%add3A_21, %dma_wait3A] : memref<10240x128xf32, #tpu.memory_space<vmem_shared>> -> memref<128x128xf32, #tpu.memory_space<vmem_shared>>
      %dma_wait3A_44 = arith.constant 0 : i32
      %dma_wait3A_45 = tpu.memref_slice %arg11[%add3A_21, %dma_wait3A_44] : memref<10240x128xf32, #tpu.memory_space<vmem_shared>> -> memref<128x128xf32, #tpu.memory_space<vmem_shared>>
      tpu.wait_dma2 semaphore(%run_scoped3A : memref<!tpu.dma_semaphore, #tpu.memory_space<semaphore_mem>>) src(%arg9 : memref<128x128xf32, #tpu.memory_space<vmem>>) dst(%dma_wait3A_45 : memref<128x128xf32, #tpu.memory_space<vmem_shared>>)
      tpu.yield
    }) : () -> ()
    %mul3A_22 = arith.constant 640 : i32
    %mul3A_23 = arith.muli %arg1, %mul3A_22 : i32
    %add3A_24 = arith.constant 512 : i32
    %add3A_25 = arith.addi %mul3A_23, %add3A_24 : i32
    "tpu.region"() ({
      %run_scoped3A = tpu.sem_alloc : memref<!tpu.dma_semaphore, #tpu.memory_space<semaphore_mem>>
      %dma_start3A = arith.constant 0 : i32
      %dma_start3A_40 = tpu.memref_slice %arg11[%add3A_25, %dma_start3A] : memref<10240x128xf32, #tpu.memory_space<vmem_shared>> -> memref<128x128xf32, #tpu.memory_space<vmem_shared>>
      %dma_start3A_41 = arith.constant 0 : i32
      %dma_start3A_42 = tpu.memref_slice %arg11[%add3A_25, %dma_start3A_41] : memref<10240x128xf32, #tpu.memory_space<vmem_shared>> -> memref<128x128xf32, #tpu.memory_space<vmem_shared>>
      tpu.enqueue_dma source(%arg9 : memref<128x128xf32, #tpu.memory_space<vmem>>) target(%dma_start3A_42 : memref<128x128xf32, #tpu.memory_space<vmem_shared>>) target_semaphore(%run_scoped3A : memref<!tpu.dma_semaphore, #tpu.memory_space<semaphore_mem>>)
      %dma_wait3A = arith.constant 0 : i32
      %dma_wait3A_43 = tpu.memref_slice %arg11[%add3A_25, %dma_wait3A] : memref<10240x128xf32, #tpu.memory_space<vmem_shared>> -> memref<128x128xf32, #tpu.memory_space<vmem_shared>>
      %dma_wait3A_44 = arith.constant 0 : i32
      %dma_wait3A_45 = tpu.memref_slice %arg11[%add3A_25, %dma_wait3A_44] : memref<10240x128xf32, #tpu.memory_space<vmem_shared>> -> memref<128x128xf32, #tpu.memory_space<vmem_shared>>
      tpu.wait_dma2 semaphore(%run_scoped3A : memref<!tpu.dma_semaphore, #tpu.memory_space<semaphore_mem>>) src(%arg9 : memref<128x128xf32, #tpu.memory_space<vmem>>) dst(%dma_wait3A_45 : memref<128x128xf32, #tpu.memory_space<vmem_shared>>)
      tpu.yield
    }) : () -> ()
    %barrier3A = arith.constant 0 : index
    tpu.barrier barrier_id(%barrier3A)
    %scan3A_26 = arith.constant 0 : i32
    %scan3A_27 = arith.constant 0 : i32
    %scan3A_28 = arith.constant 2 : i32
    %scan3A_29 = arith.addi %scan3A_27, %scan3A_28 : i32
    %scan3A_30 = arith.constant 1 : i32
    scf.for %scan3A_40 = %scan3A_27 to %scan3A_29 step %scan3A_30  : i32 {
      "tpu.region"() ({
        %run_scoped3A_74 = tpu.sem_alloc : memref<!tpu.dma_semaphore, #tpu.memory_space<semaphore_mem>>
        %dma_start3A_75 = arith.constant 0 : i32
        %dma_start3A_76 = arith.constant 0 : i32
        %dma_start3A_77 = tpu.memref_slice %arg3[%add3A, %scan3A_40, %dma_start3A_75, %dma_start3A_76] : memref<32x2x40x128xi32, #tpu.memory_space<hbm>> -> memref<1x1x40x128xi32, #tpu.memory_space<hbm>>
        %dma_start3A_78 = tpu.memref_squeeze %dma_start3A_77 : memref<1x1x40x128xi32, #tpu.memory_space<hbm>> -> memref<40x128xi32, #tpu.memory_space<hbm>>
        %dma_start3A_79 = arith.constant 0 : i32
        %dma_start3A_80 = arith.constant 0 : i32
        %dma_start3A_81 = tpu.memref_slice %arg3[%add3A, %scan3A_40, %dma_start3A_79, %dma_start3A_80] : memref<32x2x40x128xi32, #tpu.memory_space<hbm>> -> memref<1x1x40x128xi32, #tpu.memory_space<hbm>>
        %dma_start3A_82 = tpu.memref_squeeze %dma_start3A_81 : memref<1x1x40x128xi32, #tpu.memory_space<hbm>> -> memref<40x128xi32, #tpu.memory_space<hbm>>
        tpu.enqueue_dma source(%dma_start3A_82 : memref<40x128xi32, #tpu.memory_space<hbm>>) target(%arg7 : memref<40x128xi32, #tpu.memory_space<vmem>>) target_semaphore(%run_scoped3A_74 : memref<!tpu.dma_semaphore, #tpu.memory_space<semaphore_mem>>)
        %dma_wait3A_83 = arith.constant 0 : i32
        %dma_wait3A_84 = arith.constant 0 : i32
        %dma_wait3A_85 = tpu.memref_slice %arg3[%add3A, %scan3A_40, %dma_wait3A_83, %dma_wait3A_84] : memref<32x2x40x128xi32, #tpu.memory_space<hbm>> -> memref<1x1x40x128xi32, #tpu.memory_space<hbm>>
        %dma_wait3A_86 = tpu.memref_squeeze %dma_wait3A_85 : memref<1x1x40x128xi32, #tpu.memory_space<hbm>> -> memref<40x128xi32, #tpu.memory_space<hbm>>
        %dma_wait3A_87 = arith.constant 0 : i32
        %dma_wait3A_88 = arith.constant 0 : i32
        %dma_wait3A_89 = tpu.memref_slice %arg3[%add3A, %scan3A_40, %dma_wait3A_87, %dma_wait3A_88] : memref<32x2x40x128xi32, #tpu.memory_space<hbm>> -> memref<1x1x40x128xi32, #tpu.memory_space<hbm>>
        %dma_wait3A_90 = tpu.memref_squeeze %dma_wait3A_89 : memref<1x1x40x128xi32, #tpu.memory_space<hbm>> -> memref<40x128xi32, #tpu.memory_space<hbm>>
        tpu.wait_dma2 semaphore(%run_scoped3A_74 : memref<!tpu.dma_semaphore, #tpu.memory_space<semaphore_mem>>) src(%dma_wait3A_90 : memref<40x128xi32, #tpu.memory_space<hbm>>) dst(%arg7 : memref<40x128xi32, #tpu.memory_space<vmem>>)
        tpu.yield
      }) : () -> ()
      "tpu.region"() ({
        %run_scoped3A_74 = tpu.sem_alloc : memref<!tpu.dma_semaphore, #tpu.memory_space<semaphore_mem>>
        %dma_start3A_75 = arith.constant 0 : i32
        %dma_start3A_76 = arith.constant 0 : i32
        %dma_start3A_77 = tpu.memref_slice %arg4[%add3A, %scan3A_40, %dma_start3A_75, %dma_start3A_76] : memref<32x2x40x128xi32, #tpu.memory_space<hbm>> -> memref<1x1x40x128xi32, #tpu.memory_space<hbm>>
        %dma_start3A_78 = tpu.memref_squeeze %dma_start3A_77 : memref<1x1x40x128xi32, #tpu.memory_space<hbm>> -> memref<40x128xi32, #tpu.memory_space<hbm>>
        %dma_start3A_79 = arith.constant 0 : i32
        %dma_start3A_80 = arith.constant 0 : i32
        %dma_start3A_81 = tpu.memref_slice %arg4[%add3A, %scan3A_40, %dma_start3A_79, %dma_start3A_80] : memref<32x2x40x128xi32, #tpu.memory_space<hbm>> -> memref<1x1x40x128xi32, #tpu.memory_space<hbm>>
        %dma_start3A_82 = tpu.memref_squeeze %dma_start3A_81 : memref<1x1x40x128xi32, #tpu.memory_space<hbm>> -> memref<40x128xi32, #tpu.memory_space<hbm>>
        tpu.enqueue_dma source(%dma_start3A_82 : memref<40x128xi32, #tpu.memory_space<hbm>>) target(%arg8 : memref<40x128xi32, #tpu.memory_space<vmem>>) target_semaphore(%run_scoped3A_74 : memref<!tpu.dma_semaphore, #tpu.memory_space<semaphore_mem>>)
        %dma_wait3A_83 = arith.constant 0 : i32
        %dma_wait3A_84 = arith.constant 0 : i32
        %dma_wait3A_85 = tpu.memref_slice %arg4[%add3A, %scan3A_40, %dma_wait3A_83, %dma_wait3A_84] : memref<32x2x40x128xi32, #tpu.memory_space<hbm>> -> memref<1x1x40x128xi32, #tpu.memory_space<hbm>>
        %dma_wait3A_86 = tpu.memref_squeeze %dma_wait3A_85 : memref<1x1x40x128xi32, #tpu.memory_space<hbm>> -> memref<40x128xi32, #tpu.memory_space<hbm>>
        %dma_wait3A_87 = arith.constant 0 : i32
        %dma_wait3A_88 = arith.constant 0 : i32
        %dma_wait3A_89 = tpu.memref_slice %arg4[%add3A, %scan3A_40, %dma_wait3A_87, %dma_wait3A_88] : memref<32x2x40x128xi32, #tpu.memory_space<hbm>> -> memref<1x1x40x128xi32, #tpu.memory_space<hbm>>
        %dma_wait3A_90 = tpu.memref_squeeze %dma_wait3A_89 : memref<1x1x40x128xi32, #tpu.memory_space<hbm>> -> memref<40x128xi32, #tpu.memory_space<hbm>>
        tpu.wait_dma2 semaphore(%run_scoped3A_74 : memref<!tpu.dma_semaphore, #tpu.memory_space<semaphore_mem>>) src(%dma_wait3A_90 : memref<40x128xi32, #tpu.memory_space<hbm>>) dst(%arg8 : memref<40x128xi32, #tpu.memory_space<vmem>>)
        tpu.yield
      }) : () -> ()
      %dma_start3A = arith.constant 0 : i32
      %dma_start3A_41 = arith.constant 0 : i32
      %dma_start3A_42 = tpu.memref_slice %arg7[%dma_start3A, %dma_start3A_41] : memref<40x128xi32, #tpu.memory_space<vmem>> -> memref<1x128xi32, #tpu.memory_space<vmem>>
      %dma_start3A_43 = tpu.memref_squeeze %dma_start3A_42 : memref<1x128xi32, #tpu.memory_space<vmem>> -> memref<128xi32, #tpu.memory_space<vmem>>
      %dma_start3A_44 = arith.constant 0 : i32
      %dma_start3A_45 = arith.constant 0 : i32
      %dma_start3A_46 = tpu.memref_slice %arg2[%dma_start3A_44, %dma_start3A_45] : memref<40960x128xf32, #tpu.memory_space<hbm>> -> memref<40960x128xf32, #tpu.memory_space<hbm>>
      tpu.enqueue_indirect_dma source(%dma_start3A_46 : memref<40960x128xf32, #tpu.memory_space<hbm>>) target(%arg9 : memref<128x128xf32, #tpu.memory_space<vmem>>) offsets(%dma_start3A_43 : memref<128xi32, #tpu.memory_space<vmem>>) semaphore(%arg12 : memref<!tpu.dma_semaphore, #tpu.memory_space<semaphore_mem>>)
      %scan3A_47 = arith.constant 0 : i32
      %scan3A_48 = arith.constant 0 : i32
      %scan3A_49 = arith.constant 19 : i32
      %scan3A_50 = arith.addi %scan3A_48, %scan3A_49 : i32
      %scan3A_51 = arith.constant 1 : i32
      scf.for %scan3A_74 = %scan3A_48 to %scan3A_50 step %scan3A_51  : i32 {
        %mul3A_75 = arith.constant 2 : i32
        %mul3A_76 = arith.muli %scan3A_74, %mul3A_75 : i32
        %dma_wait3A_77 = arith.constant 0 : i32
        %dma_wait3A_78 = tpu.memref_slice %arg7[%mul3A_76, %dma_wait3A_77] : memref<40x128xi32, #tpu.memory_space<vmem>> -> memref<1x128xi32, #tpu.memory_space<vmem>>
        %dma_wait3A_79 = tpu.memref_squeeze %dma_wait3A_78 : memref<1x128xi32, #tpu.memory_space<vmem>> -> memref<128xi32, #tpu.memory_space<vmem>>
        %dma_wait3A_80 = arith.constant 0 : i32
        %dma_wait3A_81 = arith.constant 0 : i32
        %dma_wait3A_82 = tpu.memref_slice %arg2[%dma_wait3A_80, %dma_wait3A_81] : memref<40960x128xf32, #tpu.memory_space<hbm>> -> memref<40960x128xf32, #tpu.memory_space<hbm>>
        tpu.wait_indirect_dma semaphore(%arg12 : memref<!tpu.dma_semaphore, #tpu.memory_space<semaphore_mem>>) src(%dma_wait3A_82 : memref<40960x128xf32, #tpu.memory_space<hbm>>) dst(%arg9 : memref<128x128xf32, #tpu.memory_space<vmem>>)
        %add3A_83 = arith.constant 1 : i32
        %add3A_84 = arith.addi %mul3A_76, %add3A_83 : i32
        %dma_start3A_85 = arith.constant 0 : i32
        %dma_start3A_86 = tpu.memref_slice %arg7[%add3A_84, %dma_start3A_85] : memref<40x128xi32, #tpu.memory_space<vmem>> -> memref<1x128xi32, #tpu.memory_space<vmem>>
        %dma_start3A_87 = tpu.memref_squeeze %dma_start3A_86 : memref<1x128xi32, #tpu.memory_space<vmem>> -> memref<128xi32, #tpu.memory_space<vmem>>
        %dma_start3A_88 = arith.constant 0 : i32
        %dma_start3A_89 = arith.constant 0 : i32
        %dma_start3A_90 = tpu.memref_slice %arg2[%dma_start3A_88, %dma_start3A_89] : memref<40960x128xf32, #tpu.memory_space<hbm>> -> memref<40960x128xf32, #tpu.memory_space<hbm>>
        tpu.enqueue_indirect_dma source(%dma_start3A_90 : memref<40960x128xf32, #tpu.memory_space<hbm>>) target(%arg10 : memref<128x128xf32, #tpu.memory_space<vmem>>) offsets(%dma_start3A_87 : memref<128xi32, #tpu.memory_space<vmem>>) semaphore(%arg13 : memref<!tpu.dma_semaphore, #tpu.memory_space<semaphore_mem>>)
        "tpu.region"() ({
          %run_scoped3A_109 = tpu.sem_alloc : memref<!tpu.dma_semaphore, #tpu.memory_space<semaphore_mem>>
          %dma_start3A_110 = arith.constant 0 : i32
          %dma_start3A_111 = tpu.memref_slice %arg8[%mul3A_76, %dma_start3A_110] : memref<40x128xi32, #tpu.memory_space<vmem>> -> memref<1x128xi32, #tpu.memory_space<vmem>>
          %dma_start3A_112 = tpu.memref_squeeze %dma_start3A_111 : memref<1x128xi32, #tpu.memory_space<vmem>> -> memref<128xi32, #tpu.memory_space<vmem>>
          %dma_start3A_113 = arith.constant 0 : i32
          %dma_start3A_114 = arith.constant 0 : i32
          %dma_start3A_115 = tpu.memref_slice %arg11[%dma_start3A_113, %dma_start3A_114] : memref<10240x128xf32, #tpu.memory_space<vmem_shared>> -> memref<10240x128xf32, #tpu.memory_space<vmem_shared>>
          tpu.enqueue_indirect_dma source(%arg9 : memref<128x128xf32, #tpu.memory_space<vmem>>) target(%dma_start3A_115 : memref<10240x128xf32, #tpu.memory_space<vmem_shared>>) offsets(%dma_start3A_112 : memref<128xi32, #tpu.memory_space<vmem>>) semaphore(%run_scoped3A_109 : memref<!tpu.dma_semaphore, #tpu.memory_space<semaphore_mem>>) {add = true}
          %dma_wait3A_116 = arith.constant 0 : i32
          %dma_wait3A_117 = tpu.memref_slice %arg8[%mul3A_76, %dma_wait3A_116] : memref<40x128xi32, #tpu.memory_space<vmem>> -> memref<1x128xi32, #tpu.memory_space<vmem>>
          %dma_wait3A_118 = tpu.memref_squeeze %dma_wait3A_117 : memref<1x128xi32, #tpu.memory_space<vmem>> -> memref<128xi32, #tpu.memory_space<vmem>>
          %dma_wait3A_119 = arith.constant 0 : i32
          %dma_wait3A_120 = arith.constant 0 : i32
          %dma_wait3A_121 = tpu.memref_slice %arg11[%dma_wait3A_119, %dma_wait3A_120] : memref<10240x128xf32, #tpu.memory_space<vmem_shared>> -> memref<10240x128xf32, #tpu.memory_space<vmem_shared>>
          tpu.wait_indirect_dma semaphore(%run_scoped3A_109 : memref<!tpu.dma_semaphore, #tpu.memory_space<semaphore_mem>>) src(%arg9 : memref<128x128xf32, #tpu.memory_space<vmem>>) dst(%dma_wait3A_121 : memref<10240x128xf32, #tpu.memory_space<vmem_shared>>)
          tpu.yield
        }) : () -> ()
        %add3A_91 = arith.constant 1 : i32
        %add3A_92 = arith.addi %mul3A_76, %add3A_91 : i32
        %dma_wait3A_93 = arith.constant 0 : i32
        %dma_wait3A_94 = tpu.memref_slice %arg7[%add3A_92, %dma_wait3A_93] : memref<40x128xi32, #tpu.memory_space<vmem>> -> memref<1x128xi32, #tpu.memory_space<vmem>>
        %dma_wait3A_95 = tpu.memref_squeeze %dma_wait3A_94 : memref<1x128xi32, #tpu.memory_space<vmem>> -> memref<128xi32, #tpu.memory_space<vmem>>
        %dma_wait3A_96 = arith.constant 0 : i32
        %dma_wait3A_97 = arith.constant 0 : i32
        %dma_wait3A_98 = tpu.memref_slice %arg2[%dma_wait3A_96, %dma_wait3A_97] : memref<40960x128xf32, #tpu.memory_space<hbm>> -> memref<40960x128xf32, #tpu.memory_space<hbm>>
        tpu.wait_indirect_dma semaphore(%arg13 : memref<!tpu.dma_semaphore, #tpu.memory_space<semaphore_mem>>) src(%dma_wait3A_98 : memref<40960x128xf32, #tpu.memory_space<hbm>>) dst(%arg10 : memref<128x128xf32, #tpu.memory_space<vmem>>)
        %add3A_99 = arith.constant 2 : i32
        %add3A_100 = arith.addi %mul3A_76, %add3A_99 : i32
        %dma_start3A_101 = arith.constant 0 : i32
        %dma_start3A_102 = tpu.memref_slice %arg7[%add3A_100, %dma_start3A_101] : memref<40x128xi32, #tpu.memory_space<vmem>> -> memref<1x128xi32, #tpu.memory_space<vmem>>
        %dma_start3A_103 = tpu.memref_squeeze %dma_start3A_102 : memref<1x128xi32, #tpu.memory_space<vmem>> -> memref<128xi32, #tpu.memory_space<vmem>>
        %dma_start3A_104 = arith.constant 0 : i32
        %dma_start3A_105 = arith.constant 0 : i32
        %dma_start3A_106 = tpu.memref_slice %arg2[%dma_start3A_104, %dma_start3A_105] : memref<40960x128xf32, #tpu.memory_space<hbm>> -> memref<40960x128xf32, #tpu.memory_space<hbm>>
        tpu.enqueue_indirect_dma source(%dma_start3A_106 : memref<40960x128xf32, #tpu.memory_space<hbm>>) target(%arg9 : memref<128x128xf32, #tpu.memory_space<vmem>>) offsets(%dma_start3A_103 : memref<128xi32, #tpu.memory_space<vmem>>) semaphore(%arg12 : memref<!tpu.dma_semaphore, #tpu.memory_space<semaphore_mem>>)
        %add3A_107 = arith.constant 1 : i32
        %add3A_108 = arith.addi %mul3A_76, %add3A_107 : i32
        "tpu.region"() ({
          %run_scoped3A_109 = tpu.sem_alloc : memref<!tpu.dma_semaphore, #tpu.memory_space<semaphore_mem>>
          %dma_start3A_110 = arith.constant 0 : i32
          %dma_start3A_111 = tpu.memref_slice %arg8[%add3A_108, %dma_start3A_110] : memref<40x128xi32, #tpu.memory_space<vmem>> -> memref<1x128xi32, #tpu.memory_space<vmem>>
          %dma_start3A_112 = tpu.memref_squeeze %dma_start3A_111 : memref<1x128xi32, #tpu.memory_space<vmem>> -> memref<128xi32, #tpu.memory_space<vmem>>
          %dma_start3A_113 = arith.constant 0 : i32
          %dma_start3A_114 = arith.constant 0 : i32
          %dma_start3A_115 = tpu.memref_slice %arg11[%dma_start3A_113, %dma_start3A_114] : memref<10240x128xf32, #tpu.memory_space<vmem_shared>> -> memref<10240x128xf32, #tpu.memory_space<vmem_shared>>
          tpu.enqueue_indirect_dma source(%arg10 : memref<128x128xf32, #tpu.memory_space<vmem>>) target(%dma_start3A_115 : memref<10240x128xf32, #tpu.memory_space<vmem_shared>>) offsets(%dma_start3A_112 : memref<128xi32, #tpu.memory_space<vmem>>) semaphore(%run_scoped3A_109 : memref<!tpu.dma_semaphore, #tpu.memory_space<semaphore_mem>>) {add = true}
          %dma_wait3A_116 = arith.constant 0 : i32
          %dma_wait3A_117 = tpu.memref_slice %arg8[%add3A_108, %dma_wait3A_116] : memref<40x128xi32, #tpu.memory_space<vmem>> -> memref<1x128xi32, #tpu.memory_space<vmem>>
          %dma_wait3A_118 = tpu.memref_squeeze %dma_wait3A_117 : memref<1x128xi32, #tpu.memory_space<vmem>> -> memref<128xi32, #tpu.memory_space<vmem>>
          %dma_wait3A_119 = arith.constant 0 : i32
          %dma_wait3A_120 = arith.constant 0 : i32
          %dma_wait3A_121 = tpu.memref_slice %arg11[%dma_wait3A_119, %dma_wait3A_120] : memref<10240x128xf32, #tpu.memory_space<vmem_shared>> -> memref<10240x128xf32, #tpu.memory_space<vmem_shared>>
          tpu.wait_indirect_dma semaphore(%run_scoped3A_109 : memref<!tpu.dma_semaphore, #tpu.memory_space<semaphore_mem>>) src(%arg10 : memref<128x128xf32, #tpu.memory_space<vmem>>) dst(%dma_wait3A_121 : memref<10240x128xf32, #tpu.memory_space<vmem_shared>>)
          tpu.yield
        }) : () -> ()
      }
      %scan3A_52 = arith.constant 19 : i32
      %dma_wait3A = arith.constant 38 : i32
      %dma_wait3A_53 = arith.constant 0 : i32
      %dma_wait3A_54 = tpu.memref_slice %arg7[%dma_wait3A, %dma_wait3A_53] : memref<40x128xi32, #tpu.memory_space<vmem>> -> memref<1x128xi32, #tpu.memory_space<vmem>>
      %dma_wait3A_55 = tpu.memref_squeeze %dma_wait3A_54 : memref<1x128xi32, #tpu.memory_space<vmem>> -> memref<128xi32, #tpu.memory_space<vmem>>
      %dma_wait3A_56 = arith.constant 0 : i32
      %dma_wait3A_57 = arith.constant 0 : i32
      %dma_wait3A_58 = tpu.memref_slice %arg2[%dma_wait3A_56, %dma_wait3A_57] : memref<40960x128xf32, #tpu.memory_space<hbm>> -> memref<40960x128xf32, #tpu.memory_space<hbm>>
      tpu.wait_indirect_dma semaphore(%arg12 : memref<!tpu.dma_semaphore, #tpu.memory_space<semaphore_mem>>) src(%dma_wait3A_58 : memref<40960x128xf32, #tpu.memory_space<hbm>>) dst(%arg9 : memref<128x128xf32, #tpu.memory_space<vmem>>)
      %dma_start3A_59 = arith.constant 39 : i32
      %dma_start3A_60 = arith.constant 0 : i32
      %dma_start3A_61 = tpu.memref_slice %arg7[%dma_start3A_59, %dma_start3A_60] : memref<40x128xi32, #tpu.memory_space<vmem>> -> memref<1x128xi32, #tpu.memory_space<vmem>>
      %dma_start3A_62 = tpu.memref_squeeze %dma_start3A_61 : memref<1x128xi32, #tpu.memory_space<vmem>> -> memref<128xi32, #tpu.memory_space<vmem>>
      %dma_start3A_63 = arith.constant 0 : i32
      %dma_start3A_64 = arith.constant 0 : i32
      %dma_start3A_65 = tpu.memref_slice %arg2[%dma_start3A_63, %dma_start3A_64] : memref<40960x128xf32, #tpu.memory_space<hbm>> -> memref<40960x128xf32, #tpu.memory_space<hbm>>
      tpu.enqueue_indirect_dma source(%dma_start3A_65 : memref<40960x128xf32, #tpu.memory_space<hbm>>) target(%arg10 : memref<128x128xf32, #tpu.memory_space<vmem>>) offsets(%dma_start3A_62 : memref<128xi32, #tpu.memory_space<vmem>>) semaphore(%arg13 : memref<!tpu.dma_semaphore, #tpu.memory_space<semaphore_mem>>)
      %run_scoped3A = arith.constant 38 : i32
      "tpu.region"() ({
        %run_scoped3A_74 = tpu.sem_alloc : memref<!tpu.dma_semaphore, #tpu.memory_space<semaphore_mem>>
        %dma_start3A_75 = arith.constant 0 : i32
        %dma_start3A_76 = tpu.memref_slice %arg8[%run_scoped3A, %dma_start3A_75] : memref<40x128xi32, #tpu.memory_space<vmem>> -> memref<1x128xi32, #tpu.memory_space<vmem>>
        %dma_start3A_77 = tpu.memref_squeeze %dma_start3A_76 : memref<1x128xi32, #tpu.memory_space<vmem>> -> memref<128xi32, #tpu.memory_space<vmem>>
        %dma_start3A_78 = arith.constant 0 : i32
        %dma_start3A_79 = arith.constant 0 : i32
        %dma_start3A_80 = tpu.memref_slice %arg11[%dma_start3A_78, %dma_start3A_79] : memref<10240x128xf32, #tpu.memory_space<vmem_shared>> -> memref<10240x128xf32, #tpu.memory_space<vmem_shared>>
        tpu.enqueue_indirect_dma source(%arg9 : memref<128x128xf32, #tpu.memory_space<vmem>>) target(%dma_start3A_80 : memref<10240x128xf32, #tpu.memory_space<vmem_shared>>) offsets(%dma_start3A_77 : memref<128xi32, #tpu.memory_space<vmem>>) semaphore(%run_scoped3A_74 : memref<!tpu.dma_semaphore, #tpu.memory_space<semaphore_mem>>) {add = true}
        %dma_wait3A_81 = arith.constant 0 : i32
        %dma_wait3A_82 = tpu.memref_slice %arg8[%run_scoped3A, %dma_wait3A_81] : memref<40x128xi32, #tpu.memory_space<vmem>> -> memref<1x128xi32, #tpu.memory_space<vmem>>
        %dma_wait3A_83 = tpu.memref_squeeze %dma_wait3A_82 : memref<1x128xi32, #tpu.memory_space<vmem>> -> memref<128xi32, #tpu.memory_space<vmem>>
        %dma_wait3A_84 = arith.constant 0 : i32
        %dma_wait3A_85 = arith.constant 0 : i32
        %dma_wait3A_86 = tpu.memref_slice %arg11[%dma_wait3A_84, %dma_wait3A_85] : memref<10240x128xf32, #tpu.memory_space<vmem_shared>> -> memref<10240x128xf32, #tpu.memory_space<vmem_shared>>
        tpu.wait_indirect_dma semaphore(%run_scoped3A_74 : memref<!tpu.dma_semaphore, #tpu.memory_space<semaphore_mem>>) src(%arg9 : memref<128x128xf32, #tpu.memory_space<vmem>>) dst(%dma_wait3A_86 : memref<10240x128xf32, #tpu.memory_space<vmem_shared>>)
        tpu.yield
      }) : () -> ()
      %dma_wait3A_66 = arith.constant 39 : i32
      %dma_wait3A_67 = arith.constant 0 : i32
      %dma_wait3A_68 = tpu.memref_slice %arg7[%dma_wait3A_66, %dma_wait3A_67] : memref<40x128xi32, #tpu.memory_space<vmem>> -> memref<1x128xi32, #tpu.memory_space<vmem>>
      %dma_wait3A_69 = tpu.memref_squeeze %dma_wait3A_68 : memref<1x128xi32, #tpu.memory_space<vmem>> -> memref<128xi32, #tpu.memory_space<vmem>>
      %dma_wait3A_70 = arith.constant 0 : i32
      %dma_wait3A_71 = arith.constant 0 : i32
      %dma_wait3A_72 = tpu.memref_slice %arg2[%dma_wait3A_70, %dma_wait3A_71] : memref<40960x128xf32, #tpu.memory_space<hbm>> -> memref<40960x128xf32, #tpu.memory_space<hbm>>
      tpu.wait_indirect_dma semaphore(%arg13 : memref<!tpu.dma_semaphore, #tpu.memory_space<semaphore_mem>>) src(%dma_wait3A_72 : memref<40960x128xf32, #tpu.memory_space<hbm>>) dst(%arg10 : memref<128x128xf32, #tpu.memory_space<vmem>>)
      %run_scoped3A_73 = arith.constant 39 : i32
      "tpu.region"() ({
        %run_scoped3A_74 = tpu.sem_alloc : memref<!tpu.dma_semaphore, #tpu.memory_space<semaphore_mem>>
        %dma_start3A_75 = arith.constant 0 : i32
        %dma_start3A_76 = tpu.memref_slice %arg8[%run_scoped3A_73, %dma_start3A_75] : memref<40x128xi32, #tpu.memory_space<vmem>> -> memref<1x128xi32, #tpu.memory_space<vmem>>
        %dma_start3A_77 = tpu.memref_squeeze %dma_start3A_76 : memref<1x128xi32, #tpu.memory_space<vmem>> -> memref<128xi32, #tpu.memory_space<vmem>>
        %dma_start3A_78 = arith.constant 0 : i32
        %dma_start3A_79 = arith.constant 0 : i32
        %dma_start3A_80 = tpu.memref_slice %arg11[%dma_start3A_78, %dma_start3A_79] : memref<10240x128xf32, #tpu.memory_space<vmem_shared>> -> memref<10240x128xf32, #tpu.memory_space<vmem_shared>>
        tpu.enqueue_indirect_dma source(%arg10 : memref<128x128xf32, #tpu.memory_space<vmem>>) target(%dma_start3A_80 : memref<10240x128xf32, #tpu.memory_space<vmem_shared>>) offsets(%dma_start3A_77 : memref<128xi32, #tpu.memory_space<vmem>>) semaphore(%run_scoped3A_74 : memref<!tpu.dma_semaphore, #tpu.memory_space<semaphore_mem>>) {add = true}
        %dma_wait3A_81 = arith.constant 0 : i32
        %dma_wait3A_82 = tpu.memref_slice %arg8[%run_scoped3A_73, %dma_wait3A_81] : memref<40x128xi32, #tpu.memory_space<vmem>> -> memref<1x128xi32, #tpu.memory_space<vmem>>
        %dma_wait3A_83 = tpu.memref_squeeze %dma_wait3A_82 : memref<1x128xi32, #tpu.memory_space<vmem>> -> memref<128xi32, #tpu.memory_space<vmem>>
        %dma_wait3A_84 = arith.constant 0 : i32
        %dma_wait3A_85 = arith.constant 0 : i32
        %dma_wait3A_86 = tpu.memref_slice %arg11[%dma_wait3A_84, %dma_wait3A_85] : memref<10240x128xf32, #tpu.memory_space<vmem_shared>> -> memref<10240x128xf32, #tpu.memory_space<vmem_shared>>
        tpu.wait_indirect_dma semaphore(%run_scoped3A_74 : memref<!tpu.dma_semaphore, #tpu.memory_space<semaphore_mem>>) src(%arg10 : memref<128x128xf32, #tpu.memory_space<vmem>>) dst(%dma_wait3A_86 : memref<10240x128xf32, #tpu.memory_space<vmem_shared>>)
        tpu.yield
      }) : () -> ()
    }
    %scan3A_31 = arith.constant 2 : i32
    %barrier3A_32 = arith.constant 0 : index
    tpu.barrier barrier_id(%barrier3A_32)
    %eq3A = arith.constant 0 : i32
    %eq3A_33 = arith.cmpi eq, %arg0, %eq3A : i32
    %convert_element_type3A = arith.extui %eq3A_33 : i1 to i32
    %cond3A = arith.constant 0 : i32
    %cond3A_34 = arith.cmpi ne, %convert_element_type3A, %cond3A : i32
    scf.if %cond3A_34 {
      %mul3A_40 = arith.constant 640 : i32
      %mul3A_41 = arith.muli %arg1, %mul3A_40 : i32
      %mul3A_42 = arith.constant 640 : i32
      %mul3A_43 = arith.muli %arg1, %mul3A_42 : i32
      "tpu.region"() ({
        %run_scoped3A = tpu.sem_alloc : memref<!tpu.dma_semaphore, #tpu.memory_space<semaphore_mem>>
        %dma_start3A = arith.constant 0 : i32
        %dma_start3A_44 = tpu.memref_slice %arg5[%mul3A_43, %dma_start3A] : memref<10240x128xf32, #tpu.memory_space<hbm>> -> memref<640x128xf32, #tpu.memory_space<hbm>>
        %dma_start3A_45 = arith.constant 0 : i32
        %dma_start3A_46 = tpu.memref_slice %arg11[%mul3A_41, %dma_start3A_45] : memref<10240x128xf32, #tpu.memory_space<vmem_shared>> -> memref<640x128xf32, #tpu.memory_space<vmem_shared>>
        tpu.enqueue_dma source(%dma_start3A_46 : memref<640x128xf32, #tpu.memory_space<vmem_shared>>) target(%dma_start3A_44 : memref<640x128xf32, #tpu.memory_space<hbm>>) target_semaphore(%run_scoped3A : memref<!tpu.dma_semaphore, #tpu.memory_space<semaphore_mem>>)
        %dma_wait3A = arith.constant 0 : i32
        %dma_wait3A_47 = tpu.memref_slice %arg5[%mul3A_43, %dma_wait3A] : memref<10240x128xf32, #tpu.memory_space<hbm>> -> memref<640x128xf32, #tpu.memory_space<hbm>>
        %dma_wait3A_48 = arith.constant 0 : i32
        %dma_wait3A_49 = tpu.memref_slice %arg11[%mul3A_41, %dma_wait3A_48] : memref<10240x128xf32, #tpu.memory_space<vmem_shared>> -> memref<640x128xf32, #tpu.memory_space<vmem_shared>>
        tpu.wait_dma2 semaphore(%run_scoped3A : memref<!tpu.dma_semaphore, #tpu.memory_space<semaphore_mem>>) src(%dma_wait3A_49 : memref<640x128xf32, #tpu.memory_space<vmem_shared>>) dst(%dma_wait3A_47 : memref<640x128xf32, #tpu.memory_space<hbm>>)
        tpu.yield
      }) : () -> ()
    } else {
    }
    %eq3A_35 = arith.constant 1 : i32
    %eq3A_36 = arith.cmpi eq, %arg0, %eq3A_35 : i32
    %convert_element_type3A_37 = arith.extui %eq3A_36 : i1 to i32
    %cond3A_38 = arith.constant 0 : i32
    %cond3A_39 = arith.cmpi ne, %convert_element_type3A_37, %cond3A_38 : i32
    scf.if %cond3A_39 {
      %mul3A_40 = arith.constant 640 : i32
      %mul3A_41 = arith.muli %arg1, %mul3A_40 : i32
      %mul3A_42 = arith.constant 640 : i32
      %mul3A_43 = arith.muli %arg1, %mul3A_42 : i32
      "tpu.region"() ({
        %run_scoped3A = tpu.sem_alloc : memref<!tpu.dma_semaphore, #tpu.memory_space<semaphore_mem>>
        %dma_start3A = arith.constant 0 : i32
        %dma_start3A_44 = tpu.memref_slice %arg6[%mul3A_43, %dma_start3A] : memref<10240x128xf32, #tpu.memory_space<hbm>> -> memref<640x128xf32, #tpu.memory_space<hbm>>
        %dma_start3A_45 = arith.constant 0 : i32
        %dma_start3A_46 = tpu.memref_slice %arg11[%mul3A_41, %dma_start3A_45] : memref<10240x128xf32, #tpu.memory_space<vmem_shared>> -> memref<640x128xf32, #tpu.memory_space<vmem_shared>>
        tpu.enqueue_dma source(%dma_start3A_46 : memref<640x128xf32, #tpu.memory_space<vmem_shared>>) target(%dma_start3A_44 : memref<640x128xf32, #tpu.memory_space<hbm>>) target_semaphore(%run_scoped3A : memref<!tpu.dma_semaphore, #tpu.memory_space<semaphore_mem>>)
        %dma_wait3A = arith.constant 0 : i32
        %dma_wait3A_47 = tpu.memref_slice %arg6[%mul3A_43, %dma_wait3A] : memref<10240x128xf32, #tpu.memory_space<hbm>> -> memref<640x128xf32, #tpu.memory_space<hbm>>
        %dma_wait3A_48 = arith.constant 0 : i32
        %dma_wait3A_49 = tpu.memref_slice %arg11[%mul3A_41, %dma_wait3A_48] : memref<10240x128xf32, #tpu.memory_space<vmem_shared>> -> memref<640x128xf32, #tpu.memory_space<vmem_shared>>
        tpu.wait_dma2 semaphore(%run_scoped3A : memref<!tpu.dma_semaphore, #tpu.memory_space<semaphore_mem>>) src(%dma_wait3A_49 : memref<640x128xf32, #tpu.memory_space<vmem_shared>>) dst(%dma_wait3A_47 : memref<640x128xf32, #tpu.memory_space<hbm>>)
        tpu.yield
      }) : () -> ()
    } else {
    }
    return
  }
}

module attributes {stable_mosaic.version = 14 : i64} {
  func.func @_trans_body(%arg0: i32, %arg1: memref<2048x128xf32, #tpu.memory_space<vmem>>, %arg2: memref<128x512xf32, #tpu.memory_space<vmem>>, %arg3: memref<1x512xf32, #tpu.memory_space<vmem>>, %arg4: memref<4x2048x128xf32, #tpu.memory_space<vmem>>) attributes {dimension_semantics = [#tpu.dimension_semantics<arbitrary>], iteration_bounds = array<i64: 5>, scalar_prefetch = 0 : i64, scratch_operands = 0 : i64, tpu.core_type = #tpu.core_type<tc>, window_params = [{transform_indices = @transform_0, window_bounds = array<i64: 2048, 128>}, {pipeline_mode = #tpu.pipeline_mode<synchronous>, transform_indices = @transform_1, window_bounds = array<i64: 128, 512>}, {pipeline_mode = #tpu.pipeline_mode<synchronous>, transform_indices = @transform_2, window_bounds = array<i64: 1, 512>}, {transform_indices = @transform_3, window_bounds = array<i64: 4, 2048, 128>}]} {
    %get3A = arith.constant 0 : index
    %get3A_0 = arith.constant 0 : index
    %get3A_1 = vector.load %arg1[%get3A, %get3A_0] : memref<2048x128xf32, #tpu.memory_space<vmem>>, vector<2048x128xf32>
    %get3A_2 = arith.constant 0 : index
    %get3A_3 = arith.constant 0 : index
    %get3A_4 = vector.load %arg2[%get3A_2, %get3A_3] : memref<128x512xf32, #tpu.memory_space<vmem>>, vector<128x512xf32>
    %dot_general3A = arith.constant dense<0.000000e+00> : vector<2048x512xf32>
    %dot_general3A_5 = tpu.matmul %get3A_1, %get3A_4, %dot_general3A {dimension_numbers = #tpu.dot_dimension_numbers<[1], [0], [0], [1], [0, 0, 1, 1], [], []>, transpose_lhs_hint = false} : vector<2048x128xf32>, vector<128x512xf32>, vector<2048x512xf32> -> vector<2048x512xf32>
    %get3A_6 = arith.constant 0 : index
    %get3A_7 = arith.constant 0 : index
    %get3A_8 = vector.load %arg3[%get3A_6, %get3A_7] : memref<1x512xf32, #tpu.memory_space<vmem>>, vector<1x512xf32>
    %add3A = vector.broadcast %get3A_8 : vector<1x512xf32> to vector<2048x512xf32>
    %add3A_9 = arith.addf %dot_general3A_5, %add3A : vector<2048x512xf32>
    %slice3A = vector.extract_strided_slice %add3A_9 {offsets = [0, 0], sizes = [2048, 128], strides = [1, 1]} : vector<2048x512xf32> to vector<2048x128xf32>
    %swap3A = arith.constant 0 : index
    %swap3A_10 = arith.constant 0 : index
    %swap3A_11 = arith.constant 0 : index
    %swap3A_12 = vector.load %arg4[%swap3A, %swap3A_10, %swap3A_11] : memref<4x2048x128xf32, #tpu.memory_space<vmem>>, vector<1x2048x128xf32>
    %swap3A_13 = vector.shape_cast %swap3A_12 : vector<1x2048x128xf32> to vector<2048x128xf32>
    %swap3A_14 = vector.shape_cast %slice3A : vector<2048x128xf32> to vector<1x2048x128xf32>
    tpu.vector_store %arg4[%swap3A, %swap3A_10, %swap3A_11], %swap3A_14 {strides = array<i32>} : memref<4x2048x128xf32, #tpu.memory_space<vmem>>, vector<1x2048x128xf32>,
    %slice3A_15 = vector.extract_strided_slice %add3A_9 {offsets = [0, 128], sizes = [2048, 128], strides = [1, 1]} : vector<2048x512xf32> to vector<2048x128xf32>
    %swap3A_16 = arith.constant 1 : index
    %swap3A_17 = arith.constant 0 : index
    %swap3A_18 = arith.constant 0 : index
    %swap3A_19 = vector.load %arg4[%swap3A_16, %swap3A_17, %swap3A_18] : memref<4x2048x128xf32, #tpu.memory_space<vmem>>, vector<1x2048x128xf32>
    %swap3A_20 = vector.shape_cast %swap3A_19 : vector<1x2048x128xf32> to vector<2048x128xf32>
    %swap3A_21 = vector.shape_cast %slice3A_15 : vector<2048x128xf32> to vector<1x2048x128xf32>
    tpu.vector_store %arg4[%swap3A_16, %swap3A_17, %swap3A_18], %swap3A_21 {strides = array<i32>} : memref<4x2048x128xf32, #tpu.memory_space<vmem>>, vector<1x2048x128xf32>,
    %slice3A_22 = vector.extract_strided_slice %add3A_9 {offsets = [0, 256], sizes = [2048, 128], strides = [1, 1]} : vector<2048x512xf32> to vector<2048x128xf32>
    %swap3A_23 = arith.constant 2 : index
    %swap3A_24 = arith.constant 0 : index
    %swap3A_25 = arith.constant 0 : index
    %swap3A_26 = vector.load %arg4[%swap3A_23, %swap3A_24, %swap3A_25] : memref<4x2048x128xf32, #tpu.memory_space<vmem>>, vector<1x2048x128xf32>
    %swap3A_27 = vector.shape_cast %swap3A_26 : vector<1x2048x128xf32> to vector<2048x128xf32>
    %swap3A_28 = vector.shape_cast %slice3A_22 : vector<2048x128xf32> to vector<1x2048x128xf32>
    tpu.vector_store %arg4[%swap3A_23, %swap3A_24, %swap3A_25], %swap3A_28 {strides = array<i32>} : memref<4x2048x128xf32, #tpu.memory_space<vmem>>, vector<1x2048x128xf32>,
    %slice3A_29 = vector.extract_strided_slice %add3A_9 {offsets = [0, 384], sizes = [2048, 128], strides = [1, 1]} : vector<2048x512xf32> to vector<2048x128xf32>
    %swap3A_30 = arith.constant 3 : index
    %swap3A_31 = arith.constant 0 : index
    %swap3A_32 = arith.constant 0 : index
    %swap3A_33 = vector.load %arg4[%swap3A_30, %swap3A_31, %swap3A_32] : memref<4x2048x128xf32, #tpu.memory_space<vmem>>, vector<1x2048x128xf32>
    %swap3A_34 = vector.shape_cast %swap3A_33 : vector<1x2048x128xf32> to vector<2048x128xf32>
    %swap3A_35 = vector.shape_cast %slice3A_29 : vector<2048x128xf32> to vector<1x2048x128xf32>
    tpu.vector_store %arg4[%swap3A_30, %swap3A_31, %swap3A_32], %swap3A_35 {strides = array<i32>} : memref<4x2048x128xf32, #tpu.memory_space<vmem>>, vector<1x2048x128xf32>,
    return
  }
  func.func @transform_0(%arg0: i32) -> (i32, i32) {
    %c0_i32 = arith.constant 0 : i32
    %c0_i32_0 = arith.constant 0 : i32
    return %arg0, %c0_i32 : i32, i32
  }
  func.func @transform_1(%arg0: i32) -> (i32, i32) {
    %c0_i32 = arith.constant 0 : i32
    %c0_i32_0 = arith.constant 0 : i32
    %c0_i32_1 = arith.constant 0 : i32
    return %c0_i32, %c0_i32_0 : i32, i32
  }
  func.func @transform_2(%arg0: i32) -> (i32, i32) {
    %c0_i32 = arith.constant 0 : i32
    %c0_i32_0 = arith.constant 0 : i32
    %c0_i32_1 = arith.constant 0 : i32
    return %c0_i32, %c0_i32_0 : i32, i32
  }
  func.func @transform_3(%arg0: i32) -> (i32, i32, i32) {
    %c0_i32 = arith.constant 0 : i32
    %c0_i32_0 = arith.constant 0 : i32
    %c0_i32_1 = arith.constant 0 : i32
    return %c0_i32, %arg0, %c0_i32_0 : i32, i32, i32
  }
}

module attributes {stable_mosaic.version = 14 : i64} {
  func.func @_gru_trans_body(%arg0: i32, %arg1: memref<2048x128xf32, #tpu.memory_space<vmem>>, %arg2: memref<2048x128xf32, #tpu.memory_space<vmem>>, %arg3: memref<2048x128xf32, #tpu.memory_space<vmem>>, %arg4: memref<128x384xf32, #tpu.memory_space<vmem>>, %arg5: memref<128x384xf32, #tpu.memory_space<vmem>>, %arg6: memref<1x384xf32, #tpu.memory_space<vmem>>, %arg7: memref<1x384xf32, #tpu.memory_space<vmem>>, %arg8: memref<128x512xf32, #tpu.memory_space<vmem>>, %arg9: memref<1x512xf32, #tpu.memory_space<vmem>>, %arg10: memref<2048x128xf32, #tpu.memory_space<vmem>>, %arg11: memref<4x2048x128xf32, #tpu.memory_space<vmem>>) attributes {dimension_semantics = [#tpu.dimension_semantics<arbitrary>], iteration_bounds = array<i64: 5>, scalar_prefetch = 0 : i64, scratch_operands = 0 : i64, tpu.core_type = #tpu.core_type<tc>, window_params = [{transform_indices = @transform_0, window_bounds = array<i64: 2048, 128>}, {transform_indices = @transform_1, window_bounds = array<i64: 2048, 128>}, {transform_indices = @transform_2, window_bounds = array<i64: 2048, 128>}, {pipeline_mode = #tpu.pipeline_mode<synchronous>, transform_indices = @transform_3, window_bounds = array<i64: 128, 384>}, {pipeline_mode = #tpu.pipeline_mode<synchronous>, transform_indices = @transform_4, window_bounds = array<i64: 128, 384>}, {pipeline_mode = #tpu.pipeline_mode<synchronous>, transform_indices = @transform_5, window_bounds = array<i64: 1, 384>}, {pipeline_mode = #tpu.pipeline_mode<synchronous>, transform_indices = @transform_6, window_bounds = array<i64: 1, 384>}, {pipeline_mode = #tpu.pipeline_mode<synchronous>, transform_indices = @transform_7, window_bounds = array<i64: 128, 512>}, {pipeline_mode = #tpu.pipeline_mode<synchronous>, transform_indices = @transform_8, window_bounds = array<i64: 1, 512>}, {transform_indices = @transform_9, window_bounds = array<i64: 2048, 128>}, {transform_indices = @transform_10, window_bounds = array<i64: 4, 2048, 128>}]} {
    %get3A = arith.constant 0 : index
    %get3A_0 = arith.constant 0 : index
    %get3A_1 = vector.load %arg1[%get3A, %get3A_0] : memref<2048x128xf32, #tpu.memory_space<vmem>>, vector<2048x128xf32>
    %get3A_2 = arith.constant 0 : index
    %get3A_3 = arith.constant 0 : index
    %get3A_4 = vector.load %arg2[%get3A_2, %get3A_3] : memref<2048x128xf32, #tpu.memory_space<vmem>>, vector<2048x128xf32>
    %add3A = arith.addf %get3A_1, %get3A_4 : vector<2048x128xf32>
    %get3A_5 = arith.constant 0 : index
    %get3A_6 = arith.constant 0 : index
    %get3A_7 = vector.load %arg3[%get3A_5, %get3A_6] : memref<2048x128xf32, #tpu.memory_space<vmem>>, vector<2048x128xf32>
    %get3A_8 = arith.constant 0 : index
    %get3A_9 = arith.constant 0 : index
    %get3A_10 = vector.load %arg4[%get3A_8, %get3A_9] : memref<128x384xf32, #tpu.memory_space<vmem>>, vector<128x384xf32>
    %dot_general3A = arith.constant dense<0.000000e+00> : vector<2048x384xf32>
    %dot_general3A_11 = tpu.matmul %add3A, %get3A_10, %dot_general3A {dimension_numbers = #tpu.dot_dimension_numbers<[1], [0], [0], [1], [0, 0, 1, 1], [], []>, transpose_lhs_hint = false} : vector<2048x128xf32>, vector<128x384xf32>, vector<2048x384xf32> -> vector<2048x384xf32>
    %get3A_12 = arith.constant 0 : index
    %get3A_13 = arith.constant 0 : index
    %get3A_14 = vector.load %arg6[%get3A_12, %get3A_13] : memref<1x384xf32, #tpu.memory_space<vmem>>, vector<1x384xf32>
    %add3A_15 = vector.broadcast %get3A_14 : vector<1x384xf32> to vector<2048x384xf32>
    %add3A_16 = arith.addf %dot_general3A_11, %add3A_15 : vector<2048x384xf32>
    %get3A_17 = arith.constant 0 : index
    %get3A_18 = arith.constant 0 : index
    %get3A_19 = vector.load %arg5[%get3A_17, %get3A_18] : memref<128x384xf32, #tpu.memory_space<vmem>>, vector<128x384xf32>
    %dot_general3A_20 = arith.constant dense<0.000000e+00> : vector<2048x384xf32>
    %dot_general3A_21 = tpu.matmul %get3A_7, %get3A_19, %dot_general3A_20 {dimension_numbers = #tpu.dot_dimension_numbers<[1], [0], [0], [1], [0, 0, 1, 1], [], []>, transpose_lhs_hint = false} : vector<2048x128xf32>, vector<128x384xf32>, vector<2048x384xf32> -> vector<2048x384xf32>
    %get3A_22 = arith.constant 0 : index
    %get3A_23 = arith.constant 0 : index
    %get3A_24 = vector.load %arg7[%get3A_22, %get3A_23] : memref<1x384xf32, #tpu.memory_space<vmem>>, vector<1x384xf32>
    %add3A_25 = vector.broadcast %get3A_24 : vector<1x384xf32> to vector<2048x384xf32>
    %add3A_26 = arith.addf %dot_general3A_21, %add3A_25 : vector<2048x384xf32>
    %slice3A = vector.extract_strided_slice %add3A_16 {offsets = [0, 0], sizes = [2048, 128], strides = [1, 1]} : vector<2048x384xf32> to vector<2048x128xf32>
    %slice3A_27 = vector.extract_strided_slice %add3A_26 {offsets = [0, 0], sizes = [2048, 128], strides = [1, 1]} : vector<2048x384xf32> to vector<2048x128xf32>
    %add3A_28 = arith.addf %slice3A, %slice3A_27 : vector<2048x128xf32>
    %logistic3A = arith.negf %add3A_28 : vector<2048x128xf32>
    %logistic3A_29 = math.exp %logistic3A : vector<2048x128xf32>
    %logistic3A_30 = arith.constant 1.000000e+00 : f32
    %logistic3A_31 = vector.broadcast %logistic3A_30 : f32 to vector<2048x128xf32>
    %logistic3A_32 = arith.addf %logistic3A_31, %logistic3A_29 : vector<2048x128xf32>
    %logistic3A_33 = arith.divf %logistic3A_31, %logistic3A_32 : vector<2048x128xf32>
    %slice3A_34 = vector.extract_strided_slice %add3A_16 {offsets = [0, 128], sizes = [2048, 128], strides = [1, 1]} : vector<2048x384xf32> to vector<2048x128xf32>
    %slice3A_35 = vector.extract_strided_slice %add3A_26 {offsets = [0, 128], sizes = [2048, 128], strides = [1, 1]} : vector<2048x384xf32> to vector<2048x128xf32>
    %add3A_36 = arith.addf %slice3A_34, %slice3A_35 : vector<2048x128xf32>
    %logistic3A_37 = arith.negf %add3A_36 : vector<2048x128xf32>
    %logistic3A_38 = math.exp %logistic3A_37 : vector<2048x128xf32>
    %logistic3A_39 = arith.constant 1.000000e+00 : f32
    %logistic3A_40 = vector.broadcast %logistic3A_39 : f32 to vector<2048x128xf32>
    %logistic3A_41 = arith.addf %logistic3A_40, %logistic3A_38 : vector<2048x128xf32>
    %logistic3A_42 = arith.divf %logistic3A_40, %logistic3A_41 : vector<2048x128xf32>
    %slice3A_43 = vector.extract_strided_slice %add3A_16 {offsets = [0, 256], sizes = [2048, 128], strides = [1, 1]} : vector<2048x384xf32> to vector<2048x128xf32>
    %slice3A_44 = vector.extract_strided_slice %add3A_26 {offsets = [0, 256], sizes = [2048, 128], strides = [1, 1]} : vector<2048x384xf32> to vector<2048x128xf32>
    %mul3A = arith.mulf %logistic3A_33, %slice3A_44 : vector<2048x128xf32>
    %add3A_45 = arith.addf %slice3A_43, %mul3A : vector<2048x128xf32>
    %tanh3A = math.tanh %add3A_45 : vector<2048x128xf32>
    %sub3A = arith.constant 1.000000e+00 : f32
    %sub3A_46 = vector.broadcast %sub3A : f32 to vector<2048x128xf32>
    %sub3A_47 = arith.subf %sub3A_46, %logistic3A_42 : vector<2048x128xf32>
    %mul3A_48 = arith.mulf %sub3A_47, %tanh3A : vector<2048x128xf32>
    %mul3A_49 = arith.mulf %logistic3A_42, %get3A_7 : vector<2048x128xf32>
    %add3A_50 = arith.addf %mul3A_48, %mul3A_49 : vector<2048x128xf32>
    %swap3A = arith.constant 0 : index
    %swap3A_51 = arith.constant 0 : index
    %swap3A_52 = vector.load %arg10[%swap3A, %swap3A_51] : memref<2048x128xf32, #tpu.memory_space<vmem>>, vector<2048x128xf32>
    tpu.vector_store %arg10[%swap3A, %swap3A_51], %add3A_50 {strides = array<i32>} : memref<2048x128xf32, #tpu.memory_space<vmem>>, vector<2048x128xf32>,
    %get3A_53 = arith.constant 0 : index
    %get3A_54 = arith.constant 0 : index
    %get3A_55 = vector.load %arg8[%get3A_53, %get3A_54] : memref<128x512xf32, #tpu.memory_space<vmem>>, vector<128x512xf32>
    %dot_general3A_56 = arith.constant dense<0.000000e+00> : vector<2048x512xf32>
    %dot_general3A_57 = tpu.matmul %add3A_50, %get3A_55, %dot_general3A_56 {dimension_numbers = #tpu.dot_dimension_numbers<[1], [0], [0], [1], [0, 0, 1, 1], [], []>, transpose_lhs_hint = false} : vector<2048x128xf32>, vector<128x512xf32>, vector<2048x512xf32> -> vector<2048x512xf32>
    %get3A_58 = arith.constant 0 : index
    %get3A_59 = arith.constant 0 : index
    %get3A_60 = vector.load %arg9[%get3A_58, %get3A_59] : memref<1x512xf32, #tpu.memory_space<vmem>>, vector<1x512xf32>
    %add3A_61 = vector.broadcast %get3A_60 : vector<1x512xf32> to vector<2048x512xf32>
    %add3A_62 = arith.addf %dot_general3A_57, %add3A_61 : vector<2048x512xf32>
    %slice3A_63 = vector.extract_strided_slice %add3A_62 {offsets = [0, 0], sizes = [2048, 128], strides = [1, 1]} : vector<2048x512xf32> to vector<2048x128xf32>
    %swap3A_64 = arith.constant 0 : index
    %swap3A_65 = arith.constant 0 : index
    %swap3A_66 = arith.constant 0 : index
    %swap3A_67 = vector.load %arg11[%swap3A_64, %swap3A_65, %swap3A_66] : memref<4x2048x128xf32, #tpu.memory_space<vmem>>, vector<1x2048x128xf32>
    %swap3A_68 = vector.shape_cast %swap3A_67 : vector<1x2048x128xf32> to vector<2048x128xf32>
    %swap3A_69 = vector.shape_cast %slice3A_63 : vector<2048x128xf32> to vector<1x2048x128xf32>
    tpu.vector_store %arg11[%swap3A_64, %swap3A_65, %swap3A_66], %swap3A_69 {strides = array<i32>} : memref<4x2048x128xf32, #tpu.memory_space<vmem>>, vector<1x2048x128xf32>,
    %slice3A_70 = vector.extract_strided_slice %add3A_62 {offsets = [0, 128], sizes = [2048, 128], strides = [1, 1]} : vector<2048x512xf32> to vector<2048x128xf32>
    %swap3A_71 = arith.constant 1 : index
    %swap3A_72 = arith.constant 0 : index
    %swap3A_73 = arith.constant 0 : index
    %swap3A_74 = vector.load %arg11[%swap3A_71, %swap3A_72, %swap3A_73] : memref<4x2048x128xf32, #tpu.memory_space<vmem>>, vector<1x2048x128xf32>
    %swap3A_75 = vector.shape_cast %swap3A_74 : vector<1x2048x128xf32> to vector<2048x128xf32>
    %swap3A_76 = vector.shape_cast %slice3A_70 : vector<2048x128xf32> to vector<1x2048x128xf32>
    tpu.vector_store %arg11[%swap3A_71, %swap3A_72, %swap3A_73], %swap3A_76 {strides = array<i32>} : memref<4x2048x128xf32, #tpu.memory_space<vmem>>, vector<1x2048x128xf32>,
    %slice3A_77 = vector.extract_strided_slice %add3A_62 {offsets = [0, 256], sizes = [2048, 128], strides = [1, 1]} : vector<2048x512xf32> to vector<2048x128xf32>
    %swap3A_78 = arith.constant 2 : index
    %swap3A_79 = arith.constant 0 : index
    %swap3A_80 = arith.constant 0 : index
    %swap3A_81 = vector.load %arg11[%swap3A_78, %swap3A_79, %swap3A_80] : memref<4x2048x128xf32, #tpu.memory_space<vmem>>, vector<1x2048x128xf32>
    %swap3A_82 = vector.shape_cast %swap3A_81 : vector<1x2048x128xf32> to vector<2048x128xf32>
    %swap3A_83 = vector.shape_cast %slice3A_77 : vector<2048x128xf32> to vector<1x2048x128xf32>
    tpu.vector_store %arg11[%swap3A_78, %swap3A_79, %swap3A_80], %swap3A_83 {strides = array<i32>} : memref<4x2048x128xf32, #tpu.memory_space<vmem>>, vector<1x2048x128xf32>,
    %slice3A_84 = vector.extract_strided_slice %add3A_62 {offsets = [0, 384], sizes = [2048, 128], strides = [1, 1]} : vector<2048x512xf32> to vector<2048x128xf32>
    %swap3A_85 = arith.constant 3 : index
    %swap3A_86 = arith.constant 0 : index
    %swap3A_87 = arith.constant 0 : index
    %swap3A_88 = vector.load %arg11[%swap3A_85, %swap3A_86, %swap3A_87] : memref<4x2048x128xf32, #tpu.memory_space<vmem>>, vector<1x2048x128xf32>
    %swap3A_89 = vector.shape_cast %swap3A_88 : vector<1x2048x128xf32> to vector<2048x128xf32>
    %swap3A_90 = vector.shape_cast %slice3A_84 : vector<2048x128xf32> to vector<1x2048x128xf32>
    tpu.vector_store %arg11[%swap3A_85, %swap3A_86, %swap3A_87], %swap3A_90 {strides = array<i32>} : memref<4x2048x128xf32, #tpu.memory_space<vmem>>, vector<1x2048x128xf32>,
    return
  }
  func.func @transform_0(%arg0: i32) -> (i32, i32) {
    %c0_i32 = arith.constant 0 : i32
    %c0_i32_0 = arith.constant 0 : i32
    return %arg0, %c0_i32 : i32, i32
  }
  func.func @transform_1(%arg0: i32) -> (i32, i32) {
    %c0_i32 = arith.constant 0 : i32
    %c0_i32_0 = arith.constant 0 : i32
    return %arg0, %c0_i32 : i32, i32
  }
  func.func @transform_2(%arg0: i32) -> (i32, i32) {
    %c0_i32 = arith.constant 0 : i32
    %c0_i32_0 = arith.constant 0 : i32
    return %arg0, %c0_i32 : i32, i32
  }
  func.func @transform_3(%arg0: i32) -> (i32, i32) {
    %c0_i32 = arith.constant 0 : i32
    %c0_i32_0 = arith.constant 0 : i32
    %c0_i32_1 = arith.constant 0 : i32
    return %c0_i32, %c0_i32_0 : i32, i32
  }
  func.func @transform_4(%arg0: i32) -> (i32, i32) {
    %c0_i32 = arith.constant 0 : i32
    %c0_i32_0 = arith.constant 0 : i32
    %c0_i32_1 = arith.constant 0 : i32
    return %c0_i32, %c0_i32_0 : i32, i32
  }
  func.func @transform_5(%arg0: i32) -> (i32, i32) {
    %c0_i32 = arith.constant 0 : i32
    %c0_i32_0 = arith.constant 0 : i32
    %c0_i32_1 = arith.constant 0 : i32
    return %c0_i32, %c0_i32_0 : i32, i32
  }
  func.func @transform_6(%arg0: i32) -> (i32, i32) {
    %c0_i32 = arith.constant 0 : i32
    %c0_i32_0 = arith.constant 0 : i32
    %c0_i32_1 = arith.constant 0 : i32
    return %c0_i32, %c0_i32_0 : i32, i32
  }
  func.func @transform_7(%arg0: i32) -> (i32, i32) {
    %c0_i32 = arith.constant 0 : i32
    %c0_i32_0 = arith.constant 0 : i32
    %c0_i32_1 = arith.constant 0 : i32
    return %c0_i32, %c0_i32_0 : i32, i32
  }
  func.func @transform_8(%arg0: i32) -> (i32, i32) {
    %c0_i32 = arith.constant 0 : i32
    %c0_i32_0 = arith.constant 0 : i32
    %c0_i32_1 = arith.constant 0 : i32
    return %c0_i32, %c0_i32_0 : i32, i32
  }
  func.func @transform_9(%arg0: i32) -> (i32, i32) {
    %c0_i32 = arith.constant 0 : i32
    %c0_i32_0 = arith.constant 0 : i32
    return %arg0, %c0_i32 : i32, i32
  }
  func.func @transform_10(%arg0: i32) -> (i32, i32, i32) {
    %c0_i32 = arith.constant 0 : i32
    %c0_i32_0 = arith.constant 0 : i32
    %c0_i32_1 = arith.constant 0 : i32
    return %c0_i32, %arg0, %c0_i32_0 : i32, i32, i32
  }
}

module attributes {stable_mosaic.version = 14 : i64} {
  func.func @_gru_body(%arg0: i32, %arg1: memref<2048x128xf32, #tpu.memory_space<vmem>>, %arg2: memref<2048x128xf32, #tpu.memory_space<vmem>>, %arg3: memref<2048x128xf32, #tpu.memory_space<vmem>>, %arg4: memref<128x384xf32, #tpu.memory_space<vmem>>, %arg5: memref<128x384xf32, #tpu.memory_space<vmem>>, %arg6: memref<1x384xf32, #tpu.memory_space<vmem>>, %arg7: memref<1x384xf32, #tpu.memory_space<vmem>>, %arg8: memref<2048x128xf32, #tpu.memory_space<vmem>>) attributes {dimension_semantics = [#tpu.dimension_semantics<arbitrary>], iteration_bounds = array<i64: 5>, scalar_prefetch = 0 : i64, scratch_operands = 0 : i64, tpu.core_type = #tpu.core_type<tc>, window_params = [{transform_indices = @transform_0, window_bounds = array<i64: 2048, 128>}, {transform_indices = @transform_1, window_bounds = array<i64: 2048, 128>}, {transform_indices = @transform_2, window_bounds = array<i64: 2048, 128>}, {pipeline_mode = #tpu.pipeline_mode<synchronous>, transform_indices = @transform_3, window_bounds = array<i64: 128, 384>}, {pipeline_mode = #tpu.pipeline_mode<synchronous>, transform_indices = @transform_4, window_bounds = array<i64: 128, 384>}, {pipeline_mode = #tpu.pipeline_mode<synchronous>, transform_indices = @transform_5, window_bounds = array<i64: 1, 384>}, {pipeline_mode = #tpu.pipeline_mode<synchronous>, transform_indices = @transform_6, window_bounds = array<i64: 1, 384>}, {transform_indices = @transform_7, window_bounds = array<i64: 2048, 128>}]} {
    %get3A = arith.constant 0 : index
    %get3A_0 = arith.constant 0 : index
    %get3A_1 = vector.load %arg1[%get3A, %get3A_0] : memref<2048x128xf32, #tpu.memory_space<vmem>>, vector<2048x128xf32>
    %get3A_2 = arith.constant 0 : index
    %get3A_3 = arith.constant 0 : index
    %get3A_4 = vector.load %arg2[%get3A_2, %get3A_3] : memref<2048x128xf32, #tpu.memory_space<vmem>>, vector<2048x128xf32>
    %add3A = arith.addf %get3A_1, %get3A_4 : vector<2048x128xf32>
    %get3A_5 = arith.constant 0 : index
    %get3A_6 = arith.constant 0 : index
    %get3A_7 = vector.load %arg3[%get3A_5, %get3A_6] : memref<2048x128xf32, #tpu.memory_space<vmem>>, vector<2048x128xf32>
    %get3A_8 = arith.constant 0 : index
    %get3A_9 = arith.constant 0 : index
    %get3A_10 = vector.load %arg4[%get3A_8, %get3A_9] : memref<128x384xf32, #tpu.memory_space<vmem>>, vector<128x384xf32>
    %dot_general3A = arith.constant dense<0.000000e+00> : vector<2048x384xf32>
    %dot_general3A_11 = tpu.matmul %add3A, %get3A_10, %dot_general3A {dimension_numbers = #tpu.dot_dimension_numbers<[1], [0], [0], [1], [0, 0, 1, 1], [], []>, transpose_lhs_hint = false} : vector<2048x128xf32>, vector<128x384xf32>, vector<2048x384xf32> -> vector<2048x384xf32>
    %get3A_12 = arith.constant 0 : index
    %get3A_13 = arith.constant 0 : index
    %get3A_14 = vector.load %arg6[%get3A_12, %get3A_13] : memref<1x384xf32, #tpu.memory_space<vmem>>, vector<1x384xf32>
    %add3A_15 = vector.broadcast %get3A_14 : vector<1x384xf32> to vector<2048x384xf32>
    %add3A_16 = arith.addf %dot_general3A_11, %add3A_15 : vector<2048x384xf32>
    %get3A_17 = arith.constant 0 : index
    %get3A_18 = arith.constant 0 : index
    %get3A_19 = vector.load %arg5[%get3A_17, %get3A_18] : memref<128x384xf32, #tpu.memory_space<vmem>>, vector<128x384xf32>
    %dot_general3A_20 = arith.constant dense<0.000000e+00> : vector<2048x384xf32>
    %dot_general3A_21 = tpu.matmul %get3A_7, %get3A_19, %dot_general3A_20 {dimension_numbers = #tpu.dot_dimension_numbers<[1], [0], [0], [1], [0, 0, 1, 1], [], []>, transpose_lhs_hint = false} : vector<2048x128xf32>, vector<128x384xf32>, vector<2048x384xf32> -> vector<2048x384xf32>
    %get3A_22 = arith.constant 0 : index
    %get3A_23 = arith.constant 0 : index
    %get3A_24 = vector.load %arg7[%get3A_22, %get3A_23] : memref<1x384xf32, #tpu.memory_space<vmem>>, vector<1x384xf32>
    %add3A_25 = vector.broadcast %get3A_24 : vector<1x384xf32> to vector<2048x384xf32>
    %add3A_26 = arith.addf %dot_general3A_21, %add3A_25 : vector<2048x384xf32>
    %slice3A = vector.extract_strided_slice %add3A_16 {offsets = [0, 0], sizes = [2048, 128], strides = [1, 1]} : vector<2048x384xf32> to vector<2048x128xf32>
    %slice3A_27 = vector.extract_strided_slice %add3A_26 {offsets = [0, 0], sizes = [2048, 128], strides = [1, 1]} : vector<2048x384xf32> to vector<2048x128xf32>
    %add3A_28 = arith.addf %slice3A, %slice3A_27 : vector<2048x128xf32>
    %logistic3A = arith.negf %add3A_28 : vector<2048x128xf32>
    %logistic3A_29 = math.exp %logistic3A : vector<2048x128xf32>
    %logistic3A_30 = arith.constant 1.000000e+00 : f32
    %logistic3A_31 = vector.broadcast %logistic3A_30 : f32 to vector<2048x128xf32>
    %logistic3A_32 = arith.addf %logistic3A_31, %logistic3A_29 : vector<2048x128xf32>
    %logistic3A_33 = arith.divf %logistic3A_31, %logistic3A_32 : vector<2048x128xf32>
    %slice3A_34 = vector.extract_strided_slice %add3A_16 {offsets = [0, 128], sizes = [2048, 128], strides = [1, 1]} : vector<2048x384xf32> to vector<2048x128xf32>
    %slice3A_35 = vector.extract_strided_slice %add3A_26 {offsets = [0, 128], sizes = [2048, 128], strides = [1, 1]} : vector<2048x384xf32> to vector<2048x128xf32>
    %add3A_36 = arith.addf %slice3A_34, %slice3A_35 : vector<2048x128xf32>
    %logistic3A_37 = arith.negf %add3A_36 : vector<2048x128xf32>
    %logistic3A_38 = math.exp %logistic3A_37 : vector<2048x128xf32>
    %logistic3A_39 = arith.constant 1.000000e+00 : f32
    %logistic3A_40 = vector.broadcast %logistic3A_39 : f32 to vector<2048x128xf32>
    %logistic3A_41 = arith.addf %logistic3A_40, %logistic3A_38 : vector<2048x128xf32>
    %logistic3A_42 = arith.divf %logistic3A_40, %logistic3A_41 : vector<2048x128xf32>
    %slice3A_43 = vector.extract_strided_slice %add3A_16 {offsets = [0, 256], sizes = [2048, 128], strides = [1, 1]} : vector<2048x384xf32> to vector<2048x128xf32>
    %slice3A_44 = vector.extract_strided_slice %add3A_26 {offsets = [0, 256], sizes = [2048, 128], strides = [1, 1]} : vector<2048x384xf32> to vector<2048x128xf32>
    %mul3A = arith.mulf %logistic3A_33, %slice3A_44 : vector<2048x128xf32>
    %add3A_45 = arith.addf %slice3A_43, %mul3A : vector<2048x128xf32>
    %tanh3A = math.tanh %add3A_45 : vector<2048x128xf32>
    %sub3A = arith.constant 1.000000e+00 : f32
    %sub3A_46 = vector.broadcast %sub3A : f32 to vector<2048x128xf32>
    %sub3A_47 = arith.subf %sub3A_46, %logistic3A_42 : vector<2048x128xf32>
    %mul3A_48 = arith.mulf %sub3A_47, %tanh3A : vector<2048x128xf32>
    %mul3A_49 = arith.mulf %logistic3A_42, %get3A_7 : vector<2048x128xf32>
    %add3A_50 = arith.addf %mul3A_48, %mul3A_49 : vector<2048x128xf32>
    %swap3A = arith.constant 0 : index
    %swap3A_51 = arith.constant 0 : index
    %swap3A_52 = vector.load %arg8[%swap3A, %swap3A_51] : memref<2048x128xf32, #tpu.memory_space<vmem>>, vector<2048x128xf32>
    tpu.vector_store %arg8[%swap3A, %swap3A_51], %add3A_50 {strides = array<i32>} : memref<2048x128xf32, #tpu.memory_space<vmem>>, vector<2048x128xf32>,
    return
  }
  func.func @transform_0(%arg0: i32) -> (i32, i32) {
    %c0_i32 = arith.constant 0 : i32
    %c0_i32_0 = arith.constant 0 : i32
    return %arg0, %c0_i32 : i32, i32
  }
  func.func @transform_1(%arg0: i32) -> (i32, i32) {
    %c0_i32 = arith.constant 0 : i32
    %c0_i32_0 = arith.constant 0 : i32
    return %arg0, %c0_i32 : i32, i32
  }
  func.func @transform_2(%arg0: i32) -> (i32, i32) {
    %c0_i32 = arith.constant 0 : i32
    %c0_i32_0 = arith.constant 0 : i32
    return %arg0, %c0_i32 : i32, i32
  }
  func.func @transform_3(%arg0: i32) -> (i32, i32) {
    %c0_i32 = arith.constant 0 : i32
    %c0_i32_0 = arith.constant 0 : i32
    %c0_i32_1 = arith.constant 0 : i32
    return %c0_i32, %c0_i32_0 : i32, i32
  }
  func.func @transform_4(%arg0: i32) -> (i32, i32) {
    %c0_i32 = arith.constant 0 : i32
    %c0_i32_0 = arith.constant 0 : i32
    %c0_i32_1 = arith.constant 0 : i32
    return %c0_i32, %c0_i32_0 : i32, i32
  }
  func.func @transform_5(%arg0: i32) -> (i32, i32) {
    %c0_i32 = arith.constant 0 : i32
    %c0_i32_0 = arith.constant 0 : i32
    %c0_i32_1 = arith.constant 0 : i32
    return %c0_i32, %c0_i32_0 : i32, i32
  }
  func.func @transform_6(%arg0: i32) -> (i32, i32) {
    %c0_i32 = arith.constant 0 : i32
    %c0_i32_0 = arith.constant 0 : i32
    %c0_i32_1 = arith.constant 0 : i32
    return %c0_i32, %c0_i32_0 : i32, i32
  }
  func.func @transform_7(%arg0: i32) -> (i32, i32) {
    %c0_i32 = arith.constant 0 : i32
    %c0_i32_0 = arith.constant 0 : i32
    return %arg0, %c0_i32 : i32, i32
  }
}

module attributes {stable_mosaic.version = 14 : i64} {
  func.func @_pool_body(%arg0: memref<10240x128xf32, #tpu.memory_space<vmem>>, %arg1: memref<10240x64xf32, #tpu.memory_space<vmem>>, %arg2: memref<1x128xf32, #tpu.memory_space<vmem>>, %arg3: memref<1x64xf32, #tpu.memory_space<vmem>>, %arg4: memref<1x1xf32, #tpu.memory_space<vmem>>, %arg5: memref<128x128xf32, #tpu.memory_space<vmem>>, %arg6: memref<64x128xf32, #tpu.memory_space<vmem>>, %arg7: memref<1x128xf32, #tpu.memory_space<vmem>>, %arg8: memref<1x128xf32, #tpu.memory_space<vmem>>) attributes {dimension_semantics = [], scalar_prefetch = 0 : i64, scratch_operands = 0 : i64, tpu.core_type = #tpu.core_type<tc>} {
    %get3A = arith.constant 0 : index
    %get3A_0 = arith.constant 0 : index
    %get3A_1 = vector.load %arg0[%get3A, %get3A_0] : memref<10240x128xf32, #tpu.memory_space<vmem>>, vector<10240x128xf32>
    %get3A_2 = arith.constant 0 : index
    %get3A_3 = arith.constant 0 : index
    %get3A_4 = vector.load %arg1[%get3A_2, %get3A_3] : memref<10240x64xf32, #tpu.memory_space<vmem>>, vector<10240x64xf32>
    %get3A_5 = arith.constant 0 : index
    %get3A_6 = arith.constant 0 : index
    %get3A_7 = vector.load %arg2[%get3A_5, %get3A_6] : memref<1x128xf32, #tpu.memory_space<vmem>>, vector<1x128xf32>
    %mul3A = vector.broadcast %get3A_7 : vector<1x128xf32> to vector<10240x128xf32>
    %mul3A_8 = arith.mulf %get3A_1, %mul3A : vector<10240x128xf32>
    %reduce_sum3A = arith.constant dense<0.000000e+00> : vector<10240xf32>
    %reduce_sum3A_9 = vector.multi_reduction <add>, %mul3A_8, %reduce_sum3A [1] : vector<10240x128xf32> to vector<10240xf32>
    %broadcast_in_dim3A = vector.shape_cast %reduce_sum3A_9 : vector<10240xf32> to vector<10240x1xf32>
    %get3A_10 = arith.constant 0 : index
    %get3A_11 = arith.constant 0 : index
    %get3A_12 = vector.load %arg3[%get3A_10, %get3A_11] : memref<1x64xf32, #tpu.memory_space<vmem>>, vector<1x64xf32>
    %mul3A_13 = vector.broadcast %get3A_12 : vector<1x64xf32> to vector<10240x64xf32>
    %mul3A_14 = arith.mulf %get3A_4, %mul3A_13 : vector<10240x64xf32>
    %reduce_sum3A_15 = arith.constant dense<0.000000e+00> : vector<10240xf32>
    %reduce_sum3A_16 = vector.multi_reduction <add>, %mul3A_14, %reduce_sum3A_15 [1] : vector<10240x64xf32> to vector<10240xf32>
    %broadcast_in_dim3A_17 = vector.shape_cast %reduce_sum3A_16 : vector<10240xf32> to vector<10240x1xf32>
    %add3A = arith.addf %broadcast_in_dim3A, %broadcast_in_dim3A_17 : vector<10240x1xf32>
    %get3A_18 = arith.constant 0 : index
    %get3A_19 = arith.constant 0 : index
    %get3A_20 = vector.load %arg4[%get3A_18, %get3A_19] : memref<1x1xf32, #tpu.memory_space<vmem>>, vector<1x1xf32>
    %get3A_21 = vector.extract %get3A_20[0, 0] : f32 from vector<1x1xf32>
    %add3A_22 = vector.broadcast %get3A_21 : f32 to vector<10240x1xf32>
    %add3A_23 = arith.addf %add3A, %add3A_22 : vector<10240x1xf32>
    %iota3A = tpu.iota {dimensions = array<i32: 0>} : vector<10240x1xi32>
    %lt3A = arith.constant 10000 : i32
    %lt3A_24 = vector.broadcast %lt3A : i32 to vector<10240x1xi32>
    %lt3A_25 = arith.cmpi slt, %iota3A, %lt3A_24 : vector<10240x1xi32>
    %jit3A = arith.constant 0xFF800000 : f32
    %broadcast_in_dim3A_26 = vector.broadcast %jit3A : f32 to vector<10240x1xf32>
    %select_n3A = arith.select %lt3A_25, %add3A_23, %broadcast_in_dim3A_26 : vector<10240x1xi1>, vector<10240x1xf32>
    %reduce_max3A = vector.shape_cast %select_n3A : vector<10240x1xf32> to vector<1x10240x1xf32>
    %reduce_max3A_27 = arith.constant dense<0xFF800000> : vector<1xf32>
    %reduce_max3A_28 = vector.multi_reduction <maximumf>, %reduce_max3A, %reduce_max3A_27 [1, 2] : vector<1x10240x1xf32> to vector<1xf32>
    %reduce_max3A_29 = vector.shape_cast %reduce_max3A_28 : vector<1xf32> to vector<1x1x1xf32>
    %reduce_max3A_30 = vector.extract %reduce_max3A_29[0, 0, 0] : f32 from vector<1x1x1xf32>
    %sub3A = vector.broadcast %reduce_max3A_30 : f32 to vector<10240x1xf32>
    %sub3A_31 = arith.subf %select_n3A, %sub3A : vector<10240x1xf32>
    %exp3A = math.exp %sub3A_31 : vector<10240x1xf32>
    %reduce_sum3A_32 = vector.shape_cast %exp3A : vector<10240x1xf32> to vector<1x10240x1xf32>
    %reduce_sum3A_33 = arith.constant dense<0.000000e+00> : vector<1xf32>
    %reduce_sum3A_34 = vector.multi_reduction <add>, %reduce_sum3A_32, %reduce_sum3A_33 [1, 2] : vector<1x10240x1xf32> to vector<1xf32>
    %reduce_sum3A_35 = vector.shape_cast %reduce_sum3A_34 : vector<1xf32> to vector<1x1x1xf32>
    %reduce_sum3A_36 = vector.extract %reduce_sum3A_35[0, 0, 0] : f32 from vector<1x1x1xf32>
    %mul3A_37 = vector.broadcast %exp3A : vector<10240x1xf32> to vector<10240x128xf32>
    %mul3A_38 = arith.mulf %mul3A_37, %get3A_1 : vector<10240x128xf32>
    %reduce_sum3A_39 = arith.constant dense<0.000000e+00> : vector<128xf32>
    %reduce_sum3A_40 = vector.multi_reduction <add>, %mul3A_38, %reduce_sum3A_39 [0] : vector<10240x128xf32> to vector<128xf32>
    %broadcast_in_dim3A_41 = vector.shape_cast %reduce_sum3A_40 : vector<128xf32> to vector<1x128xf32>
    %mul3A_42 = vector.broadcast %exp3A : vector<10240x1xf32> to vector<10240x64xf32>
    %mul3A_43 = arith.mulf %mul3A_42, %get3A_4 : vector<10240x64xf32>
    %reduce_sum3A_44 = arith.constant dense<0.000000e+00> : vector<64xf32>
    %reduce_sum3A_45 = vector.multi_reduction <add>, %mul3A_43, %reduce_sum3A_44 [0] : vector<10240x64xf32> to vector<64xf32>
    %broadcast_in_dim3A_46 = vector.shape_cast %reduce_sum3A_45 : vector<64xf32> to vector<1x64xf32>
    %get3A_47 = arith.constant 0 : index
    %get3A_48 = arith.constant 0 : index
    %get3A_49 = vector.load %arg5[%get3A_47, %get3A_48] : memref<128x128xf32, #tpu.memory_space<vmem>>, vector<128x128xf32>
    %dot_general3A = arith.constant dense<0.000000e+00> : vector<1x128xf32>
    %dot_general3A_50 = tpu.matmul %broadcast_in_dim3A_41, %get3A_49, %dot_general3A {dimension_numbers = #tpu.dot_dimension_numbers<[1], [0], [0], [1], [0, 0, 1, 1], [], []>, transpose_lhs_hint = false} : vector<1x128xf32>, vector<128x128xf32>, vector<1x128xf32> -> vector<1x128xf32>
    %get3A_51 = arith.constant 0 : index
    %get3A_52 = arith.constant 0 : index
    %get3A_53 = vector.load %arg6[%get3A_51, %get3A_52] : memref<64x128xf32, #tpu.memory_space<vmem>>, vector<64x128xf32>
    %dot_general3A_54 = arith.constant dense<0.000000e+00> : vector<1x128xf32>
    %dot_general3A_55 = tpu.matmul %broadcast_in_dim3A_46, %get3A_53, %dot_general3A_54 {dimension_numbers = #tpu.dot_dimension_numbers<[1], [0], [0], [1], [0, 0, 1, 1], [], []>, transpose_lhs_hint = false} : vector<1x64xf32>, vector<64x128xf32>, vector<1x128xf32> -> vector<1x128xf32>
    %add3A_56 = arith.addf %dot_general3A_50, %dot_general3A_55 : vector<1x128xf32>
    %div3A = vector.broadcast %reduce_sum3A_36 : f32 to vector<1x128xf32>
    %div3A_57 = arith.divf %add3A_56, %div3A : vector<1x128xf32>
    %get3A_58 = arith.constant 0 : index
    %get3A_59 = arith.constant 0 : index
    %get3A_60 = vector.load %arg7[%get3A_58, %get3A_59] : memref<1x128xf32, #tpu.memory_space<vmem>>, vector<1x128xf32>
    %add3A_61 = arith.addf %div3A_57, %get3A_60 : vector<1x128xf32>
    %swap3A = arith.constant 0 : index
    %swap3A_62 = arith.constant 0 : index
    %swap3A_63 = vector.load %arg8[%swap3A, %swap3A_62] : memref<1x128xf32, #tpu.memory_space<vmem>>, vector<1x128xf32>
    tpu.vector_store %arg8[%swap3A, %swap3A_62], %add3A_61 {strides = array<i32>} : memref<1x128xf32, #tpu.memory_space<vmem>>, vector<1x128xf32>,
    return
  }
}

</mosaic_0001>

<sc_bundles>
// kernel: _run.14.cloned.1.call-start
scs
__scs_entry_jumppad:
0x0: {  	(pc) =	sbr.rel $0x88, $3  }
0x1: {  	(tag) =	ssettag $0x0;
	lr =	simm.s32 $0x1  }
0x2: {  	[smem:$0x3F94] =	sst lr;
	_ =	strace $0xD0000000  }
0x3: {  	_ = 	snop  }
0x4: {  	_ = 	snop  }
0x5: {  	_ = 	snop  }
0x6: {  	_ = 	snop  }
0x7: {  	_ = 	snop  }
__scs_overlays_trampoline_lowered:
0x8: {  	[smem:$0x3FA3] =	sst s0  }
0x9: {  	[smem:$0x3FA4] =	sst s1  }
0xa: {  	[smem:$0x3FA5] =	sst s2  }
0xb: {  	[smem:$0x3FA6] =	sst s3  }
0xc: {  	[smem:$0x3FA7] =	sst s4  }
0xd: {  	[smem:$0x3FA8] =	sst s5  }
0xe: {  	[smem:$0x3FA9] =	sst s6  }
0xf: {  	[smem:$0x3FAA] =	sst s7  }
0x10: {  	[smem:$0x3FAB] =	sst s8  }
0x11: {  	[smem:$0x3FAC] =	sst s9;
	s0 =	simm.s32 @!p0 $0x0  }
0x12: {  	s1 =	sld [smem:$0x3F92];
	s0 =	simm.s32 @p0 $0x1  }
0x13: {  	[smem:$0x3FAD] =	sst s0;
	s0 =	simm.s32 @!p1 $0x0  }
0x14: {  	s2 =	sld [smem:$0x3F91];
	s0 =	simm.s32 @p1 $0x1  }
0x15: {  	[smem:$0x3FAE] =	sst s0;
	s0 =	simm.s32 @!p2 $0x0  }
0x16: {  	s3 =	sld [smem:$0x3FDB];
	s0 =	simm.s32 @p2 $0x1  }
0x17: {  	s4 =	simm.s32 $0x1BF5;
	[smem:$0x3FB0] =	sst s0  }
0x18: {  	s0 =	sld [smem:$0x3F93];
	_ =	swait.ge [sflag:s4], $0x0  }
0x19: {  	s7 =	sld [smem:$0x3F94]  }
0x1a: {  	s8 =	sadd.s32 $0xFFFFE003, lr  }
0x1b: {  	s9 =	sadd.s32 $0xFFFFFEF7, lr;
	s5 =	simm.s32 $0xFFFFFFFF;
	p2 =	slt.u32 s8, $0xFFFFF086  }
0x1c: {  	p1 =	slt.u32 s9, $0xF7A;
	s5 =	simm.s32 @!p2 $0x0  }
0x1d: {  	s5 =	simm.s32 @p1 $0x1;
	p0 =	seq.s32 s7, s2  }
0x1e: {  	s7 =	smul.u32 @!p0 $0xF7A, s2;
	p2 =	seq.s32 @!p0 s5, $0x0  }
0x1f: {  	s9 =	smul.u32 $0xF7A, s1;
	s8 =	simm.s32 @!p0 $0x1BF5;
	p2 =	por !p2, p0  }
0x20: {  	[sflag:s8] =	ssyncset.s32 @!p0 $0xFFFFF086;
	s6 =	sadd.s32 @!p0 s3, s7;
	s7 =	simm.s32 @!p0 $0x108  }
0x21: {  	s3 =	sadd.s32 s3, s9;
	s6 =	sadd.s32 @!p0 $0x88, s6;
	s7 =	simm.s32 @p2 $0x1082  }
0x22: {  	[simem:s7], [sflag:s8] =	dma.local @!p0 [hbm:s6], $0xF7A  }
0x23: {  	s9 =	sor.u32 $0xD0000000, s2;
	s6 =	simm.s32 $0x108;
	_ =	swait.ge @!p0 [sflag:s8], $0x0  }
0x24: {  	s3 =	sadd.s32 $0x88, s3;
	s6 =	simm.s32 @!p1 $0x1082;
	[sflag:s4] =	ssyncset.s32 $0xFFFFF086  }
0x25: {  	[simem:s6], [sflag:s4] =	dma.local [hbm:s3], $0xF7A  }
0x26: {  	[smem:$0x3F94] =	sst s1;
	(tag) =	ssettag s2;
	_ =	strace s9  }
0x27: {  	s1 =	sld [smem:$0x3FA4]  }
0x28: {  	s2 =	sld [smem:$0x3FA5]  }
0x29: {  	s4 =	sld [smem:$0x3FA7]  }
0x2a: {  	p0 =	seq.s32 s5, $0x0;
	s5 =	sld [smem:$0x3FA8]  }
0x2b: {  	s6 =	sld [smem:$0x3FA9]  }
0x2c: {  	s7 =	sld [smem:$0x3FAA]  }
0x2d: {  	s3 =	simm.s32 $0x108;
	s8 =	sld [smem:$0x3FAB]  }
0x2e: {  	s3 =	simm.s32 @!p0 $0x1082;
	s9 =	sld [smem:$0x3FAC]  }
0x2f: {  	lr =	sadd.s32 s0, s3;
	s0 =	sld [smem:$0x3FA3]  }
0x30: {  	s3 =	sld [smem:$0x3FA6]  }
0x31: {  	[smem:$0x3FAF] =	sst s10  }
0x32: {  	s10 =	sld [smem:$0x3FAD];
	_ =	sdelay $0x3  }
0x33: {  	p0 =	seq.s32 s10, $0x1;
	s10 =	sld [smem:$0x3FAF];
	_ =	sdelay $0x3  }
0x34: {  	[smem:$0x3FAF] =	sst s10  }
0x35: {  	s10 =	sld [smem:$0x3FAE];
	_ =	sdelay $0x3  }
0x36: {  	p1 =	seq.s32 s10, $0x1;
	s10 =	sld [smem:$0x3FAF];
	_ =	sdelay $0x3  }
0x37: {  	[smem:$0x3FAF] =	sst s10  }
0x38: {  	s10 =	sld [smem:$0x3FB0]  }
0x39: {  	_ = 	snop;
	(pc) =	sbr.ind lr, $3  }
0x3a: {  	_ = 	snop  }
0x3b: {  	_ = 	snop  }
0x3c: {  	p2 =	seq.s32 s10, $0x1;
	s10 =	sld [smem:$0x3FAF]  }
0x3d: {  	_ =	shalt  }
0x3e: {  	_ =	shalt  }
0x3f: {  	_ =	shalt  }
0x40: {  	_ =	shalt  }
0x41: {  	_ =	shalt  }
0x42: {  	_ =	shalt  }
0x43: {  	_ =	shalt  }
0x44: {  	_ =	shalt  }
0x45: {  	_ =	shalt  }
0x46: {  	_ =	shalt  }
0x47: {  	_ =	shalt  }
0x48: {  	_ =	shalt  }
0x49: {  	_ =	shalt  }
0x4a: {  	_ =	shalt  }
0x4b: {  	_ =	shalt  }
0x4c: {  	_ =	shalt  }
0x4d: {  	_ =	shalt  }
0x4e: {  	_ =	shalt  }
0x4f: {  	_ =	shalt  }
0x50: {  	_ =	shalt  }
0x51: {  	_ =	shalt  }
0x52: {  	_ =	shalt  }
0x53: {  	_ =	shalt  }
0x54: {  	_ =	shalt  }
0x55: {  	_ =	shalt  }
0x56: {  	_ =	shalt  }
0x57: {  	_ =	shalt  }
0x58: {  	_ =	shalt  }
0x59: {  	_ =	shalt  }
0x5a: {  	_ =	shalt  }
0x5b: {  	_ =	shalt  }
0x5c: {  	_ =	shalt  }
0x5d: {  	_ =	shalt  }
0x5e: {  	_ =	shalt  }
0x5f: {  	_ =	shalt  }
0x60: {  	_ =	shalt  }
0x61: {  	_ =	shalt  }
0x62: {  	_ =	shalt  }
0x63: {  	_ =	shalt  }
0x64: {  	_ =	shalt  }
0x65: {  	_ =	shalt  }
0x66: {  	_ =	shalt  }
0x67: {  	_ =	shalt  }
0x68: {  	_ =	shalt  }
0x69: {  	_ =	shalt  }
0x6a: {  	_ =	shalt  }
0x6b: {  	_ =	shalt  }
0x6c: {  	_ =	shalt  }
0x6d: {  	_ =	shalt  }
0x6e: {  	_ =	shalt  }
0x6f: {  	_ =	shalt  }
0x70: {  	_ =	shalt  }
0x71: {  	_ =	shalt  }
0x72: {  	_ =	shalt  }
0x73: {  	_ =	shalt  }
0x74: {  	_ =	shalt  }
0x75: {  	_ =	shalt  }
0x76: {  	_ =	shalt  }
0x77: {  	_ =	shalt  }
0x78: {  	_ =	shalt  }
0x79: {  	_ =	shalt  }
0x7a: {  	_ =	shalt  }
0x7b: {  	_ =	shalt  }
0x7c: {  	_ =	shalt  }
0x7d: {  	_ =	shalt  }
0x7e: {  	_ =	shalt  }
0x7f: {  	_ =	shalt  }
0x80: {  	_ =	shalt  }
0x81: {  	_ =	shalt  }
0x82: {  	_ =	shalt  }
0x83: {  	_ =	shalt  }
0x84: {  	_ =	shalt  }
0x85: {  	_ =	shalt  }
0x86: {  	_ =	shalt  }
0x87: {  	_ =	shalt  }
.Lfunc_end0:
.L_simem_size_0:
called_computation_lowered:
.L_overlay_start_0:
0x88: {  	s2 =	sld [smem:$0x3FD9]  }
0x89: {  	s3 =	sld [smem:$0x3FFE];
	_ =	sdelay $0x1  }
0x8a: {  	s1 =	srdreg.scid  }
0x8b: {  	s0 =	sand.u32 $0x1, s1  }
0x8c: {  	s16 =	sshll.u32 s0, $0xA;
	s2 =	sadd.s32 s3, s2  }
0x8d: {  	s2 =	sadd.s32 s2, s16  }
0x8e: {  	[smem:$0x3FBB] =	sst s2  }
0x8f: {  	_ = 	snop  }
0x90: {  	(tm) =	ssettm $0x1  }
0x91: {  	s17 =	sld [smem:$0x3FFB];
	_ =	sdelay $0x3  }
0x92: {  	_ =	strace s17  }
0x93: {  	s2 =	sld [smem:$0x3FFC];
	_ =	sdelay $0x3  }
0x94: {  	_ =	strace s2  }
0x95: {  	s2 =	sld [smem:$0x3FFD];
	_ =	sdelay $0x3  }
0x96: {  	_ =	strace s2  }
0x97: {  	_ =	strace $0x8FFFFFFF  }
0x98: {  	s18 =	sld [smem:$0x3FDB];
	_ =	sdelay $0x1  }
0x99: {  	s19 =	simm.s32 $_scs_section_size  }
0x9a: {  	s4 =	simm.s32 $_size__tile_overlayer_lowered;
	s5 =	simm.s32 $_tile_overlayer_lowered  }
0x9b: {  	s22 =	simm.s32 $0x1BFF;
	s21 =	sshll.u32 s5, $0x1;
	s2 =	sadd.s32 s19, s18  }
0x9c: {  	s6 =	simm.s32 $0x0;
	s20 =	sshll.u32 s4, $0x1;
	s4 =	sadd.s32 s21, s2  }
0x9d: {  	[timem:s6], [sflag:s22] =	dma.local [hbm:s4], s20  }
0x9e: {  	_ =	swait.ge [sflag:s22], s20  }
0x9f: {  	s3 =	ssub.s32 $0x0, s20;
	[sflag:s22] =	ssyncset.done $0x0  }
0xa0: {  	[sflag:s22] =	ssyncadd.s32 s3;
	_ =	sdelay $0x1  }
0xa1: {  	s23 =	simm.s32 $0x1B8B  }
0xa2: {  	_ =	swait.ge [sflag:s23], $0x1  }
0xa3: {  	[sflag:s23] =	ssyncset.done $0x0  }
0xa4: {  	s25 =	simm.s32 $0x1B8E;
	s24 =	sld [smem:$0x3FFE];
	[sflag:s23] =	ssyncadd.s32 $0xFFFFFFFF  }
0xa5: {  	s26 =	simm.s32 $execute0_lowered;
	[smem:$0x3FD2] =	sst s25  }
0xa6: {  	s4 =	sshll.u32 s26, $0x1;
	_ =	strace $0x80000046;
	[dreg:$0x1] =	wrdreg $0xFFFFFFFF  }
0xa7: {  	s28 =	simm.s32 $_size_execute0_lowered;
	s2 =	sadd.s32 s2, s4;
	[dreg:$0x0] =	wrdreg $0x0  }
0xa8: {  	s4 =	sshll.u32 s28, $0x1;
	[dreg:$0x2] =	wrdreg s2  }
0xa9: {  	[dreg:$0x3] =	wrdreg s4  }
0xaa: {  	[dreg:$0x4] =	wrdreg $0xC0  }
0xab: {  	_ =	task [dreg:s6], $0x5FFFF  }
0xac: {  	[dreg:$0x1] =	wrdreg $0xFFFFFFFF  }
0xad: {  	[dreg:$0x0] =	wrdreg $0x60  }
0xae: {  	[dreg:$0x2] =	wrdreg s24  }
0xaf: {  	[dreg:$0x3] =	wrdreg $0xA8000  }
0xb0: {  	[dreg:$0x4] =	wrdreg $0x9  }
0xb1: {  	_ =	task.clear_ibuf [dreg:s6], $0x5FFFF;
	_ =	strace $0x90000046  }
0xb2: {  	s29 =	simm.s32 $0x9;
	_ =	strace $0x80000048  }
0xb3: {  	_ =	swait.ge [sflag:s29], $0x1  }
0xb4: {  	[sflag:s29] =	ssyncadd.s32 $0xFFFFFFFF  }
0xb5: {  	_ =	strace $0x90000048  }
0xb6: {  	_ =	sfence  }
0xb7: {  	s30 =	sld [smem:$0x0];
	_ =	sdelay $0x2  }
0xb8: {  	s31 =	sshll.u32 s1, $0xD;
	s1 =	sshrl.u32 s1, $0x2  }
0xb9: {  	s3 =	sand.u32 $0x4000, s31;
	s1 =	sadd.s32 s1, s30  }
0xba: {  	s0 =	sor.u32 s3, s0;
	s1 =	sshll.u32 s1, $0x11  }
0xbb: {  	s0 =	sor.u32 s1, s0  }
0xbc: {  	s0 =	sadd.s32 $0x8F2B, s0  }
0xbd: {  	[sflag:s0] =	ssyncadd.remote.s32 $0x1  }
0xbe: {  	_ =	sfence.sel $0xFFFF  }
0xbf: {  	[dreg:$0x0] =	wrdreg $0xFFFFFFFF;
	(pc) =	sbr.abs _section_cstart, $3  }
0xc0: {  	[dreg:$0x1] =	wrdreg $0xFFFFFFFF  }
0xc1: {  	_ =	task.clear_ibuf [dreg:s6], $0x2FFFF;
	_ =	strace $0x9FFFFFFF  }
0xc2: {  	(tm) =	ssettm $0x7FFFFFFF  }
0xc3: {  	_ =	shalt  }
tec
execute0_lowered:
.L_overlay_start_1:
0x0: {  	(tag) =	ssettag $0x1  }
0x1: {  	s14 =	rddreg [dreg:$0x0]  }
0x2: {  	s2 =	rddreg [dreg:$0x1]  }
0x3: {  	s0 =	rddreg [dreg:$0x2]  }
0x4: {  	s3 =	simm.s32 $0x0;
	s1 =	stileid.u32;
	s5 =	srdreg.scid  }
0x5: {  	s17 =	simm.s32 $0x108A00;
	s19 =	simm.s32 $0x80;
	s20 =	simm.s32 $0x1  }
0x6: {  	s21 =	simm.s32 $0x6800;
	s22 =	simm.s32 $0x2;
	s23 =	simm.s32 $0x1380  }
0x7: {  	s24 =	simm.s32 $0x2700;
	s25 =	simm.s32 $0x2780;
	[smem:$0x7FF] =	sst s3  }
0x8: {  	s6 =	smul.u32 $0x50000, s1;
	s4 =	sadd.s32 $0x40A00, s14;
	s13 =	sadd.s32 $0x2CA00, s14  }
0x9: {  	s10 =	sand.u32 $0x1, s5;
	s15 =	sadd.s32 $0x36A00, s14;
	s16 =	smul.u32 $0x2800, s1  }
0xa: {  	_ =	strace $0x80000047;
	s7 =	ssub.s32 $0x2, s10;
	s8 =	sshll.u32 s10, $0x4  }
0xb: {  	p0 =	seq.s32 s10, $0x1;
	s30 =	sshrl.u32 s6, $0x2;
	s31 =	sshrl.u32 s7, $0x1  }
0xc: {  	s9 =	sor.u32 s1, s8;
	s17 =	simm.s32 @!p0 $0xE0A00;
	s5 =	sadd.s32 s30, s2  }
0xd: {  	s11 =	ssub.s32 s7, s31;
	s12 =	smul.u32 $0x2800, s9;
	s17 =	sadd.s32 s17, s14  }
0xe: {  	s6 =	sadd.s32 $0x4000, s5;
	s7 =	sadd.s32 $0x8000, s5;
	s8 =	sadd.s32 $0xC000, s5  }
0xf: {  	s9 =	sadd.s32 $0x10000, s5;
	s10 =	smax.u32 s11, $0x1;
	s12 =	sshrl.u32 s12, $0x3  }
0x10: {  	s11 =	sadd.s32 s13, s12;
	s18 =	sadd.s32 $0x280, s12;
	s12 =	sadd.s32 s15, s12  }
0x11: {  	s13 =	sadd.s32 s13, s18;
	s14 =	sadd.s32 s15, s18;
	s15 =	sadd.s32 s17, s16  }
0x12: {  	v0 =	vimm.f32 $0.0e+00;
	s16 =	simm.s32 $0x2800;
	s17 =	simm.s32 $0x3;
	s18 =	simm.s32 $0x1400  }
.LBB2_1:
0x13: {  	s26 =	simm.s32 $0x0;
	s28 =	simm.s32 $0x200  }
.LBB2_2:
0x14: {  	p0 =	sne.s32 s28, $0xFE00;
	[tilespmem:s26+$0x2870] =	vst v0  }
0x15: {  	[tilespmem:s26+$0x2800] =	vst v0  }
0x16: {  	[tilespmem:s26+$0x2810] =	vst v0  }
.Ltmp0:
0x17: {  	[tilespmem:s26+$0x2820] =	vst v0;
	(pc) =	sbr.rel @p0 .LBB2_2-.Ltmp0, $4  }
0x18: {  	[tilespmem:s26+$0x2830] =	vst v0  }
0x19: {  	[tilespmem:s26+$0x2840] =	vst v0  }
0x1a: {  	[tilespmem:s26+$0x2850] =	vst v0  }
0x1b: {  	[tilespmem:s26+$0x2860] =	vst v0;
	s26 =	sshra.s32 s28, $0x2;
	s28 =	sadd.s32 $0x200, s28  }
0x1c: {  	[tilespmem:s26+$0x2870] =	vst v0  }
0x1d: {  	[tilespmem:s26+$0x2800] =	vst v0  }
0x1e: {  	[tilespmem:s26+$0x2810] =	vst v0  }
0x1f: {  	[tilespmem:s26+$0x2820] =	vst v0  }
0x20: {  	[tilespmem:s26+$0x2830] =	vst v0  }
0x21: {  	[tilespmem:s26+$0x2840] =	vst v0  }
0x22: {  	[tilespmem:s26+$0x2850] =	vst v0  }
0x23: {  	[tilespmem:s26+$0x2860] =	vst v0  }
0x24: {  	[spmem:s5] =	stream.linear.scatter [tilespmem:s16], [sflag:$0x3], $0x4000, $0x38;
	[tilespmem:$0x1E800] =	vst v63  }
0x25: {  	_ =	swait.ge [sflag:s17], $0x4000  }
0x26: {  	[sflag:s17] =	ssyncset.done $0x0  }
0x27: {  	[sflag:s17] =	ssyncadd.s32 $0xFFFFC000  }
0x28: {  	[spmem:s6] =	stream.linear.scatter [tilespmem:s16], [sflag:$0x3], $0x4000, $0x38;
	[tilespmem:$0x1E800] =	vst v63  }
0x29: {  	_ =	swait.ge [sflag:s17], $0x4000  }
0x2a: {  	[sflag:s17] =	ssyncset.done $0x0  }
0x2b: {  	[sflag:s17] =	ssyncadd.s32 $0xFFFFC000  }
0x2c: {  	[spmem:s7] =	stream.linear.scatter [tilespmem:s16], [sflag:$0x3], $0x4000, $0x38;
	[tilespmem:$0x1E800] =	vst v63  }
0x2d: {  	_ =	swait.ge [sflag:s17], $0x4000  }
0x2e: {  	[sflag:s17] =	ssyncset.done $0x0  }
0x2f: {  	[sflag:s17] =	ssyncadd.s32 $0xFFFFC000  }
0x30: {  	[spmem:s8] =	stream.linear.scatter [tilespmem:s16], [sflag:$0x3], $0x4000, $0x38;
	[tilespmem:$0x1E800] =	vst v63  }
0x31: {  	_ =	swait.ge [sflag:s17], $0x4000  }
0x32: {  	[sflag:s17] =	ssyncset.done $0x0  }
0x33: {  	[sflag:s17] =	ssyncadd.s32 $0xFFFFC000  }
0x34: {  	[spmem:s9] =	stream.linear.scatter [tilespmem:s16], [sflag:$0x3], $0x4000, $0x38;
	[tilespmem:$0x1E800] =	vst v63  }
0x35: {  	_ =	swait.ge [sflag:s17], $0x4000  }
0x36: {  	[sflag:s17] =	ssyncset.done $0x0  }
0x37: {  	[sflag:s17] =	ssyncadd.s32 $0xFFFFC000  }
0x38: {  	s31 =	simm.s32 $0x0;
	[bflag:$0x0] =	sbarrier.arrive $0xFFFF  }
0x39: {  	[tilespmem:s31], [sflag:$0x3] =	stream.linear.gather [hbm4b:s11+s31], $0x1400, $0x38;
	[tilespmem:$0x1E800] =	vst v63  }
0x3a: {  	_ =	swait.ge [sflag:s17], $0x1400  }
0x3b: {  	[sflag:s17] =	ssyncset.done $0x0  }
0x3c: {  	[sflag:s17] =	ssyncadd.s32 $0xFFFFEC00  }
0x3d: {  	[tilespmem:s18], [sflag:$0x3] =	stream.linear.gather [hbm4b:s12+s31], $0x1400, $0x38;
	[tilespmem:$0x1E800] =	vst v63  }
0x3e: {  	_ =	swait.ge [sflag:s17], $0x1400  }
0x3f: {  	[sflag:s17] =	ssyncset.done $0x0  }
0x40: {  	[sflag:s17] =	ssyncadd.s32 $0xFFFFEC00  }
0x41: {  	[tilespmem:s16], [sflag:$0x1] =	stream.indirect.gather [hbm4b:s4+s19], $0x80, s31, s19, $0xb8;
	[tilespmem:$0x1E800] =	vst v63  }
0x42: {  	_ =	swait.ge [sflag:s20], $0x4000  }
0x43: {  	[sflag:s20] =	ssyncset.done $0x0  }
0x44: {  	s28 =	simm.s32 $0x80;
	[sflag:s20] =	ssyncadd.s32 $0xFFFFC000  }
0x45: {  	[tilespmem:s21], [sflag:$0x2] =	stream.indirect.gather [hbm4b:s4+s19], $0x80, s28, s19, $0xb8;
	[tilespmem:$0x1E800] =	vst v63  }
0x46: {  	s29 =	simm.s32 $0x1400  }
0x47: {  	[spmem:s2] =	stream.indirect.scatter.add.f32 [tilespmem:s16], [sflag:$0x3], $0x80, s29, s19, $0xb8;
	[tilespmem:$0x1E800] =	vst v63  }
0x48: {  	_ =	swait.ge [sflag:s17], $0x4000  }
0x49: {  	[sflag:s17] =	ssyncset.done $0x0  }
0x4a: {  	[sflag:s17] =	ssyncadd.s32 $0xFFFFC000  }
0x4b: {  	_ =	swait.ge [sflag:s22], $0x4000  }
0x4c: {  	[sflag:s22] =	ssyncset.done $0x0  }
0x4d: {  	s30 =	simm.s32 $0x100;
	[sflag:s22] =	ssyncadd.s32 $0xFFFFC000  }
0x4e: {  	[tilespmem:s16], [sflag:$0x1] =	stream.indirect.gather [hbm4b:s4+s19], $0x80, s30, s19, $0xb8;
	[tilespmem:$0x1E800] =	vst v63  }
0x4f: {  	s31 =	simm.s32 $0x1480  }
0x50: {  	[spmem:s2] =	stream.indirect.scatter.add.f32 [tilespmem:s21], [sflag:$0x3], $0x80, s31, s19, $0xb8;
	[tilespmem:$0x1E800] =	vst v63  }
0x51: {  	_ =	swait.ge [sflag:s17], $0x4000  }
0x52: {  	s26 =	simm.s32 $0x400;
	[sflag:s17] =	ssyncset.done $0x0  }
.LBB2_4:
0x53: {  	p0 =	sne.s32 s26, $0x4800  }
0x54: {  	[sflag:s17] =	ssyncadd.s32 $0xFFFFC000;
	s28 =	smov.u32 s26;
	s26 =	sadd.s32 $0x400, s26  }
0x55: {  	_ = 	snop  }
0x56: {  	_ =	swait.ge [sflag:s20], $0x4000  }
0x57: {  	s28 =	sshra.s32 s28, $0x2;
	[sflag:s20] =	ssyncset.done $0x0  }
0x58: {  	s29 =	sadd.s32 $0x80, s28;
	[sflag:s20] =	ssyncadd.s32 $0xFFFFC000  }
0x59: {  	[tilespmem:s21], [sflag:$0x2] =	stream.indirect.gather [hbm4b:s4+s19], $0x80, s29, s19, $0xb8;
	[tilespmem:$0x1E800] =	vst v63  }
0x5a: {  	s29 =	sadd.s32 $0x1400, s28  }
0x5b: {  	[spmem:s2] =	stream.indirect.scatter.add.f32 [tilespmem:s16], [sflag:$0x3], $0x80, s29, s19, $0xb8;
	[tilespmem:$0x1E800] =	vst v63  }
0x5c: {  	_ =	swait.ge [sflag:s17], $0x4000  }
0x5d: {  	[sflag:s17] =	ssyncset.done $0x0  }
0x5e: {  	[sflag:s17] =	ssyncadd.s32 $0xFFFFC000  }
0x5f: {  	_ =	swait.ge [sflag:s22], $0x4000  }
0x60: {  	[sflag:s22] =	ssyncset.done $0x0  }
0x61: {  	s29 =	sadd.s32 $0x100, s28;
	[sflag:s22] =	ssyncadd.s32 $0xFFFFC000  }
0x62: {  	[tilespmem:s16], [sflag:$0x1] =	stream.indirect.gather [hbm4b:s4+s19], $0x80, s29, s19, $0xb8;
	[tilespmem:$0x1E800] =	vst v63  }
.Ltmp1:
0x63: {  	_ = 	snop;
	(pc) =	sbr.rel @p0 .LBB2_4-.Ltmp1, $4  }
0x64: {  	s28 =	sadd.s32 $0x1480, s28  }
0x65: {  	[spmem:s2] =	stream.indirect.scatter.add.f32 [tilespmem:s21], [sflag:$0x3], $0x80, s28, s19, $0xb8;
	[tilespmem:$0x1E800] =	vst v63  }
0x66: {  	_ =	swait.ge [sflag:s17], $0x4000  }
0x67: {  	[sflag:s17] =	ssyncset.done $0x0  }
0x68: {  	[sflag:s17] =	ssyncadd.s32 $0xFFFFC000  }
0x69: {  	_ =	swait.ge [sflag:s20], $0x4000  }
0x6a: {  	[sflag:s20] =	ssyncset.done $0x0  }
0x6b: {  	[sflag:s20] =	ssyncadd.s32 $0xFFFFC000  }
0x6c: {  	[tilespmem:s21], [sflag:$0x2] =	stream.indirect.gather [hbm4b:s4+s19], $0x80, s23, s19, $0xb8;
	[tilespmem:$0x1E800] =	vst v63  }
0x6d: {  	_ = 	snop  }
0x6e: {  	[spmem:s2] =	stream.indirect.scatter.add.f32 [tilespmem:s16], [sflag:$0x3], $0x80, s24, s19, $0xb8;
	[tilespmem:$0x1E800] =	vst v63  }
0x6f: {  	_ =	swait.ge [sflag:s17], $0x4000  }
0x70: {  	[sflag:s17] =	ssyncset.done $0x0  }
0x71: {  	[sflag:s17] =	ssyncadd.s32 $0xFFFFC000  }
0x72: {  	_ =	swait.ge [sflag:s22], $0x4000  }
0x73: {  	[sflag:s22] =	ssyncset.done $0x0  }
0x74: {  	[sflag:s22] =	ssyncadd.s32 $0xFFFFC000  }
0x75: {  	[spmem:s2] =	stream.indirect.scatter.add.f32 [tilespmem:s21], [sflag:$0x3], $0x80, s25, s19, $0xb8;
	[tilespmem:$0x1E800] =	vst v63  }
0x76: {  	_ =	swait.ge [sflag:s17], $0x4000  }
0x77: {  	[sflag:s17] =	ssyncset.done $0x0  }
0x78: {  	s26 =	simm.s32 $0x0;
	[sflag:s17] =	ssyncadd.s32 $0xFFFFC000  }
0x79: {  	[tilespmem:s26], [sflag:$0x3] =	stream.linear.gather [hbm4b:s13+s26], $0x1400, $0x38;
	[tilespmem:$0x1E800] =	vst v63  }
0x7a: {  	_ =	swait.ge [sflag:s17], $0x1400  }
0x7b: {  	[sflag:s17] =	ssyncset.done $0x0  }
0x7c: {  	[sflag:s17] =	ssyncadd.s32 $0xFFFFEC00  }
0x7d: {  	[tilespmem:s18], [sflag:$0x3] =	stream.linear.gather [hbm4b:s14+s26], $0x1400, $0x38;
	[tilespmem:$0x1E800] =	vst v63  }
0x7e: {  	_ =	swait.ge [sflag:s17], $0x1400  }
0x7f: {  	[sflag:s17] =	ssyncset.done $0x0  }
0x80: {  	[sflag:s17] =	ssyncadd.s32 $0xFFFFEC00  }
0x81: {  	[tilespmem:s16], [sflag:$0x1] =	stream.indirect.gather [hbm4b:s4+s19], $0x80, s26, s19, $0xb8;
	[tilespmem:$0x1E800] =	vst v63  }
0x82: {  	_ =	swait.ge [sflag:s20], $0x4000  }
0x83: {  	[sflag:s20] =	ssyncset.done $0x0  }
0x84: {  	s28 =	simm.s32 $0x80;
	[sflag:s20] =	ssyncadd.s32 $0xFFFFC000  }
0x85: {  	[tilespmem:s21], [sflag:$0x2] =	stream.indirect.gather [hbm4b:s4+s19], $0x80, s28, s19, $0xb8;
	[tilespmem:$0x1E800] =	vst v63  }
0x86: {  	s29 =	simm.s32 $0x1400  }
0x87: {  	[spmem:s2] =	stream.indirect.scatter.add.f32 [tilespmem:s16], [sflag:$0x3], $0x80, s29, s19, $0xb8;
	[tilespmem:$0x1E800] =	vst v63  }
0x88: {  	_ =	swait.ge [sflag:s17], $0x4000  }
0x89: {  	[sflag:s17] =	ssyncset.done $0x0  }
0x8a: {  	[sflag:s17] =	ssyncadd.s32 $0xFFFFC000  }
0x8b: {  	_ =	swait.ge [sflag:s22], $0x4000  }
0x8c: {  	[sflag:s22] =	ssyncset.done $0x0  }
0x8d: {  	s30 =	simm.s32 $0x100;
	[sflag:s22] =	ssyncadd.s32 $0xFFFFC000  }
0x8e: {  	[tilespmem:s16], [sflag:$0x1] =	stream.indirect.gather [hbm4b:s4+s19], $0x80, s30, s19, $0xb8;
	[tilespmem:$0x1E800] =	vst v63  }
0x8f: {  	s31 =	simm.s32 $0x1480  }
0x90: {  	[spmem:s2] =	stream.indirect.scatter.add.f32 [tilespmem:s21], [sflag:$0x3], $0x80, s31, s19, $0xb8;
	[tilespmem:$0x1E800] =	vst v63  }
0x91: {  	_ =	swait.ge [sflag:s17], $0x4000  }
0x92: {  	s26 =	simm.s32 $0x400;
	[sflag:s17] =	ssyncset.done $0x0  }
.LBB2_6:
0x93: {  	p0 =	sne.s32 s26, $0x4800  }
0x94: {  	[sflag:s17] =	ssyncadd.s32 $0xFFFFC000;
	s28 =	smov.u32 s26;
	s26 =	sadd.s32 $0x400, s26  }
0x95: {  	_ = 	snop  }
0x96: {  	_ =	swait.ge [sflag:s20], $0x4000  }
0x97: {  	s28 =	sshra.s32 s28, $0x2;
	[sflag:s20] =	ssyncset.done $0x0  }
0x98: {  	s29 =	sadd.s32 $0x80, s28;
	[sflag:s20] =	ssyncadd.s32 $0xFFFFC000  }
0x99: {  	[tilespmem:s21], [sflag:$0x2] =	stream.indirect.gather [hbm4b:s4+s19], $0x80, s29, s19, $0xb8;
	[tilespmem:$0x1E800] =	vst v63  }
0x9a: {  	s29 =	sadd.s32 $0x1400, s28  }
0x9b: {  	[spmem:s2] =	stream.indirect.scatter.add.f32 [tilespmem:s16], [sflag:$0x3], $0x80, s29, s19, $0xb8;
	[tilespmem:$0x1E800] =	vst v63  }
0x9c: {  	_ =	swait.ge [sflag:s17], $0x4000  }
0x9d: {  	[sflag:s17] =	ssyncset.done $0x0  }
0x9e: {  	[sflag:s17] =	ssyncadd.s32 $0xFFFFC000  }
0x9f: {  	_ =	swait.ge [sflag:s22], $0x4000  }
0xa0: {  	[sflag:s22] =	ssyncset.done $0x0  }
0xa1: {  	s29 =	sadd.s32 $0x100, s28;
	[sflag:s22] =	ssyncadd.s32 $0xFFFFC000  }
0xa2: {  	[tilespmem:s16], [sflag:$0x1] =	stream.indirect.gather [hbm4b:s4+s19], $0x80, s29, s19, $0xb8;
	[tilespmem:$0x1E800] =	vst v63  }
.Ltmp2:
0xa3: {  	_ = 	snop;
	(pc) =	sbr.rel @p0 .LBB2_6-.Ltmp2, $4  }
0xa4: {  	s28 =	sadd.s32 $0x1480, s28  }
0xa5: {  	[spmem:s2] =	stream.indirect.scatter.add.f32 [tilespmem:s21], [sflag:$0x3], $0x80, s28, s19, $0xb8;
	[tilespmem:$0x1E800] =	vst v63  }
0xa6: {  	_ =	swait.ge [sflag:s17], $0x4000  }
0xa7: {  	[sflag:s17] =	ssyncset.done $0x0  }
0xa8: {  	[sflag:s17] =	ssyncadd.s32 $0xFFFFC000  }
0xa9: {  	_ =	swait.ge [sflag:s20], $0x4000  }
0xaa: {  	[sflag:s20] =	ssyncset.done $0x0  }
0xab: {  	[sflag:s20] =	ssyncadd.s32 $0xFFFFC000  }
0xac: {  	[tilespmem:s21], [sflag:$0x2] =	stream.indirect.gather [hbm4b:s4+s19], $0x80, s23, s19, $0xb8;
	[tilespmem:$0x1E800] =	vst v63  }
0xad: {  	_ = 	snop  }
0xae: {  	[spmem:s2] =	stream.indirect.scatter.add.f32 [tilespmem:s16], [sflag:$0x3], $0x80, s24, s19, $0xb8;
	[tilespmem:$0x1E800] =	vst v63  }
0xaf: {  	_ =	swait.ge [sflag:s17], $0x4000  }
0xb0: {  	[sflag:s17] =	ssyncset.done $0x0  }
0xb1: {  	[sflag:s17] =	ssyncadd.s32 $0xFFFFC000  }
0xb2: {  	_ =	swait.ge [sflag:s22], $0x4000  }
0xb3: {  	[sflag:s22] =	ssyncset.done $0x0  }
0xb4: {  	[sflag:s22] =	ssyncadd.s32 $0xFFFFC000  }
0xb5: {  	[spmem:s2] =	stream.indirect.scatter.add.f32 [tilespmem:s21], [sflag:$0x3], $0x80, s25, s19, $0xb8;
	[tilespmem:$0x1E800] =	vst v63  }
0xb6: {  	_ =	swait.ge [sflag:s17], $0x4000  }
0xb7: {  	s26 =	sshll.u32 s1, $0x6;
	s3 =	sadd.s32 $0x1, s3;
	[sflag:s17] =	ssyncset.done $0x0  }
0xb8: {  	s28 =	sshrl.u32 s5, $0x3;
	p0 =	sne.s32 s3, s10;
	[sflag:s17] =	ssyncadd.s32 $0xFFFFC000  }
.Ltmp3:
0xb9: {  	s26 =	sor.u32 $0x1C03, s26;
	[bflag:$0x0] =	sbarrier.arrive $0xFFFF;
	(pc) =	sbr.rel @p0 .LBB2_1-.Ltmp3, $4  }
0xba: {  	[hbm:s15], [sflag:s26] =	dma.local [spmem:s28], $0x2800  }
0xbb: {  	_ =	swait.ge [sflag:s17], $0x2800  }
0xbc: {  	[sflag:s17] =	ssyncset.done $0x0  }
0xbd: {  	[sflag:s17] =	ssyncadd.s32 $0xFFFFD800  }
0xbe: {  	_ =	sfence.sel $0x180000  }
0xbf: {  	[bflag:$0x0] =	sbarrier.arrive $0xFFFF  }
0xc0: {  	p0 =	sne.s32 s1, $0x0;
	_ =	strace $0x90000047  }
0xc1: {  	s0 =	sadd.s32 @!p0 $0x100000, s0;
	[bflag:$0x2] =	sbarrier.arrive $0xFFFF  }
0xc2: {  	[sflag:s0] =	ssyncadd.tile.s32 @!p0 $0x1;
	_ =	shalt  }
.Lfunc_end2:
_tile_overlayer_lowered:
.L_overlay_start_2:
0xc3: {  	(tag) =	ssettag $0x2  }
0xc4: {  	s0 =	rddreg [dreg:$0x0];
	s2 =	stileid.u32  }
0xc5: {  	s1 =	rddreg [dreg:$0x1];
	p0 =	sne.s32 s2, $0x0  }
0xc6: {  	s3 =	rddreg [dreg:$0x2];
	[bflag:$0x3] =	sbarrier.arrive $0xFFFF;
	s2 =	simm.s32 @!p0 $0x1C03  }
0xc7: {  	[timem:s3], [sflag:s2] =	dma.local @!p0 [hbm:s0], s1  }
0xc8: {  	s0 =	simm.s32 @!p0 $0x3  }
0xc9: {  	_ =	swait.ge @!p0 [sflag:s0], s1  }
0xca: {  	s1 =	ssub.s32 @!p0 $0x0, s1;
	[sflag:s0] =	ssyncset.done @!p0 $0x0  }
0xcb: {  	[sflag:s0] =	ssyncadd.s32 @!p0 s1  }
0xcc: {  	[bflag:$0x3] =	sbarrier.arrive $0xFFFF  }
0xcd: {  	_ =	shalt  }

// kernel: _run.17.cloned.1.call-start
scs
__scs_entry_jumppad:
0x0: {  	(pc) =	sbr.rel $0x88, $3  }
0x1: {  	(tag) =	ssettag $0x0;
	lr =	simm.s32 $0x1  }
0x2: {  	[smem:$0x3F94] =	sst lr;
	_ =	strace $0xD0000000  }
0x3: {  	_ = 	snop  }
0x4: {  	_ = 	snop  }
0x5: {  	_ = 	snop  }
0x6: {  	_ = 	snop  }
0x7: {  	_ = 	snop  }
__scs_overlays_trampoline_lowered:
0x8: {  	[smem:$0x3FA3] =	sst s0  }
0x9: {  	[smem:$0x3FA4] =	sst s1  }
0xa: {  	[smem:$0x3FA5] =	sst s2  }
0xb: {  	[smem:$0x3FA6] =	sst s3  }
0xc: {  	[smem:$0x3FA7] =	sst s4  }
0xd: {  	[smem:$0x3FA8] =	sst s5  }
0xe: {  	[smem:$0x3FA9] =	sst s6  }
0xf: {  	[smem:$0x3FAA] =	sst s7  }
0x10: {  	[smem:$0x3FAB] =	sst s8  }
0x11: {  	[smem:$0x3FAC] =	sst s9;
	s0 =	simm.s32 @!p0 $0x0  }
0x12: {  	s1 =	sld [smem:$0x3F92];
	s0 =	simm.s32 @p0 $0x1  }
0x13: {  	[smem:$0x3FAD] =	sst s0;
	s0 =	simm.s32 @!p1 $0x0  }
0x14: {  	s2 =	sld [smem:$0x3F91];
	s0 =	simm.s32 @p1 $0x1  }
0x15: {  	[smem:$0x3FAE] =	sst s0;
	s0 =	simm.s32 @!p2 $0x0  }
0x16: {  	s3 =	sld [smem:$0x3FDB];
	s0 =	simm.s32 @p2 $0x1  }
0x17: {  	s4 =	simm.s32 $0x1BF5;
	[smem:$0x3FB0] =	sst s0  }
0x18: {  	s0 =	sld [smem:$0x3F93];
	_ =	swait.ge [sflag:s4], $0x0  }
0x19: {  	s7 =	sld [smem:$0x3F94]  }
0x1a: {  	s8 =	sadd.s32 $0xFFFFE003, lr  }
0x1b: {  	s9 =	sadd.s32 $0xFFFFFEF7, lr;
	s5 =	simm.s32 $0xFFFFFFFF;
	p2 =	slt.u32 s8, $0xFFFFF086  }
0x1c: {  	p1 =	slt.u32 s9, $0xF7A;
	s5 =	simm.s32 @!p2 $0x0  }
0x1d: {  	s5 =	simm.s32 @p1 $0x1;
	p0 =	seq.s32 s7, s2  }
0x1e: {  	s7 =	smul.u32 @!p0 $0xF7A, s2;
	p2 =	seq.s32 @!p0 s5, $0x0  }
0x1f: {  	s9 =	smul.u32 $0xF7A, s1;
	s8 =	simm.s32 @!p0 $0x1BF5;
	p2 =	por !p2, p0  }
0x20: {  	[sflag:s8] =	ssyncset.s32 @!p0 $0xFFFFF086;
	s6 =	sadd.s32 @!p0 s3, s7;
	s7 =	simm.s32 @!p0 $0x108  }
0x21: {  	s3 =	sadd.s32 s3, s9;
	s6 =	sadd.s32 @!p0 $0x88, s6;
	s7 =	simm.s32 @p2 $0x1082  }
0x22: {  	[simem:s7], [sflag:s8] =	dma.local @!p0 [hbm:s6], $0xF7A  }
0x23: {  	s9 =	sor.u32 $0xD0000000, s2;
	s6 =	simm.s32 $0x108;
	_ =	swait.ge @!p0 [sflag:s8], $0x0  }
0x24: {  	s3 =	sadd.s32 $0x88, s3;
	s6 =	simm.s32 @!p1 $0x1082;
	[sflag:s4] =	ssyncset.s32 $0xFFFFF086  }
0x25: {  	[simem:s6], [sflag:s4] =	dma.local [hbm:s3], $0xF7A  }
0x26: {  	[smem:$0x3F94] =	sst s1;
	(tag) =	ssettag s2;
	_ =	strace s9  }
0x27: {  	s1 =	sld [smem:$0x3FA4]  }
0x28: {  	s2 =	sld [smem:$0x3FA5]  }
0x29: {  	s4 =	sld [smem:$0x3FA7]  }
0x2a: {  	p0 =	seq.s32 s5, $0x0;
	s5 =	sld [smem:$0x3FA8]  }
0x2b: {  	s6 =	sld [smem:$0x3FA9]  }
0x2c: {  	s7 =	sld [smem:$0x3FAA]  }
0x2d: {  	s3 =	simm.s32 $0x108;
	s8 =	sld [smem:$0x3FAB]  }
0x2e: {  	s3 =	simm.s32 @!p0 $0x1082;
	s9 =	sld [smem:$0x3FAC]  }
0x2f: {  	lr =	sadd.s32 s0, s3;
	s0 =	sld [smem:$0x3FA3]  }
0x30: {  	s3 =	sld [smem:$0x3FA6]  }
0x31: {  	[smem:$0x3FAF] =	sst s10  }
0x32: {  	s10 =	sld [smem:$0x3FAD];
	_ =	sdelay $0x3  }
0x33: {  	p0 =	seq.s32 s10, $0x1;
	s10 =	sld [smem:$0x3FAF];
	_ =	sdelay $0x3  }
0x34: {  	[smem:$0x3FAF] =	sst s10  }
0x35: {  	s10 =	sld [smem:$0x3FAE];
	_ =	sdelay $0x3  }
0x36: {  	p1 =	seq.s32 s10, $0x1;
	s10 =	sld [smem:$0x3FAF];
	_ =	sdelay $0x3  }
0x37: {  	[smem:$0x3FAF] =	sst s10  }
0x38: {  	s10 =	sld [smem:$0x3FB0]  }
0x39: {  	_ = 	snop;
	(pc) =	sbr.ind lr, $3  }
0x3a: {  	_ = 	snop  }
0x3b: {  	_ = 	snop  }
0x3c: {  	p2 =	seq.s32 s10, $0x1;
	s10 =	sld [smem:$0x3FAF]  }
0x3d: {  	_ =	shalt  }
0x3e: {  	_ =	shalt  }
0x3f: {  	_ =	shalt  }
0x40: {  	_ =	shalt  }
0x41: {  	_ =	shalt  }
0x42: {  	_ =	shalt  }
0x43: {  	_ =	shalt  }
0x44: {  	_ =	shalt  }
0x45: {  	_ =	shalt  }
0x46: {  	_ =	shalt  }
0x47: {  	_ =	shalt  }
0x48: {  	_ =	shalt  }
0x49: {  	_ =	shalt  }
0x4a: {  	_ =	shalt  }
0x4b: {  	_ =	shalt  }
0x4c: {  	_ =	shalt  }
0x4d: {  	_ =	shalt  }
0x4e: {  	_ =	shalt  }
0x4f: {  	_ =	shalt  }
0x50: {  	_ =	shalt  }
0x51: {  	_ =	shalt  }
0x52: {  	_ =	shalt  }
0x53: {  	_ =	shalt  }
0x54: {  	_ =	shalt  }
0x55: {  	_ =	shalt  }
0x56: {  	_ =	shalt  }
0x57: {  	_ =	shalt  }
0x58: {  	_ =	shalt  }
0x59: {  	_ =	shalt  }
0x5a: {  	_ =	shalt  }
0x5b: {  	_ =	shalt  }
0x5c: {  	_ =	shalt  }
0x5d: {  	_ =	shalt  }
0x5e: {  	_ =	shalt  }
0x5f: {  	_ =	shalt  }
0x60: {  	_ =	shalt  }
0x61: {  	_ =	shalt  }
0x62: {  	_ =	shalt  }
0x63: {  	_ =	shalt  }
0x64: {  	_ =	shalt  }
0x65: {  	_ =	shalt  }
0x66: {  	_ =	shalt  }
0x67: {  	_ =	shalt  }
0x68: {  	_ =	shalt  }
0x69: {  	_ =	shalt  }
0x6a: {  	_ =	shalt  }
0x6b: {  	_ =	shalt  }
0x6c: {  	_ =	shalt  }
0x6d: {  	_ =	shalt  }
0x6e: {  	_ =	shalt  }
0x6f: {  	_ =	shalt  }
0x70: {  	_ =	shalt  }
0x71: {  	_ =	shalt  }
0x72: {  	_ =	shalt  }
0x73: {  	_ =	shalt  }
0x74: {  	_ =	shalt  }
0x75: {  	_ =	shalt  }
0x76: {  	_ =	shalt  }
0x77: {  	_ =	shalt  }
0x78: {  	_ =	shalt  }
0x79: {  	_ =	shalt  }
0x7a: {  	_ =	shalt  }
0x7b: {  	_ =	shalt  }
0x7c: {  	_ =	shalt  }
0x7d: {  	_ =	shalt  }
0x7e: {  	_ =	shalt  }
0x7f: {  	_ =	shalt  }
0x80: {  	_ =	shalt  }
0x81: {  	_ =	shalt  }
0x82: {  	_ =	shalt  }
0x83: {  	_ =	shalt  }
0x84: {  	_ =	shalt  }
0x85: {  	_ =	shalt  }
0x86: {  	_ =	shalt  }
0x87: {  	_ =	shalt  }
.Lfunc_end0:
.L_simem_size_0:
called_computation.1_lowered:
.L_overlay_start_0:
0x88: {  	s2 =	sld [smem:$0x3FD9]  }
0x89: {  	s3 =	sld [smem:$0x3FFE];
	_ =	sdelay $0x1  }
0x8a: {  	s1 =	srdreg.scid  }
0x8b: {  	s0 =	sand.u32 $0x1, s1  }
0x8c: {  	s16 =	sshll.u32 s0, $0xA;
	s2 =	sadd.s32 s3, s2  }
0x8d: {  	s2 =	sadd.s32 s2, s16  }
0x8e: {  	[smem:$0x3FBB] =	sst s2  }
0x8f: {  	_ = 	snop  }
0x90: {  	(tm) =	ssettm $0x1  }
0x91: {  	s17 =	sld [smem:$0x3FFB];
	_ =	sdelay $0x3  }
0x92: {  	_ =	strace s17  }
0x93: {  	s2 =	sld [smem:$0x3FFC];
	_ =	sdelay $0x3  }
0x94: {  	_ =	strace s2  }
0x95: {  	s2 =	sld [smem:$0x3FFD];
	_ =	sdelay $0x3  }
0x96: {  	_ =	strace s2  }
0x97: {  	_ =	strace $0x8FFFFFFF  }
0x98: {  	s18 =	sld [smem:$0x3FDB];
	_ =	sdelay $0x1  }
0x99: {  	s19 =	simm.s32 $_scs_section_size  }
0x9a: {  	s4 =	simm.s32 $_size__tile_overlayer_lowered;
	s5 =	simm.s32 $_tile_overlayer_lowered  }
0x9b: {  	s22 =	simm.s32 $0x1BFF;
	s21 =	sshll.u32 s5, $0x1;
	s2 =	sadd.s32 s19, s18  }
0x9c: {  	s6 =	simm.s32 $0x0;
	s20 =	sshll.u32 s4, $0x1;
	s4 =	sadd.s32 s21, s2  }
0x9d: {  	[timem:s6], [sflag:s22] =	dma.local [hbm:s4], s20  }
0x9e: {  	_ =	swait.ge [sflag:s22], s20  }
0x9f: {  	s3 =	ssub.s32 $0x0, s20;
	[sflag:s22] =	ssyncset.done $0x0  }
0xa0: {  	[sflag:s22] =	ssyncadd.s32 s3;
	_ =	sdelay $0x1  }
0xa1: {  	s23 =	simm.s32 $0x1B8B  }
0xa2: {  	_ =	swait.ge [sflag:s23], $0x1  }
0xa3: {  	[sflag:s23] =	ssyncset.done $0x0  }
0xa4: {  	s25 =	simm.s32 $0x1B8E;
	s24 =	sld [smem:$0x3FFE];
	[sflag:s23] =	ssyncadd.s32 $0xFFFFFFFF  }
0xa5: {  	s26 =	simm.s32 $execute0_lowered;
	[smem:$0x3FD2] =	sst s25  }
0xa6: {  	s4 =	sshll.u32 s26, $0x1;
	_ =	strace $0x80000049;
	[dreg:$0x1] =	wrdreg $0xFFFFFFFF  }
0xa7: {  	s28 =	simm.s32 $_size_execute0_lowered;
	s2 =	sadd.s32 s2, s4;
	[dreg:$0x0] =	wrdreg $0x0  }
0xa8: {  	s4 =	sshll.u32 s28, $0x1;
	[dreg:$0x2] =	wrdreg s2  }
0xa9: {  	[dreg:$0x3] =	wrdreg s4  }
0xaa: {  	[dreg:$0x4] =	wrdreg $0xC0  }
0xab: {  	_ =	task [dreg:s6], $0x5FFFF  }
0xac: {  	[dreg:$0x1] =	wrdreg $0xFFFFFFFF  }
0xad: {  	[dreg:$0x0] =	wrdreg $0x60  }
0xae: {  	[dreg:$0x2] =	wrdreg s24  }
0xaf: {  	[dreg:$0x3] =	wrdreg $0xA8000  }
0xb0: {  	[dreg:$0x4] =	wrdreg $0x9  }
0xb1: {  	_ =	task.clear_ibuf [dreg:s6], $0x5FFFF;
	_ =	strace $0x90000049  }
0xb2: {  	s29 =	simm.s32 $0x9;
	_ =	strace $0x8000004B  }
0xb3: {  	_ =	swait.ge [sflag:s29], $0x1  }
0xb4: {  	[sflag:s29] =	ssyncadd.s32 $0xFFFFFFFF  }
0xb5: {  	_ =	strace $0x9000004B  }
0xb6: {  	_ =	sfence  }
0xb7: {  	s30 =	sld [smem:$0x0];
	_ =	sdelay $0x2  }
0xb8: {  	s31 =	sshll.u32 s1, $0xD;
	s1 =	sshrl.u32 s1, $0x2  }
0xb9: {  	s3 =	sand.u32 $0x4000, s31;
	s1 =	sadd.s32 s1, s30  }
0xba: {  	s0 =	sor.u32 s3, s0;
	s1 =	sshll.u32 s1, $0x11  }
0xbb: {  	s0 =	sor.u32 s1, s0  }
0xbc: {  	s0 =	sadd.s32 $0x8F2B, s0  }
0xbd: {  	[sflag:s0] =	ssyncadd.remote.s32 $0x1  }
0xbe: {  	_ =	sfence.sel $0xFFFF  }
0xbf: {  	[dreg:$0x0] =	wrdreg $0xFFFFFFFF;
	(pc) =	sbr.abs _section_cstart, $3  }
0xc0: {  	[dreg:$0x1] =	wrdreg $0xFFFFFFFF  }
0xc1: {  	_ =	task.clear_ibuf [dreg:s6], $0x2FFFF;
	_ =	strace $0x9FFFFFFF  }
0xc2: {  	(tm) =	ssettm $0x7FFFFFFF  }
0xc3: {  	_ =	shalt  }
tec
execute0_lowered:
.L_overlay_start_1:
0x0: {  	(tag) =	ssettag $0x1  }
0x1: {  	s14 =	rddreg [dreg:$0x0]  }
0x2: {  	s2 =	rddreg [dreg:$0x1]  }
0x3: {  	s0 =	rddreg [dreg:$0x2]  }
0x4: {  	s3 =	simm.s32 $0x0;
	s1 =	stileid.u32;
	s5 =	srdreg.scid  }
0x5: {  	s17 =	simm.s32 $0x108A00;
	s19 =	simm.s32 $0x80;
	s20 =	simm.s32 $0x1  }
0x6: {  	s21 =	simm.s32 $0x6800;
	s22 =	simm.s32 $0x2;
	s23 =	simm.s32 $0x1380  }
0x7: {  	s24 =	simm.s32 $0x2700;
	s25 =	simm.s32 $0x2780;
	[smem:$0x7FF] =	sst s3  }
0x8: {  	s6 =	smul.u32 $0x50000, s1;
	s4 =	sadd.s32 $0x40A00, s14;
	s13 =	sadd.s32 $0x2CA00, s14  }
0x9: {  	s10 =	sand.u32 $0x1, s5;
	s15 =	sadd.s32 $0x36A00, s14;
	s16 =	smul.u32 $0x2800, s1  }
0xa: {  	_ =	strace $0x8000004A;
	s7 =	ssub.s32 $0x2, s10;
	s8 =	sshll.u32 s10, $0x4  }
0xb: {  	p0 =	seq.s32 s10, $0x1;
	s30 =	sshrl.u32 s6, $0x2;
	s31 =	sshrl.u32 s7, $0x1  }
0xc: {  	s9 =	sor.u32 s1, s8;
	s17 =	simm.s32 @!p0 $0xE0A00;
	s5 =	sadd.s32 s30, s2  }
0xd: {  	s11 =	ssub.s32 s7, s31;
	s12 =	smul.u32 $0x2800, s9;
	s17 =	sadd.s32 s17, s14  }
0xe: {  	s6 =	sadd.s32 $0x4000, s5;
	s7 =	sadd.s32 $0x8000, s5;
	s8 =	sadd.s32 $0xC000, s5  }
0xf: {  	s9 =	sadd.s32 $0x10000, s5;
	s10 =	smax.u32 s11, $0x1;
	s12 =	sshrl.u32 s12, $0x3  }
0x10: {  	s11 =	sadd.s32 s13, s12;
	s18 =	sadd.s32 $0x280, s12;
	s12 =	sadd.s32 s15, s12  }
0x11: {  	s13 =	sadd.s32 s13, s18;
	s14 =	sadd.s32 s15, s18;
	s15 =	sadd.s32 s17, s16  }
0x12: {  	v0 =	vimm.f32 $0.0e+00;
	s16 =	simm.s32 $0x2800;
	s17 =	simm.s32 $0x3;
	s18 =	simm.s32 $0x1400  }
.LBB2_1:
0x13: {  	s26 =	simm.s32 $0x0;
	s28 =	simm.s32 $0x200  }
.LBB2_2:
0x14: {  	p0 =	sne.s32 s28, $0xFE00;
	[tilespmem:s26+$0x2870] =	vst v0  }
0x15: {  	[tilespmem:s26+$0x2800] =	vst v0  }
0x16: {  	[tilespmem:s26+$0x2810] =	vst v0  }
.Ltmp0:
0x17: {  	[tilespmem:s26+$0x2820] =	vst v0;
	(pc) =	sbr.rel @p0 .LBB2_2-.Ltmp0, $4  }
0x18: {  	[tilespmem:s26+$0x2830] =	vst v0  }
0x19: {  	[tilespmem:s26+$0x2840] =	vst v0  }
0x1a: {  	[tilespmem:s26+$0x2850] =	vst v0  }
0x1b: {  	[tilespmem:s26+$0x2860] =	vst v0;
	s26 =	sshra.s32 s28, $0x2;
	s28 =	sadd.s32 $0x200, s28  }
0x1c: {  	[tilespmem:s26+$0x2870] =	vst v0  }
0x1d: {  	[tilespmem:s26+$0x2800] =	vst v0  }
0x1e: {  	[tilespmem:s26+$0x2810] =	vst v0  }
0x1f: {  	[tilespmem:s26+$0x2820] =	vst v0  }
0x20: {  	[tilespmem:s26+$0x2830] =	vst v0  }
0x21: {  	[tilespmem:s26+$0x2840] =	vst v0  }
0x22: {  	[tilespmem:s26+$0x2850] =	vst v0  }
0x23: {  	[tilespmem:s26+$0x2860] =	vst v0  }
0x24: {  	[spmem:s5] =	stream.linear.scatter [tilespmem:s16], [sflag:$0x3], $0x4000, $0x38;
	[tilespmem:$0x1E800] =	vst v63  }
0x25: {  	_ =	swait.ge [sflag:s17], $0x4000  }
0x26: {  	[sflag:s17] =	ssyncset.done $0x0  }
0x27: {  	[sflag:s17] =	ssyncadd.s32 $0xFFFFC000  }
0x28: {  	[spmem:s6] =	stream.linear.scatter [tilespmem:s16], [sflag:$0x3], $0x4000, $0x38;
	[tilespmem:$0x1E800] =	vst v63  }
0x29: {  	_ =	swait.ge [sflag:s17], $0x4000  }
0x2a: {  	[sflag:s17] =	ssyncset.done $0x0  }
0x2b: {  	[sflag:s17] =	ssyncadd.s32 $0xFFFFC000  }
0x2c: {  	[spmem:s7] =	stream.linear.scatter [tilespmem:s16], [sflag:$0x3], $0x4000, $0x38;
	[tilespmem:$0x1E800] =	vst v63  }
0x2d: {  	_ =	swait.ge [sflag:s17], $0x4000  }
0x2e: {  	[sflag:s17] =	ssyncset.done $0x0  }
0x2f: {  	[sflag:s17] =	ssyncadd.s32 $0xFFFFC000  }
0x30: {  	[spmem:s8] =	stream.linear.scatter [tilespmem:s16], [sflag:$0x3], $0x4000, $0x38;
	[tilespmem:$0x1E800] =	vst v63  }
0x31: {  	_ =	swait.ge [sflag:s17], $0x4000  }
0x32: {  	[sflag:s17] =	ssyncset.done $0x0  }
0x33: {  	[sflag:s17] =	ssyncadd.s32 $0xFFFFC000  }
0x34: {  	[spmem:s9] =	stream.linear.scatter [tilespmem:s16], [sflag:$0x3], $0x4000, $0x38;
	[tilespmem:$0x1E800] =	vst v63  }
0x35: {  	_ =	swait.ge [sflag:s17], $0x4000  }
0x36: {  	[sflag:s17] =	ssyncset.done $0x0  }
0x37: {  	[sflag:s17] =	ssyncadd.s32 $0xFFFFC000  }
0x38: {  	s31 =	simm.s32 $0x0;
	[bflag:$0x0] =	sbarrier.arrive $0xFFFF  }
0x39: {  	[tilespmem:s31], [sflag:$0x3] =	stream.linear.gather [hbm4b:s11+s31], $0x1400, $0x38;
	[tilespmem:$0x1E800] =	vst v63  }
0x3a: {  	_ =	swait.ge [sflag:s17], $0x1400  }
0x3b: {  	[sflag:s17] =	ssyncset.done $0x0  }
0x3c: {  	[sflag:s17] =	ssyncadd.s32 $0xFFFFEC00  }
0x3d: {  	[tilespmem:s18], [sflag:$0x3] =	stream.linear.gather [hbm4b:s12+s31], $0x1400, $0x38;
	[tilespmem:$0x1E800] =	vst v63  }
0x3e: {  	_ =	swait.ge [sflag:s17], $0x1400  }
0x3f: {  	[sflag:s17] =	ssyncset.done $0x0  }
0x40: {  	[sflag:s17] =	ssyncadd.s32 $0xFFFFEC00  }
0x41: {  	[tilespmem:s16], [sflag:$0x1] =	stream.indirect.gather [hbm4b:s4+s19], $0x80, s31, s19, $0xb8;
	[tilespmem:$0x1E800] =	vst v63  }
0x42: {  	_ =	swait.ge [sflag:s20], $0x4000  }
0x43: {  	[sflag:s20] =	ssyncset.done $0x0  }
0x44: {  	s28 =	simm.s32 $0x80;
	[sflag:s20] =	ssyncadd.s32 $0xFFFFC000  }
0x45: {  	[tilespmem:s21], [sflag:$0x2] =	stream.indirect.gather [hbm4b:s4+s19], $0x80, s28, s19, $0xb8;
	[tilespmem:$0x1E800] =	vst v63  }
0x46: {  	s29 =	simm.s32 $0x1400  }
0x47: {  	[spmem:s2] =	stream.indirect.scatter.add.f32 [tilespmem:s16], [sflag:$0x3], $0x80, s29, s19, $0xb8;
	[tilespmem:$0x1E800] =	vst v63  }
0x48: {  	_ =	swait.ge [sflag:s17], $0x4000  }
0x49: {  	[sflag:s17] =	ssyncset.done $0x0  }
0x4a: {  	[sflag:s17] =	ssyncadd.s32 $0xFFFFC000  }
0x4b: {  	_ =	swait.ge [sflag:s22], $0x4000  }
0x4c: {  	[sflag:s22] =	ssyncset.done $0x0  }
0x4d: {  	s30 =	simm.s32 $0x100;
	[sflag:s22] =	ssyncadd.s32 $0xFFFFC000  }
0x4e: {  	[tilespmem:s16], [sflag:$0x1] =	stream.indirect.gather [hbm4b:s4+s19], $0x80, s30, s19, $0xb8;
	[tilespmem:$0x1E800] =	vst v63  }
0x4f: {  	s31 =	simm.s32 $0x1480  }
0x50: {  	[spmem:s2] =	stream.indirect.scatter.add.f32 [tilespmem:s21], [sflag:$0x3], $0x80, s31, s19, $0xb8;
	[tilespmem:$0x1E800] =	vst v63  }
0x51: {  	_ =	swait.ge [sflag:s17], $0x4000  }
0x52: {  	s26 =	simm.s32 $0x400;
	[sflag:s17] =	ssyncset.done $0x0  }
.LBB2_4:
0x53: {  	p0 =	sne.s32 s26, $0x4800  }
0x54: {  	[sflag:s17] =	ssyncadd.s32 $0xFFFFC000;
	s28 =	smov.u32 s26;
	s26 =	sadd.s32 $0x400, s26  }
0x55: {  	_ = 	snop  }
0x56: {  	_ =	swait.ge [sflag:s20], $0x4000  }
0x57: {  	s28 =	sshra.s32 s28, $0x2;
	[sflag:s20] =	ssyncset.done $0x0  }
0x58: {  	s29 =	sadd.s32 $0x80, s28;
	[sflag:s20] =	ssyncadd.s32 $0xFFFFC000  }
0x59: {  	[tilespmem:s21], [sflag:$0x2] =	stream.indirect.gather [hbm4b:s4+s19], $0x80, s29, s19, $0xb8;
	[tilespmem:$0x1E800] =	vst v63  }
0x5a: {  	s29 =	sadd.s32 $0x1400, s28  }
0x5b: {  	[spmem:s2] =	stream.indirect.scatter.add.f32 [tilespmem:s16], [sflag:$0x3], $0x80, s29, s19, $0xb8;
	[tilespmem:$0x1E800] =	vst v63  }
0x5c: {  	_ =	swait.ge [sflag:s17], $0x4000  }
0x5d: {  	[sflag:s17] =	ssyncset.done $0x0  }
0x5e: {  	[sflag:s17] =	ssyncadd.s32 $0xFFFFC000  }
0x5f: {  	_ =	swait.ge [sflag:s22], $0x4000  }
0x60: {  	[sflag:s22] =	ssyncset.done $0x0  }
0x61: {  	s29 =	sadd.s32 $0x100, s28;
	[sflag:s22] =	ssyncadd.s32 $0xFFFFC000  }
0x62: {  	[tilespmem:s16], [sflag:$0x1] =	stream.indirect.gather [hbm4b:s4+s19], $0x80, s29, s19, $0xb8;
	[tilespmem:$0x1E800] =	vst v63  }
.Ltmp1:
0x63: {  	_ = 	snop;
	(pc) =	sbr.rel @p0 .LBB2_4-.Ltmp1, $4  }
0x64: {  	s28 =	sadd.s32 $0x1480, s28  }
0x65: {  	[spmem:s2] =	stream.indirect.scatter.add.f32 [tilespmem:s21], [sflag:$0x3], $0x80, s28, s19, $0xb8;
	[tilespmem:$0x1E800] =	vst v63  }
0x66: {  	_ =	swait.ge [sflag:s17], $0x4000  }
0x67: {  	[sflag:s17] =	ssyncset.done $0x0  }
0x68: {  	[sflag:s17] =	ssyncadd.s32 $0xFFFFC000  }
0x69: {  	_ =	swait.ge [sflag:s20], $0x4000  }
0x6a: {  	[sflag:s20] =	ssyncset.done $0x0  }
0x6b: {  	[sflag:s20] =	ssyncadd.s32 $0xFFFFC000  }
0x6c: {  	[tilespmem:s21], [sflag:$0x2] =	stream.indirect.gather [hbm4b:s4+s19], $0x80, s23, s19, $0xb8;
	[tilespmem:$0x1E800] =	vst v63  }
0x6d: {  	_ = 	snop  }
0x6e: {  	[spmem:s2] =	stream.indirect.scatter.add.f32 [tilespmem:s16], [sflag:$0x3], $0x80, s24, s19, $0xb8;
	[tilespmem:$0x1E800] =	vst v63  }
0x6f: {  	_ =	swait.ge [sflag:s17], $0x4000  }
0x70: {  	[sflag:s17] =	ssyncset.done $0x0  }
0x71: {  	[sflag:s17] =	ssyncadd.s32 $0xFFFFC000  }
0x72: {  	_ =	swait.ge [sflag:s22], $0x4000  }
0x73: {  	[sflag:s22] =	ssyncset.done $0x0  }
0x74: {  	[sflag:s22] =	ssyncadd.s32 $0xFFFFC000  }
0x75: {  	[spmem:s2] =	stream.indirect.scatter.add.f32 [tilespmem:s21], [sflag:$0x3], $0x80, s25, s19, $0xb8;
	[tilespmem:$0x1E800] =	vst v63  }
0x76: {  	_ =	swait.ge [sflag:s17], $0x4000  }
0x77: {  	[sflag:s17] =	ssyncset.done $0x0  }
0x78: {  	s26 =	simm.s32 $0x0;
	[sflag:s17] =	ssyncadd.s32 $0xFFFFC000  }
0x79: {  	[tilespmem:s26], [sflag:$0x3] =	stream.linear.gather [hbm4b:s13+s26], $0x1400, $0x38;
	[tilespmem:$0x1E800] =	vst v63  }
0x7a: {  	_ =	swait.ge [sflag:s17], $0x1400  }
0x7b: {  	[sflag:s17] =	ssyncset.done $0x0  }
0x7c: {  	[sflag:s17] =	ssyncadd.s32 $0xFFFFEC00  }
0x7d: {  	[tilespmem:s18], [sflag:$0x3] =	stream.linear.gather [hbm4b:s14+s26], $0x1400, $0x38;
	[tilespmem:$0x1E800] =	vst v63  }
0x7e: {  	_ =	swait.ge [sflag:s17], $0x1400  }
0x7f: {  	[sflag:s17] =	ssyncset.done $0x0  }
0x80: {  	[sflag:s17] =	ssyncadd.s32 $0xFFFFEC00  }
0x81: {  	[tilespmem:s16], [sflag:$0x1] =	stream.indirect.gather [hbm4b:s4+s19], $0x80, s26, s19, $0xb8;
	[tilespmem:$0x1E800] =	vst v63  }
0x82: {  	_ =	swait.ge [sflag:s20], $0x4000  }
0x83: {  	[sflag:s20] =	ssyncset.done $0x0  }
0x84: {  	s28 =	simm.s32 $0x80;
	[sflag:s20] =	ssyncadd.s32 $0xFFFFC000  }
0x85: {  	[tilespmem:s21], [sflag:$0x2] =	stream.indirect.gather [hbm4b:s4+s19], $0x80, s28, s19, $0xb8;
	[tilespmem:$0x1E800] =	vst v63  }
0x86: {  	s29 =	simm.s32 $0x1400  }
0x87: {  	[spmem:s2] =	stream.indirect.scatter.add.f32 [tilespmem:s16], [sflag:$0x3], $0x80, s29, s19, $0xb8;
	[tilespmem:$0x1E800] =	vst v63  }
0x88: {  	_ =	swait.ge [sflag:s17], $0x4000  }
0x89: {  	[sflag:s17] =	ssyncset.done $0x0  }
0x8a: {  	[sflag:s17] =	ssyncadd.s32 $0xFFFFC000  }
0x8b: {  	_ =	swait.ge [sflag:s22], $0x4000  }
0x8c: {  	[sflag:s22] =	ssyncset.done $0x0  }
0x8d: {  	s30 =	simm.s32 $0x100;
	[sflag:s22] =	ssyncadd.s32 $0xFFFFC000  }
0x8e: {  	[tilespmem:s16], [sflag:$0x1] =	stream.indirect.gather [hbm4b:s4+s19], $0x80, s30, s19, $0xb8;
	[tilespmem:$0x1E800] =	vst v63  }
0x8f: {  	s31 =	simm.s32 $0x1480  }
0x90: {  	[spmem:s2] =	stream.indirect.scatter.add.f32 [tilespmem:s21], [sflag:$0x3], $0x80, s31, s19, $0xb8;
	[tilespmem:$0x1E800] =	vst v63  }
0x91: {  	_ =	swait.ge [sflag:s17], $0x4000  }
0x92: {  	s26 =	simm.s32 $0x400;
	[sflag:s17] =	ssyncset.done $0x0  }
.LBB2_6:
0x93: {  	p0 =	sne.s32 s26, $0x4800  }
0x94: {  	[sflag:s17] =	ssyncadd.s32 $0xFFFFC000;
	s28 =	smov.u32 s26;
	s26 =	sadd.s32 $0x400, s26  }
0x95: {  	_ = 	snop  }
0x96: {  	_ =	swait.ge [sflag:s20], $0x4000  }
0x97: {  	s28 =	sshra.s32 s28, $0x2;
	[sflag:s20] =	ssyncset.done $0x0  }
0x98: {  	s29 =	sadd.s32 $0x80, s28;
	[sflag:s20] =	ssyncadd.s32 $0xFFFFC000  }
0x99: {  	[tilespmem:s21], [sflag:$0x2] =	stream.indirect.gather [hbm4b:s4+s19], $0x80, s29, s19, $0xb8;
	[tilespmem:$0x1E800] =	vst v63  }
0x9a: {  	s29 =	sadd.s32 $0x1400, s28  }
0x9b: {  	[spmem:s2] =	stream.indirect.scatter.add.f32 [tilespmem:s16], [sflag:$0x3], $0x80, s29, s19, $0xb8;
	[tilespmem:$0x1E800] =	vst v63  }
0x9c: {  	_ =	swait.ge [sflag:s17], $0x4000  }
0x9d: {  	[sflag:s17] =	ssyncset.done $0x0  }
0x9e: {  	[sflag:s17] =	ssyncadd.s32 $0xFFFFC000  }
0x9f: {  	_ =	swait.ge [sflag:s22], $0x4000  }
0xa0: {  	[sflag:s22] =	ssyncset.done $0x0  }
0xa1: {  	s29 =	sadd.s32 $0x100, s28;
	[sflag:s22] =	ssyncadd.s32 $0xFFFFC000  }
0xa2: {  	[tilespmem:s16], [sflag:$0x1] =	stream.indirect.gather [hbm4b:s4+s19], $0x80, s29, s19, $0xb8;
	[tilespmem:$0x1E800] =	vst v63  }
.Ltmp2:
0xa3: {  	_ = 	snop;
	(pc) =	sbr.rel @p0 .LBB2_6-.Ltmp2, $4  }
0xa4: {  	s28 =	sadd.s32 $0x1480, s28  }
0xa5: {  	[spmem:s2] =	stream.indirect.scatter.add.f32 [tilespmem:s21], [sflag:$0x3], $0x80, s28, s19, $0xb8;
	[tilespmem:$0x1E800] =	vst v63  }
0xa6: {  	_ =	swait.ge [sflag:s17], $0x4000  }
0xa7: {  	[sflag:s17] =	ssyncset.done $0x0  }
0xa8: {  	[sflag:s17] =	ssyncadd.s32 $0xFFFFC000  }
0xa9: {  	_ =	swait.ge [sflag:s20], $0x4000  }
0xaa: {  	[sflag:s20] =	ssyncset.done $0x0  }
0xab: {  	[sflag:s20] =	ssyncadd.s32 $0xFFFFC000  }
0xac: {  	[tilespmem:s21], [sflag:$0x2] =	stream.indirect.gather [hbm4b:s4+s19], $0x80, s23, s19, $0xb8;
	[tilespmem:$0x1E800] =	vst v63  }
0xad: {  	_ = 	snop  }
0xae: {  	[spmem:s2] =	stream.indirect.scatter.add.f32 [tilespmem:s16], [sflag:$0x3], $0x80, s24, s19, $0xb8;
	[tilespmem:$0x1E800] =	vst v63  }
0xaf: {  	_ =	swait.ge [sflag:s17], $0x4000  }
0xb0: {  	[sflag:s17] =	ssyncset.done $0x0  }
0xb1: {  	[sflag:s17] =	ssyncadd.s32 $0xFFFFC000  }
0xb2: {  	_ =	swait.ge [sflag:s22], $0x4000  }
0xb3: {  	[sflag:s22] =	ssyncset.done $0x0  }
0xb4: {  	[sflag:s22] =	ssyncadd.s32 $0xFFFFC000  }
0xb5: {  	[spmem:s2] =	stream.indirect.scatter.add.f32 [tilespmem:s21], [sflag:$0x3], $0x80, s25, s19, $0xb8;
	[tilespmem:$0x1E800] =	vst v63  }
0xb6: {  	_ =	swait.ge [sflag:s17], $0x4000  }
0xb7: {  	s26 =	sshll.u32 s1, $0x6;
	s3 =	sadd.s32 $0x1, s3;
	[sflag:s17] =	ssyncset.done $0x0  }
0xb8: {  	s28 =	sshrl.u32 s5, $0x3;
	p0 =	sne.s32 s3, s10;
	[sflag:s17] =	ssyncadd.s32 $0xFFFFC000  }
.Ltmp3:
0xb9: {  	s26 =	sor.u32 $0x1C03, s26;
	[bflag:$0x0] =	sbarrier.arrive $0xFFFF;
	(pc) =	sbr.rel @p0 .LBB2_1-.Ltmp3, $4  }
0xba: {  	[hbm:s15], [sflag:s26] =	dma.local [spmem:s28], $0x2800  }
0xbb: {  	_ =	swait.ge [sflag:s17], $0x2800  }
0xbc: {  	[sflag:s17] =	ssyncset.done $0x0  }
0xbd: {  	[sflag:s17] =	ssyncadd.s32 $0xFFFFD800  }
0xbe: {  	_ =	sfence.sel $0x180000  }
0xbf: {  	[bflag:$0x0] =	sbarrier.arrive $0xFFFF  }
0xc0: {  	p0 =	sne.s32 s1, $0x0;
	_ =	strace $0x9000004A  }
0xc1: {  	s0 =	sadd.s32 @!p0 $0x100000, s0;
	[bflag:$0x2] =	sbarrier.arrive $0xFFFF  }
0xc2: {  	[sflag:s0] =	ssyncadd.tile.s32 @!p0 $0x1;
	_ =	shalt  }
.Lfunc_end2:
_tile_overlayer_lowered:
.L_overlay_start_2:
0xc3: {  	(tag) =	ssettag $0x2  }
0xc4: {  	s0 =	rddreg [dreg:$0x0];
	s2 =	stileid.u32  }
0xc5: {  	s1 =	rddreg [dreg:$0x1];
	p0 =	sne.s32 s2, $0x0  }
0xc6: {  	s3 =	rddreg [dreg:$0x2];
	[bflag:$0x3] =	sbarrier.arrive $0xFFFF;
	s2 =	simm.s32 @!p0 $0x1C03  }
0xc7: {  	[timem:s3], [sflag:s2] =	dma.local @!p0 [hbm:s0], s1  }
0xc8: {  	s0 =	simm.s32 @!p0 $0x3  }
0xc9: {  	_ =	swait.ge @!p0 [sflag:s0], s1  }
0xca: {  	s1 =	ssub.s32 @!p0 $0x0, s1;
	[sflag:s0] =	ssyncset.done @!p0 $0x0  }
0xcb: {  	[sflag:s0] =	ssyncadd.s32 @!p0 s1  }
0xcc: {  	[bflag:$0x3] =	sbarrier.arrive $0xFFFF  }
0xcd: {  	_ =	shalt  }

// kernel: _run.20.cloned.1.call-start
scs
__scs_entry_jumppad:
0x0: {  	(pc) =	sbr.rel $0x88, $3  }
0x1: {  	(tag) =	ssettag $0x0;
	lr =	simm.s32 $0x1  }
0x2: {  	[smem:$0x3F94] =	sst lr;
	_ =	strace $0xD0000000  }
0x3: {  	_ = 	snop  }
0x4: {  	_ = 	snop  }
0x5: {  	_ = 	snop  }
0x6: {  	_ = 	snop  }
0x7: {  	_ = 	snop  }
__scs_overlays_trampoline_lowered:
0x8: {  	[smem:$0x3FA3] =	sst s0  }
0x9: {  	[smem:$0x3FA4] =	sst s1  }
0xa: {  	[smem:$0x3FA5] =	sst s2  }
0xb: {  	[smem:$0x3FA6] =	sst s3  }
0xc: {  	[smem:$0x3FA7] =	sst s4  }
0xd: {  	[smem:$0x3FA8] =	sst s5  }
0xe: {  	[smem:$0x3FA9] =	sst s6  }
0xf: {  	[smem:$0x3FAA] =	sst s7  }
0x10: {  	[smem:$0x3FAB] =	sst s8  }
0x11: {  	[smem:$0x3FAC] =	sst s9;
	s0 =	simm.s32 @!p0 $0x0  }
0x12: {  	s1 =	sld [smem:$0x3F92];
	s0 =	simm.s32 @p0 $0x1  }
0x13: {  	[smem:$0x3FAD] =	sst s0;
	s0 =	simm.s32 @!p1 $0x0  }
0x14: {  	s2 =	sld [smem:$0x3F91];
	s0 =	simm.s32 @p1 $0x1  }
0x15: {  	[smem:$0x3FAE] =	sst s0;
	s0 =	simm.s32 @!p2 $0x0  }
0x16: {  	s3 =	sld [smem:$0x3FDB];
	s0 =	simm.s32 @p2 $0x1  }
0x17: {  	s4 =	simm.s32 $0x1BF5;
	[smem:$0x3FB0] =	sst s0  }
0x18: {  	s0 =	sld [smem:$0x3F93];
	_ =	swait.ge [sflag:s4], $0x0  }
0x19: {  	s7 =	sld [smem:$0x3F94]  }
0x1a: {  	s8 =	sadd.s32 $0xFFFFE003, lr  }
0x1b: {  	s9 =	sadd.s32 $0xFFFFFEF7, lr;
	s5 =	simm.s32 $0xFFFFFFFF;
	p2 =	slt.u32 s8, $0xFFFFF086  }
0x1c: {  	p1 =	slt.u32 s9, $0xF7A;
	s5 =	simm.s32 @!p2 $0x0  }
0x1d: {  	s5 =	simm.s32 @p1 $0x1;
	p0 =	seq.s32 s7, s2  }
0x1e: {  	s7 =	smul.u32 @!p0 $0xF7A, s2;
	p2 =	seq.s32 @!p0 s5, $0x0  }
0x1f: {  	s9 =	smul.u32 $0xF7A, s1;
	s8 =	simm.s32 @!p0 $0x1BF5;
	p2 =	por !p2, p0  }
0x20: {  	[sflag:s8] =	ssyncset.s32 @!p0 $0xFFFFF086;
	s6 =	sadd.s32 @!p0 s3, s7;
	s7 =	simm.s32 @!p0 $0x108  }
0x21: {  	s3 =	sadd.s32 s3, s9;
	s6 =	sadd.s32 @!p0 $0x88, s6;
	s7 =	simm.s32 @p2 $0x1082  }
0x22: {  	[simem:s7], [sflag:s8] =	dma.local @!p0 [hbm:s6], $0xF7A  }
0x23: {  	s9 =	sor.u32 $0xD0000000, s2;
	s6 =	simm.s32 $0x108;
	_ =	swait.ge @!p0 [sflag:s8], $0x0  }
0x24: {  	s3 =	sadd.s32 $0x88, s3;
	s6 =	simm.s32 @!p1 $0x1082;
	[sflag:s4] =	ssyncset.s32 $0xFFFFF086  }
0x25: {  	[simem:s6], [sflag:s4] =	dma.local [hbm:s3], $0xF7A  }
0x26: {  	[smem:$0x3F94] =	sst s1;
	(tag) =	ssettag s2;
	_ =	strace s9  }
0x27: {  	s1 =	sld [smem:$0x3FA4]  }
0x28: {  	s2 =	sld [smem:$0x3FA5]  }
0x29: {  	s4 =	sld [smem:$0x3FA7]  }
0x2a: {  	p0 =	seq.s32 s5, $0x0;
	s5 =	sld [smem:$0x3FA8]  }
0x2b: {  	s6 =	sld [smem:$0x3FA9]  }
0x2c: {  	s7 =	sld [smem:$0x3FAA]  }
0x2d: {  	s3 =	simm.s32 $0x108;
	s8 =	sld [smem:$0x3FAB]  }
0x2e: {  	s3 =	simm.s32 @!p0 $0x1082;
	s9 =	sld [smem:$0x3FAC]  }
0x2f: {  	lr =	sadd.s32 s0, s3;
	s0 =	sld [smem:$0x3FA3]  }
0x30: {  	s3 =	sld [smem:$0x3FA6]  }
0x31: {  	[smem:$0x3FAF] =	sst s10  }
0x32: {  	s10 =	sld [smem:$0x3FAD];
	_ =	sdelay $0x3  }
0x33: {  	p0 =	seq.s32 s10, $0x1;
	s10 =	sld [smem:$0x3FAF];
	_ =	sdelay $0x3  }
0x34: {  	[smem:$0x3FAF] =	sst s10  }
0x35: {  	s10 =	sld [smem:$0x3FAE];
	_ =	sdelay $0x3  }
0x36: {  	p1 =	seq.s32 s10, $0x1;
	s10 =	sld [smem:$0x3FAF];
	_ =	sdelay $0x3  }
0x37: {  	[smem:$0x3FAF] =	sst s10  }
0x38: {  	s10 =	sld [smem:$0x3FB0]  }
0x39: {  	_ = 	snop;
	(pc) =	sbr.ind lr, $3  }
0x3a: {  	_ = 	snop  }
0x3b: {  	_ = 	snop  }
0x3c: {  	p2 =	seq.s32 s10, $0x1;
	s10 =	sld [smem:$0x3FAF]  }
0x3d: {  	_ =	shalt  }
0x3e: {  	_ =	shalt  }
0x3f: {  	_ =	shalt  }
0x40: {  	_ =	shalt  }
0x41: {  	_ =	shalt  }
0x42: {  	_ =	shalt  }
0x43: {  	_ =	shalt  }
0x44: {  	_ =	shalt  }
0x45: {  	_ =	shalt  }
0x46: {  	_ =	shalt  }
0x47: {  	_ =	shalt  }
0x48: {  	_ =	shalt  }
0x49: {  	_ =	shalt  }
0x4a: {  	_ =	shalt  }
0x4b: {  	_ =	shalt  }
0x4c: {  	_ =	shalt  }
0x4d: {  	_ =	shalt  }
0x4e: {  	_ =	shalt  }
0x4f: {  	_ =	shalt  }
0x50: {  	_ =	shalt  }
0x51: {  	_ =	shalt  }
0x52: {  	_ =	shalt  }
0x53: {  	_ =	shalt  }
0x54: {  	_ =	shalt  }
0x55: {  	_ =	shalt  }
0x56: {  	_ =	shalt  }
0x57: {  	_ =	shalt  }
0x58: {  	_ =	shalt  }
0x59: {  	_ =	shalt  }
0x5a: {  	_ =	shalt  }
0x5b: {  	_ =	shalt  }
0x5c: {  	_ =	shalt  }
0x5d: {  	_ =	shalt  }
0x5e: {  	_ =	shalt  }
0x5f: {  	_ =	shalt  }
0x60: {  	_ =	shalt  }
0x61: {  	_ =	shalt  }
0x62: {  	_ =	shalt  }
0x63: {  	_ =	shalt  }
0x64: {  	_ =	shalt  }
0x65: {  	_ =	shalt  }
0x66: {  	_ =	shalt  }
0x67: {  	_ =	shalt  }
0x68: {  	_ =	shalt  }
0x69: {  	_ =	shalt  }
0x6a: {  	_ =	shalt  }
0x6b: {  	_ =	shalt  }
0x6c: {  	_ =	shalt  }
0x6d: {  	_ =	shalt  }
0x6e: {  	_ =	shalt  }
0x6f: {  	_ =	shalt  }
0x70: {  	_ =	shalt  }
0x71: {  	_ =	shalt  }
0x72: {  	_ =	shalt  }
0x73: {  	_ =	shalt  }
0x74: {  	_ =	shalt  }
0x75: {  	_ =	shalt  }
0x76: {  	_ =	shalt  }
0x77: {  	_ =	shalt  }
0x78: {  	_ =	shalt  }
0x79: {  	_ =	shalt  }
0x7a: {  	_ =	shalt  }
0x7b: {  	_ =	shalt  }
0x7c: {  	_ =	shalt  }
0x7d: {  	_ =	shalt  }
0x7e: {  	_ =	shalt  }
0x7f: {  	_ =	shalt  }
0x80: {  	_ =	shalt  }
0x81: {  	_ =	shalt  }
0x82: {  	_ =	shalt  }
0x83: {  	_ =	shalt  }
0x84: {  	_ =	shalt  }
0x85: {  	_ =	shalt  }
0x86: {  	_ =	shalt  }
0x87: {  	_ =	shalt  }
.Lfunc_end0:
.L_simem_size_0:
called_computation.2_lowered:
.L_overlay_start_0:
0x88: {  	s2 =	sld [smem:$0x3FD9]  }
0x89: {  	s3 =	sld [smem:$0x3FFE];
	_ =	sdelay $0x1  }
0x8a: {  	s1 =	srdreg.scid  }
0x8b: {  	s0 =	sand.u32 $0x1, s1  }
0x8c: {  	s16 =	sshll.u32 s0, $0xA;
	s2 =	sadd.s32 s3, s2  }
0x8d: {  	s2 =	sadd.s32 s2, s16  }
0x8e: {  	[smem:$0x3FBB] =	sst s2  }
0x8f: {  	_ = 	snop  }
0x90: {  	(tm) =	ssettm $0x1  }
0x91: {  	s17 =	sld [smem:$0x3FFB];
	_ =	sdelay $0x3  }
0x92: {  	_ =	strace s17  }
0x93: {  	s2 =	sld [smem:$0x3FFC];
	_ =	sdelay $0x3  }
0x94: {  	_ =	strace s2  }
0x95: {  	s2 =	sld [smem:$0x3FFD];
	_ =	sdelay $0x3  }
0x96: {  	_ =	strace s2  }
0x97: {  	_ =	strace $0x8FFFFFFF  }
0x98: {  	s18 =	sld [smem:$0x3FDB];
	_ =	sdelay $0x1  }
0x99: {  	s19 =	simm.s32 $_scs_section_size  }
0x9a: {  	s4 =	simm.s32 $_size__tile_overlayer_lowered;
	s5 =	simm.s32 $_tile_overlayer_lowered  }
0x9b: {  	s22 =	simm.s32 $0x1BFF;
	s21 =	sshll.u32 s5, $0x1;
	s2 =	sadd.s32 s19, s18  }
0x9c: {  	s6 =	simm.s32 $0x0;
	s20 =	sshll.u32 s4, $0x1;
	s4 =	sadd.s32 s21, s2  }
0x9d: {  	[timem:s6], [sflag:s22] =	dma.local [hbm:s4], s20  }
0x9e: {  	_ =	swait.ge [sflag:s22], s20  }
0x9f: {  	s3 =	ssub.s32 $0x0, s20;
	[sflag:s22] =	ssyncset.done $0x0  }
0xa0: {  	[sflag:s22] =	ssyncadd.s32 s3;
	_ =	sdelay $0x1  }
0xa1: {  	s23 =	simm.s32 $0x1B8B  }
0xa2: {  	_ =	swait.ge [sflag:s23], $0x1  }
0xa3: {  	[sflag:s23] =	ssyncset.done $0x0  }
0xa4: {  	s25 =	simm.s32 $0x1B8E;
	s24 =	sld [smem:$0x3FFE];
	[sflag:s23] =	ssyncadd.s32 $0xFFFFFFFF  }
0xa5: {  	s26 =	simm.s32 $execute0_lowered;
	[smem:$0x3FD2] =	sst s25  }
0xa6: {  	s4 =	sshll.u32 s26, $0x1;
	_ =	strace $0x8000004C;
	[dreg:$0x1] =	wrdreg $0xFFFFFFFF  }
0xa7: {  	s28 =	simm.s32 $_size_execute0_lowered;
	s2 =	sadd.s32 s2, s4;
	[dreg:$0x0] =	wrdreg $0x0  }
0xa8: {  	s4 =	sshll.u32 s28, $0x1;
	[dreg:$0x2] =	wrdreg s2  }
0xa9: {  	[dreg:$0x3] =	wrdreg s4  }
0xaa: {  	[dreg:$0x4] =	wrdreg $0xC0  }
0xab: {  	_ =	task [dreg:s6], $0x5FFFF  }
0xac: {  	[dreg:$0x1] =	wrdreg $0xFFFFFFFF  }
0xad: {  	[dreg:$0x0] =	wrdreg $0x60  }
0xae: {  	[dreg:$0x2] =	wrdreg s24  }
0xaf: {  	[dreg:$0x3] =	wrdreg $0xA8000  }
0xb0: {  	[dreg:$0x4] =	wrdreg $0x9  }
0xb1: {  	_ =	task.clear_ibuf [dreg:s6], $0x5FFFF;
	_ =	strace $0x9000004C  }
0xb2: {  	s29 =	simm.s32 $0x9;
	_ =	strace $0x8000004E  }
0xb3: {  	_ =	swait.ge [sflag:s29], $0x1  }
0xb4: {  	[sflag:s29] =	ssyncadd.s32 $0xFFFFFFFF  }
0xb5: {  	_ =	strace $0x9000004E  }
0xb6: {  	_ =	sfence  }
0xb7: {  	s30 =	sld [smem:$0x0];
	_ =	sdelay $0x2  }
0xb8: {  	s31 =	sshll.u32 s1, $0xD;
	s1 =	sshrl.u32 s1, $0x2  }
0xb9: {  	s3 =	sand.u32 $0x4000, s31;
	s1 =	sadd.s32 s1, s30  }
0xba: {  	s0 =	sor.u32 s3, s0;
	s1 =	sshll.u32 s1, $0x11  }
0xbb: {  	s0 =	sor.u32 s1, s0  }
0xbc: {  	s0 =	sadd.s32 $0x8F2B, s0  }
0xbd: {  	[sflag:s0] =	ssyncadd.remote.s32 $0x1  }
0xbe: {  	_ =	sfence.sel $0xFFFF  }
0xbf: {  	[dreg:$0x0] =	wrdreg $0xFFFFFFFF;
	(pc) =	sbr.abs _section_cstart, $3  }
0xc0: {  	[dreg:$0x1] =	wrdreg $0xFFFFFFFF  }
0xc1: {  	_ =	task.clear_ibuf [dreg:s6], $0x2FFFF;
	_ =	strace $0x9FFFFFFF  }
0xc2: {  	(tm) =	ssettm $0x7FFFFFFF  }
0xc3: {  	_ =	shalt  }
tec
execute0_lowered:
.L_overlay_start_1:
0x0: {  	(tag) =	ssettag $0x1  }
0x1: {  	s14 =	rddreg [dreg:$0x0]  }
0x2: {  	s2 =	rddreg [dreg:$0x1]  }
0x3: {  	s0 =	rddreg [dreg:$0x2]  }
0x4: {  	s3 =	simm.s32 $0x0;
	s1 =	stileid.u32;
	s5 =	srdreg.scid  }
0x5: {  	s17 =	simm.s32 $0x108A00;
	s19 =	simm.s32 $0x80;
	s20 =	simm.s32 $0x1  }
0x6: {  	s21 =	simm.s32 $0x6800;
	s22 =	simm.s32 $0x2;
	s23 =	simm.s32 $0x1380  }
0x7: {  	s24 =	simm.s32 $0x2700;
	s25 =	simm.s32 $0x2780;
	[smem:$0x7FF] =	sst s3  }
0x8: {  	s6 =	smul.u32 $0x50000, s1;
	s4 =	sadd.s32 $0x40A00, s14;
	s13 =	sadd.s32 $0x2CA00, s14  }
0x9: {  	s10 =	sand.u32 $0x1, s5;
	s15 =	sadd.s32 $0x36A00, s14;
	s16 =	smul.u32 $0x2800, s1  }
0xa: {  	_ =	strace $0x8000004D;
	s7 =	ssub.s32 $0x2, s10;
	s8 =	sshll.u32 s10, $0x4  }
0xb: {  	p0 =	seq.s32 s10, $0x1;
	s30 =	sshrl.u32 s6, $0x2;
	s31 =	sshrl.u32 s7, $0x1  }
0xc: {  	s9 =	sor.u32 s1, s8;
	s17 =	simm.s32 @!p0 $0xE0A00;
	s5 =	sadd.s32 s30, s2  }
0xd: {  	s11 =	ssub.s32 s7, s31;
	s12 =	smul.u32 $0x2800, s9;
	s17 =	sadd.s32 s17, s14  }
0xe: {  	s6 =	sadd.s32 $0x4000, s5;
	s7 =	sadd.s32 $0x8000, s5;
	s8 =	sadd.s32 $0xC000, s5  }
0xf: {  	s9 =	sadd.s32 $0x10000, s5;
	s10 =	smax.u32 s11, $0x1;
	s12 =	sshrl.u32 s12, $0x3  }
0x10: {  	s11 =	sadd.s32 s13, s12;
	s18 =	sadd.s32 $0x280, s12;
	s12 =	sadd.s32 s15, s12  }
0x11: {  	s13 =	sadd.s32 s13, s18;
	s14 =	sadd.s32 s15, s18;
	s15 =	sadd.s32 s17, s16  }
0x12: {  	v0 =	vimm.f32 $0.0e+00;
	s16 =	simm.s32 $0x2800;
	s17 =	simm.s32 $0x3;
	s18 =	simm.s32 $0x1400  }
.LBB2_1:
0x13: {  	s26 =	simm.s32 $0x0;
	s28 =	simm.s32 $0x200  }
.LBB2_2:
0x14: {  	p0 =	sne.s32 s28, $0xFE00;
	[tilespmem:s26+$0x2870] =	vst v0  }
0x15: {  	[tilespmem:s26+$0x2800] =	vst v0  }
0x16: {  	[tilespmem:s26+$0x2810] =	vst v0  }
.Ltmp0:
0x17: {  	[tilespmem:s26+$0x2820] =	vst v0;
	(pc) =	sbr.rel @p0 .LBB2_2-.Ltmp0, $4  }
0x18: {  	[tilespmem:s26+$0x2830] =	vst v0  }
0x19: {  	[tilespmem:s26+$0x2840] =	vst v0  }
0x1a: {  	[tilespmem:s26+$0x2850] =	vst v0  }
0x1b: {  	[tilespmem:s26+$0x2860] =	vst v0;
	s26 =	sshra.s32 s28, $0x2;
	s28 =	sadd.s32 $0x200, s28  }
0x1c: {  	[tilespmem:s26+$0x2870] =	vst v0  }
0x1d: {  	[tilespmem:s26+$0x2800] =	vst v0  }
0x1e: {  	[tilespmem:s26+$0x2810] =	vst v0  }
0x1f: {  	[tilespmem:s26+$0x2820] =	vst v0  }
0x20: {  	[tilespmem:s26+$0x2830] =	vst v0  }
0x21: {  	[tilespmem:s26+$0x2840] =	vst v0  }
0x22: {  	[tilespmem:s26+$0x2850] =	vst v0  }
0x23: {  	[tilespmem:s26+$0x2860] =	vst v0  }
0x24: {  	[spmem:s5] =	stream.linear.scatter [tilespmem:s16], [sflag:$0x3], $0x4000, $0x38;
	[tilespmem:$0x1E800] =	vst v63  }
0x25: {  	_ =	swait.ge [sflag:s17], $0x4000  }
0x26: {  	[sflag:s17] =	ssyncset.done $0x0  }
0x27: {  	[sflag:s17] =	ssyncadd.s32 $0xFFFFC000  }
0x28: {  	[spmem:s6] =	stream.linear.scatter [tilespmem:s16], [sflag:$0x3], $0x4000, $0x38;
	[tilespmem:$0x1E800] =	vst v63  }
0x29: {  	_ =	swait.ge [sflag:s17], $0x4000  }
0x2a: {  	[sflag:s17] =	ssyncset.done $0x0  }
0x2b: {  	[sflag:s17] =	ssyncadd.s32 $0xFFFFC000  }
0x2c: {  	[spmem:s7] =	stream.linear.scatter [tilespmem:s16], [sflag:$0x3], $0x4000, $0x38;
	[tilespmem:$0x1E800] =	vst v63  }
0x2d: {  	_ =	swait.ge [sflag:s17], $0x4000  }
0x2e: {  	[sflag:s17] =	ssyncset.done $0x0  }
0x2f: {  	[sflag:s17] =	ssyncadd.s32 $0xFFFFC000  }
0x30: {  	[spmem:s8] =	stream.linear.scatter [tilespmem:s16], [sflag:$0x3], $0x4000, $0x38;
	[tilespmem:$0x1E800] =	vst v63  }
0x31: {  	_ =	swait.ge [sflag:s17], $0x4000  }
0x32: {  	[sflag:s17] =	ssyncset.done $0x0  }
0x33: {  	[sflag:s17] =	ssyncadd.s32 $0xFFFFC000  }
0x34: {  	[spmem:s9] =	stream.linear.scatter [tilespmem:s16], [sflag:$0x3], $0x4000, $0x38;
	[tilespmem:$0x1E800] =	vst v63  }
0x35: {  	_ =	swait.ge [sflag:s17], $0x4000  }
0x36: {  	[sflag:s17] =	ssyncset.done $0x0  }
0x37: {  	[sflag:s17] =	ssyncadd.s32 $0xFFFFC000  }
0x38: {  	s31 =	simm.s32 $0x0;
	[bflag:$0x0] =	sbarrier.arrive $0xFFFF  }
0x39: {  	[tilespmem:s31], [sflag:$0x3] =	stream.linear.gather [hbm4b:s11+s31], $0x1400, $0x38;
	[tilespmem:$0x1E800] =	vst v63  }
0x3a: {  	_ =	swait.ge [sflag:s17], $0x1400  }
0x3b: {  	[sflag:s17] =	ssyncset.done $0x0  }
0x3c: {  	[sflag:s17] =	ssyncadd.s32 $0xFFFFEC00  }
0x3d: {  	[tilespmem:s18], [sflag:$0x3] =	stream.linear.gather [hbm4b:s12+s31], $0x1400, $0x38;
	[tilespmem:$0x1E800] =	vst v63  }
0x3e: {  	_ =	swait.ge [sflag:s17], $0x1400  }
0x3f: {  	[sflag:s17] =	ssyncset.done $0x0  }
0x40: {  	[sflag:s17] =	ssyncadd.s32 $0xFFFFEC00  }
0x41: {  	[tilespmem:s16], [sflag:$0x1] =	stream.indirect.gather [hbm4b:s4+s19], $0x80, s31, s19, $0xb8;
	[tilespmem:$0x1E800] =	vst v63  }
0x42: {  	_ =	swait.ge [sflag:s20], $0x4000  }
0x43: {  	[sflag:s20] =	ssyncset.done $0x0  }
0x44: {  	s28 =	simm.s32 $0x80;
	[sflag:s20] =	ssyncadd.s32 $0xFFFFC000  }
0x45: {  	[tilespmem:s21], [sflag:$0x2] =	stream.indirect.gather [hbm4b:s4+s19], $0x80, s28, s19, $0xb8;
	[tilespmem:$0x1E800] =	vst v63  }
0x46: {  	s29 =	simm.s32 $0x1400  }
0x47: {  	[spmem:s2] =	stream.indirect.scatter.add.f32 [tilespmem:s16], [sflag:$0x3], $0x80, s29, s19, $0xb8;
	[tilespmem:$0x1E800] =	vst v63  }
0x48: {  	_ =	swait.ge [sflag:s17], $0x4000  }
0x49: {  	[sflag:s17] =	ssyncset.done $0x0  }
0x4a: {  	[sflag:s17] =	ssyncadd.s32 $0xFFFFC000  }
0x4b: {  	_ =	swait.ge [sflag:s22], $0x4000  }
0x4c: {  	[sflag:s22] =	ssyncset.done $0x0  }
0x4d: {  	s30 =	simm.s32 $0x100;
	[sflag:s22] =	ssyncadd.s32 $0xFFFFC000  }
0x4e: {  	[tilespmem:s16], [sflag:$0x1] =	stream.indirect.gather [hbm4b:s4+s19], $0x80, s30, s19, $0xb8;
	[tilespmem:$0x1E800] =	vst v63  }
0x4f: {  	s31 =	simm.s32 $0x1480  }
0x50: {  	[spmem:s2] =	stream.indirect.scatter.add.f32 [tilespmem:s21], [sflag:$0x3], $0x80, s31, s19, $0xb8;
	[tilespmem:$0x1E800] =	vst v63  }
0x51: {  	_ =	swait.ge [sflag:s17], $0x4000  }
0x52: {  	s26 =	simm.s32 $0x400;
	[sflag:s17] =	ssyncset.done $0x0  }
.LBB2_4:
0x53: {  	p0 =	sne.s32 s26, $0x4800  }
0x54: {  	[sflag:s17] =	ssyncadd.s32 $0xFFFFC000;
	s28 =	smov.u32 s26;
	s26 =	sadd.s32 $0x400, s26  }
0x55: {  	_ = 	snop  }
0x56: {  	_ =	swait.ge [sflag:s20], $0x4000  }
0x57: {  	s28 =	sshra.s32 s28, $0x2;
	[sflag:s20] =	ssyncset.done $0x0  }
0x58: {  	s29 =	sadd.s32 $0x80, s28;
	[sflag:s20] =	ssyncadd.s32 $0xFFFFC000  }
0x59: {  	[tilespmem:s21], [sflag:$0x2] =	stream.indirect.gather [hbm4b:s4+s19], $0x80, s29, s19, $0xb8;
	[tilespmem:$0x1E800] =	vst v63  }
0x5a: {  	s29 =	sadd.s32 $0x1400, s28  }
0x5b: {  	[spmem:s2] =	stream.indirect.scatter.add.f32 [tilespmem:s16], [sflag:$0x3], $0x80, s29, s19, $0xb8;
	[tilespmem:$0x1E800] =	vst v63  }
0x5c: {  	_ =	swait.ge [sflag:s17], $0x4000  }
0x5d: {  	[sflag:s17] =	ssyncset.done $0x0  }
0x5e: {  	[sflag:s17] =	ssyncadd.s32 $0xFFFFC000  }
0x5f: {  	_ =	swait.ge [sflag:s22], $0x4000  }
0x60: {  	[sflag:s22] =	ssyncset.done $0x0  }
0x61: {  	s29 =	sadd.s32 $0x100, s28;
	[sflag:s22] =	ssyncadd.s32 $0xFFFFC000  }
0x62: {  	[tilespmem:s16], [sflag:$0x1] =	stream.indirect.gather [hbm4b:s4+s19], $0x80, s29, s19, $0xb8;
	[tilespmem:$0x1E800] =	vst v63  }
.Ltmp1:
0x63: {  	_ = 	snop;
	(pc) =	sbr.rel @p0 .LBB2_4-.Ltmp1, $4  }
0x64: {  	s28 =	sadd.s32 $0x1480, s28  }
0x65: {  	[spmem:s2] =	stream.indirect.scatter.add.f32 [tilespmem:s21], [sflag:$0x3], $0x80, s28, s19, $0xb8;
	[tilespmem:$0x1E800] =	vst v63  }
0x66: {  	_ =	swait.ge [sflag:s17], $0x4000  }
0x67: {  	[sflag:s17] =	ssyncset.done $0x0  }
0x68: {  	[sflag:s17] =	ssyncadd.s32 $0xFFFFC000  }
0x69: {  	_ =	swait.ge [sflag:s20], $0x4000  }
0x6a: {  	[sflag:s20] =	ssyncset.done $0x0  }
0x6b: {  	[sflag:s20] =	ssyncadd.s32 $0xFFFFC000  }
0x6c: {  	[tilespmem:s21], [sflag:$0x2] =	stream.indirect.gather [hbm4b:s4+s19], $0x80, s23, s19, $0xb8;
	[tilespmem:$0x1E800] =	vst v63  }
0x6d: {  	_ = 	snop  }
0x6e: {  	[spmem:s2] =	stream.indirect.scatter.add.f32 [tilespmem:s16], [sflag:$0x3], $0x80, s24, s19, $0xb8;
	[tilespmem:$0x1E800] =	vst v63  }
0x6f: {  	_ =	swait.ge [sflag:s17], $0x4000  }
0x70: {  	[sflag:s17] =	ssyncset.done $0x0  }
0x71: {  	[sflag:s17] =	ssyncadd.s32 $0xFFFFC000  }
0x72: {  	_ =	swait.ge [sflag:s22], $0x4000  }
0x73: {  	[sflag:s22] =	ssyncset.done $0x0  }
0x74: {  	[sflag:s22] =	ssyncadd.s32 $0xFFFFC000  }
0x75: {  	[spmem:s2] =	stream.indirect.scatter.add.f32 [tilespmem:s21], [sflag:$0x3], $0x80, s25, s19, $0xb8;
	[tilespmem:$0x1E800] =	vst v63  }
0x76: {  	_ =	swait.ge [sflag:s17], $0x4000  }
0x77: {  	[sflag:s17] =	ssyncset.done $0x0  }
0x78: {  	s26 =	simm.s32 $0x0;
	[sflag:s17] =	ssyncadd.s32 $0xFFFFC000  }
0x79: {  	[tilespmem:s26], [sflag:$0x3] =	stream.linear.gather [hbm4b:s13+s26], $0x1400, $0x38;
	[tilespmem:$0x1E800] =	vst v63  }
0x7a: {  	_ =	swait.ge [sflag:s17], $0x1400  }
0x7b: {  	[sflag:s17] =	ssyncset.done $0x0  }
0x7c: {  	[sflag:s17] =	ssyncadd.s32 $0xFFFFEC00  }
0x7d: {  	[tilespmem:s18], [sflag:$0x3] =	stream.linear.gather [hbm4b:s14+s26], $0x1400, $0x38;
	[tilespmem:$0x1E800] =	vst v63  }
0x7e: {  	_ =	swait.ge [sflag:s17], $0x1400  }
0x7f: {  	[sflag:s17] =	ssyncset.done $0x0  }
0x80: {  	[sflag:s17] =	ssyncadd.s32 $0xFFFFEC00  }
0x81: {  	[tilespmem:s16], [sflag:$0x1] =	stream.indirect.gather [hbm4b:s4+s19], $0x80, s26, s19, $0xb8;
	[tilespmem:$0x1E800] =	vst v63  }
0x82: {  	_ =	swait.ge [sflag:s20], $0x4000  }
0x83: {  	[sflag:s20] =	ssyncset.done $0x0  }
0x84: {  	s28 =	simm.s32 $0x80;
	[sflag:s20] =	ssyncadd.s32 $0xFFFFC000  }
0x85: {  	[tilespmem:s21], [sflag:$0x2] =	stream.indirect.gather [hbm4b:s4+s19], $0x80, s28, s19, $0xb8;
	[tilespmem:$0x1E800] =	vst v63  }
0x86: {  	s29 =	simm.s32 $0x1400  }
0x87: {  	[spmem:s2] =	stream.indirect.scatter.add.f32 [tilespmem:s16], [sflag:$0x3], $0x80, s29, s19, $0xb8;
	[tilespmem:$0x1E800] =	vst v63  }
0x88: {  	_ =	swait.ge [sflag:s17], $0x4000  }
0x89: {  	[sflag:s17] =	ssyncset.done $0x0  }
0x8a: {  	[sflag:s17] =	ssyncadd.s32 $0xFFFFC000  }
0x8b: {  	_ =	swait.ge [sflag:s22], $0x4000  }
0x8c: {  	[sflag:s22] =	ssyncset.done $0x0  }
0x8d: {  	s30 =	simm.s32 $0x100;
	[sflag:s22] =	ssyncadd.s32 $0xFFFFC000  }
0x8e: {  	[tilespmem:s16], [sflag:$0x1] =	stream.indirect.gather [hbm4b:s4+s19], $0x80, s30, s19, $0xb8;
	[tilespmem:$0x1E800] =	vst v63  }
0x8f: {  	s31 =	simm.s32 $0x1480  }
0x90: {  	[spmem:s2] =	stream.indirect.scatter.add.f32 [tilespmem:s21], [sflag:$0x3], $0x80, s31, s19, $0xb8;
	[tilespmem:$0x1E800] =	vst v63  }
0x91: {  	_ =	swait.ge [sflag:s17], $0x4000  }
0x92: {  	s26 =	simm.s32 $0x400;
	[sflag:s17] =	ssyncset.done $0x0  }
.LBB2_6:
0x93: {  	p0 =	sne.s32 s26, $0x4800  }
0x94: {  	[sflag:s17] =	ssyncadd.s32 $0xFFFFC000;
	s28 =	smov.u32 s26;
	s26 =	sadd.s32 $0x400, s26  }
0x95: {  	_ = 	snop  }
0x96: {  	_ =	swait.ge [sflag:s20], $0x4000  }
0x97: {  	s28 =	sshra.s32 s28, $0x2;
	[sflag:s20] =	ssyncset.done $0x0  }
0x98: {  	s29 =	sadd.s32 $0x80, s28;
	[sflag:s20] =	ssyncadd.s32 $0xFFFFC000  }
0x99: {  	[tilespmem:s21], [sflag:$0x2] =	stream.indirect.gather [hbm4b:s4+s19], $0x80, s29, s19, $0xb8;
	[tilespmem:$0x1E800] =	vst v63  }
0x9a: {  	s29 =	sadd.s32 $0x1400, s28  }
0x9b: {  	[spmem:s2] =	stream.indirect.scatter.add.f32 [tilespmem:s16], [sflag:$0x3], $0x80, s29, s19, $0xb8;
	[tilespmem:$0x1E800] =	vst v63  }
0x9c: {  	_ =	swait.ge [sflag:s17], $0x4000  }
0x9d: {  	[sflag:s17] =	ssyncset.done $0x0  }
0x9e: {  	[sflag:s17] =	ssyncadd.s32 $0xFFFFC000  }
0x9f: {  	_ =	swait.ge [sflag:s22], $0x4000  }
0xa0: {  	[sflag:s22] =	ssyncset.done $0x0  }
0xa1: {  	s29 =	sadd.s32 $0x100, s28;
	[sflag:s22] =	ssyncadd.s32 $0xFFFFC000  }
0xa2: {  	[tilespmem:s16], [sflag:$0x1] =	stream.indirect.gather [hbm4b:s4+s19], $0x80, s29, s19, $0xb8;
	[tilespmem:$0x1E800] =	vst v63  }
.Ltmp2:
0xa3: {  	_ = 	snop;
	(pc) =	sbr.rel @p0 .LBB2_6-.Ltmp2, $4  }
0xa4: {  	s28 =	sadd.s32 $0x1480, s28  }
0xa5: {  	[spmem:s2] =	stream.indirect.scatter.add.f32 [tilespmem:s21], [sflag:$0x3], $0x80, s28, s19, $0xb8;
	[tilespmem:$0x1E800] =	vst v63  }
0xa6: {  	_ =	swait.ge [sflag:s17], $0x4000  }
0xa7: {  	[sflag:s17] =	ssyncset.done $0x0  }
0xa8: {  	[sflag:s17] =	ssyncadd.s32 $0xFFFFC000  }
0xa9: {  	_ =	swait.ge [sflag:s20], $0x4000  }
0xaa: {  	[sflag:s20] =	ssyncset.done $0x0  }
0xab: {  	[sflag:s20] =	ssyncadd.s32 $0xFFFFC000  }
0xac: {  	[tilespmem:s21], [sflag:$0x2] =	stream.indirect.gather [hbm4b:s4+s19], $0x80, s23, s19, $0xb8;
	[tilespmem:$0x1E800] =	vst v63  }
0xad: {  	_ = 	snop  }
0xae: {  	[spmem:s2] =	stream.indirect.scatter.add.f32 [tilespmem:s16], [sflag:$0x3], $0x80, s24, s19, $0xb8;
	[tilespmem:$0x1E800] =	vst v63  }
0xaf: {  	_ =	swait.ge [sflag:s17], $0x4000  }
0xb0: {  	[sflag:s17] =	ssyncset.done $0x0  }
0xb1: {  	[sflag:s17] =	ssyncadd.s32 $0xFFFFC000  }
0xb2: {  	_ =	swait.ge [sflag:s22], $0x4000  }
0xb3: {  	[sflag:s22] =	ssyncset.done $0x0  }
0xb4: {  	[sflag:s22] =	ssyncadd.s32 $0xFFFFC000  }
0xb5: {  	[spmem:s2] =	stream.indirect.scatter.add.f32 [tilespmem:s21], [sflag:$0x3], $0x80, s25, s19, $0xb8;
	[tilespmem:$0x1E800] =	vst v63  }
0xb6: {  	_ =	swait.ge [sflag:s17], $0x4000  }
0xb7: {  	s26 =	sshll.u32 s1, $0x6;
	s3 =	sadd.s32 $0x1, s3;
	[sflag:s17] =	ssyncset.done $0x0  }
0xb8: {  	s28 =	sshrl.u32 s5, $0x3;
	p0 =	sne.s32 s3, s10;
	[sflag:s17] =	ssyncadd.s32 $0xFFFFC000  }
.Ltmp3:
0xb9: {  	s26 =	sor.u32 $0x1C03, s26;
	[bflag:$0x0] =	sbarrier.arrive $0xFFFF;
	(pc) =	sbr.rel @p0 .LBB2_1-.Ltmp3, $4  }
0xba: {  	[hbm:s15], [sflag:s26] =	dma.local [spmem:s28], $0x2800  }
0xbb: {  	_ =	swait.ge [sflag:s17], $0x2800  }
0xbc: {  	[sflag:s17] =	ssyncset.done $0x0  }
0xbd: {  	[sflag:s17] =	ssyncadd.s32 $0xFFFFD800  }
0xbe: {  	_ =	sfence.sel $0x180000  }
0xbf: {  	[bflag:$0x0] =	sbarrier.arrive $0xFFFF  }
0xc0: {  	p0 =	sne.s32 s1, $0x0;
	_ =	strace $0x9000004D  }
0xc1: {  	s0 =	sadd.s32 @!p0 $0x100000, s0;
	[bflag:$0x2] =	sbarrier.arrive $0xFFFF  }
0xc2: {  	[sflag:s0] =	ssyncadd.tile.s32 @!p0 $0x1;
	_ =	shalt  }
.Lfunc_end2:
_tile_overlayer_lowered:
.L_overlay_start_2:
0xc3: {  	(tag) =	ssettag $0x2  }
0xc4: {  	s0 =	rddreg [dreg:$0x0];
	s2 =	stileid.u32  }
0xc5: {  	s1 =	rddreg [dreg:$0x1];
	p0 =	sne.s32 s2, $0x0  }
0xc6: {  	s3 =	rddreg [dreg:$0x2];
	[bflag:$0x3] =	sbarrier.arrive $0xFFFF;
	s2 =	simm.s32 @!p0 $0x1C03  }
0xc7: {  	[timem:s3], [sflag:s2] =	dma.local @!p0 [hbm:s0], s1  }
0xc8: {  	s0 =	simm.s32 @!p0 $0x3  }
0xc9: {  	_ =	swait.ge @!p0 [sflag:s0], s1  }
0xca: {  	s1 =	ssub.s32 @!p0 $0x0, s1;
	[sflag:s0] =	ssyncset.done @!p0 $0x0  }
0xcb: {  	[sflag:s0] =	ssyncadd.s32 @!p0 s1  }
0xcc: {  	[bflag:$0x3] =	sbarrier.arrive $0xFFFF  }
0xcd: {  	_ =	shalt  }

// kernel: _run.23.cloned.1.call-start
scs
__scs_entry_jumppad:
0x0: {  	(pc) =	sbr.rel $0x88, $3  }
0x1: {  	(tag) =	ssettag $0x0;
	lr =	simm.s32 $0x1  }
0x2: {  	[smem:$0x3F94] =	sst lr;
	_ =	strace $0xD0000000  }
0x3: {  	_ = 	snop  }
0x4: {  	_ = 	snop  }
0x5: {  	_ = 	snop  }
0x6: {  	_ = 	snop  }
0x7: {  	_ = 	snop  }
__scs_overlays_trampoline_lowered:
0x8: {  	[smem:$0x3FA3] =	sst s0  }
0x9: {  	[smem:$0x3FA4] =	sst s1  }
0xa: {  	[smem:$0x3FA5] =	sst s2  }
0xb: {  	[smem:$0x3FA6] =	sst s3  }
0xc: {  	[smem:$0x3FA7] =	sst s4  }
0xd: {  	[smem:$0x3FA8] =	sst s5  }
0xe: {  	[smem:$0x3FA9] =	sst s6  }
0xf: {  	[smem:$0x3FAA] =	sst s7  }
0x10: {  	[smem:$0x3FAB] =	sst s8  }
0x11: {  	[smem:$0x3FAC] =	sst s9;
	s0 =	simm.s32 @!p0 $0x0  }
0x12: {  	s1 =	sld [smem:$0x3F92];
	s0 =	simm.s32 @p0 $0x1  }
0x13: {  	[smem:$0x3FAD] =	sst s0;
	s0 =	simm.s32 @!p1 $0x0  }
0x14: {  	s2 =	sld [smem:$0x3F91];
	s0 =	simm.s32 @p1 $0x1  }
0x15: {  	[smem:$0x3FAE] =	sst s0;
	s0 =	simm.s32 @!p2 $0x0  }
0x16: {  	s3 =	sld [smem:$0x3FDB];
	s0 =	simm.s32 @p2 $0x1  }
0x17: {  	s4 =	simm.s32 $0x1BF5;
	[smem:$0x3FB0] =	sst s0  }
0x18: {  	s0 =	sld [smem:$0x3F93];
	_ =	swait.ge [sflag:s4], $0x0  }
0x19: {  	s7 =	sld [smem:$0x3F94]  }
0x1a: {  	s8 =	sadd.s32 $0xFFFFE003, lr  }
0x1b: {  	s9 =	sadd.s32 $0xFFFFFEF7, lr;
	s5 =	simm.s32 $0xFFFFFFFF;
	p2 =	slt.u32 s8, $0xFFFFF086  }
0x1c: {  	p1 =	slt.u32 s9, $0xF7A;
	s5 =	simm.s32 @!p2 $0x0  }
0x1d: {  	s5 =	simm.s32 @p1 $0x1;
	p0 =	seq.s32 s7, s2  }
0x1e: {  	s7 =	smul.u32 @!p0 $0xF7A, s2;
	p2 =	seq.s32 @!p0 s5, $0x0  }
0x1f: {  	s9 =	smul.u32 $0xF7A, s1;
	s8 =	simm.s32 @!p0 $0x1BF5;
	p2 =	por !p2, p0  }
0x20: {  	[sflag:s8] =	ssyncset.s32 @!p0 $0xFFFFF086;
	s6 =	sadd.s32 @!p0 s3, s7;
	s7 =	simm.s32 @!p0 $0x108  }
0x21: {  	s3 =	sadd.s32 s3, s9;
	s6 =	sadd.s32 @!p0 $0x88, s6;
	s7 =	simm.s32 @p2 $0x1082  }
0x22: {  	[simem:s7], [sflag:s8] =	dma.local @!p0 [hbm:s6], $0xF7A  }
0x23: {  	s9 =	sor.u32 $0xD0000000, s2;
	s6 =	simm.s32 $0x108;
	_ =	swait.ge @!p0 [sflag:s8], $0x0  }
0x24: {  	s3 =	sadd.s32 $0x88, s3;
	s6 =	simm.s32 @!p1 $0x1082;
	[sflag:s4] =	ssyncset.s32 $0xFFFFF086  }
0x25: {  	[simem:s6], [sflag:s4] =	dma.local [hbm:s3], $0xF7A  }
0x26: {  	[smem:$0x3F94] =	sst s1;
	(tag) =	ssettag s2;
	_ =	strace s9  }
0x27: {  	s1 =	sld [smem:$0x3FA4]  }
0x28: {  	s2 =	sld [smem:$0x3FA5]  }
0x29: {  	s4 =	sld [smem:$0x3FA7]  }
0x2a: {  	p0 =	seq.s32 s5, $0x0;
	s5 =	sld [smem:$0x3FA8]  }
0x2b: {  	s6 =	sld [smem:$0x3FA9]  }
0x2c: {  	s7 =	sld [smem:$0x3FAA]  }
0x2d: {  	s3 =	simm.s32 $0x108;
	s8 =	sld [smem:$0x3FAB]  }
0x2e: {  	s3 =	simm.s32 @!p0 $0x1082;
	s9 =	sld [smem:$0x3FAC]  }
0x2f: {  	lr =	sadd.s32 s0, s3;
	s0 =	sld [smem:$0x3FA3]  }
0x30: {  	s3 =	sld [smem:$0x3FA6]  }
0x31: {  	[smem:$0x3FAF] =	sst s10  }
0x32: {  	s10 =	sld [smem:$0x3FAD];
	_ =	sdelay $0x3  }
0x33: {  	p0 =	seq.s32 s10, $0x1;
	s10 =	sld [smem:$0x3FAF];
	_ =	sdelay $0x3  }
0x34: {  	[smem:$0x3FAF] =	sst s10  }
0x35: {  	s10 =	sld [smem:$0x3FAE];
	_ =	sdelay $0x3  }
0x36: {  	p1 =	seq.s32 s10, $0x1;
	s10 =	sld [smem:$0x3FAF];
	_ =	sdelay $0x3  }
0x37: {  	[smem:$0x3FAF] =	sst s10  }
0x38: {  	s10 =	sld [smem:$0x3FB0]  }
0x39: {  	_ = 	snop;
	(pc) =	sbr.ind lr, $3  }
0x3a: {  	_ = 	snop  }
0x3b: {  	_ = 	snop  }
0x3c: {  	p2 =	seq.s32 s10, $0x1;
	s10 =	sld [smem:$0x3FAF]  }
0x3d: {  	_ =	shalt  }
0x3e: {  	_ =	shalt  }
0x3f: {  	_ =	shalt  }
0x40: {  	_ =	shalt  }
0x41: {  	_ =	shalt  }
0x42: {  	_ =	shalt  }
0x43: {  	_ =	shalt  }
0x44: {  	_ =	shalt  }
0x45: {  	_ =	shalt  }
0x46: {  	_ =	shalt  }
0x47: {  	_ =	shalt  }
0x48: {  	_ =	shalt  }
0x49: {  	_ =	shalt  }
0x4a: {  	_ =	shalt  }
0x4b: {  	_ =	shalt  }
0x4c: {  	_ =	shalt  }
0x4d: {  	_ =	shalt  }
0x4e: {  	_ =	shalt  }
0x4f: {  	_ =	shalt  }
0x50: {  	_ =	shalt  }
0x51: {  	_ =	shalt  }
0x52: {  	_ =	shalt  }
0x53: {  	_ =	shalt  }
0x54: {  	_ =	shalt  }
0x55: {  	_ =	shalt  }
0x56: {  	_ =	shalt  }
0x57: {  	_ =	shalt  }
0x58: {  	_ =	shalt  }
0x59: {  	_ =	shalt  }
0x5a: {  	_ =	shalt  }
0x5b: {  	_ =	shalt  }
0x5c: {  	_ =	shalt  }
0x5d: {  	_ =	shalt  }
0x5e: {  	_ =	shalt  }
0x5f: {  	_ =	shalt  }
0x60: {  	_ =	shalt  }
0x61: {  	_ =	shalt  }
0x62: {  	_ =	shalt  }
0x63: {  	_ =	shalt  }
0x64: {  	_ =	shalt  }
0x65: {  	_ =	shalt  }
0x66: {  	_ =	shalt  }
0x67: {  	_ =	shalt  }
0x68: {  	_ =	shalt  }
0x69: {  	_ =	shalt  }
0x6a: {  	_ =	shalt  }
0x6b: {  	_ =	shalt  }
0x6c: {  	_ =	shalt  }
0x6d: {  	_ =	shalt  }
0x6e: {  	_ =	shalt  }
0x6f: {  	_ =	shalt  }
0x70: {  	_ =	shalt  }
0x71: {  	_ =	shalt  }
0x72: {  	_ =	shalt  }
0x73: {  	_ =	shalt  }
0x74: {  	_ =	shalt  }
0x75: {  	_ =	shalt  }
0x76: {  	_ =	shalt  }
0x77: {  	_ =	shalt  }
0x78: {  	_ =	shalt  }
0x79: {  	_ =	shalt  }
0x7a: {  	_ =	shalt  }
0x7b: {  	_ =	shalt  }
0x7c: {  	_ =	shalt  }
0x7d: {  	_ =	shalt  }
0x7e: {  	_ =	shalt  }
0x7f: {  	_ =	shalt  }
0x80: {  	_ =	shalt  }
0x81: {  	_ =	shalt  }
0x82: {  	_ =	shalt  }
0x83: {  	_ =	shalt  }
0x84: {  	_ =	shalt  }
0x85: {  	_ =	shalt  }
0x86: {  	_ =	shalt  }
0x87: {  	_ =	shalt  }
.Lfunc_end0:
.L_simem_size_0:
called_computation.3_lowered:
.L_overlay_start_0:
0x88: {  	s2 =	sld [smem:$0x3FD9]  }
0x89: {  	s3 =	sld [smem:$0x3FFE];
	_ =	sdelay $0x1  }
0x8a: {  	s1 =	srdreg.scid  }
0x8b: {  	s0 =	sand.u32 $0x1, s1  }
0x8c: {  	s16 =	sshll.u32 s0, $0xA;
	s2 =	sadd.s32 s3, s2  }
0x8d: {  	s2 =	sadd.s32 s2, s16  }
0x8e: {  	[smem:$0x3FBB] =	sst s2  }
0x8f: {  	_ = 	snop  }
0x90: {  	(tm) =	ssettm $0x1  }
0x91: {  	s17 =	sld [smem:$0x3FFB];
	_ =	sdelay $0x3  }
0x92: {  	_ =	strace s17  }
0x93: {  	s2 =	sld [smem:$0x3FFC];
	_ =	sdelay $0x3  }
0x94: {  	_ =	strace s2  }
0x95: {  	s2 =	sld [smem:$0x3FFD];
	_ =	sdelay $0x3  }
0x96: {  	_ =	strace s2  }
0x97: {  	_ =	strace $0x8FFFFFFF  }
0x98: {  	s18 =	sld [smem:$0x3FDB];
	_ =	sdelay $0x1  }
0x99: {  	s19 =	simm.s32 $_scs_section_size  }
0x9a: {  	s4 =	simm.s32 $_size__tile_overlayer_lowered;
	s5 =	simm.s32 $_tile_overlayer_lowered  }
0x9b: {  	s22 =	simm.s32 $0x1BFF;
	s21 =	sshll.u32 s5, $0x1;
	s2 =	sadd.s32 s19, s18  }
0x9c: {  	s6 =	simm.s32 $0x0;
	s20 =	sshll.u32 s4, $0x1;
	s4 =	sadd.s32 s21, s2  }
0x9d: {  	[timem:s6], [sflag:s22] =	dma.local [hbm:s4], s20  }
0x9e: {  	_ =	swait.ge [sflag:s22], s20  }
0x9f: {  	s3 =	ssub.s32 $0x0, s20;
	[sflag:s22] =	ssyncset.done $0x0  }
0xa0: {  	[sflag:s22] =	ssyncadd.s32 s3;
	_ =	sdelay $0x1  }
0xa1: {  	s23 =	simm.s32 $0x1B8B  }
0xa2: {  	_ =	swait.ge [sflag:s23], $0x1  }
0xa3: {  	[sflag:s23] =	ssyncset.done $0x0  }
0xa4: {  	s25 =	simm.s32 $0x1B8E;
	s24 =	sld [smem:$0x3FFE];
	[sflag:s23] =	ssyncadd.s32 $0xFFFFFFFF  }
0xa5: {  	s26 =	simm.s32 $execute0_lowered;
	[smem:$0x3FD2] =	sst s25  }
0xa6: {  	s4 =	sshll.u32 s26, $0x1;
	_ =	strace $0x8000004F;
	[dreg:$0x1] =	wrdreg $0xFFFFFFFF  }
0xa7: {  	s28 =	simm.s32 $_size_execute0_lowered;
	s2 =	sadd.s32 s2, s4;
	[dreg:$0x0] =	wrdreg $0x0  }
0xa8: {  	s4 =	sshll.u32 s28, $0x1;
	[dreg:$0x2] =	wrdreg s2  }
0xa9: {  	[dreg:$0x3] =	wrdreg s4  }
0xaa: {  	[dreg:$0x4] =	wrdreg $0xC0  }
0xab: {  	_ =	task [dreg:s6], $0x5FFFF  }
0xac: {  	[dreg:$0x1] =	wrdreg $0xFFFFFFFF  }
0xad: {  	[dreg:$0x0] =	wrdreg $0x60  }
0xae: {  	[dreg:$0x2] =	wrdreg s24  }
0xaf: {  	[dreg:$0x3] =	wrdreg $0xA8000  }
0xb0: {  	[dreg:$0x4] =	wrdreg $0x9  }
0xb1: {  	_ =	task.clear_ibuf [dreg:s6], $0x5FFFF;
	_ =	strace $0x9000004F  }
0xb2: {  	s29 =	simm.s32 $0x9;
	_ =	strace $0x80000051  }
0xb3: {  	_ =	swait.ge [sflag:s29], $0x1  }
0xb4: {  	[sflag:s29] =	ssyncadd.s32 $0xFFFFFFFF  }
0xb5: {  	_ =	strace $0x90000051  }
0xb6: {  	_ =	sfence  }
0xb7: {  	s30 =	sld [smem:$0x0];
	_ =	sdelay $0x2  }
0xb8: {  	s31 =	sshll.u32 s1, $0xD;
	s1 =	sshrl.u32 s1, $0x2  }
0xb9: {  	s3 =	sand.u32 $0x4000, s31;
	s1 =	sadd.s32 s1, s30  }
0xba: {  	s0 =	sor.u32 s3, s0;
	s1 =	sshll.u32 s1, $0x11  }
0xbb: {  	s0 =	sor.u32 s1, s0  }
0xbc: {  	s0 =	sadd.s32 $0x8F2B, s0  }
0xbd: {  	[sflag:s0] =	ssyncadd.remote.s32 $0x1  }
0xbe: {  	_ =	sfence.sel $0xFFFF  }
0xbf: {  	[dreg:$0x0] =	wrdreg $0xFFFFFFFF;
	(pc) =	sbr.abs _section_cstart, $3  }
0xc0: {  	[dreg:$0x1] =	wrdreg $0xFFFFFFFF  }
0xc1: {  	_ =	task.clear_ibuf [dreg:s6], $0x2FFFF;
	_ =	strace $0x9FFFFFFF  }
0xc2: {  	(tm) =	ssettm $0x7FFFFFFF  }
0xc3: {  	_ =	shalt  }
tec
execute0_lowered:
.L_overlay_start_1:
0x0: {  	(tag) =	ssettag $0x1  }
0x1: {  	s14 =	rddreg [dreg:$0x0]  }
0x2: {  	s2 =	rddreg [dreg:$0x1]  }
0x3: {  	s0 =	rddreg [dreg:$0x2]  }
0x4: {  	s3 =	simm.s32 $0x0;
	s1 =	stileid.u32;
	s5 =	srdreg.scid  }
0x5: {  	s17 =	simm.s32 $0x108A00;
	s19 =	simm.s32 $0x80;
	s20 =	simm.s32 $0x1  }
0x6: {  	s21 =	simm.s32 $0x6800;
	s22 =	simm.s32 $0x2;
	s23 =	simm.s32 $0x1380  }
0x7: {  	s24 =	simm.s32 $0x2700;
	s25 =	simm.s32 $0x2780;
	[smem:$0x7FF] =	sst s3  }
0x8: {  	s6 =	smul.u32 $0x50000, s1;
	s4 =	sadd.s32 $0x40A00, s14;
	s13 =	sadd.s32 $0x2CA00, s14  }
0x9: {  	s10 =	sand.u32 $0x1, s5;
	s15 =	sadd.s32 $0x36A00, s14;
	s16 =	smul.u32 $0x2800, s1  }
0xa: {  	_ =	strace $0x80000050;
	s7 =	ssub.s32 $0x2, s10;
	s8 =	sshll.u32 s10, $0x4  }
0xb: {  	p0 =	seq.s32 s10, $0x1;
	s30 =	sshrl.u32 s6, $0x2;
	s31 =	sshrl.u32 s7, $0x1  }
0xc: {  	s9 =	sor.u32 s1, s8;
	s17 =	simm.s32 @!p0 $0xE0A00;
	s5 =	sadd.s32 s30, s2  }
0xd: {  	s11 =	ssub.s32 s7, s31;
	s12 =	smul.u32 $0x2800, s9;
	s17 =	sadd.s32 s17, s14  }
0xe: {  	s6 =	sadd.s32 $0x4000, s5;
	s7 =	sadd.s32 $0x8000, s5;
	s8 =	sadd.s32 $0xC000, s5  }
0xf: {  	s9 =	sadd.s32 $0x10000, s5;
	s10 =	smax.u32 s11, $0x1;
	s12 =	sshrl.u32 s12, $0x3  }
0x10: {  	s11 =	sadd.s32 s13, s12;
	s18 =	sadd.s32 $0x280, s12;
	s12 =	sadd.s32 s15, s12  }
0x11: {  	s13 =	sadd.s32 s13, s18;
	s14 =	sadd.s32 s15, s18;
	s15 =	sadd.s32 s17, s16  }
0x12: {  	v0 =	vimm.f32 $0.0e+00;
	s16 =	simm.s32 $0x2800;
	s17 =	simm.s32 $0x3;
	s18 =	simm.s32 $0x1400  }
.LBB2_1:
0x13: {  	s26 =	simm.s32 $0x0;
	s28 =	simm.s32 $0x200  }
.LBB2_2:
0x14: {  	p0 =	sne.s32 s28, $0xFE00;
	[tilespmem:s26+$0x2870] =	vst v0  }
0x15: {  	[tilespmem:s26+$0x2800] =	vst v0  }
0x16: {  	[tilespmem:s26+$0x2810] =	vst v0  }
.Ltmp0:
0x17: {  	[tilespmem:s26+$0x2820] =	vst v0;
	(pc) =	sbr.rel @p0 .LBB2_2-.Ltmp0, $4  }
0x18: {  	[tilespmem:s26+$0x2830] =	vst v0  }
0x19: {  	[tilespmem:s26+$0x2840] =	vst v0  }
0x1a: {  	[tilespmem:s26+$0x2850] =	vst v0  }
0x1b: {  	[tilespmem:s26+$0x2860] =	vst v0;
	s26 =	sshra.s32 s28, $0x2;
	s28 =	sadd.s32 $0x200, s28  }
0x1c: {  	[tilespmem:s26+$0x2870] =	vst v0  }
0x1d: {  	[tilespmem:s26+$0x2800] =	vst v0  }
0x1e: {  	[tilespmem:s26+$0x2810] =	vst v0  }
0x1f: {  	[tilespmem:s26+$0x2820] =	vst v0  }
0x20: {  	[tilespmem:s26+$0x2830] =	vst v0  }
0x21: {  	[tilespmem:s26+$0x2840] =	vst v0  }
0x22: {  	[tilespmem:s26+$0x2850] =	vst v0  }
0x23: {  	[tilespmem:s26+$0x2860] =	vst v0  }
0x24: {  	[spmem:s5] =	stream.linear.scatter [tilespmem:s16], [sflag:$0x3], $0x4000, $0x38;
	[tilespmem:$0x1E800] =	vst v63  }
0x25: {  	_ =	swait.ge [sflag:s17], $0x4000  }
0x26: {  	[sflag:s17] =	ssyncset.done $0x0  }
0x27: {  	[sflag:s17] =	ssyncadd.s32 $0xFFFFC000  }
0x28: {  	[spmem:s6] =	stream.linear.scatter [tilespmem:s16], [sflag:$0x3], $0x4000, $0x38;
	[tilespmem:$0x1E800] =	vst v63  }
0x29: {  	_ =	swait.ge [sflag:s17], $0x4000  }
0x2a: {  	[sflag:s17] =	ssyncset.done $0x0  }
0x2b: {  	[sflag:s17] =	ssyncadd.s32 $0xFFFFC000  }
0x2c: {  	[spmem:s7] =	stream.linear.scatter [tilespmem:s16], [sflag:$0x3], $0x4000, $0x38;
	[tilespmem:$0x1E800] =	vst v63  }
0x2d: {  	_ =	swait.ge [sflag:s17], $0x4000  }
0x2e: {  	[sflag:s17] =	ssyncset.done $0x0  }
0x2f: {  	[sflag:s17] =	ssyncadd.s32 $0xFFFFC000  }
0x30: {  	[spmem:s8] =	stream.linear.scatter [tilespmem:s16], [sflag:$0x3], $0x4000, $0x38;
	[tilespmem:$0x1E800] =	vst v63  }
0x31: {  	_ =	swait.ge [sflag:s17], $0x4000  }
0x32: {  	[sflag:s17] =	ssyncset.done $0x0  }
0x33: {  	[sflag:s17] =	ssyncadd.s32 $0xFFFFC000  }
0x34: {  	[spmem:s9] =	stream.linear.scatter [tilespmem:s16], [sflag:$0x3], $0x4000, $0x38;
	[tilespmem:$0x1E800] =	vst v63  }
0x35: {  	_ =	swait.ge [sflag:s17], $0x4000  }
0x36: {  	[sflag:s17] =	ssyncset.done $0x0  }
0x37: {  	[sflag:s17] =	ssyncadd.s32 $0xFFFFC000  }
0x38: {  	s31 =	simm.s32 $0x0;
	[bflag:$0x0] =	sbarrier.arrive $0xFFFF  }
0x39: {  	[tilespmem:s31], [sflag:$0x3] =	stream.linear.gather [hbm4b:s11+s31], $0x1400, $0x38;
	[tilespmem:$0x1E800] =	vst v63  }
0x3a: {  	_ =	swait.ge [sflag:s17], $0x1400  }
0x3b: {  	[sflag:s17] =	ssyncset.done $0x0  }
0x3c: {  	[sflag:s17] =	ssyncadd.s32 $0xFFFFEC00  }
0x3d: {  	[tilespmem:s18], [sflag:$0x3] =	stream.linear.gather [hbm4b:s12+s31], $0x1400, $0x38;
	[tilespmem:$0x1E800] =	vst v63  }
0x3e: {  	_ =	swait.ge [sflag:s17], $0x1400  }
0x3f: {  	[sflag:s17] =	ssyncset.done $0x0  }
0x40: {  	[sflag:s17] =	ssyncadd.s32 $0xFFFFEC00  }
0x41: {  	[tilespmem:s16], [sflag:$0x1] =	stream.indirect.gather [hbm4b:s4+s19], $0x80, s31, s19, $0xb8;
	[tilespmem:$0x1E800] =	vst v63  }
0x42: {  	_ =	swait.ge [sflag:s20], $0x4000  }
0x43: {  	[sflag:s20] =	ssyncset.done $0x0  }
0x44: {  	s28 =	simm.s32 $0x80;
	[sflag:s20] =	ssyncadd.s32 $0xFFFFC000  }
0x45: {  	[tilespmem:s21], [sflag:$0x2] =	stream.indirect.gather [hbm4b:s4+s19], $0x80, s28, s19, $0xb8;
	[tilespmem:$0x1E800] =	vst v63  }
0x46: {  	s29 =	simm.s32 $0x1400  }
0x47: {  	[spmem:s2] =	stream.indirect.scatter.add.f32 [tilespmem:s16], [sflag:$0x3], $0x80, s29, s19, $0xb8;
	[tilespmem:$0x1E800] =	vst v63  }
0x48: {  	_ =	swait.ge [sflag:s17], $0x4000  }
0x49: {  	[sflag:s17] =	ssyncset.done $0x0  }
0x4a: {  	[sflag:s17] =	ssyncadd.s32 $0xFFFFC000  }
0x4b: {  	_ =	swait.ge [sflag:s22], $0x4000  }
0x4c: {  	[sflag:s22] =	ssyncset.done $0x0  }
0x4d: {  	s30 =	simm.s32 $0x100;
	[sflag:s22] =	ssyncadd.s32 $0xFFFFC000  }
0x4e: {  	[tilespmem:s16], [sflag:$0x1] =	stream.indirect.gather [hbm4b:s4+s19], $0x80, s30, s19, $0xb8;
	[tilespmem:$0x1E800] =	vst v63  }
0x4f: {  	s31 =	simm.s32 $0x1480  }
0x50: {  	[spmem:s2] =	stream.indirect.scatter.add.f32 [tilespmem:s21], [sflag:$0x3], $0x80, s31, s19, $0xb8;
	[tilespmem:$0x1E800] =	vst v63  }
0x51: {  	_ =	swait.ge [sflag:s17], $0x4000  }
0x52: {  	s26 =	simm.s32 $0x400;
	[sflag:s17] =	ssyncset.done $0x0  }
.LBB2_4:
0x53: {  	p0 =	sne.s32 s26, $0x4800  }
0x54: {  	[sflag:s17] =	ssyncadd.s32 $0xFFFFC000;
	s28 =	smov.u32 s26;
	s26 =	sadd.s32 $0x400, s26  }
0x55: {  	_ = 	snop  }
0x56: {  	_ =	swait.ge [sflag:s20], $0x4000  }
0x57: {  	s28 =	sshra.s32 s28, $0x2;
	[sflag:s20] =	ssyncset.done $0x0  }
0x58: {  	s29 =	sadd.s32 $0x80, s28;
	[sflag:s20] =	ssyncadd.s32 $0xFFFFC000  }
0x59: {  	[tilespmem:s21], [sflag:$0x2] =	stream.indirect.gather [hbm4b:s4+s19], $0x80, s29, s19, $0xb8;
	[tilespmem:$0x1E800] =	vst v63  }
0x5a: {  	s29 =	sadd.s32 $0x1400, s28  }
0x5b: {  	[spmem:s2] =	stream.indirect.scatter.add.f32 [tilespmem:s16], [sflag:$0x3], $0x80, s29, s19, $0xb8;
	[tilespmem:$0x1E800] =	vst v63  }
0x5c: {  	_ =	swait.ge [sflag:s17], $0x4000  }
0x5d: {  	[sflag:s17] =	ssyncset.done $0x0  }
0x5e: {  	[sflag:s17] =	ssyncadd.s32 $0xFFFFC000  }
0x5f: {  	_ =	swait.ge [sflag:s22], $0x4000  }
0x60: {  	[sflag:s22] =	ssyncset.done $0x0  }
0x61: {  	s29 =	sadd.s32 $0x100, s28;
	[sflag:s22] =	ssyncadd.s32 $0xFFFFC000  }
0x62: {  	[tilespmem:s16], [sflag:$0x1] =	stream.indirect.gather [hbm4b:s4+s19], $0x80, s29, s19, $0xb8;
	[tilespmem:$0x1E800] =	vst v63  }
.Ltmp1:
0x63: {  	_ = 	snop;
	(pc) =	sbr.rel @p0 .LBB2_4-.Ltmp1, $4  }
0x64: {  	s28 =	sadd.s32 $0x1480, s28  }
0x65: {  	[spmem:s2] =	stream.indirect.scatter.add.f32 [tilespmem:s21], [sflag:$0x3], $0x80, s28, s19, $0xb8;
	[tilespmem:$0x1E800] =	vst v63  }
0x66: {  	_ =	swait.ge [sflag:s17], $0x4000  }
0x67: {  	[sflag:s17] =	ssyncset.done $0x0  }
0x68: {  	[sflag:s17] =	ssyncadd.s32 $0xFFFFC000  }
0x69: {  	_ =	swait.ge [sflag:s20], $0x4000  }
0x6a: {  	[sflag:s20] =	ssyncset.done $0x0  }
0x6b: {  	[sflag:s20] =	ssyncadd.s32 $0xFFFFC000  }
0x6c: {  	[tilespmem:s21], [sflag:$0x2] =	stream.indirect.gather [hbm4b:s4+s19], $0x80, s23, s19, $0xb8;
	[tilespmem:$0x1E800] =	vst v63  }
0x6d: {  	_ = 	snop  }
0x6e: {  	[spmem:s2] =	stream.indirect.scatter.add.f32 [tilespmem:s16], [sflag:$0x3], $0x80, s24, s19, $0xb8;
	[tilespmem:$0x1E800] =	vst v63  }
0x6f: {  	_ =	swait.ge [sflag:s17], $0x4000  }
0x70: {  	[sflag:s17] =	ssyncset.done $0x0  }
0x71: {  	[sflag:s17] =	ssyncadd.s32 $0xFFFFC000  }
0x72: {  	_ =	swait.ge [sflag:s22], $0x4000  }
0x73: {  	[sflag:s22] =	ssyncset.done $0x0  }
0x74: {  	[sflag:s22] =	ssyncadd.s32 $0xFFFFC000  }
0x75: {  	[spmem:s2] =	stream.indirect.scatter.add.f32 [tilespmem:s21], [sflag:$0x3], $0x80, s25, s19, $0xb8;
	[tilespmem:$0x1E800] =	vst v63  }
0x76: {  	_ =	swait.ge [sflag:s17], $0x4000  }
0x77: {  	[sflag:s17] =	ssyncset.done $0x0  }
0x78: {  	s26 =	simm.s32 $0x0;
	[sflag:s17] =	ssyncadd.s32 $0xFFFFC000  }
0x79: {  	[tilespmem:s26], [sflag:$0x3] =	stream.linear.gather [hbm4b:s13+s26], $0x1400, $0x38;
	[tilespmem:$0x1E800] =	vst v63  }
0x7a: {  	_ =	swait.ge [sflag:s17], $0x1400  }
0x7b: {  	[sflag:s17] =	ssyncset.done $0x0  }
0x7c: {  	[sflag:s17] =	ssyncadd.s32 $0xFFFFEC00  }
0x7d: {  	[tilespmem:s18], [sflag:$0x3] =	stream.linear.gather [hbm4b:s14+s26], $0x1400, $0x38;
	[tilespmem:$0x1E800] =	vst v63  }
0x7e: {  	_ =	swait.ge [sflag:s17], $0x1400  }
0x7f: {  	[sflag:s17] =	ssyncset.done $0x0  }
0x80: {  	[sflag:s17] =	ssyncadd.s32 $0xFFFFEC00  }
0x81: {  	[tilespmem:s16], [sflag:$0x1] =	stream.indirect.gather [hbm4b:s4+s19], $0x80, s26, s19, $0xb8;
	[tilespmem:$0x1E800] =	vst v63  }
0x82: {  	_ =	swait.ge [sflag:s20], $0x4000  }
0x83: {  	[sflag:s20] =	ssyncset.done $0x0  }
0x84: {  	s28 =	simm.s32 $0x80;
	[sflag:s20] =	ssyncadd.s32 $0xFFFFC000  }
0x85: {  	[tilespmem:s21], [sflag:$0x2] =	stream.indirect.gather [hbm4b:s4+s19], $0x80, s28, s19, $0xb8;
	[tilespmem:$0x1E800] =	vst v63  }
0x86: {  	s29 =	simm.s32 $0x1400  }
0x87: {  	[spmem:s2] =	stream.indirect.scatter.add.f32 [tilespmem:s16], [sflag:$0x3], $0x80, s29, s19, $0xb8;
	[tilespmem:$0x1E800] =	vst v63  }
0x88: {  	_ =	swait.ge [sflag:s17], $0x4000  }
0x89: {  	[sflag:s17] =	ssyncset.done $0x0  }
0x8a: {  	[sflag:s17] =	ssyncadd.s32 $0xFFFFC000  }
0x8b: {  	_ =	swait.ge [sflag:s22], $0x4000  }
0x8c: {  	[sflag:s22] =	ssyncset.done $0x0  }
0x8d: {  	s30 =	simm.s32 $0x100;
	[sflag:s22] =	ssyncadd.s32 $0xFFFFC000  }
0x8e: {  	[tilespmem:s16], [sflag:$0x1] =	stream.indirect.gather [hbm4b:s4+s19], $0x80, s30, s19, $0xb8;
	[tilespmem:$0x1E800] =	vst v63  }
0x8f: {  	s31 =	simm.s32 $0x1480  }
0x90: {  	[spmem:s2] =	stream.indirect.scatter.add.f32 [tilespmem:s21], [sflag:$0x3], $0x80, s31, s19, $0xb8;
	[tilespmem:$0x1E800] =	vst v63  }
0x91: {  	_ =	swait.ge [sflag:s17], $0x4000  }
0x92: {  	s26 =	simm.s32 $0x400;
	[sflag:s17] =	ssyncset.done $0x0  }
.LBB2_6:
0x93: {  	p0 =	sne.s32 s26, $0x4800  }
0x94: {  	[sflag:s17] =	ssyncadd.s32 $0xFFFFC000;
	s28 =	smov.u32 s26;
	s26 =	sadd.s32 $0x400, s26  }
0x95: {  	_ = 	snop  }
0x96: {  	_ =	swait.ge [sflag:s20], $0x4000  }
0x97: {  	s28 =	sshra.s32 s28, $0x2;
	[sflag:s20] =	ssyncset.done $0x0  }
0x98: {  	s29 =	sadd.s32 $0x80, s28;
	[sflag:s20] =	ssyncadd.s32 $0xFFFFC000  }
0x99: {  	[tilespmem:s21], [sflag:$0x2] =	stream.indirect.gather [hbm4b:s4+s19], $0x80, s29, s19, $0xb8;
	[tilespmem:$0x1E800] =	vst v63  }
0x9a: {  	s29 =	sadd.s32 $0x1400, s28  }
0x9b: {  	[spmem:s2] =	stream.indirect.scatter.add.f32 [tilespmem:s16], [sflag:$0x3], $0x80, s29, s19, $0xb8;
	[tilespmem:$0x1E800] =	vst v63  }
0x9c: {  	_ =	swait.ge [sflag:s17], $0x4000  }
0x9d: {  	[sflag:s17] =	ssyncset.done $0x0  }
0x9e: {  	[sflag:s17] =	ssyncadd.s32 $0xFFFFC000  }
0x9f: {  	_ =	swait.ge [sflag:s22], $0x4000  }
0xa0: {  	[sflag:s22] =	ssyncset.done $0x0  }
0xa1: {  	s29 =	sadd.s32 $0x100, s28;
	[sflag:s22] =	ssyncadd.s32 $0xFFFFC000  }
0xa2: {  	[tilespmem:s16], [sflag:$0x1] =	stream.indirect.gather [hbm4b:s4+s19], $0x80, s29, s19, $0xb8;
	[tilespmem:$0x1E800] =	vst v63  }
.Ltmp2:
0xa3: {  	_ = 	snop;
	(pc) =	sbr.rel @p0 .LBB2_6-.Ltmp2, $4  }
0xa4: {  	s28 =	sadd.s32 $0x1480, s28  }
0xa5: {  	[spmem:s2] =	stream.indirect.scatter.add.f32 [tilespmem:s21], [sflag:$0x3], $0x80, s28, s19, $0xb8;
	[tilespmem:$0x1E800] =	vst v63  }
0xa6: {  	_ =	swait.ge [sflag:s17], $0x4000  }
0xa7: {  	[sflag:s17] =	ssyncset.done $0x0  }
0xa8: {  	[sflag:s17] =	ssyncadd.s32 $0xFFFFC000  }
0xa9: {  	_ =	swait.ge [sflag:s20], $0x4000  }
0xaa: {  	[sflag:s20] =	ssyncset.done $0x0  }
0xab: {  	[sflag:s20] =	ssyncadd.s32 $0xFFFFC000  }
0xac: {  	[tilespmem:s21], [sflag:$0x2] =	stream.indirect.gather [hbm4b:s4+s19], $0x80, s23, s19, $0xb8;
	[tilespmem:$0x1E800] =	vst v63  }
0xad: {  	_ = 	snop  }
0xae: {  	[spmem:s2] =	stream.indirect.scatter.add.f32 [tilespmem:s16], [sflag:$0x3], $0x80, s24, s19, $0xb8;
	[tilespmem:$0x1E800] =	vst v63  }
0xaf: {  	_ =	swait.ge [sflag:s17], $0x4000  }
0xb0: {  	[sflag:s17] =	ssyncset.done $0x0  }
0xb1: {  	[sflag:s17] =	ssyncadd.s32 $0xFFFFC000  }
0xb2: {  	_ =	swait.ge [sflag:s22], $0x4000  }
0xb3: {  	[sflag:s22] =	ssyncset.done $0x0  }
0xb4: {  	[sflag:s22] =	ssyncadd.s32 $0xFFFFC000  }
0xb5: {  	[spmem:s2] =	stream.indirect.scatter.add.f32 [tilespmem:s21], [sflag:$0x3], $0x80, s25, s19, $0xb8;
	[tilespmem:$0x1E800] =	vst v63  }
0xb6: {  	_ =	swait.ge [sflag:s17], $0x4000  }
0xb7: {  	s26 =	sshll.u32 s1, $0x6;
	s3 =	sadd.s32 $0x1, s3;
	[sflag:s17] =	ssyncset.done $0x0  }
0xb8: {  	s28 =	sshrl.u32 s5, $0x3;
	p0 =	sne.s32 s3, s10;
	[sflag:s17] =	ssyncadd.s32 $0xFFFFC000  }
.Ltmp3:
0xb9: {  	s26 =	sor.u32 $0x1C03, s26;
	[bflag:$0x0] =	sbarrier.arrive $0xFFFF;
	(pc) =	sbr.rel @p0 .LBB2_1-.Ltmp3, $4  }
0xba: {  	[hbm:s15], [sflag:s26] =	dma.local [spmem:s28], $0x2800  }
0xbb: {  	_ =	swait.ge [sflag:s17], $0x2800  }
0xbc: {  	[sflag:s17] =	ssyncset.done $0x0  }
0xbd: {  	[sflag:s17] =	ssyncadd.s32 $0xFFFFD800  }
0xbe: {  	_ =	sfence.sel $0x180000  }
0xbf: {  	[bflag:$0x0] =	sbarrier.arrive $0xFFFF  }
0xc0: {  	p0 =	sne.s32 s1, $0x0;
	_ =	strace $0x90000050  }
0xc1: {  	s0 =	sadd.s32 @!p0 $0x100000, s0;
	[bflag:$0x2] =	sbarrier.arrive $0xFFFF  }
0xc2: {  	[sflag:s0] =	ssyncadd.tile.s32 @!p0 $0x1;
	_ =	shalt  }
.Lfunc_end2:
_tile_overlayer_lowered:
.L_overlay_start_2:
0xc3: {  	(tag) =	ssettag $0x2  }
0xc4: {  	s0 =	rddreg [dreg:$0x0];
	s2 =	stileid.u32  }
0xc5: {  	s1 =	rddreg [dreg:$0x1];
	p0 =	sne.s32 s2, $0x0  }
0xc6: {  	s3 =	rddreg [dreg:$0x2];
	[bflag:$0x3] =	sbarrier.arrive $0xFFFF;
	s2 =	simm.s32 @!p0 $0x1C03  }
0xc7: {  	[timem:s3], [sflag:s2] =	dma.local @!p0 [hbm:s0], s1  }
0xc8: {  	s0 =	simm.s32 @!p0 $0x3  }
0xc9: {  	_ =	swait.ge @!p0 [sflag:s0], s1  }
0xca: {  	s1 =	ssub.s32 @!p0 $0x0, s1;
	[sflag:s0] =	ssyncset.done @!p0 $0x0  }
0xcb: {  	[sflag:s0] =	ssyncadd.s32 @!p0 s1  }
0xcc: {  	[bflag:$0x3] =	sbarrier.arrive $0xFFFF  }
0xcd: {  	_ =	shalt  }

// kernel: _run.26.cloned.1.call-start
scs
__scs_entry_jumppad:
0x0: {  	(pc) =	sbr.rel $0x88, $3  }
0x1: {  	(tag) =	ssettag $0x0;
	lr =	simm.s32 $0x1  }
0x2: {  	[smem:$0x3F94] =	sst lr;
	_ =	strace $0xD0000000  }
0x3: {  	_ = 	snop  }
0x4: {  	_ = 	snop  }
0x5: {  	_ = 	snop  }
0x6: {  	_ = 	snop  }
0x7: {  	_ = 	snop  }
__scs_overlays_trampoline_lowered:
0x8: {  	[smem:$0x3FA3] =	sst s0  }
0x9: {  	[smem:$0x3FA4] =	sst s1  }
0xa: {  	[smem:$0x3FA5] =	sst s2  }
0xb: {  	[smem:$0x3FA6] =	sst s3  }
0xc: {  	[smem:$0x3FA7] =	sst s4  }
0xd: {  	[smem:$0x3FA8] =	sst s5  }
0xe: {  	[smem:$0x3FA9] =	sst s6  }
0xf: {  	[smem:$0x3FAA] =	sst s7  }
0x10: {  	[smem:$0x3FAB] =	sst s8  }
0x11: {  	[smem:$0x3FAC] =	sst s9;
	s0 =	simm.s32 @!p0 $0x0  }
0x12: {  	s1 =	sld [smem:$0x3F92];
	s0 =	simm.s32 @p0 $0x1  }
0x13: {  	[smem:$0x3FAD] =	sst s0;
	s0 =	simm.s32 @!p1 $0x0  }
0x14: {  	s2 =	sld [smem:$0x3F91];
	s0 =	simm.s32 @p1 $0x1  }
0x15: {  	[smem:$0x3FAE] =	sst s0;
	s0 =	simm.s32 @!p2 $0x0  }
0x16: {  	s3 =	sld [smem:$0x3FDB];
	s0 =	simm.s32 @p2 $0x1  }
0x17: {  	s4 =	simm.s32 $0x1BF5;
	[smem:$0x3FB0] =	sst s0  }
0x18: {  	s0 =	sld [smem:$0x3F93];
	_ =	swait.ge [sflag:s4], $0x0  }
0x19: {  	s7 =	sld [smem:$0x3F94]  }
0x1a: {  	s8 =	sadd.s32 $0xFFFFE003, lr  }
0x1b: {  	s9 =	sadd.s32 $0xFFFFFEF7, lr;
	s5 =	simm.s32 $0xFFFFFFFF;
	p2 =	slt.u32 s8, $0xFFFFF086  }
0x1c: {  	p1 =	slt.u32 s9, $0xF7A;
	s5 =	simm.s32 @!p2 $0x0  }
0x1d: {  	s5 =	simm.s32 @p1 $0x1;
	p0 =	seq.s32 s7, s2  }
0x1e: {  	s7 =	smul.u32 @!p0 $0xF7A, s2;
	p2 =	seq.s32 @!p0 s5, $0x0  }
0x1f: {  	s9 =	smul.u32 $0xF7A, s1;
	s8 =	simm.s32 @!p0 $0x1BF5;
	p2 =	por !p2, p0  }
0x20: {  	[sflag:s8] =	ssyncset.s32 @!p0 $0xFFFFF086;
	s6 =	sadd.s32 @!p0 s3, s7;
	s7 =	simm.s32 @!p0 $0x108  }
0x21: {  	s3 =	sadd.s32 s3, s9;
	s6 =	sadd.s32 @!p0 $0x88, s6;
	s7 =	simm.s32 @p2 $0x1082  }
0x22: {  	[simem:s7], [sflag:s8] =	dma.local @!p0 [hbm:s6], $0xF7A  }
0x23: {  	s9 =	sor.u32 $0xD0000000, s2;
	s6 =	simm.s32 $0x108;
	_ =	swait.ge @!p0 [sflag:s8], $0x0  }
0x24: {  	s3 =	sadd.s32 $0x88, s3;
	s6 =	simm.s32 @!p1 $0x1082;
	[sflag:s4] =	ssyncset.s32 $0xFFFFF086  }
0x25: {  	[simem:s6], [sflag:s4] =	dma.local [hbm:s3], $0xF7A  }
0x26: {  	[smem:$0x3F94] =	sst s1;
	(tag) =	ssettag s2;
	_ =	strace s9  }
0x27: {  	s1 =	sld [smem:$0x3FA4]  }
0x28: {  	s2 =	sld [smem:$0x3FA5]  }
0x29: {  	s4 =	sld [smem:$0x3FA7]  }
0x2a: {  	p0 =	seq.s32 s5, $0x0;
	s5 =	sld [smem:$0x3FA8]  }
0x2b: {  	s6 =	sld [smem:$0x3FA9]  }
0x2c: {  	s7 =	sld [smem:$0x3FAA]  }
0x2d: {  	s3 =	simm.s32 $0x108;
	s8 =	sld [smem:$0x3FAB]  }
0x2e: {  	s3 =	simm.s32 @!p0 $0x1082;
	s9 =	sld [smem:$0x3FAC]  }
0x2f: {  	lr =	sadd.s32 s0, s3;
	s0 =	sld [smem:$0x3FA3]  }
0x30: {  	s3 =	sld [smem:$0x3FA6]  }
0x31: {  	[smem:$0x3FAF] =	sst s10  }
0x32: {  	s10 =	sld [smem:$0x3FAD];
	_ =	sdelay $0x3  }
0x33: {  	p0 =	seq.s32 s10, $0x1;
	s10 =	sld [smem:$0x3FAF];
	_ =	sdelay $0x3  }
0x34: {  	[smem:$0x3FAF] =	sst s10  }
0x35: {  	s10 =	sld [smem:$0x3FAE];
	_ =	sdelay $0x3  }
0x36: {  	p1 =	seq.s32 s10, $0x1;
	s10 =	sld [smem:$0x3FAF];
	_ =	sdelay $0x3  }
0x37: {  	[smem:$0x3FAF] =	sst s10  }
0x38: {  	s10 =	sld [smem:$0x3FB0]  }
0x39: {  	_ = 	snop;
	(pc) =	sbr.ind lr, $3  }
0x3a: {  	_ = 	snop  }
0x3b: {  	_ = 	snop  }
0x3c: {  	p2 =	seq.s32 s10, $0x1;
	s10 =	sld [smem:$0x3FAF]  }
0x3d: {  	_ =	shalt  }
0x3e: {  	_ =	shalt  }
0x3f: {  	_ =	shalt  }
0x40: {  	_ =	shalt  }
0x41: {  	_ =	shalt  }
0x42: {  	_ =	shalt  }
0x43: {  	_ =	shalt  }
0x44: {  	_ =	shalt  }
0x45: {  	_ =	shalt  }
0x46: {  	_ =	shalt  }
0x47: {  	_ =	shalt  }
0x48: {  	_ =	shalt  }
0x49: {  	_ =	shalt  }
0x4a: {  	_ =	shalt  }
0x4b: {  	_ =	shalt  }
0x4c: {  	_ =	shalt  }
0x4d: {  	_ =	shalt  }
0x4e: {  	_ =	shalt  }
0x4f: {  	_ =	shalt  }
0x50: {  	_ =	shalt  }
0x51: {  	_ =	shalt  }
0x52: {  	_ =	shalt  }
0x53: {  	_ =	shalt  }
0x54: {  	_ =	shalt  }
0x55: {  	_ =	shalt  }
0x56: {  	_ =	shalt  }
0x57: {  	_ =	shalt  }
0x58: {  	_ =	shalt  }
0x59: {  	_ =	shalt  }
0x5a: {  	_ =	shalt  }
0x5b: {  	_ =	shalt  }
0x5c: {  	_ =	shalt  }
0x5d: {  	_ =	shalt  }
0x5e: {  	_ =	shalt  }
0x5f: {  	_ =	shalt  }
0x60: {  	_ =	shalt  }
0x61: {  	_ =	shalt  }
0x62: {  	_ =	shalt  }
0x63: {  	_ =	shalt  }
0x64: {  	_ =	shalt  }
0x65: {  	_ =	shalt  }
0x66: {  	_ =	shalt  }
0x67: {  	_ =	shalt  }
0x68: {  	_ =	shalt  }
0x69: {  	_ =	shalt  }
0x6a: {  	_ =	shalt  }
0x6b: {  	_ =	shalt  }
0x6c: {  	_ =	shalt  }
0x6d: {  	_ =	shalt  }
0x6e: {  	_ =	shalt  }
0x6f: {  	_ =	shalt  }
0x70: {  	_ =	shalt  }
0x71: {  	_ =	shalt  }
0x72: {  	_ =	shalt  }
0x73: {  	_ =	shalt  }
0x74: {  	_ =	shalt  }
0x75: {  	_ =	shalt  }
0x76: {  	_ =	shalt  }
0x77: {  	_ =	shalt  }
0x78: {  	_ =	shalt  }
0x79: {  	_ =	shalt  }
0x7a: {  	_ =	shalt  }
0x7b: {  	_ =	shalt  }
0x7c: {  	_ =	shalt  }
0x7d: {  	_ =	shalt  }
0x7e: {  	_ =	shalt  }
0x7f: {  	_ =	shalt  }
0x80: {  	_ =	shalt  }
0x81: {  	_ =	shalt  }
0x82: {  	_ =	shalt  }
0x83: {  	_ =	shalt  }
0x84: {  	_ =	shalt  }
0x85: {  	_ =	shalt  }
0x86: {  	_ =	shalt  }
0x87: {  	_ =	shalt  }
.Lfunc_end0:
.L_simem_size_0:
called_computation.4_lowered:
.L_overlay_start_0:
0x88: {  	s2 =	sld [smem:$0x3FD9]  }
0x89: {  	s3 =	sld [smem:$0x3FFE];
	_ =	sdelay $0x1  }
0x8a: {  	s1 =	srdreg.scid  }
0x8b: {  	s0 =	sand.u32 $0x1, s1  }
0x8c: {  	s16 =	sshll.u32 s0, $0xA;
	s2 =	sadd.s32 s3, s2  }
0x8d: {  	s2 =	sadd.s32 s2, s16  }
0x8e: {  	[smem:$0x3FBB] =	sst s2  }
0x8f: {  	_ = 	snop  }
0x90: {  	(tm) =	ssettm $0x1  }
0x91: {  	s17 =	sld [smem:$0x3FFB];
	_ =	sdelay $0x3  }
0x92: {  	_ =	strace s17  }
0x93: {  	s2 =	sld [smem:$0x3FFC];
	_ =	sdelay $0x3  }
0x94: {  	_ =	strace s2  }
0x95: {  	s2 =	sld [smem:$0x3FFD];
	_ =	sdelay $0x3  }
0x96: {  	_ =	strace s2  }
0x97: {  	_ =	strace $0x8FFFFFFF  }
0x98: {  	s18 =	sld [smem:$0x3FDB];
	_ =	sdelay $0x1  }
0x99: {  	s19 =	simm.s32 $_scs_section_size  }
0x9a: {  	s4 =	simm.s32 $_size__tile_overlayer_lowered;
	s5 =	simm.s32 $_tile_overlayer_lowered  }
0x9b: {  	s22 =	simm.s32 $0x1BFF;
	s21 =	sshll.u32 s5, $0x1;
	s2 =	sadd.s32 s19, s18  }
0x9c: {  	s6 =	simm.s32 $0x0;
	s20 =	sshll.u32 s4, $0x1;
	s4 =	sadd.s32 s21, s2  }
0x9d: {  	[timem:s6], [sflag:s22] =	dma.local [hbm:s4], s20  }
0x9e: {  	_ =	swait.ge [sflag:s22], s20  }
0x9f: {  	s3 =	ssub.s32 $0x0, s20;
	[sflag:s22] =	ssyncset.done $0x0  }
0xa0: {  	[sflag:s22] =	ssyncadd.s32 s3;
	_ =	sdelay $0x1  }
0xa1: {  	s23 =	simm.s32 $0x1B8B  }
0xa2: {  	_ =	swait.ge [sflag:s23], $0x1  }
0xa3: {  	[sflag:s23] =	ssyncset.done $0x0  }
0xa4: {  	s25 =	simm.s32 $0x1B8E;
	s24 =	sld [smem:$0x3FFE];
	[sflag:s23] =	ssyncadd.s32 $0xFFFFFFFF  }
0xa5: {  	s26 =	simm.s32 $execute0_lowered;
	[smem:$0x3FD2] =	sst s25  }
0xa6: {  	s4 =	sshll.u32 s26, $0x1;
	_ =	strace $0x80000052;
	[dreg:$0x1] =	wrdreg $0xFFFFFFFF  }
0xa7: {  	s28 =	simm.s32 $_size_execute0_lowered;
	s2 =	sadd.s32 s2, s4;
	[dreg:$0x0] =	wrdreg $0x0  }
0xa8: {  	s4 =	sshll.u32 s28, $0x1;
	[dreg:$0x2] =	wrdreg s2  }
0xa9: {  	[dreg:$0x3] =	wrdreg s4  }
0xaa: {  	[dreg:$0x4] =	wrdreg $0xC0  }
0xab: {  	_ =	task [dreg:s6], $0x5FFFF  }
0xac: {  	[dreg:$0x1] =	wrdreg $0xFFFFFFFF  }
0xad: {  	[dreg:$0x0] =	wrdreg $0x60  }
0xae: {  	[dreg:$0x2] =	wrdreg s24  }
0xaf: {  	[dreg:$0x3] =	wrdreg $0xA8000  }
0xb0: {  	[dreg:$0x4] =	wrdreg $0x9  }
0xb1: {  	_ =	task.clear_ibuf [dreg:s6], $0x5FFFF;
	_ =	strace $0x90000052  }
0xb2: {  	s29 =	simm.s32 $0x9;
	_ =	strace $0x80000054  }
0xb3: {  	_ =	swait.ge [sflag:s29], $0x1  }
0xb4: {  	[sflag:s29] =	ssyncadd.s32 $0xFFFFFFFF  }
0xb5: {  	_ =	strace $0x90000054  }
0xb6: {  	_ =	sfence  }
0xb7: {  	s30 =	sld [smem:$0x0];
	_ =	sdelay $0x2  }
0xb8: {  	s31 =	sshll.u32 s1, $0xD;
	s1 =	sshrl.u32 s1, $0x2  }
0xb9: {  	s3 =	sand.u32 $0x4000, s31;
	s1 =	sadd.s32 s1, s30  }
0xba: {  	s0 =	sor.u32 s3, s0;
	s1 =	sshll.u32 s1, $0x11  }
0xbb: {  	s0 =	sor.u32 s1, s0  }
0xbc: {  	s0 =	sadd.s32 $0x8F2B, s0  }
0xbd: {  	[sflag:s0] =	ssyncadd.remote.s32 $0x1  }
0xbe: {  	_ =	sfence.sel $0xFFFF  }
0xbf: {  	[dreg:$0x0] =	wrdreg $0xFFFFFFFF;
	(pc) =	sbr.abs _section_cstart, $3  }
0xc0: {  	[dreg:$0x1] =	wrdreg $0xFFFFFFFF  }
0xc1: {  	_ =	task.clear_ibuf [dreg:s6], $0x2FFFF;
	_ =	strace $0x9FFFFFFF  }
0xc2: {  	(tm) =	ssettm $0x7FFFFFFF  }
0xc3: {  	_ =	shalt  }
tec
execute0_lowered:
.L_overlay_start_1:
0x0: {  	(tag) =	ssettag $0x1  }
0x1: {  	s14 =	rddreg [dreg:$0x0]  }
0x2: {  	s2 =	rddreg [dreg:$0x1]  }
0x3: {  	s0 =	rddreg [dreg:$0x2]  }
0x4: {  	s3 =	simm.s32 $0x0;
	s1 =	stileid.u32;
	s5 =	srdreg.scid  }
0x5: {  	s17 =	simm.s32 $0x108A00;
	s19 =	simm.s32 $0x80;
	s20 =	simm.s32 $0x1  }
0x6: {  	s21 =	simm.s32 $0x6800;
	s22 =	simm.s32 $0x2;
	s23 =	simm.s32 $0x1380  }
0x7: {  	s24 =	simm.s32 $0x2700;
	s25 =	simm.s32 $0x2780;
	[smem:$0x7FF] =	sst s3  }
0x8: {  	s6 =	smul.u32 $0x50000, s1;
	s4 =	sadd.s32 $0x40A00, s14;
	s13 =	sadd.s32 $0x2CA00, s14  }
0x9: {  	s10 =	sand.u32 $0x1, s5;
	s15 =	sadd.s32 $0x36A00, s14;
	s16 =	smul.u32 $0x2800, s1  }
0xa: {  	_ =	strace $0x80000053;
	s7 =	ssub.s32 $0x2, s10;
	s8 =	sshll.u32 s10, $0x4  }
0xb: {  	p0 =	seq.s32 s10, $0x1;
	s30 =	sshrl.u32 s6, $0x2;
	s31 =	sshrl.u32 s7, $0x1  }
0xc: {  	s9 =	sor.u32 s1, s8;
	s17 =	simm.s32 @!p0 $0xE0A00;
	s5 =	sadd.s32 s30, s2  }
0xd: {  	s11 =	ssub.s32 s7, s31;
	s12 =	smul.u32 $0x2800, s9;
	s17 =	sadd.s32 s17, s14  }
0xe: {  	s6 =	sadd.s32 $0x4000, s5;
	s7 =	sadd.s32 $0x8000, s5;
	s8 =	sadd.s32 $0xC000, s5  }
0xf: {  	s9 =	sadd.s32 $0x10000, s5;
	s10 =	smax.u32 s11, $0x1;
	s12 =	sshrl.u32 s12, $0x3  }
0x10: {  	s11 =	sadd.s32 s13, s12;
	s18 =	sadd.s32 $0x280, s12;
	s12 =	sadd.s32 s15, s12  }
0x11: {  	s13 =	sadd.s32 s13, s18;
	s14 =	sadd.s32 s15, s18;
	s15 =	sadd.s32 s17, s16  }
0x12: {  	v0 =	vimm.f32 $0.0e+00;
	s16 =	simm.s32 $0x2800;
	s17 =	simm.s32 $0x3;
	s18 =	simm.s32 $0x1400  }
.LBB2_1:
0x13: {  	s26 =	simm.s32 $0x0;
	s28 =	simm.s32 $0x200  }
.LBB2_2:
0x14: {  	p0 =	sne.s32 s28, $0xFE00;
	[tilespmem:s26+$0x2870] =	vst v0  }
0x15: {  	[tilespmem:s26+$0x2800] =	vst v0  }
0x16: {  	[tilespmem:s26+$0x2810] =	vst v0  }
.Ltmp0:
0x17: {  	[tilespmem:s26+$0x2820] =	vst v0;
	(pc) =	sbr.rel @p0 .LBB2_2-.Ltmp0, $4  }
0x18: {  	[tilespmem:s26+$0x2830] =	vst v0  }
0x19: {  	[tilespmem:s26+$0x2840] =	vst v0  }
0x1a: {  	[tilespmem:s26+$0x2850] =	vst v0  }
0x1b: {  	[tilespmem:s26+$0x2860] =	vst v0;
	s26 =	sshra.s32 s28, $0x2;
	s28 =	sadd.s32 $0x200, s28  }
0x1c: {  	[tilespmem:s26+$0x2870] =	vst v0  }
0x1d: {  	[tilespmem:s26+$0x2800] =	vst v0  }
0x1e: {  	[tilespmem:s26+$0x2810] =	vst v0  }
0x1f: {  	[tilespmem:s26+$0x2820] =	vst v0  }
0x20: {  	[tilespmem:s26+$0x2830] =	vst v0  }
0x21: {  	[tilespmem:s26+$0x2840] =	vst v0  }
0x22: {  	[tilespmem:s26+$0x2850] =	vst v0  }
0x23: {  	[tilespmem:s26+$0x2860] =	vst v0  }
0x24: {  	[spmem:s5] =	stream.linear.scatter [tilespmem:s16], [sflag:$0x3], $0x4000, $0x38;
	[tilespmem:$0x1E800] =	vst v63  }
0x25: {  	_ =	swait.ge [sflag:s17], $0x4000  }
0x26: {  	[sflag:s17] =	ssyncset.done $0x0  }
0x27: {  	[sflag:s17] =	ssyncadd.s32 $0xFFFFC000  }
0x28: {  	[spmem:s6] =	stream.linear.scatter [tilespmem:s16], [sflag:$0x3], $0x4000, $0x38;
	[tilespmem:$0x1E800] =	vst v63  }
0x29: {  	_ =	swait.ge [sflag:s17], $0x4000  }
0x2a: {  	[sflag:s17] =	ssyncset.done $0x0  }
0x2b: {  	[sflag:s17] =	ssyncadd.s32 $0xFFFFC000  }
0x2c: {  	[spmem:s7] =	stream.linear.scatter [tilespmem:s16], [sflag:$0x3], $0x4000, $0x38;
	[tilespmem:$0x1E800] =	vst v63  }
0x2d: {  	_ =	swait.ge [sflag:s17], $0x4000  }
0x2e: {  	[sflag:s17] =	ssyncset.done $0x0  }
0x2f: {  	[sflag:s17] =	ssyncadd.s32 $0xFFFFC000  }
0x30: {  	[spmem:s8] =	stream.linear.scatter [tilespmem:s16], [sflag:$0x3], $0x4000, $0x38;
	[tilespmem:$0x1E800] =	vst v63  }
0x31: {  	_ =	swait.ge [sflag:s17], $0x4000  }
0x32: {  	[sflag:s17] =	ssyncset.done $0x0  }
0x33: {  	[sflag:s17] =	ssyncadd.s32 $0xFFFFC000  }
0x34: {  	[spmem:s9] =	stream.linear.scatter [tilespmem:s16], [sflag:$0x3], $0x4000, $0x38;
	[tilespmem:$0x1E800] =	vst v63  }
0x35: {  	_ =	swait.ge [sflag:s17], $0x4000  }
0x36: {  	[sflag:s17] =	ssyncset.done $0x0  }
0x37: {  	[sflag:s17] =	ssyncadd.s32 $0xFFFFC000  }
0x38: {  	s31 =	simm.s32 $0x0;
	[bflag:$0x0] =	sbarrier.arrive $0xFFFF  }
0x39: {  	[tilespmem:s31], [sflag:$0x3] =	stream.linear.gather [hbm4b:s11+s31], $0x1400, $0x38;
	[tilespmem:$0x1E800] =	vst v63  }
0x3a: {  	_ =	swait.ge [sflag:s17], $0x1400  }
0x3b: {  	[sflag:s17] =	ssyncset.done $0x0  }
0x3c: {  	[sflag:s17] =	ssyncadd.s32 $0xFFFFEC00  }
0x3d: {  	[tilespmem:s18], [sflag:$0x3] =	stream.linear.gather [hbm4b:s12+s31], $0x1400, $0x38;
	[tilespmem:$0x1E800] =	vst v63  }
0x3e: {  	_ =	swait.ge [sflag:s17], $0x1400  }
0x3f: {  	[sflag:s17] =	ssyncset.done $0x0  }
0x40: {  	[sflag:s17] =	ssyncadd.s32 $0xFFFFEC00  }
0x41: {  	[tilespmem:s16], [sflag:$0x1] =	stream.indirect.gather [hbm4b:s4+s19], $0x80, s31, s19, $0xb8;
	[tilespmem:$0x1E800] =	vst v63  }
0x42: {  	_ =	swait.ge [sflag:s20], $0x4000  }
0x43: {  	[sflag:s20] =	ssyncset.done $0x0  }
0x44: {  	s28 =	simm.s32 $0x80;
	[sflag:s20] =	ssyncadd.s32 $0xFFFFC000  }
0x45: {  	[tilespmem:s21], [sflag:$0x2] =	stream.indirect.gather [hbm4b:s4+s19], $0x80, s28, s19, $0xb8;
	[tilespmem:$0x1E800] =	vst v63  }
0x46: {  	s29 =	simm.s32 $0x1400  }
0x47: {  	[spmem:s2] =	stream.indirect.scatter.add.f32 [tilespmem:s16], [sflag:$0x3], $0x80, s29, s19, $0xb8;
	[tilespmem:$0x1E800] =	vst v63  }
0x48: {  	_ =	swait.ge [sflag:s17], $0x4000  }
0x49: {  	[sflag:s17] =	ssyncset.done $0x0  }
0x4a: {  	[sflag:s17] =	ssyncadd.s32 $0xFFFFC000  }
0x4b: {  	_ =	swait.ge [sflag:s22], $0x4000  }
0x4c: {  	[sflag:s22] =	ssyncset.done $0x0  }
0x4d: {  	s30 =	simm.s32 $0x100;
	[sflag:s22] =	ssyncadd.s32 $0xFFFFC000  }
0x4e: {  	[tilespmem:s16], [sflag:$0x1] =	stream.indirect.gather [hbm4b:s4+s19], $0x80, s30, s19, $0xb8;
	[tilespmem:$0x1E800] =	vst v63  }
0x4f: {  	s31 =	simm.s32 $0x1480  }
0x50: {  	[spmem:s2] =	stream.indirect.scatter.add.f32 [tilespmem:s21], [sflag:$0x3], $0x80, s31, s19, $0xb8;
	[tilespmem:$0x1E800] =	vst v63  }
0x51: {  	_ =	swait.ge [sflag:s17], $0x4000  }
0x52: {  	s26 =	simm.s32 $0x400;
	[sflag:s17] =	ssyncset.done $0x0  }
.LBB2_4:
0x53: {  	p0 =	sne.s32 s26, $0x4800  }
0x54: {  	[sflag:s17] =	ssyncadd.s32 $0xFFFFC000;
	s28 =	smov.u32 s26;
	s26 =	sadd.s32 $0x400, s26  }
0x55: {  	_ = 	snop  }
0x56: {  	_ =	swait.ge [sflag:s20], $0x4000  }
0x57: {  	s28 =	sshra.s32 s28, $0x2;
	[sflag:s20] =	ssyncset.done $0x0  }
0x58: {  	s29 =	sadd.s32 $0x80, s28;
	[sflag:s20] =	ssyncadd.s32 $0xFFFFC000  }
0x59: {  	[tilespmem:s21], [sflag:$0x2] =	stream.indirect.gather [hbm4b:s4+s19], $0x80, s29, s19, $0xb8;
	[tilespmem:$0x1E800] =	vst v63  }
0x5a: {  	s29 =	sadd.s32 $0x1400, s28  }
0x5b: {  	[spmem:s2] =	stream.indirect.scatter.add.f32 [tilespmem:s16], [sflag:$0x3], $0x80, s29, s19, $0xb8;
	[tilespmem:$0x1E800] =	vst v63  }
0x5c: {  	_ =	swait.ge [sflag:s17], $0x4000  }
0x5d: {  	[sflag:s17] =	ssyncset.done $0x0  }
0x5e: {  	[sflag:s17] =	ssyncadd.s32 $0xFFFFC000  }
0x5f: {  	_ =	swait.ge [sflag:s22], $0x4000  }
0x60: {  	[sflag:s22] =	ssyncset.done $0x0  }
0x61: {  	s29 =	sadd.s32 $0x100, s28;
	[sflag:s22] =	ssyncadd.s32 $0xFFFFC000  }
0x62: {  	[tilespmem:s16], [sflag:$0x1] =	stream.indirect.gather [hbm4b:s4+s19], $0x80, s29, s19, $0xb8;
	[tilespmem:$0x1E800] =	vst v63  }
.Ltmp1:
0x63: {  	_ = 	snop;
	(pc) =	sbr.rel @p0 .LBB2_4-.Ltmp1, $4  }
0x64: {  	s28 =	sadd.s32 $0x1480, s28  }
0x65: {  	[spmem:s2] =	stream.indirect.scatter.add.f32 [tilespmem:s21], [sflag:$0x3], $0x80, s28, s19, $0xb8;
	[tilespmem:$0x1E800] =	vst v63  }
0x66: {  	_ =	swait.ge [sflag:s17], $0x4000  }
0x67: {  	[sflag:s17] =	ssyncset.done $0x0  }
0x68: {  	[sflag:s17] =	ssyncadd.s32 $0xFFFFC000  }
0x69: {  	_ =	swait.ge [sflag:s20], $0x4000  }
0x6a: {  	[sflag:s20] =	ssyncset.done $0x0  }
0x6b: {  	[sflag:s20] =	ssyncadd.s32 $0xFFFFC000  }
0x6c: {  	[tilespmem:s21], [sflag:$0x2] =	stream.indirect.gather [hbm4b:s4+s19], $0x80, s23, s19, $0xb8;
	[tilespmem:$0x1E800] =	vst v63  }
0x6d: {  	_ = 	snop  }
0x6e: {  	[spmem:s2] =	stream.indirect.scatter.add.f32 [tilespmem:s16], [sflag:$0x3], $0x80, s24, s19, $0xb8;
	[tilespmem:$0x1E800] =	vst v63  }
0x6f: {  	_ =	swait.ge [sflag:s17], $0x4000  }
0x70: {  	[sflag:s17] =	ssyncset.done $0x0  }
0x71: {  	[sflag:s17] =	ssyncadd.s32 $0xFFFFC000  }
0x72: {  	_ =	swait.ge [sflag:s22], $0x4000  }
0x73: {  	[sflag:s22] =	ssyncset.done $0x0  }
0x74: {  	[sflag:s22] =	ssyncadd.s32 $0xFFFFC000  }
0x75: {  	[spmem:s2] =	stream.indirect.scatter.add.f32 [tilespmem:s21], [sflag:$0x3], $0x80, s25, s19, $0xb8;
	[tilespmem:$0x1E800] =	vst v63  }
0x76: {  	_ =	swait.ge [sflag:s17], $0x4000  }
0x77: {  	[sflag:s17] =	ssyncset.done $0x0  }
0x78: {  	s26 =	simm.s32 $0x0;
	[sflag:s17] =	ssyncadd.s32 $0xFFFFC000  }
0x79: {  	[tilespmem:s26], [sflag:$0x3] =	stream.linear.gather [hbm4b:s13+s26], $0x1400, $0x38;
	[tilespmem:$0x1E800] =	vst v63  }
0x7a: {  	_ =	swait.ge [sflag:s17], $0x1400  }
0x7b: {  	[sflag:s17] =	ssyncset.done $0x0  }
0x7c: {  	[sflag:s17] =	ssyncadd.s32 $0xFFFFEC00  }
0x7d: {  	[tilespmem:s18], [sflag:$0x3] =	stream.linear.gather [hbm4b:s14+s26], $0x1400, $0x38;
	[tilespmem:$0x1E800] =	vst v63  }
0x7e: {  	_ =	swait.ge [sflag:s17], $0x1400  }
0x7f: {  	[sflag:s17] =	ssyncset.done $0x0  }
0x80: {  	[sflag:s17] =	ssyncadd.s32 $0xFFFFEC00  }
0x81: {  	[tilespmem:s16], [sflag:$0x1] =	stream.indirect.gather [hbm4b:s4+s19], $0x80, s26, s19, $0xb8;
	[tilespmem:$0x1E800] =	vst v63  }
0x82: {  	_ =	swait.ge [sflag:s20], $0x4000  }
0x83: {  	[sflag:s20] =	ssyncset.done $0x0  }
0x84: {  	s28 =	simm.s32 $0x80;
	[sflag:s20] =	ssyncadd.s32 $0xFFFFC000  }
0x85: {  	[tilespmem:s21], [sflag:$0x2] =	stream.indirect.gather [hbm4b:s4+s19], $0x80, s28, s19, $0xb8;
	[tilespmem:$0x1E800] =	vst v63  }
0x86: {  	s29 =	simm.s32 $0x1400  }
0x87: {  	[spmem:s2] =	stream.indirect.scatter.add.f32 [tilespmem:s16], [sflag:$0x3], $0x80, s29, s19, $0xb8;
	[tilespmem:$0x1E800] =	vst v63  }
0x88: {  	_ =	swait.ge [sflag:s17], $0x4000  }
0x89: {  	[sflag:s17] =	ssyncset.done $0x0  }
0x8a: {  	[sflag:s17] =	ssyncadd.s32 $0xFFFFC000  }
0x8b: {  	_ =	swait.ge [sflag:s22], $0x4000  }
0x8c: {  	[sflag:s22] =	ssyncset.done $0x0  }
0x8d: {  	s30 =	simm.s32 $0x100;
	[sflag:s22] =	ssyncadd.s32 $0xFFFFC000  }
0x8e: {  	[tilespmem:s16], [sflag:$0x1] =	stream.indirect.gather [hbm4b:s4+s19], $0x80, s30, s19, $0xb8;
	[tilespmem:$0x1E800] =	vst v63  }
0x8f: {  	s31 =	simm.s32 $0x1480  }
0x90: {  	[spmem:s2] =	stream.indirect.scatter.add.f32 [tilespmem:s21], [sflag:$0x3], $0x80, s31, s19, $0xb8;
	[tilespmem:$0x1E800] =	vst v63  }
0x91: {  	_ =	swait.ge [sflag:s17], $0x4000  }
0x92: {  	s26 =	simm.s32 $0x400;
	[sflag:s17] =	ssyncset.done $0x0  }
.LBB2_6:
0x93: {  	p0 =	sne.s32 s26, $0x4800  }
0x94: {  	[sflag:s17] =	ssyncadd.s32 $0xFFFFC000;
	s28 =	smov.u32 s26;
	s26 =	sadd.s32 $0x400, s26  }
0x95: {  	_ = 	snop  }
0x96: {  	_ =	swait.ge [sflag:s20], $0x4000  }
0x97: {  	s28 =	sshra.s32 s28, $0x2;
	[sflag:s20] =	ssyncset.done $0x0  }
0x98: {  	s29 =	sadd.s32 $0x80, s28;
	[sflag:s20] =	ssyncadd.s32 $0xFFFFC000  }
0x99: {  	[tilespmem:s21], [sflag:$0x2] =	stream.indirect.gather [hbm4b:s4+s19], $0x80, s29, s19, $0xb8;
	[tilespmem:$0x1E800] =	vst v63  }
0x9a: {  	s29 =	sadd.s32 $0x1400, s28  }
0x9b: {  	[spmem:s2] =	stream.indirect.scatter.add.f32 [tilespmem:s16], [sflag:$0x3], $0x80, s29, s19, $0xb8;
	[tilespmem:$0x1E800] =	vst v63  }
0x9c: {  	_ =	swait.ge [sflag:s17], $0x4000  }
0x9d: {  	[sflag:s17] =	ssyncset.done $0x0  }
0x9e: {  	[sflag:s17] =	ssyncadd.s32 $0xFFFFC000  }
0x9f: {  	_ =	swait.ge [sflag:s22], $0x4000  }
0xa0: {  	[sflag:s22] =	ssyncset.done $0x0  }
0xa1: {  	s29 =	sadd.s32 $0x100, s28;
	[sflag:s22] =	ssyncadd.s32 $0xFFFFC000  }
0xa2: {  	[tilespmem:s16], [sflag:$0x1] =	stream.indirect.gather [hbm4b:s4+s19], $0x80, s29, s19, $0xb8;
	[tilespmem:$0x1E800] =	vst v63  }
.Ltmp2:
0xa3: {  	_ = 	snop;
	(pc) =	sbr.rel @p0 .LBB2_6-.Ltmp2, $4  }
0xa4: {  	s28 =	sadd.s32 $0x1480, s28  }
0xa5: {  	[spmem:s2] =	stream.indirect.scatter.add.f32 [tilespmem:s21], [sflag:$0x3], $0x80, s28, s19, $0xb8;
	[tilespmem:$0x1E800] =	vst v63  }
0xa6: {  	_ =	swait.ge [sflag:s17], $0x4000  }
0xa7: {  	[sflag:s17] =	ssyncset.done $0x0  }
0xa8: {  	[sflag:s17] =	ssyncadd.s32 $0xFFFFC000  }
0xa9: {  	_ =	swait.ge [sflag:s20], $0x4000  }
0xaa: {  	[sflag:s20] =	ssyncset.done $0x0  }
0xab: {  	[sflag:s20] =	ssyncadd.s32 $0xFFFFC000  }
0xac: {  	[tilespmem:s21], [sflag:$0x2] =	stream.indirect.gather [hbm4b:s4+s19], $0x80, s23, s19, $0xb8;
	[tilespmem:$0x1E800] =	vst v63  }
0xad: {  	_ = 	snop  }
0xae: {  	[spmem:s2] =	stream.indirect.scatter.add.f32 [tilespmem:s16], [sflag:$0x3], $0x80, s24, s19, $0xb8;
	[tilespmem:$0x1E800] =	vst v63  }
0xaf: {  	_ =	swait.ge [sflag:s17], $0x4000  }
0xb0: {  	[sflag:s17] =	ssyncset.done $0x0  }
0xb1: {  	[sflag:s17] =	ssyncadd.s32 $0xFFFFC000  }
0xb2: {  	_ =	swait.ge [sflag:s22], $0x4000  }
0xb3: {  	[sflag:s22] =	ssyncset.done $0x0  }
0xb4: {  	[sflag:s22] =	ssyncadd.s32 $0xFFFFC000  }
0xb5: {  	[spmem:s2] =	stream.indirect.scatter.add.f32 [tilespmem:s21], [sflag:$0x3], $0x80, s25, s19, $0xb8;
	[tilespmem:$0x1E800] =	vst v63  }
0xb6: {  	_ =	swait.ge [sflag:s17], $0x4000  }
0xb7: {  	s26 =	sshll.u32 s1, $0x6;
	s3 =	sadd.s32 $0x1, s3;
	[sflag:s17] =	ssyncset.done $0x0  }
0xb8: {  	s28 =	sshrl.u32 s5, $0x3;
	p0 =	sne.s32 s3, s10;
	[sflag:s17] =	ssyncadd.s32 $0xFFFFC000  }
.Ltmp3:
0xb9: {  	s26 =	sor.u32 $0x1C03, s26;
	[bflag:$0x0] =	sbarrier.arrive $0xFFFF;
	(pc) =	sbr.rel @p0 .LBB2_1-.Ltmp3, $4  }
0xba: {  	[hbm:s15], [sflag:s26] =	dma.local [spmem:s28], $0x2800  }
0xbb: {  	_ =	swait.ge [sflag:s17], $0x2800  }
0xbc: {  	[sflag:s17] =	ssyncset.done $0x0  }
0xbd: {  	[sflag:s17] =	ssyncadd.s32 $0xFFFFD800  }
0xbe: {  	_ =	sfence.sel $0x180000  }
0xbf: {  	[bflag:$0x0] =	sbarrier.arrive $0xFFFF  }
0xc0: {  	p0 =	sne.s32 s1, $0x0;
	_ =	strace $0x90000053  }
0xc1: {  	s0 =	sadd.s32 @!p0 $0x100000, s0;
	[bflag:$0x2] =	sbarrier.arrive $0xFFFF  }
0xc2: {  	[sflag:s0] =	ssyncadd.tile.s32 @!p0 $0x1;
	_ =	shalt  }
.Lfunc_end2:
_tile_overlayer_lowered:
.L_overlay_start_2:
0xc3: {  	(tag) =	ssettag $0x2  }
0xc4: {  	s0 =	rddreg [dreg:$0x0];
	s2 =	stileid.u32  }
0xc5: {  	s1 =	rddreg [dreg:$0x1];
	p0 =	sne.s32 s2, $0x0  }
0xc6: {  	s3 =	rddreg [dreg:$0x2];
	[bflag:$0x3] =	sbarrier.arrive $0xFFFF;
	s2 =	simm.s32 @!p0 $0x1C03  }
0xc7: {  	[timem:s3], [sflag:s2] =	dma.local @!p0 [hbm:s0], s1  }
0xc8: {  	s0 =	simm.s32 @!p0 $0x3  }
0xc9: {  	_ =	swait.ge @!p0 [sflag:s0], s1  }
0xca: {  	s1 =	ssub.s32 @!p0 $0x0, s1;
	[sflag:s0] =	ssyncset.done @!p0 $0x0  }
0xcb: {  	[sflag:s0] =	ssyncadd.s32 @!p0 s1  }
0xcc: {  	[bflag:$0x3] =	sbarrier.arrive $0xFFFF  }
0xcd: {  	_ =	shalt  }

</sc_bundles>
